<compile_context>
chip_gen: v7x
topology: tpu7x:2x2x1
jax: 0.10.2.dev20260603
libtpu: 0.0.44.dev20260713+nightly
codegen_flags: <defaults>
</compile_context>

<pallas_src>
import functools

import numpy as np
import jax
import jax.numpy as jnp
from jax import lax
from jax.experimental import pallas as pl
from jax.experimental.pallas import tpu as pltpu
from jax.experimental.pallas import tpu_sc as plsc

N = 10000
NP = 10240
E = 320000
EPAD = 327680
D_IN = 128
D_H = 256
D_OUT = 64

NCORE = 2
NTILE = 16
ROWS_PT = NP // NTILE

CHD = 128
EW = EPAD // (NCORE * NTILE)
CW = EW // CHD

CH = 128
EPT = EPAD // NTILE
CT = EPT // CH
GC = 32
G = CT // GC

BR = 1024
GR = NP // BR

_BN_S = float(1.0 / np.sqrt(1.0 + 1e-5))

_MESH = plsc.VectorSubcoreMesh(
    core_axis_name="c", subcore_axis_name="s", num_cores=NCORE,
    num_subcores=NTILE)



@functools.partial(
    pl.kernel,
    out_type=jax.ShapeDtypeStruct((NCORE, NP), jnp.float32),
    mesh=_MESH,
    scratch_types=[
        pltpu.VMEM((CW, CHD), jnp.int32),
        pltpu.VMEM((CHD,), jnp.float32),
        pltpu.VMEM((ROWS_PT,), jnp.float32),
        pltpu.VMEM_SHARED((NP,), jnp.float32),
        pltpu.SemaphoreType.DMA,
    ],
)
def _deg_kernel(dst_hbm, deg_out, dst_v, ones_v, zb_v, acc_sh, sem):
    c = lax.axis_index("c")
    s = lax.axis_index("s")

    def fz(i, _):
        zb_v[pl.ds(i * 16, 16)] = jnp.zeros((16,), jnp.float32)
        return 0
    lax.fori_loop(0, ROWS_PT // 16, fz, 0)

    def fo(i, _):
        ones_v[pl.ds(i * 16, 16)] = jnp.ones((16,), jnp.float32)
        return 0
    lax.fori_loop(0, CHD // 16, fo, 0)

    pltpu.sync_copy(dst_hbm.at[c, s], dst_v)
    pltpu.sync_copy(zb_v, acc_sh.at[pl.ds(s * ROWS_PT, ROWS_PT)])
    plsc.subcore_barrier()

    def body(i, _):
        pltpu.async_copy(ones_v, acc_sh.at[dst_v.at[i]], sem, add=True)

        @pl.when(i >= 8)
        def _():
            pltpu.make_async_copy(ones_v, acc_sh.at[dst_v.at[i]], sem).wait()
        return 0
    lax.fori_loop(0, CW, body, 0)

    def drain(i, _):
        pltpu.make_async_copy(ones_v, acc_sh.at[dst_v.at[0]], sem).wait()
        return 0
    lax.fori_loop(0, 8, drain, 0)

    plsc.subcore_barrier()
    pltpu.sync_copy(acc_sh.at[pl.ds(s * ROWS_PT, ROWS_PT)],
                    deg_out.at[c, pl.ds(s * ROWS_PT, ROWS_PT)])


def _make_agg(d_half):

    @functools.partial(
        pl.kernel,
        out_type=jax.ShapeDtypeStruct((NCORE, NP, d_half), jnp.bfloat16),
        mesh=_MESH,
        compiler_params=pltpu.CompilerParams(use_tc_tiling_on_sc=False),
        scratch_types=[
            pltpu.VMEM((2, GC, CH), jnp.int32),
            pltpu.VMEM((2, GC, CH), jnp.int32),
            pltpu.VMEM((CH, d_half), jnp.bfloat16),
            pltpu.VMEM((CH, d_half), jnp.bfloat16),
            pltpu.VMEM((CH, d_half), jnp.bfloat16),
            pltpu.VMEM((CH, d_half), jnp.bfloat16),
            pltpu.VMEM((CH, d_half), jnp.bfloat16),
            pltpu.VMEM((CH, d_half), jnp.bfloat16),
            pltpu.VMEM((CH, d_half), jnp.bfloat16),
            pltpu.VMEM((CH, d_half), jnp.bfloat16),
            pltpu.VMEM_SHARED((NP, d_half), jnp.bfloat16),
        ] + [pltpu.SemaphoreType.DMA] * 17,
    )
    def agg(y_hbm, src2_hbm, dst_hbm, z_hbm, src_v, dst_v, r0, r1, r2, r3,
            r4, r5, r6, r7, acc_sh, si, sg0, sg1, sg2, sg3, sg4, sg5, sg6,
            sg7, ss0, ss1, ss2, ss3, ss4, ss5, ss6, ss7):
        c = lax.axis_index("c")
        s = lax.axis_index("s")
        yc = y_hbm.at[c]
        rows = (r0, r1, r2, r3, r4, r5, r6, r7)
        sg = (sg0, sg1, sg2, sg3, sg4, sg5, sg6, sg7)
        ss = (ss0, ss1, ss2, ss3, ss4, ss5, ss6, ss7)
        pltpu.sync_copy(src2_hbm.at[s, 0], src_v.at[0])
        pltpu.sync_copy(dst_hbm.at[s, 0], dst_v.at[0])
        pltpu.sync_copy(yc.at[pl.ds(s * ROWS_PT, ROWS_PT)],
                        acc_sh.at[pl.ds(s * ROWS_PT, ROWS_PT)])
        plsc.subcore_barrier()

        for k in range(8):
            pltpu.async_copy(yc.at[src_v.at[0, k]], rows[k], sg[k])
        pltpu.async_copy(src2_hbm.at[s, 1], src_v.at[1], si)
        pltpu.async_copy(dst_hbm.at[s, 1], dst_v.at[1], si)

        def outer(g, _):
            p = lax.rem(g, 2)

            def body(i, _):
                for k in range(8):
                    ch = 8 * i + k
                    pltpu.make_async_copy(
                        yc.at[src_v.at[p, ch]], rows[k], sg[k]).wait()
                    pltpu.async_copy(rows[k], acc_sh.at[dst_v.at[p, ch]],
                                     ss[k], add=True)
                for k in range(8):
                    ch = 8 * i + k
                    pltpu.make_async_copy(
                        rows[k], acc_sh.at[dst_v.at[p, ch]], ss[k]).wait()

                    @pl.when(ch + 8 < GC)
                    def _(k=k, ch=ch):
                        pltpu.async_copy(yc.at[src_v.at[p, ch + 8]],
                                         rows[k], sg[k])
                return 0
            lax.fori_loop(0, GC // 8, body, 0)

            @pl.when(g + 1 < G)
            def _():
                q = 1 - p
                pltpu.make_async_copy(
                    src2_hbm.at[s, g + 1], src_v.at[q], si).wait()
                pltpu.make_async_copy(
                    dst_hbm.at[s, g + 1], dst_v.at[q], si).wait()
                for k in range(8):
                    pltpu.async_copy(yc.at[src_v.at[q, k]], rows[k], sg[k])

                @pl.when(g + 2 < G)
                def _():
                    pltpu.async_copy(src2_hbm.at[s, g + 2], src_v.at[p],
                                     si)
                    pltpu.async_copy(dst_hbm.at[s, g + 2], dst_v.at[p], si)
            return 0
        lax.fori_loop(0, G, outer, 0)

        plsc.subcore_barrier()
        pltpu.sync_copy(acc_sh.at[pl.ds(s * ROWS_PT, ROWS_PT)],
                        z_hbm.at[c, pl.ds(s * ROWS_PT, ROWS_PT)])

    return agg


_agg128 = _make_agg(128)
_agg32 = _make_agg(32)



def _tc_first(xp, W1, degA, degB):

    def body(x_ref, w_ref, da_ref, db_ref, y_ref, dv_ref):
        dv = lax.rsqrt(1.0 + da_ref[...] + db_ref[...])
        xw = jnp.dot(x_ref[...].astype(jnp.bfloat16),
                     w_ref[...].astype(jnp.bfloat16),
                     preferred_element_type=jnp.float32)
        y = (xw * dv[:, None]).astype(jnp.bfloat16)
        y_ref[0] = y[:, :128]
        y_ref[1] = y[:, 128:]
        dv_ref[...] = dv

    return pl.pallas_call(
        body,
        grid=(GR,),
        in_specs=[
            pl.BlockSpec((BR, D_IN), lambda i: (i, 0)),
            pl.BlockSpec((D_IN, D_H), lambda i: (0, 0)),
            pl.BlockSpec((BR,), lambda i: (i,)),
            pl.BlockSpec((BR,), lambda i: (i,)),
        ],
        out_specs=[
            pl.BlockSpec((2, BR, 128), lambda i: (0, i, 0)),
            pl.BlockSpec((BR,), lambda i: (i,)),
        ],
        out_shape=[
            jax.ShapeDtypeStruct((2, NP, 128), jnp.bfloat16),
            jax.ShapeDtypeStruct((NP,), jnp.float32),
        ],
    )(xp, W1, degA, degB)


def _tc_mid(z, dinv, W, b, g, beta, d_out):
    dh = d_out // 2

    def body(z_ref, dv_ref, w_ref, b_ref, g_ref, bt_ref, y_ref):
        dv = dv_ref[...]
        zf = jnp.concatenate([z_ref[0], z_ref[1]],
                             axis=1).astype(jnp.float32)
        sg = g_ref[...] * _BN_S
        t = b_ref[...] * sg + bt_ref[...]
        h = jnp.maximum(zf * dv[:, None] * sg + t, 0.0)
        xw = jnp.dot(h.astype(jnp.bfloat16), w_ref[...].astype(jnp.bfloat16),
                     preferred_element_type=jnp.float32)
        y = (xw * dv[:, None]).astype(jnp.bfloat16)
        y_ref[0] = y[:, :dh]
        y_ref[1] = y[:, dh:]

    return pl.pallas_call(
        body,
        grid=(GR,),
        in_specs=[
            pl.BlockSpec((2, BR, 128), lambda i: (0, i, 0)),
            pl.BlockSpec((BR,), lambda i: (i,)),
            pl.BlockSpec((D_H, d_out), lambda i: (0, 0)),
            pl.BlockSpec((1, D_H), lambda i: (0, 0)),
            pl.BlockSpec((1, D_H), lambda i: (0, 0)),
            pl.BlockSpec((1, D_H), lambda i: (0, 0)),
        ],
        out_specs=pl.BlockSpec((2, BR, dh), lambda i: (0, i, 0)),
        out_shape=jax.ShapeDtypeStruct((2, NP, dh), jnp.bfloat16),
    )(z, dinv, W, b.reshape(1, -1), g.reshape(1, -1), beta.reshape(1, -1))


def _tc_softmax(z3, dinv, b3):

    def body(z_ref, dv_ref, b_ref, o_ref):
        zf = jnp.concatenate([z_ref[0], z_ref[1]],
                             axis=1).astype(jnp.float32)
        u = zf * dv_ref[...][:, None] + b_ref[...]
        m = jnp.max(u, axis=1, keepdims=True)
        e = jnp.exp(u - m)
        o_ref[...] = (u - m) - jnp.log(jnp.sum(e, axis=1, keepdims=True))

    return pl.pallas_call(
        body,
        grid=(GR,),
        in_specs=[
            pl.BlockSpec((2, BR, 32), lambda i: (0, i, 0)),
            pl.BlockSpec((BR,), lambda i: (i,)),
            pl.BlockSpec((1, D_OUT), lambda i: (0, 0)),
        ],
        out_specs=pl.BlockSpec((BR, D_OUT), lambda i: (i, 0)),
        out_shape=jax.ShapeDtypeStruct((NP, D_OUT), jnp.float32),
    )(z3, dinv, b3.reshape(1, -1))



def kernel(x, adj_t, W1, b1, g1, beta1, W2, b2, g2, beta2, W3, b3):
    src = adj_t[0]
    dst = adj_t[1]
    npad = EPAD - E
    padrows = N + (jnp.arange(npad, dtype=jnp.int32) % (NP - N))
    srcp = jnp.concatenate([src, padrows])
    dstp = jnp.concatenate([dst, padrows])
    src2 = srcp.reshape(NTILE, G, GC, CH)
    dstr = dstp.reshape(NTILE, G, GC, CH)
    degr = dstp.reshape(NCORE, NTILE, CW, CHD)
    xp = jnp.pad(x, ((0, NP - N), (0, 0)))

    deg = _deg_kernel(degr)
    y1, dinv = _tc_first(xp, W1, deg[0], deg[1])
    z1 = _agg128(y1, src2, dstr)
    y2 = _tc_mid(z1, dinv, W2, b1, g1, beta1, D_H)
    z2 = _agg128(y2, src2, dstr)
    y3 = _tc_mid(z2, dinv, W3, b2, g2, beta2, D_OUT)
    z3 = _agg32(y3, src2, dstr)
    out = _tc_softmax(z3, dinv, b3)
    return out[:N]

# --- scband reference (transcript-rebuilt; emitter-appended) ---
"""Pipeline reference for scband-gnn-2199023255580 (READ-ONLY COPY).

The authoritative reference and input builder live on the scoring server;
editing this copy changes nothing except your own understanding.
"""

import jax, jax.numpy as jnp
import numpy as np

N = 10000
E = 320000
D_IN = 128
D_H = 256
D_OUT = 64


def setup_inputs(seed: int = 0) -> dict:
    key = jax.random.key(seed)
    ks = jax.random.split(key, 16)
    x = jax.random.normal(ks[0], (N, D_IN), dtype=jnp.float32)
    adj_t = jax.random.randint(ks[1], (2, E), 0, N, dtype=jnp.int32)
    W1 = jax.random.normal(ks[2], (D_IN, D_H), dtype=jnp.float32) * (1.0 / np.sqrt(D_IN))
    b1 = jnp.zeros((D_H,), dtype=jnp.float32)
    g1 = jnp.ones((D_H,), dtype=jnp.float32)
    beta1 = jnp.zeros((D_H,), dtype=jnp.float32)
    W2 = jax.random.normal(ks[3], (D_H, D_H), dtype=jnp.float32) * (1.0 / np.sqrt(D_H))
    b2 = jnp.zeros((D_H,), dtype=jnp.float32)
    g2 = jnp.ones((D_H,), dtype=jnp.float32)
    beta2 = jnp.zeros((D_H,), dtype=jnp.float32)
    W3 = jax.random.normal(ks[4], (D_H, D_OUT), dtype=jnp.float32) * (1.0 / np.sqrt(D_H))
    b3 = jnp.zeros((D_OUT,), dtype=jnp.float32)
    return {"x": x, "adj_t": adj_t, "W1": W1, "b1": b1, "g1": g1, "beta1": beta1,
            "W2": W2, "b2": b2, "g2": g2, "beta2": beta2, "W3": W3, "b3": b3}


def gcn_conv(x, src, dst, W, b):
    # PyG GCNConv: add self-loops, symmetric normalization, scatter-add aggregation at dst
    n = x.shape[0]
    loop = jnp.arange(n, dtype=src.dtype)
    s = jnp.concatenate([src, loop])
    d = jnp.concatenate([dst, loop])
    deg = jnp.zeros((n,), dtype=x.dtype).at[d].add(1.0)
    dinv = jnp.where(deg > 0, jax.lax.rsqrt(deg), 0.0)
    norm = dinv[s] * dinv[d]
    xw = x @ W
    msg = jnp.take(xw, s, axis=0) * norm[:, None]
    out = jnp.zeros((n, W.shape[1]), dtype=x.dtype).at[d].add(msg)
    return out + b


def bn_eval(h, g, beta, eps=1e-5):
    # BatchNorm1d in eval mode with default running stats (mean=0, var=1)
    return h / jnp.sqrt(1.0 + eps) * g + beta


def reference(x, adj_t, W1, b1, g1, beta1, W2, b2, g2, beta2, W3, b3):
    src = adj_t[0]
    dst = adj_t[1]
    h = gcn_conv(x, src, dst, W1, b1)
    h = bn_eval(h, g1, beta1)
    h = jax.nn.relu(h)
    # dropout is a no-op in eval mode
    h = gcn_conv(h, src, dst, W2, b2)
    h = bn_eval(h, g2, beta2)
    h = jax.nn.relu(h)
    h = gcn_conv(h, src, dst, W3, b3)
    return jax.nn.log_softmax(h, axis=1)

if __name__ == "__main__":
    import jax
    _d = setup_inputs()
    print(jax.jit(kernel)(*tuple(_d.values())))

</pallas_src>

<mosaic_0001>
#map = affine_map<(d0, d1) -> (0, 0, 0)>
#map1 = affine_map<(d0, d1) -> (0, 0, 0, 0)>
module attributes {stable_mosaic.version = 14 : i64} {
  func.func @agg(%arg0: i32, %arg1: i32, %arg2: memref<2x10240x128xbf16, #tpu.memory_space<hbm>>, %arg3: memref<16x5x32x128xi32, #tpu.memory_space<hbm>>, %arg4: memref<16x5x32x128xi32, #tpu.memory_space<hbm>>, %arg5: memref<2x10240x128xbf16, #tpu.memory_space<hbm>>, %arg6: memref<2x32x128xi32, #tpu.memory_space<vmem>>, %arg7: memref<2x32x128xi32, #tpu.memory_space<vmem>>, %arg8: memref<128x128xbf16, #tpu.memory_space<vmem>>, %arg9: memref<128x128xbf16, #tpu.memory_space<vmem>>, %arg10: memref<128x128xbf16, #tpu.memory_space<vmem>>, %arg11: memref<128x128xbf16, #tpu.memory_space<vmem>>, %arg12: memref<128x128xbf16, #tpu.memory_space<vmem>>, %arg13: memref<128x128xbf16, #tpu.memory_space<vmem>>, %arg14: memref<128x128xbf16, #tpu.memory_space<vmem>>, %arg15: memref<128x128xbf16, #tpu.memory_space<vmem>>, %arg16: memref<10240x128xbf16, #tpu.memory_space<vmem_shared>>, %arg17: memref<!tpu.dma_semaphore, #tpu.memory_space<semaphore_mem>>, %arg18: memref<!tpu.dma_semaphore, #tpu.memory_space<semaphore_mem>>, %arg19: memref<!tpu.dma_semaphore, #tpu.memory_space<semaphore_mem>>, %arg20: memref<!tpu.dma_semaphore, #tpu.memory_space<semaphore_mem>>, %arg21: memref<!tpu.dma_semaphore, #tpu.memory_space<semaphore_mem>>, %arg22: memref<!tpu.dma_semaphore, #tpu.memory_space<semaphore_mem>>, %arg23: memref<!tpu.dma_semaphore, #tpu.memory_space<semaphore_mem>>, %arg24: memref<!tpu.dma_semaphore, #tpu.memory_space<semaphore_mem>>, %arg25: memref<!tpu.dma_semaphore, #tpu.memory_space<semaphore_mem>>, %arg26: memref<!tpu.dma_semaphore, #tpu.memory_space<semaphore_mem>>, %arg27: memref<!tpu.dma_semaphore, #tpu.memory_space<semaphore_mem>>, %arg28: memref<!tpu.dma_semaphore, #tpu.memory_space<semaphore_mem>>, %arg29: memref<!tpu.dma_semaphore, #tpu.memory_space<semaphore_mem>>, %arg30: memref<!tpu.dma_semaphore, #tpu.memory_space<semaphore_mem>>, %arg31: memref<!tpu.dma_semaphore, #tpu.memory_space<semaphore_mem>>, %arg32: memref<!tpu.dma_semaphore, #tpu.memory_space<semaphore_mem>>, %arg33: memref<!tpu.dma_semaphore, #tpu.memory_space<semaphore_mem>>) attributes {dimension_semantics = [#tpu.dimension_semantics<core_parallel>, #tpu.dimension_semantics<subcore_parallel>], iteration_bounds = array<i64: 2, 16>, scalar_prefetch = 0 : i64, scratch_operands = 28 : i64, tpu.core_type = #tpu.core_type<sc_vector_subcore>, window_params = [{transform_indices = #map}, {transform_indices = #map1}, {transform_indices = #map1}, {transform_indices = #map}]} {
    %run_scoped3A = arith.constant 0 : i32
    %run_scoped3A_0 = arith.constant 0 : i32
    "tpu.region"() ({
      %run_scoped3A_148 = tpu.sem_alloc : memref<!tpu.dma_semaphore, #tpu.memory_space<semaphore_mem>>
      %dma_start3A_149 = arith.constant 0 : i32
      %dma_start3A_150 = arith.constant 0 : i32
      %dma_start3A_151 = tpu.memref_slice %arg6[%run_scoped3A_0, %dma_start3A_149, %dma_start3A_150] : memref<2x32x128xi32, #tpu.memory_space<vmem>> -> memref<1x32x128xi32, #tpu.memory_space<vmem>>
      %dma_start3A_152 = tpu.memref_squeeze %dma_start3A_151 : memref<1x32x128xi32, #tpu.memory_space<vmem>> -> memref<32x128xi32, #tpu.memory_space<vmem>>
      %dma_start3A_153 = arith.constant 0 : i32
      %dma_start3A_154 = arith.constant 0 : i32
      %dma_start3A_155 = tpu.memref_slice %arg3[%arg1, %run_scoped3A, %dma_start3A_153, %dma_start3A_154] : memref<16x5x32x128xi32, #tpu.memory_space<hbm>> -> memref<1x1x32x128xi32, #tpu.memory_space<hbm>>
      %dma_start3A_156 = tpu.memref_squeeze %dma_start3A_155 : memref<1x1x32x128xi32, #tpu.memory_space<hbm>> -> memref<32x128xi32, #tpu.memory_space<hbm>>
      %dma_start3A_157 = arith.constant 0 : i32
      %dma_start3A_158 = arith.constant 0 : i32
      %dma_start3A_159 = tpu.memref_slice %arg6[%run_scoped3A_0, %dma_start3A_157, %dma_start3A_158] : memref<2x32x128xi32, #tpu.memory_space<vmem>> -> memref<1x32x128xi32, #tpu.memory_space<vmem>>
      %dma_start3A_160 = tpu.memref_squeeze %dma_start3A_159 : memref<1x32x128xi32, #tpu.memory_space<vmem>> -> memref<32x128xi32, #tpu.memory_space<vmem>>
      %dma_start3A_161 = arith.constant 0 : i32
      %dma_start3A_162 = arith.constant 0 : i32
      %dma_start3A_163 = tpu.memref_slice %arg3[%arg1, %run_scoped3A, %dma_start3A_161, %dma_start3A_162] : memref<16x5x32x128xi32, #tpu.memory_space<hbm>> -> memref<1x1x32x128xi32, #tpu.memory_space<hbm>>
      %dma_start3A_164 = tpu.memref_squeeze %dma_start3A_163 : memref<1x1x32x128xi32, #tpu.memory_space<hbm>> -> memref<32x128xi32, #tpu.memory_space<hbm>>
      tpu.enqueue_dma source(%dma_start3A_164 : memref<32x128xi32, #tpu.memory_space<hbm>>) target(%dma_start3A_160 : memref<32x128xi32, #tpu.memory_space<vmem>>) target_semaphore(%run_scoped3A_148 : memref<!tpu.dma_semaphore, #tpu.memory_space<semaphore_mem>>)
      %dma_wait3A = arith.constant 0 : i32
      %dma_wait3A_165 = arith.constant 0 : i32
      %dma_wait3A_166 = tpu.memref_slice %arg6[%run_scoped3A_0, %dma_wait3A, %dma_wait3A_165] : memref<2x32x128xi32, #tpu.memory_space<vmem>> -> memref<1x32x128xi32, #tpu.memory_space<vmem>>
      %dma_wait3A_167 = tpu.memref_squeeze %dma_wait3A_166 : memref<1x32x128xi32, #tpu.memory_space<vmem>> -> memref<32x128xi32, #tpu.memory_space<vmem>>
      %dma_wait3A_168 = arith.constant 0 : i32
      %dma_wait3A_169 = arith.constant 0 : i32
      %dma_wait3A_170 = tpu.memref_slice %arg3[%arg1, %run_scoped3A, %dma_wait3A_168, %dma_wait3A_169] : memref<16x5x32x128xi32, #tpu.memory_space<hbm>> -> memref<1x1x32x128xi32, #tpu.memory_space<hbm>>
      %dma_wait3A_171 = tpu.memref_squeeze %dma_wait3A_170 : memref<1x1x32x128xi32, #tpu.memory_space<hbm>> -> memref<32x128xi32, #tpu.memory_space<hbm>>
      %dma_wait3A_172 = arith.constant 0 : i32
      %dma_wait3A_173 = arith.constant 0 : i32
      %dma_wait3A_174 = tpu.memref_slice %arg6[%run_scoped3A_0, %dma_wait3A_172, %dma_wait3A_173] : memref<2x32x128xi32, #tpu.memory_space<vmem>> -> memref<1x32x128xi32, #tpu.memory_space<vmem>>
      %dma_wait3A_175 = tpu.memref_squeeze %dma_wait3A_174 : memref<1x32x128xi32, #tpu.memory_space<vmem>> -> memref<32x128xi32, #tpu.memory_space<vmem>>
      %dma_wait3A_176 = arith.constant 0 : i32
      %dma_wait3A_177 = arith.constant 0 : i32
      %dma_wait3A_178 = tpu.memref_slice %arg3[%arg1, %run_scoped3A, %dma_wait3A_176, %dma_wait3A_177] : memref<16x5x32x128xi32, #tpu.memory_space<hbm>> -> memref<1x1x32x128xi32, #tpu.memory_space<hbm>>
      %dma_wait3A_179 = tpu.memref_squeeze %dma_wait3A_178 : memref<1x1x32x128xi32, #tpu.memory_space<hbm>> -> memref<32x128xi32, #tpu.memory_space<hbm>>
      tpu.wait_dma2 semaphore(%run_scoped3A_148 : memref<!tpu.dma_semaphore, #tpu.memory_space<semaphore_mem>>) src(%dma_wait3A_179 : memref<32x128xi32, #tpu.memory_space<hbm>>) dst(%dma_wait3A_175 : memref<32x128xi32, #tpu.memory_space<vmem>>)
      tpu.yield
    }) : () -> ()
    %run_scoped3A_1 = arith.constant 0 : i32
    %run_scoped3A_2 = arith.constant 0 : i32
    "tpu.region"() ({
      %run_scoped3A_148 = tpu.sem_alloc : memref<!tpu.dma_semaphore, #tpu.memory_space<semaphore_mem>>
      %dma_start3A_149 = arith.constant 0 : i32
      %dma_start3A_150 = arith.constant 0 : i32
      %dma_start3A_151 = tpu.memref_slice %arg7[%run_scoped3A_2, %dma_start3A_149, %dma_start3A_150] : memref<2x32x128xi32, #tpu.memory_space<vmem>> -> memref<1x32x128xi32, #tpu.memory_space<vmem>>
      %dma_start3A_152 = tpu.memref_squeeze %dma_start3A_151 : memref<1x32x128xi32, #tpu.memory_space<vmem>> -> memref<32x128xi32, #tpu.memory_space<vmem>>
      %dma_start3A_153 = arith.constant 0 : i32
      %dma_start3A_154 = arith.constant 0 : i32
      %dma_start3A_155 = tpu.memref_slice %arg4[%arg1, %run_scoped3A_1, %dma_start3A_153, %dma_start3A_154] : memref<16x5x32x128xi32, #tpu.memory_space<hbm>> -> memref<1x1x32x128xi32, #tpu.memory_space<hbm>>
      %dma_start3A_156 = tpu.memref_squeeze %dma_start3A_155 : memref<1x1x32x128xi32, #tpu.memory_space<hbm>> -> memref<32x128xi32, #tpu.memory_space<hbm>>
      %dma_start3A_157 = arith.constant 0 : i32
      %dma_start3A_158 = arith.constant 0 : i32
      %dma_start3A_159 = tpu.memref_slice %arg7[%run_scoped3A_2, %dma_start3A_157, %dma_start3A_158] : memref<2x32x128xi32, #tpu.memory_space<vmem>> -> memref<1x32x128xi32, #tpu.memory_space<vmem>>
      %dma_start3A_160 = tpu.memref_squeeze %dma_start3A_159 : memref<1x32x128xi32, #tpu.memory_space<vmem>> -> memref<32x128xi32, #tpu.memory_space<vmem>>
      %dma_start3A_161 = arith.constant 0 : i32
      %dma_start3A_162 = arith.constant 0 : i32
      %dma_start3A_163 = tpu.memref_slice %arg4[%arg1, %run_scoped3A_1, %dma_start3A_161, %dma_start3A_162] : memref<16x5x32x128xi32, #tpu.memory_space<hbm>> -> memref<1x1x32x128xi32, #tpu.memory_space<hbm>>
      %dma_start3A_164 = tpu.memref_squeeze %dma_start3A_163 : memref<1x1x32x128xi32, #tpu.memory_space<hbm>> -> memref<32x128xi32, #tpu.memory_space<hbm>>
      tpu.enqueue_dma source(%dma_start3A_164 : memref<32x128xi32, #tpu.memory_space<hbm>>) target(%dma_start3A_160 : memref<32x128xi32, #tpu.memory_space<vmem>>) target_semaphore(%run_scoped3A_148 : memref<!tpu.dma_semaphore, #tpu.memory_space<semaphore_mem>>)
      %dma_wait3A = arith.constant 0 : i32
      %dma_wait3A_165 = arith.constant 0 : i32
      %dma_wait3A_166 = tpu.memref_slice %arg7[%run_scoped3A_2, %dma_wait3A, %dma_wait3A_165] : memref<2x32x128xi32, #tpu.memory_space<vmem>> -> memref<1x32x128xi32, #tpu.memory_space<vmem>>
      %dma_wait3A_167 = tpu.memref_squeeze %dma_wait3A_166 : memref<1x32x128xi32, #tpu.memory_space<vmem>> -> memref<32x128xi32, #tpu.memory_space<vmem>>
      %dma_wait3A_168 = arith.constant 0 : i32
      %dma_wait3A_169 = arith.constant 0 : i32
      %dma_wait3A_170 = tpu.memref_slice %arg4[%arg1, %run_scoped3A_1, %dma_wait3A_168, %dma_wait3A_169] : memref<16x5x32x128xi32, #tpu.memory_space<hbm>> -> memref<1x1x32x128xi32, #tpu.memory_space<hbm>>
      %dma_wait3A_171 = tpu.memref_squeeze %dma_wait3A_170 : memref<1x1x32x128xi32, #tpu.memory_space<hbm>> -> memref<32x128xi32, #tpu.memory_space<hbm>>
      %dma_wait3A_172 = arith.constant 0 : i32
      %dma_wait3A_173 = arith.constant 0 : i32
      %dma_wait3A_174 = tpu.memref_slice %arg7[%run_scoped3A_2, %dma_wait3A_172, %dma_wait3A_173] : memref<2x32x128xi32, #tpu.memory_space<vmem>> -> memref<1x32x128xi32, #tpu.memory_space<vmem>>
      %dma_wait3A_175 = tpu.memref_squeeze %dma_wait3A_174 : memref<1x32x128xi32, #tpu.memory_space<vmem>> -> memref<32x128xi32, #tpu.memory_space<vmem>>
      %dma_wait3A_176 = arith.constant 0 : i32
      %dma_wait3A_177 = arith.constant 0 : i32
      %dma_wait3A_178 = tpu.memref_slice %arg4[%arg1, %run_scoped3A_1, %dma_wait3A_176, %dma_wait3A_177] : memref<16x5x32x128xi32, #tpu.memory_space<hbm>> -> memref<1x1x32x128xi32, #tpu.memory_space<hbm>>
      %dma_wait3A_179 = tpu.memref_squeeze %dma_wait3A_178 : memref<1x1x32x128xi32, #tpu.memory_space<hbm>> -> memref<32x128xi32, #tpu.memory_space<hbm>>
      tpu.wait_dma2 semaphore(%run_scoped3A_148 : memref<!tpu.dma_semaphore, #tpu.memory_space<semaphore_mem>>) src(%dma_wait3A_179 : memref<32x128xi32, #tpu.memory_space<hbm>>) dst(%dma_wait3A_175 : memref<32x128xi32, #tpu.memory_space<vmem>>)
      tpu.yield
    }) : () -> ()
    %mul3A = arith.constant 640 : i32
    %mul3A_3 = arith.muli %arg1, %mul3A : i32
    %mul3A_4 = arith.constant 640 : i32
    %mul3A_5 = arith.muli %arg1, %mul3A_4 : i32
    "tpu.region"() ({
      %run_scoped3A_148 = tpu.sem_alloc : memref<!tpu.dma_semaphore, #tpu.memory_space<semaphore_mem>>
      %dma_start3A_149 = arith.constant 0 : i32
      %dma_start3A_150 = tpu.memref_slice %arg16[%mul3A_5, %dma_start3A_149] : memref<10240x128xbf16, #tpu.memory_space<vmem_shared>> -> memref<640x128xbf16, #tpu.memory_space<vmem_shared>>
      %dma_start3A_151 = arith.constant 0 : i32
      %dma_start3A_152 = arith.constant 0 : i32
      %dma_start3A_153 = tpu.memref_slice %arg2[%arg0, %dma_start3A_151, %dma_start3A_152] : memref<2x10240x128xbf16, #tpu.memory_space<hbm>> -> memref<1x10240x128xbf16, #tpu.memory_space<hbm>>
      %dma_start3A_154 = tpu.memref_squeeze %dma_start3A_153 : memref<1x10240x128xbf16, #tpu.memory_space<hbm>> -> memref<10240x128xbf16, #tpu.memory_space<hbm>>
      %dma_start3A_155 = arith.constant 0 : i32
      %dma_start3A_156 = tpu.memref_slice %dma_start3A_154[%mul3A_3, %dma_start3A_155] : memref<10240x128xbf16, #tpu.memory_space<hbm>> -> memref<640x128xbf16, #tpu.memory_space<hbm>>
      tpu.enqueue_dma source(%dma_start3A_156 : memref<640x128xbf16, #tpu.memory_space<hbm>>) target(%dma_start3A_150 : memref<640x128xbf16, #tpu.memory_space<vmem_shared>>) target_semaphore(%run_scoped3A_148 : memref<!tpu.dma_semaphore, #tpu.memory_space<semaphore_mem>>)
      %dma_wait3A = arith.constant 0 : i32
      %dma_wait3A_157 = tpu.memref_slice %arg16[%mul3A_5, %dma_wait3A] : memref<10240x128xbf16, #tpu.memory_space<vmem_shared>> -> memref<640x128xbf16, #tpu.memory_space<vmem_shared>>
      %dma_wait3A_158 = arith.constant 0 : i32
      %dma_wait3A_159 = arith.constant 0 : i32
      %dma_wait3A_160 = tpu.memref_slice %arg2[%arg0, %dma_wait3A_158, %dma_wait3A_159] : memref<2x10240x128xbf16, #tpu.memory_space<hbm>> -> memref<1x10240x128xbf16, #tpu.memory_space<hbm>>
      %dma_wait3A_161 = tpu.memref_squeeze %dma_wait3A_160 : memref<1x10240x128xbf16, #tpu.memory_space<hbm>> -> memref<10240x128xbf16, #tpu.memory_space<hbm>>
      %dma_wait3A_162 = arith.constant 0 : i32
      %dma_wait3A_163 = tpu.memref_slice %dma_wait3A_161[%mul3A_3, %dma_wait3A_162] : memref<10240x128xbf16, #tpu.memory_space<hbm>> -> memref<640x128xbf16, #tpu.memory_space<hbm>>
      tpu.wait_dma2 semaphore(%run_scoped3A_148 : memref<!tpu.dma_semaphore, #tpu.memory_space<semaphore_mem>>) src(%dma_wait3A_163 : memref<640x128xbf16, #tpu.memory_space<hbm>>) dst(%dma_wait3A_157 : memref<640x128xbf16, #tpu.memory_space<vmem_shared>>)
      tpu.yield
    }) : () -> ()
    %barrier3A = arith.constant 0 : index
    tpu.barrier barrier_id(%barrier3A)
    %dma_start3A = arith.constant 0 : i32
    %dma_start3A_6 = arith.constant 0 : i32
    %dma_start3A_7 = arith.constant 0 : i32
    %dma_start3A_8 = tpu.memref_slice %arg6[%dma_start3A, %dma_start3A_6, %dma_start3A_7] : memref<2x32x128xi32, #tpu.memory_space<vmem>> -> memref<1x1x128xi32, #tpu.memory_space<vmem>>
    %dma_start3A_9 = tpu.memref_squeeze %dma_start3A_8 : memref<1x1x128xi32, #tpu.memory_space<vmem>> -> memref<128xi32, #tpu.memory_space<vmem>>
    %dma_start3A_10 = arith.constant 0 : i32
    %dma_start3A_11 = arith.constant 0 : i32
    %dma_start3A_12 = tpu.memref_slice %arg2[%arg0, %dma_start3A_10, %dma_start3A_11] : memref<2x10240x128xbf16, #tpu.memory_space<hbm>> -> memref<1x10240x128xbf16, #tpu.memory_space<hbm>>
    %dma_start3A_13 = tpu.memref_squeeze %dma_start3A_12 : memref<1x10240x128xbf16, #tpu.memory_space<hbm>> -> memref<10240x128xbf16, #tpu.memory_space<hbm>>
    %dma_start3A_14 = arith.constant 0 : i32
    %dma_start3A_15 = arith.constant 0 : i32
    %dma_start3A_16 = tpu.memref_slice %dma_start3A_13[%dma_start3A_14, %dma_start3A_15] : memref<10240x128xbf16, #tpu.memory_space<hbm>> -> memref<10240x128xbf16, #tpu.memory_space<hbm>>
    tpu.enqueue_indirect_dma source(%dma_start3A_16 : memref<10240x128xbf16, #tpu.memory_space<hbm>>) target(%arg8 : memref<128x128xbf16, #tpu.memory_space<vmem>>) offsets(%dma_start3A_9 : memref<128xi32, #tpu.memory_space<vmem>>) semaphore(%arg18 : memref<!tpu.dma_semaphore, #tpu.memory_space<semaphore_mem>>)
    %dma_start3A_17 = arith.constant 0 : i32
    %dma_start3A_18 = arith.constant 1 : i32
    %dma_start3A_19 = arith.constant 0 : i32
    %dma_start3A_20 = tpu.memref_slice %arg6[%dma_start3A_17, %dma_start3A_18, %dma_start3A_19] : memref<2x32x128xi32, #tpu.memory_space<vmem>> -> memref<1x1x128xi32, #tpu.memory_space<vmem>>
    %dma_start3A_21 = tpu.memref_squeeze %dma_start3A_20 : memref<1x1x128xi32, #tpu.memory_space<vmem>> -> memref<128xi32, #tpu.memory_space<vmem>>
    %dma_start3A_22 = arith.constant 0 : i32
    %dma_start3A_23 = arith.constant 0 : i32
    %dma_start3A_24 = tpu.memref_slice %arg2[%arg0, %dma_start3A_22, %dma_start3A_23] : memref<2x10240x128xbf16, #tpu.memory_space<hbm>> -> memref<1x10240x128xbf16, #tpu.memory_space<hbm>>
    %dma_start3A_25 = tpu.memref_squeeze %dma_start3A_24 : memref<1x10240x128xbf16, #tpu.memory_space<hbm>> -> memref<10240x128xbf16, #tpu.memory_space<hbm>>
    %dma_start3A_26 = arith.constant 0 : i32
    %dma_start3A_27 = arith.constant 0 : i32
    %dma_start3A_28 = tpu.memref_slice %dma_start3A_25[%dma_start3A_26, %dma_start3A_27] : memref<10240x128xbf16, #tpu.memory_space<hbm>> -> memref<10240x128xbf16, #tpu.memory_space<hbm>>
    tpu.enqueue_indirect_dma source(%dma_start3A_28 : memref<10240x128xbf16, #tpu.memory_space<hbm>>) target(%arg9 : memref<128x128xbf16, #tpu.memory_space<vmem>>) offsets(%dma_start3A_21 : memref<128xi32, #tpu.memory_space<vmem>>) semaphore(%arg19 : memref<!tpu.dma_semaphore, #tpu.memory_space<semaphore_mem>>)
    %dma_start3A_29 = arith.constant 0 : i32
    %dma_start3A_30 = arith.constant 2 : i32
    %dma_start3A_31 = arith.constant 0 : i32
    %dma_start3A_32 = tpu.memref_slice %arg6[%dma_start3A_29, %dma_start3A_30, %dma_start3A_31] : memref<2x32x128xi32, #tpu.memory_space<vmem>> -> memref<1x1x128xi32, #tpu.memory_space<vmem>>
    %dma_start3A_33 = tpu.memref_squeeze %dma_start3A_32 : memref<1x1x128xi32, #tpu.memory_space<vmem>> -> memref<128xi32, #tpu.memory_space<vmem>>
    %dma_start3A_34 = arith.constant 0 : i32
    %dma_start3A_35 = arith.constant 0 : i32
    %dma_start3A_36 = tpu.memref_slice %arg2[%arg0, %dma_start3A_34, %dma_start3A_35] : memref<2x10240x128xbf16, #tpu.memory_space<hbm>> -> memref<1x10240x128xbf16, #tpu.memory_space<hbm>>
    %dma_start3A_37 = tpu.memref_squeeze %dma_start3A_36 : memref<1x10240x128xbf16, #tpu.memory_space<hbm>> -> memref<10240x128xbf16, #tpu.memory_space<hbm>>
    %dma_start3A_38 = arith.constant 0 : i32
    %dma_start3A_39 = arith.constant 0 : i32
    %dma_start3A_40 = tpu.memref_slice %dma_start3A_37[%dma_start3A_38, %dma_start3A_39] : memref<10240x128xbf16, #tpu.memory_space<hbm>> -> memref<10240x128xbf16, #tpu.memory_space<hbm>>
    tpu.enqueue_indirect_dma source(%dma_start3A_40 : memref<10240x128xbf16, #tpu.memory_space<hbm>>) target(%arg10 : memref<128x128xbf16, #tpu.memory_space<vmem>>) offsets(%dma_start3A_33 : memref<128xi32, #tpu.memory_space<vmem>>) semaphore(%arg20 : memref<!tpu.dma_semaphore, #tpu.memory_space<semaphore_mem>>)
    %dma_start3A_41 = arith.constant 0 : i32
    %dma_start3A_42 = arith.constant 3 : i32
    %dma_start3A_43 = arith.constant 0 : i32
    %dma_start3A_44 = tpu.memref_slice %arg6[%dma_start3A_41, %dma_start3A_42, %dma_start3A_43] : memref<2x32x128xi32, #tpu.memory_space<vmem>> -> memref<1x1x128xi32, #tpu.memory_space<vmem>>
    %dma_start3A_45 = tpu.memref_squeeze %dma_start3A_44 : memref<1x1x128xi32, #tpu.memory_space<vmem>> -> memref<128xi32, #tpu.memory_space<vmem>>
    %dma_start3A_46 = arith.constant 0 : i32
    %dma_start3A_47 = arith.constant 0 : i32
    %dma_start3A_48 = tpu.memref_slice %arg2[%arg0, %dma_start3A_46, %dma_start3A_47] : memref<2x10240x128xbf16, #tpu.memory_space<hbm>> -> memref<1x10240x128xbf16, #tpu.memory_space<hbm>>
    %dma_start3A_49 = tpu.memref_squeeze %dma_start3A_48 : memref<1x10240x128xbf16, #tpu.memory_space<hbm>> -> memref<10240x128xbf16, #tpu.memory_space<hbm>>
    %dma_start3A_50 = arith.constant 0 : i32
    %dma_start3A_51 = arith.constant 0 : i32
    %dma_start3A_52 = tpu.memref_slice %dma_start3A_49[%dma_start3A_50, %dma_start3A_51] : memref<10240x128xbf16, #tpu.memory_space<hbm>> -> memref<10240x128xbf16, #tpu.memory_space<hbm>>
    tpu.enqueue_indirect_dma source(%dma_start3A_52 : memref<10240x128xbf16, #tpu.memory_space<hbm>>) target(%arg11 : memref<128x128xbf16, #tpu.memory_space<vmem>>) offsets(%dma_start3A_45 : memref<128xi32, #tpu.memory_space<vmem>>) semaphore(%arg21 : memref<!tpu.dma_semaphore, #tpu.memory_space<semaphore_mem>>)
    %dma_start3A_53 = arith.constant 0 : i32
    %dma_start3A_54 = arith.constant 4 : i32
    %dma_start3A_55 = arith.constant 0 : i32
    %dma_start3A_56 = tpu.memref_slice %arg6[%dma_start3A_53, %dma_start3A_54, %dma_start3A_55] : memref<2x32x128xi32, #tpu.memory_space<vmem>> -> memref<1x1x128xi32, #tpu.memory_space<vmem>>
    %dma_start3A_57 = tpu.memref_squeeze %dma_start3A_56 : memref<1x1x128xi32, #tpu.memory_space<vmem>> -> memref<128xi32, #tpu.memory_space<vmem>>
    %dma_start3A_58 = arith.constant 0 : i32
    %dma_start3A_59 = arith.constant 0 : i32
    %dma_start3A_60 = tpu.memref_slice %arg2[%arg0, %dma_start3A_58, %dma_start3A_59] : memref<2x10240x128xbf16, #tpu.memory_space<hbm>> -> memref<1x10240x128xbf16, #tpu.memory_space<hbm>>
    %dma_start3A_61 = tpu.memref_squeeze %dma_start3A_60 : memref<1x10240x128xbf16, #tpu.memory_space<hbm>> -> memref<10240x128xbf16, #tpu.memory_space<hbm>>
    %dma_start3A_62 = arith.constant 0 : i32
    %dma_start3A_63 = arith.constant 0 : i32
    %dma_start3A_64 = tpu.memref_slice %dma_start3A_61[%dma_start3A_62, %dma_start3A_63] : memref<10240x128xbf16, #tpu.memory_space<hbm>> -> memref<10240x128xbf16, #tpu.memory_space<hbm>>
    tpu.enqueue_indirect_dma source(%dma_start3A_64 : memref<10240x128xbf16, #tpu.memory_space<hbm>>) target(%arg12 : memref<128x128xbf16, #tpu.memory_space<vmem>>) offsets(%dma_start3A_57 : memref<128xi32, #tpu.memory_space<vmem>>) semaphore(%arg22 : memref<!tpu.dma_semaphore, #tpu.memory_space<semaphore_mem>>)
    %dma_start3A_65 = arith.constant 0 : i32
    %dma_start3A_66 = arith.constant 5 : i32
    %dma_start3A_67 = arith.constant 0 : i32
    %dma_start3A_68 = tpu.memref_slice %arg6[%dma_start3A_65, %dma_start3A_66, %dma_start3A_67] : memref<2x32x128xi32, #tpu.memory_space<vmem>> -> memref<1x1x128xi32, #tpu.memory_space<vmem>>
    %dma_start3A_69 = tpu.memref_squeeze %dma_start3A_68 : memref<1x1x128xi32, #tpu.memory_space<vmem>> -> memref<128xi32, #tpu.memory_space<vmem>>
    %dma_start3A_70 = arith.constant 0 : i32
    %dma_start3A_71 = arith.constant 0 : i32
    %dma_start3A_72 = tpu.memref_slice %arg2[%arg0, %dma_start3A_70, %dma_start3A_71] : memref<2x10240x128xbf16, #tpu.memory_space<hbm>> -> memref<1x10240x128xbf16, #tpu.memory_space<hbm>>
    %dma_start3A_73 = tpu.memref_squeeze %dma_start3A_72 : memref<1x10240x128xbf16, #tpu.memory_space<hbm>> -> memref<10240x128xbf16, #tpu.memory_space<hbm>>
    %dma_start3A_74 = arith.constant 0 : i32
    %dma_start3A_75 = arith.constant 0 : i32
    %dma_start3A_76 = tpu.memref_slice %dma_start3A_73[%dma_start3A_74, %dma_start3A_75] : memref<10240x128xbf16, #tpu.memory_space<hbm>> -> memref<10240x128xbf16, #tpu.memory_space<hbm>>
    tpu.enqueue_indirect_dma source(%dma_start3A_76 : memref<10240x128xbf16, #tpu.memory_space<hbm>>) target(%arg13 : memref<128x128xbf16, #tpu.memory_space<vmem>>) offsets(%dma_start3A_69 : memref<128xi32, #tpu.memory_space<vmem>>) semaphore(%arg23 : memref<!tpu.dma_semaphore, #tpu.memory_space<semaphore_mem>>)
    %dma_start3A_77 = arith.constant 0 : i32
    %dma_start3A_78 = arith.constant 6 : i32
    %dma_start3A_79 = arith.constant 0 : i32
    %dma_start3A_80 = tpu.memref_slice %arg6[%dma_start3A_77, %dma_start3A_78, %dma_start3A_79] : memref<2x32x128xi32, #tpu.memory_space<vmem>> -> memref<1x1x128xi32, #tpu.memory_space<vmem>>
    %dma_start3A_81 = tpu.memref_squeeze %dma_start3A_80 : memref<1x1x128xi32, #tpu.memory_space<vmem>> -> memref<128xi32, #tpu.memory_space<vmem>>
    %dma_start3A_82 = arith.constant 0 : i32
    %dma_start3A_83 = arith.constant 0 : i32
    %dma_start3A_84 = tpu.memref_slice %arg2[%arg0, %dma_start3A_82, %dma_start3A_83] : memref<2x10240x128xbf16, #tpu.memory_space<hbm>> -> memref<1x10240x128xbf16, #tpu.memory_space<hbm>>
    %dma_start3A_85 = tpu.memref_squeeze %dma_start3A_84 : memref<1x10240x128xbf16, #tpu.memory_space<hbm>> -> memref<10240x128xbf16, #tpu.memory_space<hbm>>
    %dma_start3A_86 = arith.constant 0 : i32
    %dma_start3A_87 = arith.constant 0 : i32
    %dma_start3A_88 = tpu.memref_slice %dma_start3A_85[%dma_start3A_86, %dma_start3A_87] : memref<10240x128xbf16, #tpu.memory_space<hbm>> -> memref<10240x128xbf16, #tpu.memory_space<hbm>>
    tpu.enqueue_indirect_dma source(%dma_start3A_88 : memref<10240x128xbf16, #tpu.memory_space<hbm>>) target(%arg14 : memref<128x128xbf16, #tpu.memory_space<vmem>>) offsets(%dma_start3A_81 : memref<128xi32, #tpu.memory_space<vmem>>) semaphore(%arg24 : memref<!tpu.dma_semaphore, #tpu.memory_space<semaphore_mem>>)
    %dma_start3A_89 = arith.constant 0 : i32
    %dma_start3A_90 = arith.constant 7 : i32
    %dma_start3A_91 = arith.constant 0 : i32
    %dma_start3A_92 = tpu.memref_slice %arg6[%dma_start3A_89, %dma_start3A_90, %dma_start3A_91] : memref<2x32x128xi32, #tpu.memory_space<vmem>> -> memref<1x1x128xi32, #tpu.memory_space<vmem>>
    %dma_start3A_93 = tpu.memref_squeeze %dma_start3A_92 : memref<1x1x128xi32, #tpu.memory_space<vmem>> -> memref<128xi32, #tpu.memory_space<vmem>>
    %dma_start3A_94 = arith.constant 0 : i32
    %dma_start3A_95 = arith.constant 0 : i32
    %dma_start3A_96 = tpu.memref_slice %arg2[%arg0, %dma_start3A_94, %dma_start3A_95] : memref<2x10240x128xbf16, #tpu.memory_space<hbm>> -> memref<1x10240x128xbf16, #tpu.memory_space<hbm>>
    %dma_start3A_97 = tpu.memref_squeeze %dma_start3A_96 : memref<1x10240x128xbf16, #tpu.memory_space<hbm>> -> memref<10240x128xbf16, #tpu.memory_space<hbm>>
    %dma_start3A_98 = arith.constant 0 : i32
    %dma_start3A_99 = arith.constant 0 : i32
    %dma_start3A_100 = tpu.memref_slice %dma_start3A_97[%dma_start3A_98, %dma_start3A_99] : memref<10240x128xbf16, #tpu.memory_space<hbm>> -> memref<10240x128xbf16, #tpu.memory_space<hbm>>
    tpu.enqueue_indirect_dma source(%dma_start3A_100 : memref<10240x128xbf16, #tpu.memory_space<hbm>>) target(%arg15 : memref<128x128xbf16, #tpu.memory_space<vmem>>) offsets(%dma_start3A_93 : memref<128xi32, #tpu.memory_space<vmem>>) semaphore(%arg25 : memref<!tpu.dma_semaphore, #tpu.memory_space<semaphore_mem>>)
    %dma_start3A_101 = arith.constant 1 : i32
    %dma_start3A_102 = arith.constant 1 : i32
    %dma_start3A_103 = arith.constant 0 : i32
    %dma_start3A_104 = arith.constant 0 : i32
    %dma_start3A_105 = tpu.memref_slice %arg6[%dma_start3A_102, %dma_start3A_103, %dma_start3A_104] : memref<2x32x128xi32, #tpu.memory_space<vmem>> -> memref<1x32x128xi32, #tpu.memory_space<vmem>>
    %dma_start3A_106 = tpu.memref_squeeze %dma_start3A_105 : memref<1x32x128xi32, #tpu.memory_space<vmem>> -> memref<32x128xi32, #tpu.memory_space<vmem>>
    %dma_start3A_107 = arith.constant 0 : i32
    %dma_start3A_108 = arith.constant 0 : i32
    %dma_start3A_109 = tpu.memref_slice %arg3[%arg1, %dma_start3A_101, %dma_start3A_107, %dma_start3A_108] : memref<16x5x32x128xi32, #tpu.memory_space<hbm>> -> memref<1x1x32x128xi32, #tpu.memory_space<hbm>>
    %dma_start3A_110 = tpu.memref_squeeze %dma_start3A_109 : memref<1x1x32x128xi32, #tpu.memory_space<hbm>> -> memref<32x128xi32, #tpu.memory_space<hbm>>
    %dma_start3A_111 = arith.constant 0 : i32
    %dma_start3A_112 = arith.constant 0 : i32
    %dma_start3A_113 = tpu.memref_slice %arg6[%dma_start3A_102, %dma_start3A_111, %dma_start3A_112] : memref<2x32x128xi32, #tpu.memory_space<vmem>> -> memref<1x32x128xi32, #tpu.memory_space<vmem>>
    %dma_start3A_114 = tpu.memref_squeeze %dma_start3A_113 : memref<1x32x128xi32, #tpu.memory_space<vmem>> -> memref<32x128xi32, #tpu.memory_space<vmem>>
    %dma_start3A_115 = arith.constant 0 : i32
    %dma_start3A_116 = arith.constant 0 : i32
    %dma_start3A_117 = tpu.memref_slice %arg3[%arg1, %dma_start3A_101, %dma_start3A_115, %dma_start3A_116] : memref<16x5x32x128xi32, #tpu.memory_space<hbm>> -> memref<1x1x32x128xi32, #tpu.memory_space<hbm>>
    %dma_start3A_118 = tpu.memref_squeeze %dma_start3A_117 : memref<1x1x32x128xi32, #tpu.memory_space<hbm>> -> memref<32x128xi32, #tpu.memory_space<hbm>>
    tpu.enqueue_dma source(%dma_start3A_118 : memref<32x128xi32, #tpu.memory_space<hbm>>) target(%dma_start3A_114 : memref<32x128xi32, #tpu.memory_space<vmem>>) target_semaphore(%arg17 : memref<!tpu.dma_semaphore, #tpu.memory_space<semaphore_mem>>)
    %dma_start3A_119 = arith.constant 1 : i32
    %dma_start3A_120 = arith.constant 1 : i32
    %dma_start3A_121 = arith.constant 0 : i32
    %dma_start3A_122 = arith.constant 0 : i32
    %dma_start3A_123 = tpu.memref_slice %arg7[%dma_start3A_120, %dma_start3A_121, %dma_start3A_122] : memref<2x32x128xi32, #tpu.memory_space<vmem>> -> memref<1x32x128xi32, #tpu.memory_space<vmem>>
    %dma_start3A_124 = tpu.memref_squeeze %dma_start3A_123 : memref<1x32x128xi32, #tpu.memory_space<vmem>> -> memref<32x128xi32, #tpu.memory_space<vmem>>
    %dma_start3A_125 = arith.constant 0 : i32
    %dma_start3A_126 = arith.constant 0 : i32
    %dma_start3A_127 = tpu.memref_slice %arg4[%arg1, %dma_start3A_119, %dma_start3A_125, %dma_start3A_126] : memref<16x5x32x128xi32, #tpu.memory_space<hbm>> -> memref<1x1x32x128xi32, #tpu.memory_space<hbm>>
    %dma_start3A_128 = tpu.memref_squeeze %dma_start3A_127 : memref<1x1x32x128xi32, #tpu.memory_space<hbm>> -> memref<32x128xi32, #tpu.memory_space<hbm>>
    %dma_start3A_129 = arith.constant 0 : i32
    %dma_start3A_130 = arith.constant 0 : i32
    %dma_start3A_131 = tpu.memref_slice %arg7[%dma_start3A_120, %dma_start3A_129, %dma_start3A_130] : memref<2x32x128xi32, #tpu.memory_space<vmem>> -> memref<1x32x128xi32, #tpu.memory_space<vmem>>
    %dma_start3A_132 = tpu.memref_squeeze %dma_start3A_131 : memref<1x32x128xi32, #tpu.memory_space<vmem>> -> memref<32x128xi32, #tpu.memory_space<vmem>>
    %dma_start3A_133 = arith.constant 0 : i32
    %dma_start3A_134 = arith.constant 0 : i32
    %dma_start3A_135 = tpu.memref_slice %arg4[%arg1, %dma_start3A_119, %dma_start3A_133, %dma_start3A_134] : memref<16x5x32x128xi32, #tpu.memory_space<hbm>> -> memref<1x1x32x128xi32, #tpu.memory_space<hbm>>
    %dma_start3A_136 = tpu.memref_squeeze %dma_start3A_135 : memref<1x1x32x128xi32, #tpu.memory_space<hbm>> -> memref<32x128xi32, #tpu.memory_space<hbm>>
    tpu.enqueue_dma source(%dma_start3A_136 : memref<32x128xi32, #tpu.memory_space<hbm>>) target(%dma_start3A_132 : memref<32x128xi32, #tpu.memory_space<vmem>>) target_semaphore(%arg17 : memref<!tpu.dma_semaphore, #tpu.memory_space<semaphore_mem>>)
    %scan3A = arith.constant 0 : i32
    %scan3A_137 = arith.constant 0 : i32
    %scan3A_138 = arith.constant 5 : i32
    %scan3A_139 = arith.addi %scan3A_137, %scan3A_138 : i32
    %scan3A_140 = arith.constant 1 : i32
    %scan3A_141 = scf.for %scan3A_148 = %scan3A_137 to %scan3A_139 step %scan3A_140 iter_args(%scan3A_149 = %scan3A) -> (i32)  : i32 {
      %rem3A = arith.constant 2 : i32
      %rem3A_150 = arith.remsi %scan3A_148, %rem3A : i32
      %scan3A_151 = arith.constant 0 : i32
      %scan3A_152 = arith.constant 0 : i32
      %scan3A_153 = arith.constant 4 : i32
      %scan3A_154 = arith.addi %scan3A_152, %scan3A_153 : i32
      %scan3A_155 = arith.constant 1 : i32
      %scan3A_156 = scf.for %scan3A_162 = %scan3A_152 to %scan3A_154 step %scan3A_155 iter_args(%scan3A_163 = %scan3A_151) -> (i32)  : i32 {
        %mul3A_164 = arith.constant 8 : i32
        %mul3A_165 = arith.muli %mul3A_164, %scan3A_162 : i32
        %add3A_166 = arith.constant 0 : i32
        %add3A_167 = arith.addi %mul3A_165, %add3A_166 : i32
        %dma_wait3A = arith.constant 0 : i32
        %dma_wait3A_168 = tpu.memref_slice %arg6[%rem3A_150, %add3A_167, %dma_wait3A] : memref<2x32x128xi32, #tpu.memory_space<vmem>> -> memref<1x1x128xi32, #tpu.memory_space<vmem>>
        %dma_wait3A_169 = tpu.memref_squeeze %dma_wait3A_168 : memref<1x1x128xi32, #tpu.memory_space<vmem>> -> memref<128xi32, #tpu.memory_space<vmem>>
        %dma_wait3A_170 = arith.constant 0 : i32
        %dma_wait3A_171 = arith.constant 0 : i32
        %dma_wait3A_172 = tpu.memref_slice %arg2[%arg0, %dma_wait3A_170, %dma_wait3A_171] : memref<2x10240x128xbf16, #tpu.memory_space<hbm>> -> memref<1x10240x128xbf16, #tpu.memory_space<hbm>>
        %dma_wait3A_173 = tpu.memref_squeeze %dma_wait3A_172 : memref<1x10240x128xbf16, #tpu.memory_space<hbm>> -> memref<10240x128xbf16, #tpu.memory_space<hbm>>
        %dma_wait3A_174 = arith.constant 0 : i32
        %dma_wait3A_175 = arith.constant 0 : i32
        %dma_wait3A_176 = tpu.memref_slice %dma_wait3A_173[%dma_wait3A_174, %dma_wait3A_175] : memref<10240x128xbf16, #tpu.memory_space<hbm>> -> memref<10240x128xbf16, #tpu.memory_space<hbm>>
        tpu.wait_indirect_dma semaphore(%arg18 : memref<!tpu.dma_semaphore, #tpu.memory_space<semaphore_mem>>) src(%dma_wait3A_176 : memref<10240x128xbf16, #tpu.memory_space<hbm>>) dst(%arg8 : memref<128x128xbf16, #tpu.memory_space<vmem>>)
        %dma_start3A_177 = arith.constant 0 : i32
        %dma_start3A_178 = tpu.memref_slice %arg7[%rem3A_150, %add3A_167, %dma_start3A_177] : memref<2x32x128xi32, #tpu.memory_space<vmem>> -> memref<1x1x128xi32, #tpu.memory_space<vmem>>
        %dma_start3A_179 = tpu.memref_squeeze %dma_start3A_178 : memref<1x1x128xi32, #tpu.memory_space<vmem>> -> memref<128xi32, #tpu.memory_space<vmem>>
        %dma_start3A_180 = arith.constant 0 : i32
        %dma_start3A_181 = arith.constant 0 : i32
        %dma_start3A_182 = tpu.memref_slice %arg16[%dma_start3A_180, %dma_start3A_181] : memref<10240x128xbf16, #tpu.memory_space<vmem_shared>> -> memref<10240x128xbf16, #tpu.memory_space<vmem_shared>>
        tpu.enqueue_indirect_dma source(%arg8 : memref<128x128xbf16, #tpu.memory_space<vmem>>) target(%dma_start3A_182 : memref<10240x128xbf16, #tpu.memory_space<vmem_shared>>) offsets(%dma_start3A_179 : memref<128xi32, #tpu.memory_space<vmem>>) semaphore(%arg26 : memref<!tpu.dma_semaphore, #tpu.memory_space<semaphore_mem>>) {add = true}
        %mul3A_183 = arith.constant 8 : i32
        %mul3A_184 = arith.muli %mul3A_183, %scan3A_162 : i32
        %add3A_185 = arith.constant 1 : i32
        %add3A_186 = arith.addi %mul3A_184, %add3A_185 : i32
        %dma_wait3A_187 = arith.constant 0 : i32
        %dma_wait3A_188 = tpu.memref_slice %arg6[%rem3A_150, %add3A_186, %dma_wait3A_187] : memref<2x32x128xi32, #tpu.memory_space<vmem>> -> memref<1x1x128xi32, #tpu.memory_space<vmem>>
        %dma_wait3A_189 = tpu.memref_squeeze %dma_wait3A_188 : memref<1x1x128xi32, #tpu.memory_space<vmem>> -> memref<128xi32, #tpu.memory_space<vmem>>
        %dma_wait3A_190 = arith.constant 0 : i32
        %dma_wait3A_191 = arith.constant 0 : i32
        %dma_wait3A_192 = tpu.memref_slice %arg2[%arg0, %dma_wait3A_190, %dma_wait3A_191] : memref<2x10240x128xbf16, #tpu.memory_space<hbm>> -> memref<1x10240x128xbf16, #tpu.memory_space<hbm>>
        %dma_wait3A_193 = tpu.memref_squeeze %dma_wait3A_192 : memref<1x10240x128xbf16, #tpu.memory_space<hbm>> -> memref<10240x128xbf16, #tpu.memory_space<hbm>>
        %dma_wait3A_194 = arith.constant 0 : i32
        %dma_wait3A_195 = arith.constant 0 : i32
        %dma_wait3A_196 = tpu.memref_slice %dma_wait3A_193[%dma_wait3A_194, %dma_wait3A_195] : memref<10240x128xbf16, #tpu.memory_space<hbm>> -> memref<10240x128xbf16, #tpu.memory_space<hbm>>
        tpu.wait_indirect_dma semaphore(%arg19 : memref<!tpu.dma_semaphore, #tpu.memory_space<semaphore_mem>>) src(%dma_wait3A_196 : memref<10240x128xbf16, #tpu.memory_space<hbm>>) dst(%arg9 : memref<128x128xbf16, #tpu.memory_space<vmem>>)
        %dma_start3A_197 = arith.constant 0 : i32
        %dma_start3A_198 = tpu.memref_slice %arg7[%rem3A_150, %add3A_186, %dma_start3A_197] : memref<2x32x128xi32, #tpu.memory_space<vmem>> -> memref<1x1x128xi32, #tpu.memory_space<vmem>>
        %dma_start3A_199 = tpu.memref_squeeze %dma_start3A_198 : memref<1x1x128xi32, #tpu.memory_space<vmem>> -> memref<128xi32, #tpu.memory_space<vmem>>
        %dma_start3A_200 = arith.constant 0 : i32
        %dma_start3A_201 = arith.constant 0 : i32
        %dma_start3A_202 = tpu.memref_slice %arg16[%dma_start3A_200, %dma_start3A_201] : memref<10240x128xbf16, #tpu.memory_space<vmem_shared>> -> memref<10240x128xbf16, #tpu.memory_space<vmem_shared>>
        tpu.enqueue_indirect_dma source(%arg9 : memref<128x128xbf16, #tpu.memory_space<vmem>>) target(%dma_start3A_202 : memref<10240x128xbf16, #tpu.memory_space<vmem_shared>>) offsets(%dma_start3A_199 : memref<128xi32, #tpu.memory_space<vmem>>) semaphore(%arg27 : memref<!tpu.dma_semaphore, #tpu.memory_space<semaphore_mem>>) {add = true}
        %mul3A_203 = arith.constant 8 : i32
        %mul3A_204 = arith.muli %mul3A_203, %scan3A_162 : i32
        %add3A_205 = arith.constant 2 : i32
        %add3A_206 = arith.addi %mul3A_204, %add3A_205 : i32
        %dma_wait3A_207 = arith.constant 0 : i32
        %dma_wait3A_208 = tpu.memref_slice %arg6[%rem3A_150, %add3A_206, %dma_wait3A_207] : memref<2x32x128xi32, #tpu.memory_space<vmem>> -> memref<1x1x128xi32, #tpu.memory_space<vmem>>
        %dma_wait3A_209 = tpu.memref_squeeze %dma_wait3A_208 : memref<1x1x128xi32, #tpu.memory_space<vmem>> -> memref<128xi32, #tpu.memory_space<vmem>>
        %dma_wait3A_210 = arith.constant 0 : i32
        %dma_wait3A_211 = arith.constant 0 : i32
        %dma_wait3A_212 = tpu.memref_slice %arg2[%arg0, %dma_wait3A_210, %dma_wait3A_211] : memref<2x10240x128xbf16, #tpu.memory_space<hbm>> -> memref<1x10240x128xbf16, #tpu.memory_space<hbm>>
        %dma_wait3A_213 = tpu.memref_squeeze %dma_wait3A_212 : memref<1x10240x128xbf16, #tpu.memory_space<hbm>> -> memref<10240x128xbf16, #tpu.memory_space<hbm>>
        %dma_wait3A_214 = arith.constant 0 : i32
        %dma_wait3A_215 = arith.constant 0 : i32
        %dma_wait3A_216 = tpu.memref_slice %dma_wait3A_213[%dma_wait3A_214, %dma_wait3A_215] : memref<10240x128xbf16, #tpu.memory_space<hbm>> -> memref<10240x128xbf16, #tpu.memory_space<hbm>>
        tpu.wait_indirect_dma semaphore(%arg20 : memref<!tpu.dma_semaphore, #tpu.memory_space<semaphore_mem>>) src(%dma_wait3A_216 : memref<10240x128xbf16, #tpu.memory_space<hbm>>) dst(%arg10 : memref<128x128xbf16, #tpu.memory_space<vmem>>)
        %dma_start3A_217 = arith.constant 0 : i32
        %dma_start3A_218 = tpu.memref_slice %arg7[%rem3A_150, %add3A_206, %dma_start3A_217] : memref<2x32x128xi32, #tpu.memory_space<vmem>> -> memref<1x1x128xi32, #tpu.memory_space<vmem>>
        %dma_start3A_219 = tpu.memref_squeeze %dma_start3A_218 : memref<1x1x128xi32, #tpu.memory_space<vmem>> -> memref<128xi32, #tpu.memory_space<vmem>>
        %dma_start3A_220 = arith.constant 0 : i32
        %dma_start3A_221 = arith.constant 0 : i32
        %dma_start3A_222 = tpu.memref_slice %arg16[%dma_start3A_220, %dma_start3A_221] : memref<10240x128xbf16, #tpu.memory_space<vmem_shared>> -> memref<10240x128xbf16, #tpu.memory_space<vmem_shared>>
        tpu.enqueue_indirect_dma source(%arg10 : memref<128x128xbf16, #tpu.memory_space<vmem>>) target(%dma_start3A_222 : memref<10240x128xbf16, #tpu.memory_space<vmem_shared>>) offsets(%dma_start3A_219 : memref<128xi32, #tpu.memory_space<vmem>>) semaphore(%arg28 : memref<!tpu.dma_semaphore, #tpu.memory_space<semaphore_mem>>) {add = true}
        %mul3A_223 = arith.constant 8 : i32
        %mul3A_224 = arith.muli %mul3A_223, %scan3A_162 : i32
        %add3A_225 = arith.constant 3 : i32
        %add3A_226 = arith.addi %mul3A_224, %add3A_225 : i32
        %dma_wait3A_227 = arith.constant 0 : i32
        %dma_wait3A_228 = tpu.memref_slice %arg6[%rem3A_150, %add3A_226, %dma_wait3A_227] : memref<2x32x128xi32, #tpu.memory_space<vmem>> -> memref<1x1x128xi32, #tpu.memory_space<vmem>>
        %dma_wait3A_229 = tpu.memref_squeeze %dma_wait3A_228 : memref<1x1x128xi32, #tpu.memory_space<vmem>> -> memref<128xi32, #tpu.memory_space<vmem>>
        %dma_wait3A_230 = arith.constant 0 : i32
        %dma_wait3A_231 = arith.constant 0 : i32
        %dma_wait3A_232 = tpu.memref_slice %arg2[%arg0, %dma_wait3A_230, %dma_wait3A_231] : memref<2x10240x128xbf16, #tpu.memory_space<hbm>> -> memref<1x10240x128xbf16, #tpu.memory_space<hbm>>
        %dma_wait3A_233 = tpu.memref_squeeze %dma_wait3A_232 : memref<1x10240x128xbf16, #tpu.memory_space<hbm>> -> memref<10240x128xbf16, #tpu.memory_space<hbm>>
        %dma_wait3A_234 = arith.constant 0 : i32
        %dma_wait3A_235 = arith.constant 0 : i32
        %dma_wait3A_236 = tpu.memref_slice %dma_wait3A_233[%dma_wait3A_234, %dma_wait3A_235] : memref<10240x128xbf16, #tpu.memory_space<hbm>> -> memref<10240x128xbf16, #tpu.memory_space<hbm>>
        tpu.wait_indirect_dma semaphore(%arg21 : memref<!tpu.dma_semaphore, #tpu.memory_space<semaphore_mem>>) src(%dma_wait3A_236 : memref<10240x128xbf16, #tpu.memory_space<hbm>>) dst(%arg11 : memref<128x128xbf16, #tpu.memory_space<vmem>>)
        %dma_start3A_237 = arith.constant 0 : i32
        %dma_start3A_238 = tpu.memref_slice %arg7[%rem3A_150, %add3A_226, %dma_start3A_237] : memref<2x32x128xi32, #tpu.memory_space<vmem>> -> memref<1x1x128xi32, #tpu.memory_space<vmem>>
        %dma_start3A_239 = tpu.memref_squeeze %dma_start3A_238 : memref<1x1x128xi32, #tpu.memory_space<vmem>> -> memref<128xi32, #tpu.memory_space<vmem>>
        %dma_start3A_240 = arith.constant 0 : i32
        %dma_start3A_241 = arith.constant 0 : i32
        %dma_start3A_242 = tpu.memref_slice %arg16[%dma_start3A_240, %dma_start3A_241] : memref<10240x128xbf16, #tpu.memory_space<vmem_shared>> -> memref<10240x128xbf16, #tpu.memory_space<vmem_shared>>
        tpu.enqueue_indirect_dma source(%arg11 : memref<128x128xbf16, #tpu.memory_space<vmem>>) target(%dma_start3A_242 : memref<10240x128xbf16, #tpu.memory_space<vmem_shared>>) offsets(%dma_start3A_239 : memref<128xi32, #tpu.memory_space<vmem>>) semaphore(%arg29 : memref<!tpu.dma_semaphore, #tpu.memory_space<semaphore_mem>>) {add = true}
        %mul3A_243 = arith.constant 8 : i32
        %mul3A_244 = arith.muli %mul3A_243, %scan3A_162 : i32
        %add3A_245 = arith.constant 4 : i32
        %add3A_246 = arith.addi %mul3A_244, %add3A_245 : i32
        %dma_wait3A_247 = arith.constant 0 : i32
        %dma_wait3A_248 = tpu.memref_slice %arg6[%rem3A_150, %add3A_246, %dma_wait3A_247] : memref<2x32x128xi32, #tpu.memory_space<vmem>> -> memref<1x1x128xi32, #tpu.memory_space<vmem>>
        %dma_wait3A_249 = tpu.memref_squeeze %dma_wait3A_248 : memref<1x1x128xi32, #tpu.memory_space<vmem>> -> memref<128xi32, #tpu.memory_space<vmem>>
        %dma_wait3A_250 = arith.constant 0 : i32
        %dma_wait3A_251 = arith.constant 0 : i32
        %dma_wait3A_252 = tpu.memref_slice %arg2[%arg0, %dma_wait3A_250, %dma_wait3A_251] : memref<2x10240x128xbf16, #tpu.memory_space<hbm>> -> memref<1x10240x128xbf16, #tpu.memory_space<hbm>>
        %dma_wait3A_253 = tpu.memref_squeeze %dma_wait3A_252 : memref<1x10240x128xbf16, #tpu.memory_space<hbm>> -> memref<10240x128xbf16, #tpu.memory_space<hbm>>
        %dma_wait3A_254 = arith.constant 0 : i32
        %dma_wait3A_255 = arith.constant 0 : i32
        %dma_wait3A_256 = tpu.memref_slice %dma_wait3A_253[%dma_wait3A_254, %dma_wait3A_255] : memref<10240x128xbf16, #tpu.memory_space<hbm>> -> memref<10240x128xbf16, #tpu.memory_space<hbm>>
        tpu.wait_indirect_dma semaphore(%arg22 : memref<!tpu.dma_semaphore, #tpu.memory_space<semaphore_mem>>) src(%dma_wait3A_256 : memref<10240x128xbf16, #tpu.memory_space<hbm>>) dst(%arg12 : memref<128x128xbf16, #tpu.memory_space<vmem>>)
        %dma_start3A_257 = arith.constant 0 : i32
        %dma_start3A_258 = tpu.memref_slice %arg7[%rem3A_150, %add3A_246, %dma_start3A_257] : memref<2x32x128xi32, #tpu.memory_space<vmem>> -> memref<1x1x128xi32, #tpu.memory_space<vmem>>
        %dma_start3A_259 = tpu.memref_squeeze %dma_start3A_258 : memref<1x1x128xi32, #tpu.memory_space<vmem>> -> memref<128xi32, #tpu.memory_space<vmem>>
        %dma_start3A_260 = arith.constant 0 : i32
        %dma_start3A_261 = arith.constant 0 : i32
        %dma_start3A_262 = tpu.memref_slice %arg16[%dma_start3A_260, %dma_start3A_261] : memref<10240x128xbf16, #tpu.memory_space<vmem_shared>> -> memref<10240x128xbf16, #tpu.memory_space<vmem_shared>>
        tpu.enqueue_indirect_dma source(%arg12 : memref<128x128xbf16, #tpu.memory_space<vmem>>) target(%dma_start3A_262 : memref<10240x128xbf16, #tpu.memory_space<vmem_shared>>) offsets(%dma_start3A_259 : memref<128xi32, #tpu.memory_space<vmem>>) semaphore(%arg30 : memref<!tpu.dma_semaphore, #tpu.memory_space<semaphore_mem>>) {add = true}
        %mul3A_263 = arith.constant 8 : i32
        %mul3A_264 = arith.muli %mul3A_263, %scan3A_162 : i32
        %add3A_265 = arith.constant 5 : i32
        %add3A_266 = arith.addi %mul3A_264, %add3A_265 : i32
        %dma_wait3A_267 = arith.constant 0 : i32
        %dma_wait3A_268 = tpu.memref_slice %arg6[%rem3A_150, %add3A_266, %dma_wait3A_267] : memref<2x32x128xi32, #tpu.memory_space<vmem>> -> memref<1x1x128xi32, #tpu.memory_space<vmem>>
        %dma_wait3A_269 = tpu.memref_squeeze %dma_wait3A_268 : memref<1x1x128xi32, #tpu.memory_space<vmem>> -> memref<128xi32, #tpu.memory_space<vmem>>
        %dma_wait3A_270 = arith.constant 0 : i32
        %dma_wait3A_271 = arith.constant 0 : i32
        %dma_wait3A_272 = tpu.memref_slice %arg2[%arg0, %dma_wait3A_270, %dma_wait3A_271] : memref<2x10240x128xbf16, #tpu.memory_space<hbm>> -> memref<1x10240x128xbf16, #tpu.memory_space<hbm>>
        %dma_wait3A_273 = tpu.memref_squeeze %dma_wait3A_272 : memref<1x10240x128xbf16, #tpu.memory_space<hbm>> -> memref<10240x128xbf16, #tpu.memory_space<hbm>>
        %dma_wait3A_274 = arith.constant 0 : i32
        %dma_wait3A_275 = arith.constant 0 : i32
        %dma_wait3A_276 = tpu.memref_slice %dma_wait3A_273[%dma_wait3A_274, %dma_wait3A_275] : memref<10240x128xbf16, #tpu.memory_space<hbm>> -> memref<10240x128xbf16, #tpu.memory_space<hbm>>
        tpu.wait_indirect_dma semaphore(%arg23 : memref<!tpu.dma_semaphore, #tpu.memory_space<semaphore_mem>>) src(%dma_wait3A_276 : memref<10240x128xbf16, #tpu.memory_space<hbm>>) dst(%arg13 : memref<128x128xbf16, #tpu.memory_space<vmem>>)
        %dma_start3A_277 = arith.constant 0 : i32
        %dma_start3A_278 = tpu.memref_slice %arg7[%rem3A_150, %add3A_266, %dma_start3A_277] : memref<2x32x128xi32, #tpu.memory_space<vmem>> -> memref<1x1x128xi32, #tpu.memory_space<vmem>>
        %dma_start3A_279 = tpu.memref_squeeze %dma_start3A_278 : memref<1x1x128xi32, #tpu.memory_space<vmem>> -> memref<128xi32, #tpu.memory_space<vmem>>
        %dma_start3A_280 = arith.constant 0 : i32
        %dma_start3A_281 = arith.constant 0 : i32
        %dma_start3A_282 = tpu.memref_slice %arg16[%dma_start3A_280, %dma_start3A_281] : memref<10240x128xbf16, #tpu.memory_space<vmem_shared>> -> memref<10240x128xbf16, #tpu.memory_space<vmem_shared>>
        tpu.enqueue_indirect_dma source(%arg13 : memref<128x128xbf16, #tpu.memory_space<vmem>>) target(%dma_start3A_282 : memref<10240x128xbf16, #tpu.memory_space<vmem_shared>>) offsets(%dma_start3A_279 : memref<128xi32, #tpu.memory_space<vmem>>) semaphore(%arg31 : memref<!tpu.dma_semaphore, #tpu.memory_space<semaphore_mem>>) {add = true}
        %mul3A_283 = arith.constant 8 : i32
        %mul3A_284 = arith.muli %mul3A_283, %scan3A_162 : i32
        %add3A_285 = arith.constant 6 : i32
        %add3A_286 = arith.addi %mul3A_284, %add3A_285 : i32
        %dma_wait3A_287 = arith.constant 0 : i32
        %dma_wait3A_288 = tpu.memref_slice %arg6[%rem3A_150, %add3A_286, %dma_wait3A_287] : memref<2x32x128xi32, #tpu.memory_space<vmem>> -> memref<1x1x128xi32, #tpu.memory_space<vmem>>
        %dma_wait3A_289 = tpu.memref_squeeze %dma_wait3A_288 : memref<1x1x128xi32, #tpu.memory_space<vmem>> -> memref<128xi32, #tpu.memory_space<vmem>>
        %dma_wait3A_290 = arith.constant 0 : i32
        %dma_wait3A_291 = arith.constant 0 : i32
        %dma_wait3A_292 = tpu.memref_slice %arg2[%arg0, %dma_wait3A_290, %dma_wait3A_291] : memref<2x10240x128xbf16, #tpu.memory_space<hbm>> -> memref<1x10240x128xbf16, #tpu.memory_space<hbm>>
        %dma_wait3A_293 = tpu.memref_squeeze %dma_wait3A_292 : memref<1x10240x128xbf16, #tpu.memory_space<hbm>> -> memref<10240x128xbf16, #tpu.memory_space<hbm>>
        %dma_wait3A_294 = arith.constant 0 : i32
        %dma_wait3A_295 = arith.constant 0 : i32
        %dma_wait3A_296 = tpu.memref_slice %dma_wait3A_293[%dma_wait3A_294, %dma_wait3A_295] : memref<10240x128xbf16, #tpu.memory_space<hbm>> -> memref<10240x128xbf16, #tpu.memory_space<hbm>>
        tpu.wait_indirect_dma semaphore(%arg24 : memref<!tpu.dma_semaphore, #tpu.memory_space<semaphore_mem>>) src(%dma_wait3A_296 : memref<10240x128xbf16, #tpu.memory_space<hbm>>) dst(%arg14 : memref<128x128xbf16, #tpu.memory_space<vmem>>)
        %dma_start3A_297 = arith.constant 0 : i32
        %dma_start3A_298 = tpu.memref_slice %arg7[%rem3A_150, %add3A_286, %dma_start3A_297] : memref<2x32x128xi32, #tpu.memory_space<vmem>> -> memref<1x1x128xi32, #tpu.memory_space<vmem>>
        %dma_start3A_299 = tpu.memref_squeeze %dma_start3A_298 : memref<1x1x128xi32, #tpu.memory_space<vmem>> -> memref<128xi32, #tpu.memory_space<vmem>>
        %dma_start3A_300 = arith.constant 0 : i32
        %dma_start3A_301 = arith.constant 0 : i32
        %dma_start3A_302 = tpu.memref_slice %arg16[%dma_start3A_300, %dma_start3A_301] : memref<10240x128xbf16, #tpu.memory_space<vmem_shared>> -> memref<10240x128xbf16, #tpu.memory_space<vmem_shared>>
        tpu.enqueue_indirect_dma source(%arg14 : memref<128x128xbf16, #tpu.memory_space<vmem>>) target(%dma_start3A_302 : memref<10240x128xbf16, #tpu.memory_space<vmem_shared>>) offsets(%dma_start3A_299 : memref<128xi32, #tpu.memory_space<vmem>>) semaphore(%arg32 : memref<!tpu.dma_semaphore, #tpu.memory_space<semaphore_mem>>) {add = true}
        %mul3A_303 = arith.constant 8 : i32
        %mul3A_304 = arith.muli %mul3A_303, %scan3A_162 : i32
        %add3A_305 = arith.constant 7 : i32
        %add3A_306 = arith.addi %mul3A_304, %add3A_305 : i32
        %dma_wait3A_307 = arith.constant 0 : i32
        %dma_wait3A_308 = tpu.memref_slice %arg6[%rem3A_150, %add3A_306, %dma_wait3A_307] : memref<2x32x128xi32, #tpu.memory_space<vmem>> -> memref<1x1x128xi32, #tpu.memory_space<vmem>>
        %dma_wait3A_309 = tpu.memref_squeeze %dma_wait3A_308 : memref<1x1x128xi32, #tpu.memory_space<vmem>> -> memref<128xi32, #tpu.memory_space<vmem>>
        %dma_wait3A_310 = arith.constant 0 : i32
        %dma_wait3A_311 = arith.constant 0 : i32
        %dma_wait3A_312 = tpu.memref_slice %arg2[%arg0, %dma_wait3A_310, %dma_wait3A_311] : memref<2x10240x128xbf16, #tpu.memory_space<hbm>> -> memref<1x10240x128xbf16, #tpu.memory_space<hbm>>
        %dma_wait3A_313 = tpu.memref_squeeze %dma_wait3A_312 : memref<1x10240x128xbf16, #tpu.memory_space<hbm>> -> memref<10240x128xbf16, #tpu.memory_space<hbm>>
        %dma_wait3A_314 = arith.constant 0 : i32
        %dma_wait3A_315 = arith.constant 0 : i32
        %dma_wait3A_316 = tpu.memref_slice %dma_wait3A_313[%dma_wait3A_314, %dma_wait3A_315] : memref<10240x128xbf16, #tpu.memory_space<hbm>> -> memref<10240x128xbf16, #tpu.memory_space<hbm>>
        tpu.wait_indirect_dma semaphore(%arg25 : memref<!tpu.dma_semaphore, #tpu.memory_space<semaphore_mem>>) src(%dma_wait3A_316 : memref<10240x128xbf16, #tpu.memory_space<hbm>>) dst(%arg15 : memref<128x128xbf16, #tpu.memory_space<vmem>>)
        %dma_start3A_317 = arith.constant 0 : i32
        %dma_start3A_318 = tpu.memref_slice %arg7[%rem3A_150, %add3A_306, %dma_start3A_317] : memref<2x32x128xi32, #tpu.memory_space<vmem>> -> memref<1x1x128xi32, #tpu.memory_space<vmem>>
        %dma_start3A_319 = tpu.memref_squeeze %dma_start3A_318 : memref<1x1x128xi32, #tpu.memory_space<vmem>> -> memref<128xi32, #tpu.memory_space<vmem>>
        %dma_start3A_320 = arith.constant 0 : i32
        %dma_start3A_321 = arith.constant 0 : i32
        %dma_start3A_322 = tpu.memref_slice %arg16[%dma_start3A_320, %dma_start3A_321] : memref<10240x128xbf16, #tpu.memory_space<vmem_shared>> -> memref<10240x128xbf16, #tpu.memory_space<vmem_shared>>
        tpu.enqueue_indirect_dma source(%arg15 : memref<128x128xbf16, #tpu.memory_space<vmem>>) target(%dma_start3A_322 : memref<10240x128xbf16, #tpu.memory_space<vmem_shared>>) offsets(%dma_start3A_319 : memref<128xi32, #tpu.memory_space<vmem>>) semaphore(%arg33 : memref<!tpu.dma_semaphore, #tpu.memory_space<semaphore_mem>>) {add = true}
        %mul3A_323 = arith.constant 8 : i32
        %mul3A_324 = arith.muli %mul3A_323, %scan3A_162 : i32
        %add3A_325 = arith.constant 0 : i32
        %add3A_326 = arith.addi %mul3A_324, %add3A_325 : i32
        %dma_wait3A_327 = arith.constant 0 : i32
        %dma_wait3A_328 = tpu.memref_slice %arg7[%rem3A_150, %add3A_326, %dma_wait3A_327] : memref<2x32x128xi32, #tpu.memory_space<vmem>> -> memref<1x1x128xi32, #tpu.memory_space<vmem>>
        %dma_wait3A_329 = tpu.memref_squeeze %dma_wait3A_328 : memref<1x1x128xi32, #tpu.memory_space<vmem>> -> memref<128xi32, #tpu.memory_space<vmem>>
        %dma_wait3A_330 = arith.constant 0 : i32
        %dma_wait3A_331 = arith.constant 0 : i32
        %dma_wait3A_332 = tpu.memref_slice %arg16[%dma_wait3A_330, %dma_wait3A_331] : memref<10240x128xbf16, #tpu.memory_space<vmem_shared>> -> memref<10240x128xbf16, #tpu.memory_space<vmem_shared>>
        tpu.wait_indirect_dma semaphore(%arg26 : memref<!tpu.dma_semaphore, #tpu.memory_space<semaphore_mem>>) src(%arg8 : memref<128x128xbf16, #tpu.memory_space<vmem>>) dst(%dma_wait3A_332 : memref<10240x128xbf16, #tpu.memory_space<vmem_shared>>)
        %add3A_333 = arith.constant 8 : i32
        %add3A_334 = arith.addi %add3A_326, %add3A_333 : i32
        %lt3A_335 = arith.constant 32 : i32
        %lt3A_336 = arith.cmpi slt, %add3A_334, %lt3A_335 : i32
        %convert_element_type3A_337 = arith.extui %lt3A_336 : i1 to i32
        %cond3A_338 = arith.constant 0 : i32
        %cond3A_339 = arith.cmpi ne, %convert_element_type3A_337, %cond3A_338 : i32
        scf.if %cond3A_339 {
          %add3A_460 = arith.constant 8 : i32
          %add3A_461 = arith.addi %add3A_326, %add3A_460 : i32
          %dma_start3A_462 = arith.constant 0 : i32
          %dma_start3A_463 = tpu.memref_slice %arg6[%rem3A_150, %add3A_461, %dma_start3A_462] : memref<2x32x128xi32, #tpu.memory_space<vmem>> -> memref<1x1x128xi32, #tpu.memory_space<vmem>>
          %dma_start3A_464 = tpu.memref_squeeze %dma_start3A_463 : memref<1x1x128xi32, #tpu.memory_space<vmem>> -> memref<128xi32, #tpu.memory_space<vmem>>
          %dma_start3A_465 = arith.constant 0 : i32
          %dma_start3A_466 = arith.constant 0 : i32
          %dma_start3A_467 = tpu.memref_slice %arg2[%arg0, %dma_start3A_465, %dma_start3A_466] : memref<2x10240x128xbf16, #tpu.memory_space<hbm>> -> memref<1x10240x128xbf16, #tpu.memory_space<hbm>>
          %dma_start3A_468 = tpu.memref_squeeze %dma_start3A_467 : memref<1x10240x128xbf16, #tpu.memory_space<hbm>> -> memref<10240x128xbf16, #tpu.memory_space<hbm>>
          %dma_start3A_469 = arith.constant 0 : i32
          %dma_start3A_470 = arith.constant 0 : i32
          %dma_start3A_471 = tpu.memref_slice %dma_start3A_468[%dma_start3A_469, %dma_start3A_470] : memref<10240x128xbf16, #tpu.memory_space<hbm>> -> memref<10240x128xbf16, #tpu.memory_space<hbm>>
          tpu.enqueue_indirect_dma source(%dma_start3A_471 : memref<10240x128xbf16, #tpu.memory_space<hbm>>) target(%arg8 : memref<128x128xbf16, #tpu.memory_space<vmem>>) offsets(%dma_start3A_464 : memref<128xi32, #tpu.memory_space<vmem>>) semaphore(%arg18 : memref<!tpu.dma_semaphore, #tpu.memory_space<semaphore_mem>>)
        } else {
        }
        %mul3A_340 = arith.constant 8 : i32
        %mul3A_341 = arith.muli %mul3A_340, %scan3A_162 : i32
        %add3A_342 = arith.constant 1 : i32
        %add3A_343 = arith.addi %mul3A_341, %add3A_342 : i32
        %dma_wait3A_344 = arith.constant 0 : i32
        %dma_wait3A_345 = tpu.memref_slice %arg7[%rem3A_150, %add3A_343, %dma_wait3A_344] : memref<2x32x128xi32, #tpu.memory_space<vmem>> -> memref<1x1x128xi32, #tpu.memory_space<vmem>>
        %dma_wait3A_346 = tpu.memref_squeeze %dma_wait3A_345 : memref<1x1x128xi32, #tpu.memory_space<vmem>> -> memref<128xi32, #tpu.memory_space<vmem>>
        %dma_wait3A_347 = arith.constant 0 : i32
        %dma_wait3A_348 = arith.constant 0 : i32
        %dma_wait3A_349 = tpu.memref_slice %arg16[%dma_wait3A_347, %dma_wait3A_348] : memref<10240x128xbf16, #tpu.memory_space<vmem_shared>> -> memref<10240x128xbf16, #tpu.memory_space<vmem_shared>>
        tpu.wait_indirect_dma semaphore(%arg27 : memref<!tpu.dma_semaphore, #tpu.memory_space<semaphore_mem>>) src(%arg9 : memref<128x128xbf16, #tpu.memory_space<vmem>>) dst(%dma_wait3A_349 : memref<10240x128xbf16, #tpu.memory_space<vmem_shared>>)
        %add3A_350 = arith.constant 8 : i32
        %add3A_351 = arith.addi %add3A_343, %add3A_350 : i32
        %lt3A_352 = arith.constant 32 : i32
        %lt3A_353 = arith.cmpi slt, %add3A_351, %lt3A_352 : i32
        %convert_element_type3A_354 = arith.extui %lt3A_353 : i1 to i32
        %cond3A_355 = arith.constant 0 : i32
        %cond3A_356 = arith.cmpi ne, %convert_element_type3A_354, %cond3A_355 : i32
        scf.if %cond3A_356 {
          %add3A_460 = arith.constant 8 : i32
          %add3A_461 = arith.addi %add3A_343, %add3A_460 : i32
          %dma_start3A_462 = arith.constant 0 : i32
          %dma_start3A_463 = tpu.memref_slice %arg6[%rem3A_150, %add3A_461, %dma_start3A_462] : memref<2x32x128xi32, #tpu.memory_space<vmem>> -> memref<1x1x128xi32, #tpu.memory_space<vmem>>
          %dma_start3A_464 = tpu.memref_squeeze %dma_start3A_463 : memref<1x1x128xi32, #tpu.memory_space<vmem>> -> memref<128xi32, #tpu.memory_space<vmem>>
          %dma_start3A_465 = arith.constant 0 : i32
          %dma_start3A_466 = arith.constant 0 : i32
          %dma_start3A_467 = tpu.memref_slice %arg2[%arg0, %dma_start3A_465, %dma_start3A_466] : memref<2x10240x128xbf16, #tpu.memory_space<hbm>> -> memref<1x10240x128xbf16, #tpu.memory_space<hbm>>
          %dma_start3A_468 = tpu.memref_squeeze %dma_start3A_467 : memref<1x10240x128xbf16, #tpu.memory_space<hbm>> -> memref<10240x128xbf16, #tpu.memory_space<hbm>>
          %dma_start3A_469 = arith.constant 0 : i32
          %dma_start3A_470 = arith.constant 0 : i32
          %dma_start3A_471 = tpu.memref_slice %dma_start3A_468[%dma_start3A_469, %dma_start3A_470] : memref<10240x128xbf16, #tpu.memory_space<hbm>> -> memref<10240x128xbf16, #tpu.memory_space<hbm>>
          tpu.enqueue_indirect_dma source(%dma_start3A_471 : memref<10240x128xbf16, #tpu.memory_space<hbm>>) target(%arg9 : memref<128x128xbf16, #tpu.memory_space<vmem>>) offsets(%dma_start3A_464 : memref<128xi32, #tpu.memory_space<vmem>>) semaphore(%arg19 : memref<!tpu.dma_semaphore, #tpu.memory_space<semaphore_mem>>)
        } else {
        }
        %mul3A_357 = arith.constant 8 : i32
        %mul3A_358 = arith.muli %mul3A_357, %scan3A_162 : i32
        %add3A_359 = arith.constant 2 : i32
        %add3A_360 = arith.addi %mul3A_358, %add3A_359 : i32
        %dma_wait3A_361 = arith.constant 0 : i32
        %dma_wait3A_362 = tpu.memref_slice %arg7[%rem3A_150, %add3A_360, %dma_wait3A_361] : memref<2x32x128xi32, #tpu.memory_space<vmem>> -> memref<1x1x128xi32, #tpu.memory_space<vmem>>
        %dma_wait3A_363 = tpu.memref_squeeze %dma_wait3A_362 : memref<1x1x128xi32, #tpu.memory_space<vmem>> -> memref<128xi32, #tpu.memory_space<vmem>>
        %dma_wait3A_364 = arith.constant 0 : i32
        %dma_wait3A_365 = arith.constant 0 : i32
        %dma_wait3A_366 = tpu.memref_slice %arg16[%dma_wait3A_364, %dma_wait3A_365] : memref<10240x128xbf16, #tpu.memory_space<vmem_shared>> -> memref<10240x128xbf16, #tpu.memory_space<vmem_shared>>
        tpu.wait_indirect_dma semaphore(%arg28 : memref<!tpu.dma_semaphore, #tpu.memory_space<semaphore_mem>>) src(%arg10 : memref<128x128xbf16, #tpu.memory_space<vmem>>) dst(%dma_wait3A_366 : memref<10240x128xbf16, #tpu.memory_space<vmem_shared>>)
        %add3A_367 = arith.constant 8 : i32
        %add3A_368 = arith.addi %add3A_360, %add3A_367 : i32
        %lt3A_369 = arith.constant 32 : i32
        %lt3A_370 = arith.cmpi slt, %add3A_368, %lt3A_369 : i32
        %convert_element_type3A_371 = arith.extui %lt3A_370 : i1 to i32
        %cond3A_372 = arith.constant 0 : i32
        %cond3A_373 = arith.cmpi ne, %convert_element_type3A_371, %cond3A_372 : i32
        scf.if %cond3A_373 {
          %add3A_460 = arith.constant 8 : i32
          %add3A_461 = arith.addi %add3A_360, %add3A_460 : i32
          %dma_start3A_462 = arith.constant 0 : i32
          %dma_start3A_463 = tpu.memref_slice %arg6[%rem3A_150, %add3A_461, %dma_start3A_462] : memref<2x32x128xi32, #tpu.memory_space<vmem>> -> memref<1x1x128xi32, #tpu.memory_space<vmem>>
          %dma_start3A_464 = tpu.memref_squeeze %dma_start3A_463 : memref<1x1x128xi32, #tpu.memory_space<vmem>> -> memref<128xi32, #tpu.memory_space<vmem>>
          %dma_start3A_465 = arith.constant 0 : i32
          %dma_start3A_466 = arith.constant 0 : i32
          %dma_start3A_467 = tpu.memref_slice %arg2[%arg0, %dma_start3A_465, %dma_start3A_466] : memref<2x10240x128xbf16, #tpu.memory_space<hbm>> -> memref<1x10240x128xbf16, #tpu.memory_space<hbm>>
          %dma_start3A_468 = tpu.memref_squeeze %dma_start3A_467 : memref<1x10240x128xbf16, #tpu.memory_space<hbm>> -> memref<10240x128xbf16, #tpu.memory_space<hbm>>
          %dma_start3A_469 = arith.constant 0 : i32
          %dma_start3A_470 = arith.constant 0 : i32
          %dma_start3A_471 = tpu.memref_slice %dma_start3A_468[%dma_start3A_469, %dma_start3A_470] : memref<10240x128xbf16, #tpu.memory_space<hbm>> -> memref<10240x128xbf16, #tpu.memory_space<hbm>>
          tpu.enqueue_indirect_dma source(%dma_start3A_471 : memref<10240x128xbf16, #tpu.memory_space<hbm>>) target(%arg10 : memref<128x128xbf16, #tpu.memory_space<vmem>>) offsets(%dma_start3A_464 : memref<128xi32, #tpu.memory_space<vmem>>) semaphore(%arg20 : memref<!tpu.dma_semaphore, #tpu.memory_space<semaphore_mem>>)
        } else {
        }
        %mul3A_374 = arith.constant 8 : i32
        %mul3A_375 = arith.muli %mul3A_374, %scan3A_162 : i32
        %add3A_376 = arith.constant 3 : i32
        %add3A_377 = arith.addi %mul3A_375, %add3A_376 : i32
        %dma_wait3A_378 = arith.constant 0 : i32
        %dma_wait3A_379 = tpu.memref_slice %arg7[%rem3A_150, %add3A_377, %dma_wait3A_378] : memref<2x32x128xi32, #tpu.memory_space<vmem>> -> memref<1x1x128xi32, #tpu.memory_space<vmem>>
        %dma_wait3A_380 = tpu.memref_squeeze %dma_wait3A_379 : memref<1x1x128xi32, #tpu.memory_space<vmem>> -> memref<128xi32, #tpu.memory_space<vmem>>
        %dma_wait3A_381 = arith.constant 0 : i32
        %dma_wait3A_382 = arith.constant 0 : i32
        %dma_wait3A_383 = tpu.memref_slice %arg16[%dma_wait3A_381, %dma_wait3A_382] : memref<10240x128xbf16, #tpu.memory_space<vmem_shared>> -> memref<10240x128xbf16, #tpu.memory_space<vmem_shared>>
        tpu.wait_indirect_dma semaphore(%arg29 : memref<!tpu.dma_semaphore, #tpu.memory_space<semaphore_mem>>) src(%arg11 : memref<128x128xbf16, #tpu.memory_space<vmem>>) dst(%dma_wait3A_383 : memref<10240x128xbf16, #tpu.memory_space<vmem_shared>>)
        %add3A_384 = arith.constant 8 : i32
        %add3A_385 = arith.addi %add3A_377, %add3A_384 : i32
        %lt3A_386 = arith.constant 32 : i32
        %lt3A_387 = arith.cmpi slt, %add3A_385, %lt3A_386 : i32
        %convert_element_type3A_388 = arith.extui %lt3A_387 : i1 to i32
        %cond3A_389 = arith.constant 0 : i32
        %cond3A_390 = arith.cmpi ne, %convert_element_type3A_388, %cond3A_389 : i32
        scf.if %cond3A_390 {
          %add3A_460 = arith.constant 8 : i32
          %add3A_461 = arith.addi %add3A_377, %add3A_460 : i32
          %dma_start3A_462 = arith.constant 0 : i32
          %dma_start3A_463 = tpu.memref_slice %arg6[%rem3A_150, %add3A_461, %dma_start3A_462] : memref<2x32x128xi32, #tpu.memory_space<vmem>> -> memref<1x1x128xi32, #tpu.memory_space<vmem>>
          %dma_start3A_464 = tpu.memref_squeeze %dma_start3A_463 : memref<1x1x128xi32, #tpu.memory_space<vmem>> -> memref<128xi32, #tpu.memory_space<vmem>>
          %dma_start3A_465 = arith.constant 0 : i32
          %dma_start3A_466 = arith.constant 0 : i32
          %dma_start3A_467 = tpu.memref_slice %arg2[%arg0, %dma_start3A_465, %dma_start3A_466] : memref<2x10240x128xbf16, #tpu.memory_space<hbm>> -> memref<1x10240x128xbf16, #tpu.memory_space<hbm>>
          %dma_start3A_468 = tpu.memref_squeeze %dma_start3A_467 : memref<1x10240x128xbf16, #tpu.memory_space<hbm>> -> memref<10240x128xbf16, #tpu.memory_space<hbm>>
          %dma_start3A_469 = arith.constant 0 : i32
          %dma_start3A_470 = arith.constant 0 : i32
          %dma_start3A_471 = tpu.memref_slice %dma_start3A_468[%dma_start3A_469, %dma_start3A_470] : memref<10240x128xbf16, #tpu.memory_space<hbm>> -> memref<10240x128xbf16, #tpu.memory_space<hbm>>
          tpu.enqueue_indirect_dma source(%dma_start3A_471 : memref<10240x128xbf16, #tpu.memory_space<hbm>>) target(%arg11 : memref<128x128xbf16, #tpu.memory_space<vmem>>) offsets(%dma_start3A_464 : memref<128xi32, #tpu.memory_space<vmem>>) semaphore(%arg21 : memref<!tpu.dma_semaphore, #tpu.memory_space<semaphore_mem>>)
        } else {
        }
        %mul3A_391 = arith.constant 8 : i32
        %mul3A_392 = arith.muli %mul3A_391, %scan3A_162 : i32
        %add3A_393 = arith.constant 4 : i32
        %add3A_394 = arith.addi %mul3A_392, %add3A_393 : i32
        %dma_wait3A_395 = arith.constant 0 : i32
        %dma_wait3A_396 = tpu.memref_slice %arg7[%rem3A_150, %add3A_394, %dma_wait3A_395] : memref<2x32x128xi32, #tpu.memory_space<vmem>> -> memref<1x1x128xi32, #tpu.memory_space<vmem>>
        %dma_wait3A_397 = tpu.memref_squeeze %dma_wait3A_396 : memref<1x1x128xi32, #tpu.memory_space<vmem>> -> memref<128xi32, #tpu.memory_space<vmem>>
        %dma_wait3A_398 = arith.constant 0 : i32
        %dma_wait3A_399 = arith.constant 0 : i32
        %dma_wait3A_400 = tpu.memref_slice %arg16[%dma_wait3A_398, %dma_wait3A_399] : memref<10240x128xbf16, #tpu.memory_space<vmem_shared>> -> memref<10240x128xbf16, #tpu.memory_space<vmem_shared>>
        tpu.wait_indirect_dma semaphore(%arg30 : memref<!tpu.dma_semaphore, #tpu.memory_space<semaphore_mem>>) src(%arg12 : memref<128x128xbf16, #tpu.memory_space<vmem>>) dst(%dma_wait3A_400 : memref<10240x128xbf16, #tpu.memory_space<vmem_shared>>)
        %add3A_401 = arith.constant 8 : i32
        %add3A_402 = arith.addi %add3A_394, %add3A_401 : i32
        %lt3A_403 = arith.constant 32 : i32
        %lt3A_404 = arith.cmpi slt, %add3A_402, %lt3A_403 : i32
        %convert_element_type3A_405 = arith.extui %lt3A_404 : i1 to i32
        %cond3A_406 = arith.constant 0 : i32
        %cond3A_407 = arith.cmpi ne, %convert_element_type3A_405, %cond3A_406 : i32
        scf.if %cond3A_407 {
          %add3A_460 = arith.constant 8 : i32
          %add3A_461 = arith.addi %add3A_394, %add3A_460 : i32
          %dma_start3A_462 = arith.constant 0 : i32
          %dma_start3A_463 = tpu.memref_slice %arg6[%rem3A_150, %add3A_461, %dma_start3A_462] : memref<2x32x128xi32, #tpu.memory_space<vmem>> -> memref<1x1x128xi32, #tpu.memory_space<vmem>>
          %dma_start3A_464 = tpu.memref_squeeze %dma_start3A_463 : memref<1x1x128xi32, #tpu.memory_space<vmem>> -> memref<128xi32, #tpu.memory_space<vmem>>
          %dma_start3A_465 = arith.constant 0 : i32
          %dma_start3A_466 = arith.constant 0 : i32
          %dma_start3A_467 = tpu.memref_slice %arg2[%arg0, %dma_start3A_465, %dma_start3A_466] : memref<2x10240x128xbf16, #tpu.memory_space<hbm>> -> memref<1x10240x128xbf16, #tpu.memory_space<hbm>>
          %dma_start3A_468 = tpu.memref_squeeze %dma_start3A_467 : memref<1x10240x128xbf16, #tpu.memory_space<hbm>> -> memref<10240x128xbf16, #tpu.memory_space<hbm>>
          %dma_start3A_469 = arith.constant 0 : i32
          %dma_start3A_470 = arith.constant 0 : i32
          %dma_start3A_471 = tpu.memref_slice %dma_start3A_468[%dma_start3A_469, %dma_start3A_470] : memref<10240x128xbf16, #tpu.memory_space<hbm>> -> memref<10240x128xbf16, #tpu.memory_space<hbm>>
          tpu.enqueue_indirect_dma source(%dma_start3A_471 : memref<10240x128xbf16, #tpu.memory_space<hbm>>) target(%arg12 : memref<128x128xbf16, #tpu.memory_space<vmem>>) offsets(%dma_start3A_464 : memref<128xi32, #tpu.memory_space<vmem>>) semaphore(%arg22 : memref<!tpu.dma_semaphore, #tpu.memory_space<semaphore_mem>>)
        } else {
        }
        %mul3A_408 = arith.constant 8 : i32
        %mul3A_409 = arith.muli %mul3A_408, %scan3A_162 : i32
        %add3A_410 = arith.constant 5 : i32
        %add3A_411 = arith.addi %mul3A_409, %add3A_410 : i32
        %dma_wait3A_412 = arith.constant 0 : i32
        %dma_wait3A_413 = tpu.memref_slice %arg7[%rem3A_150, %add3A_411, %dma_wait3A_412] : memref<2x32x128xi32, #tpu.memory_space<vmem>> -> memref<1x1x128xi32, #tpu.memory_space<vmem>>
        %dma_wait3A_414 = tpu.memref_squeeze %dma_wait3A_413 : memref<1x1x128xi32, #tpu.memory_space<vmem>> -> memref<128xi32, #tpu.memory_space<vmem>>
        %dma_wait3A_415 = arith.constant 0 : i32
        %dma_wait3A_416 = arith.constant 0 : i32
        %dma_wait3A_417 = tpu.memref_slice %arg16[%dma_wait3A_415, %dma_wait3A_416] : memref<10240x128xbf16, #tpu.memory_space<vmem_shared>> -> memref<10240x128xbf16, #tpu.memory_space<vmem_shared>>
        tpu.wait_indirect_dma semaphore(%arg31 : memref<!tpu.dma_semaphore, #tpu.memory_space<semaphore_mem>>) src(%arg13 : memref<128x128xbf16, #tpu.memory_space<vmem>>) dst(%dma_wait3A_417 : memref<10240x128xbf16, #tpu.memory_space<vmem_shared>>)
        %add3A_418 = arith.constant 8 : i32
        %add3A_419 = arith.addi %add3A_411, %add3A_418 : i32
        %lt3A_420 = arith.constant 32 : i32
        %lt3A_421 = arith.cmpi slt, %add3A_419, %lt3A_420 : i32
        %convert_element_type3A_422 = arith.extui %lt3A_421 : i1 to i32
        %cond3A_423 = arith.constant 0 : i32
        %cond3A_424 = arith.cmpi ne, %convert_element_type3A_422, %cond3A_423 : i32
        scf.if %cond3A_424 {
          %add3A_460 = arith.constant 8 : i32
          %add3A_461 = arith.addi %add3A_411, %add3A_460 : i32
          %dma_start3A_462 = arith.constant 0 : i32
          %dma_start3A_463 = tpu.memref_slice %arg6[%rem3A_150, %add3A_461, %dma_start3A_462] : memref<2x32x128xi32, #tpu.memory_space<vmem>> -> memref<1x1x128xi32, #tpu.memory_space<vmem>>
          %dma_start3A_464 = tpu.memref_squeeze %dma_start3A_463 : memref<1x1x128xi32, #tpu.memory_space<vmem>> -> memref<128xi32, #tpu.memory_space<vmem>>
          %dma_start3A_465 = arith.constant 0 : i32
          %dma_start3A_466 = arith.constant 0 : i32
          %dma_start3A_467 = tpu.memref_slice %arg2[%arg0, %dma_start3A_465, %dma_start3A_466] : memref<2x10240x128xbf16, #tpu.memory_space<hbm>> -> memref<1x10240x128xbf16, #tpu.memory_space<hbm>>
          %dma_start3A_468 = tpu.memref_squeeze %dma_start3A_467 : memref<1x10240x128xbf16, #tpu.memory_space<hbm>> -> memref<10240x128xbf16, #tpu.memory_space<hbm>>
          %dma_start3A_469 = arith.constant 0 : i32
          %dma_start3A_470 = arith.constant 0 : i32
          %dma_start3A_471 = tpu.memref_slice %dma_start3A_468[%dma_start3A_469, %dma_start3A_470] : memref<10240x128xbf16, #tpu.memory_space<hbm>> -> memref<10240x128xbf16, #tpu.memory_space<hbm>>
          tpu.enqueue_indirect_dma source(%dma_start3A_471 : memref<10240x128xbf16, #tpu.memory_space<hbm>>) target(%arg13 : memref<128x128xbf16, #tpu.memory_space<vmem>>) offsets(%dma_start3A_464 : memref<128xi32, #tpu.memory_space<vmem>>) semaphore(%arg23 : memref<!tpu.dma_semaphore, #tpu.memory_space<semaphore_mem>>)
        } else {
        }
        %mul3A_425 = arith.constant 8 : i32
        %mul3A_426 = arith.muli %mul3A_425, %scan3A_162 : i32
        %add3A_427 = arith.constant 6 : i32
        %add3A_428 = arith.addi %mul3A_426, %add3A_427 : i32
        %dma_wait3A_429 = arith.constant 0 : i32
        %dma_wait3A_430 = tpu.memref_slice %arg7[%rem3A_150, %add3A_428, %dma_wait3A_429] : memref<2x32x128xi32, #tpu.memory_space<vmem>> -> memref<1x1x128xi32, #tpu.memory_space<vmem>>
        %dma_wait3A_431 = tpu.memref_squeeze %dma_wait3A_430 : memref<1x1x128xi32, #tpu.memory_space<vmem>> -> memref<128xi32, #tpu.memory_space<vmem>>
        %dma_wait3A_432 = arith.constant 0 : i32
        %dma_wait3A_433 = arith.constant 0 : i32
        %dma_wait3A_434 = tpu.memref_slice %arg16[%dma_wait3A_432, %dma_wait3A_433] : memref<10240x128xbf16, #tpu.memory_space<vmem_shared>> -> memref<10240x128xbf16, #tpu.memory_space<vmem_shared>>
        tpu.wait_indirect_dma semaphore(%arg32 : memref<!tpu.dma_semaphore, #tpu.memory_space<semaphore_mem>>) src(%arg14 : memref<128x128xbf16, #tpu.memory_space<vmem>>) dst(%dma_wait3A_434 : memref<10240x128xbf16, #tpu.memory_space<vmem_shared>>)
        %add3A_435 = arith.constant 8 : i32
        %add3A_436 = arith.addi %add3A_428, %add3A_435 : i32
        %lt3A_437 = arith.constant 32 : i32
        %lt3A_438 = arith.cmpi slt, %add3A_436, %lt3A_437 : i32
        %convert_element_type3A_439 = arith.extui %lt3A_438 : i1 to i32
        %cond3A_440 = arith.constant 0 : i32
        %cond3A_441 = arith.cmpi ne, %convert_element_type3A_439, %cond3A_440 : i32
        scf.if %cond3A_441 {
          %add3A_460 = arith.constant 8 : i32
          %add3A_461 = arith.addi %add3A_428, %add3A_460 : i32
          %dma_start3A_462 = arith.constant 0 : i32
          %dma_start3A_463 = tpu.memref_slice %arg6[%rem3A_150, %add3A_461, %dma_start3A_462] : memref<2x32x128xi32, #tpu.memory_space<vmem>> -> memref<1x1x128xi32, #tpu.memory_space<vmem>>
          %dma_start3A_464 = tpu.memref_squeeze %dma_start3A_463 : memref<1x1x128xi32, #tpu.memory_space<vmem>> -> memref<128xi32, #tpu.memory_space<vmem>>
          %dma_start3A_465 = arith.constant 0 : i32
          %dma_start3A_466 = arith.constant 0 : i32
          %dma_start3A_467 = tpu.memref_slice %arg2[%arg0, %dma_start3A_465, %dma_start3A_466] : memref<2x10240x128xbf16, #tpu.memory_space<hbm>> -> memref<1x10240x128xbf16, #tpu.memory_space<hbm>>
          %dma_start3A_468 = tpu.memref_squeeze %dma_start3A_467 : memref<1x10240x128xbf16, #tpu.memory_space<hbm>> -> memref<10240x128xbf16, #tpu.memory_space<hbm>>
          %dma_start3A_469 = arith.constant 0 : i32
          %dma_start3A_470 = arith.constant 0 : i32
          %dma_start3A_471 = tpu.memref_slice %dma_start3A_468[%dma_start3A_469, %dma_start3A_470] : memref<10240x128xbf16, #tpu.memory_space<hbm>> -> memref<10240x128xbf16, #tpu.memory_space<hbm>>
          tpu.enqueue_indirect_dma source(%dma_start3A_471 : memref<10240x128xbf16, #tpu.memory_space<hbm>>) target(%arg14 : memref<128x128xbf16, #tpu.memory_space<vmem>>) offsets(%dma_start3A_464 : memref<128xi32, #tpu.memory_space<vmem>>) semaphore(%arg24 : memref<!tpu.dma_semaphore, #tpu.memory_space<semaphore_mem>>)
        } else {
        }
        %mul3A_442 = arith.constant 8 : i32
        %mul3A_443 = arith.muli %mul3A_442, %scan3A_162 : i32
        %add3A_444 = arith.constant 7 : i32
        %add3A_445 = arith.addi %mul3A_443, %add3A_444 : i32
        %dma_wait3A_446 = arith.constant 0 : i32
        %dma_wait3A_447 = tpu.memref_slice %arg7[%rem3A_150, %add3A_445, %dma_wait3A_446] : memref<2x32x128xi32, #tpu.memory_space<vmem>> -> memref<1x1x128xi32, #tpu.memory_space<vmem>>
        %dma_wait3A_448 = tpu.memref_squeeze %dma_wait3A_447 : memref<1x1x128xi32, #tpu.memory_space<vmem>> -> memref<128xi32, #tpu.memory_space<vmem>>
        %dma_wait3A_449 = arith.constant 0 : i32
        %dma_wait3A_450 = arith.constant 0 : i32
        %dma_wait3A_451 = tpu.memref_slice %arg16[%dma_wait3A_449, %dma_wait3A_450] : memref<10240x128xbf16, #tpu.memory_space<vmem_shared>> -> memref<10240x128xbf16, #tpu.memory_space<vmem_shared>>
        tpu.wait_indirect_dma semaphore(%arg33 : memref<!tpu.dma_semaphore, #tpu.memory_space<semaphore_mem>>) src(%arg15 : memref<128x128xbf16, #tpu.memory_space<vmem>>) dst(%dma_wait3A_451 : memref<10240x128xbf16, #tpu.memory_space<vmem_shared>>)
        %add3A_452 = arith.constant 8 : i32
        %add3A_453 = arith.addi %add3A_445, %add3A_452 : i32
        %lt3A_454 = arith.constant 32 : i32
        %lt3A_455 = arith.cmpi slt, %add3A_453, %lt3A_454 : i32
        %convert_element_type3A_456 = arith.extui %lt3A_455 : i1 to i32
        %cond3A_457 = arith.constant 0 : i32
        %cond3A_458 = arith.cmpi ne, %convert_element_type3A_456, %cond3A_457 : i32
        scf.if %cond3A_458 {
          %add3A_460 = arith.constant 8 : i32
          %add3A_461 = arith.addi %add3A_445, %add3A_460 : i32
          %dma_start3A_462 = arith.constant 0 : i32
          %dma_start3A_463 = tpu.memref_slice %arg6[%rem3A_150, %add3A_461, %dma_start3A_462] : memref<2x32x128xi32, #tpu.memory_space<vmem>> -> memref<1x1x128xi32, #tpu.memory_space<vmem>>
          %dma_start3A_464 = tpu.memref_squeeze %dma_start3A_463 : memref<1x1x128xi32, #tpu.memory_space<vmem>> -> memref<128xi32, #tpu.memory_space<vmem>>
          %dma_start3A_465 = arith.constant 0 : i32
          %dma_start3A_466 = arith.constant 0 : i32
          %dma_start3A_467 = tpu.memref_slice %arg2[%arg0, %dma_start3A_465, %dma_start3A_466] : memref<2x10240x128xbf16, #tpu.memory_space<hbm>> -> memref<1x10240x128xbf16, #tpu.memory_space<hbm>>
          %dma_start3A_468 = tpu.memref_squeeze %dma_start3A_467 : memref<1x10240x128xbf16, #tpu.memory_space<hbm>> -> memref<10240x128xbf16, #tpu.memory_space<hbm>>
          %dma_start3A_469 = arith.constant 0 : i32
          %dma_start3A_470 = arith.constant 0 : i32
          %dma_start3A_471 = tpu.memref_slice %dma_start3A_468[%dma_start3A_469, %dma_start3A_470] : memref<10240x128xbf16, #tpu.memory_space<hbm>> -> memref<10240x128xbf16, #tpu.memory_space<hbm>>
          tpu.enqueue_indirect_dma source(%dma_start3A_471 : memref<10240x128xbf16, #tpu.memory_space<hbm>>) target(%arg15 : memref<128x128xbf16, #tpu.memory_space<vmem>>) offsets(%dma_start3A_464 : memref<128xi32, #tpu.memory_space<vmem>>) semaphore(%arg25 : memref<!tpu.dma_semaphore, #tpu.memory_space<semaphore_mem>>)
        } else {
        }
        %scan3A_459 = arith.constant 0 : i32
        scf.yield %scan3A_459 : i32
      }
      %scan3A_157 = arith.constant 4 : i32
      %add3A = arith.constant 1 : i32
      %add3A_158 = arith.addi %scan3A_148, %add3A : i32
      %lt3A = arith.constant 5 : i32
      %lt3A_159 = arith.cmpi slt, %add3A_158, %lt3A : i32
      %convert_element_type3A = arith.extui %lt3A_159 : i1 to i32
      %cond3A = arith.constant 0 : i32
      %cond3A_160 = arith.cmpi ne, %convert_element_type3A, %cond3A : i32
      scf.if %cond3A_160 {
        %sub3A = arith.constant 1 : i32
        %sub3A_162 = arith.subi %sub3A, %rem3A_150 : i32
        %add3A_163 = arith.constant 1 : i32
        %add3A_164 = arith.addi %scan3A_148, %add3A_163 : i32
        %dma_wait3A = arith.constant 0 : i32
        %dma_wait3A_165 = arith.constant 0 : i32
        %dma_wait3A_166 = tpu.memref_slice %arg6[%sub3A_162, %dma_wait3A, %dma_wait3A_165] : memref<2x32x128xi32, #tpu.memory_space<vmem>> -> memref<1x32x128xi32, #tpu.memory_space<vmem>>
        %dma_wait3A_167 = tpu.memref_squeeze %dma_wait3A_166 : memref<1x32x128xi32, #tpu.memory_space<vmem>> -> memref<32x128xi32, #tpu.memory_space<vmem>>
        %dma_wait3A_168 = arith.constant 0 : i32
        %dma_wait3A_169 = arith.constant 0 : i32
        %dma_wait3A_170 = tpu.memref_slice %arg3[%arg1, %add3A_164, %dma_wait3A_168, %dma_wait3A_169] : memref<16x5x32x128xi32, #tpu.memory_space<hbm>> -> memref<1x1x32x128xi32, #tpu.memory_space<hbm>>
        %dma_wait3A_171 = tpu.memref_squeeze %dma_wait3A_170 : memref<1x1x32x128xi32, #tpu.memory_space<hbm>> -> memref<32x128xi32, #tpu.memory_space<hbm>>
        %dma_wait3A_172 = arith.constant 0 : i32
        %dma_wait3A_173 = arith.constant 0 : i32
        %dma_wait3A_174 = tpu.memref_slice %arg6[%sub3A_162, %dma_wait3A_172, %dma_wait3A_173] : memref<2x32x128xi32, #tpu.memory_space<vmem>> -> memref<1x32x128xi32, #tpu.memory_space<vmem>>
        %dma_wait3A_175 = tpu.memref_squeeze %dma_wait3A_174 : memref<1x32x128xi32, #tpu.memory_space<vmem>> -> memref<32x128xi32, #tpu.memory_space<vmem>>
        %dma_wait3A_176 = arith.constant 0 : i32
        %dma_wait3A_177 = arith.constant 0 : i32
        %dma_wait3A_178 = tpu.memref_slice %arg3[%arg1, %add3A_164, %dma_wait3A_176, %dma_wait3A_177] : memref<16x5x32x128xi32, #tpu.memory_space<hbm>> -> memref<1x1x32x128xi32, #tpu.memory_space<hbm>>
        %dma_wait3A_179 = tpu.memref_squeeze %dma_wait3A_178 : memref<1x1x32x128xi32, #tpu.memory_space<hbm>> -> memref<32x128xi32, #tpu.memory_space<hbm>>
        tpu.wait_dma2 semaphore(%arg17 : memref<!tpu.dma_semaphore, #tpu.memory_space<semaphore_mem>>) src(%dma_wait3A_179 : memref<32x128xi32, #tpu.memory_space<hbm>>) dst(%dma_wait3A_175 : memref<32x128xi32, #tpu.memory_space<vmem>>)
        %add3A_180 = arith.constant 1 : i32
        %add3A_181 = arith.addi %scan3A_148, %add3A_180 : i32
        %dma_wait3A_182 = arith.constant 0 : i32
        %dma_wait3A_183 = arith.constant 0 : i32
        %dma_wait3A_184 = tpu.memref_slice %arg7[%sub3A_162, %dma_wait3A_182, %dma_wait3A_183] : memref<2x32x128xi32, #tpu.memory_space<vmem>> -> memref<1x32x128xi32, #tpu.memory_space<vmem>>
        %dma_wait3A_185 = tpu.memref_squeeze %dma_wait3A_184 : memref<1x32x128xi32, #tpu.memory_space<vmem>> -> memref<32x128xi32, #tpu.memory_space<vmem>>
        %dma_wait3A_186 = arith.constant 0 : i32
        %dma_wait3A_187 = arith.constant 0 : i32
        %dma_wait3A_188 = tpu.memref_slice %arg4[%arg1, %add3A_181, %dma_wait3A_186, %dma_wait3A_187] : memref<16x5x32x128xi32, #tpu.memory_space<hbm>> -> memref<1x1x32x128xi32, #tpu.memory_space<hbm>>
        %dma_wait3A_189 = tpu.memref_squeeze %dma_wait3A_188 : memref<1x1x32x128xi32, #tpu.memory_space<hbm>> -> memref<32x128xi32, #tpu.memory_space<hbm>>
        %dma_wait3A_190 = arith.constant 0 : i32
        %dma_wait3A_191 = arith.constant 0 : i32
        %dma_wait3A_192 = tpu.memref_slice %arg7[%sub3A_162, %dma_wait3A_190, %dma_wait3A_191] : memref<2x32x128xi32, #tpu.memory_space<vmem>> -> memref<1x32x128xi32, #tpu.memory_space<vmem>>
        %dma_wait3A_193 = tpu.memref_squeeze %dma_wait3A_192 : memref<1x32x128xi32, #tpu.memory_space<vmem>> -> memref<32x128xi32, #tpu.memory_space<vmem>>
        %dma_wait3A_194 = arith.constant 0 : i32
        %dma_wait3A_195 = arith.constant 0 : i32
        %dma_wait3A_196 = tpu.memref_slice %arg4[%arg1, %add3A_181, %dma_wait3A_194, %dma_wait3A_195] : memref<16x5x32x128xi32, #tpu.memory_space<hbm>> -> memref<1x1x32x128xi32, #tpu.memory_space<hbm>>
        %dma_wait3A_197 = tpu.memref_squeeze %dma_wait3A_196 : memref<1x1x32x128xi32, #tpu.memory_space<hbm>> -> memref<32x128xi32, #tpu.memory_space<hbm>>
        tpu.wait_dma2 semaphore(%arg17 : memref<!tpu.dma_semaphore, #tpu.memory_space<semaphore_mem>>) src(%dma_wait3A_197 : memref<32x128xi32, #tpu.memory_space<hbm>>) dst(%dma_wait3A_193 : memref<32x128xi32, #tpu.memory_space<vmem>>)
        %dma_start3A_198 = arith.constant 0 : i32
        %dma_start3A_199 = arith.constant 0 : i32
        %dma_start3A_200 = tpu.memref_slice %arg6[%sub3A_162, %dma_start3A_198, %dma_start3A_199] : memref<2x32x128xi32, #tpu.memory_space<vmem>> -> memref<1x1x128xi32, #tpu.memory_space<vmem>>
        %dma_start3A_201 = tpu.memref_squeeze %dma_start3A_200 : memref<1x1x128xi32, #tpu.memory_space<vmem>> -> memref<128xi32, #tpu.memory_space<vmem>>
        %dma_start3A_202 = arith.constant 0 : i32
        %dma_start3A_203 = arith.constant 0 : i32
        %dma_start3A_204 = tpu.memref_slice %arg2[%arg0, %dma_start3A_202, %dma_start3A_203] : memref<2x10240x128xbf16, #tpu.memory_space<hbm>> -> memref<1x10240x128xbf16, #tpu.memory_space<hbm>>
        %dma_start3A_205 = tpu.memref_squeeze %dma_start3A_204 : memref<1x10240x128xbf16, #tpu.memory_space<hbm>> -> memref<10240x128xbf16, #tpu.memory_space<hbm>>
        %dma_start3A_206 = arith.constant 0 : i32
        %dma_start3A_207 = arith.constant 0 : i32
        %dma_start3A_208 = tpu.memref_slice %dma_start3A_205[%dma_start3A_206, %dma_start3A_207] : memref<10240x128xbf16, #tpu.memory_space<hbm>> -> memref<10240x128xbf16, #tpu.memory_space<hbm>>
        tpu.enqueue_indirect_dma source(%dma_start3A_208 : memref<10240x128xbf16, #tpu.memory_space<hbm>>) target(%arg8 : memref<128x128xbf16, #tpu.memory_space<vmem>>) offsets(%dma_start3A_201 : memref<128xi32, #tpu.memory_space<vmem>>) semaphore(%arg18 : memref<!tpu.dma_semaphore, #tpu.memory_space<semaphore_mem>>)
        %dma_start3A_209 = arith.constant 1 : i32
        %dma_start3A_210 = arith.constant 0 : i32
        %dma_start3A_211 = tpu.memref_slice %arg6[%sub3A_162, %dma_start3A_209, %dma_start3A_210] : memref<2x32x128xi32, #tpu.memory_space<vmem>> -> memref<1x1x128xi32, #tpu.memory_space<vmem>>
        %dma_start3A_212 = tpu.memref_squeeze %dma_start3A_211 : memref<1x1x128xi32, #tpu.memory_space<vmem>> -> memref<128xi32, #tpu.memory_space<vmem>>
        %dma_start3A_213 = arith.constant 0 : i32
        %dma_start3A_214 = arith.constant 0 : i32
        %dma_start3A_215 = tpu.memref_slice %arg2[%arg0, %dma_start3A_213, %dma_start3A_214] : memref<2x10240x128xbf16, #tpu.memory_space<hbm>> -> memref<1x10240x128xbf16, #tpu.memory_space<hbm>>
        %dma_start3A_216 = tpu.memref_squeeze %dma_start3A_215 : memref<1x10240x128xbf16, #tpu.memory_space<hbm>> -> memref<10240x128xbf16, #tpu.memory_space<hbm>>
        %dma_start3A_217 = arith.constant 0 : i32
        %dma_start3A_218 = arith.constant 0 : i32
        %dma_start3A_219 = tpu.memref_slice %dma_start3A_216[%dma_start3A_217, %dma_start3A_218] : memref<10240x128xbf16, #tpu.memory_space<hbm>> -> memref<10240x128xbf16, #tpu.memory_space<hbm>>
        tpu.enqueue_indirect_dma source(%dma_start3A_219 : memref<10240x128xbf16, #tpu.memory_space<hbm>>) target(%arg9 : memref<128x128xbf16, #tpu.memory_space<vmem>>) offsets(%dma_start3A_212 : memref<128xi32, #tpu.memory_space<vmem>>) semaphore(%arg19 : memref<!tpu.dma_semaphore, #tpu.memory_space<semaphore_mem>>)
        %dma_start3A_220 = arith.constant 2 : i32
        %dma_start3A_221 = arith.constant 0 : i32
        %dma_start3A_222 = tpu.memref_slice %arg6[%sub3A_162, %dma_start3A_220, %dma_start3A_221] : memref<2x32x128xi32, #tpu.memory_space<vmem>> -> memref<1x1x128xi32, #tpu.memory_space<vmem>>
        %dma_start3A_223 = tpu.memref_squeeze %dma_start3A_222 : memref<1x1x128xi32, #tpu.memory_space<vmem>> -> memref<128xi32, #tpu.memory_space<vmem>>
        %dma_start3A_224 = arith.constant 0 : i32
        %dma_start3A_225 = arith.constant 0 : i32
        %dma_start3A_226 = tpu.memref_slice %arg2[%arg0, %dma_start3A_224, %dma_start3A_225] : memref<2x10240x128xbf16, #tpu.memory_space<hbm>> -> memref<1x10240x128xbf16, #tpu.memory_space<hbm>>
        %dma_start3A_227 = tpu.memref_squeeze %dma_start3A_226 : memref<1x10240x128xbf16, #tpu.memory_space<hbm>> -> memref<10240x128xbf16, #tpu.memory_space<hbm>>
        %dma_start3A_228 = arith.constant 0 : i32
        %dma_start3A_229 = arith.constant 0 : i32
        %dma_start3A_230 = tpu.memref_slice %dma_start3A_227[%dma_start3A_228, %dma_start3A_229] : memref<10240x128xbf16, #tpu.memory_space<hbm>> -> memref<10240x128xbf16, #tpu.memory_space<hbm>>
        tpu.enqueue_indirect_dma source(%dma_start3A_230 : memref<10240x128xbf16, #tpu.memory_space<hbm>>) target(%arg10 : memref<128x128xbf16, #tpu.memory_space<vmem>>) offsets(%dma_start3A_223 : memref<128xi32, #tpu.memory_space<vmem>>) semaphore(%arg20 : memref<!tpu.dma_semaphore, #tpu.memory_space<semaphore_mem>>)
        %dma_start3A_231 = arith.constant 3 : i32
        %dma_start3A_232 = arith.constant 0 : i32
        %dma_start3A_233 = tpu.memref_slice %arg6[%sub3A_162, %dma_start3A_231, %dma_start3A_232] : memref<2x32x128xi32, #tpu.memory_space<vmem>> -> memref<1x1x128xi32, #tpu.memory_space<vmem>>
        %dma_start3A_234 = tpu.memref_squeeze %dma_start3A_233 : memref<1x1x128xi32, #tpu.memory_space<vmem>> -> memref<128xi32, #tpu.memory_space<vmem>>
        %dma_start3A_235 = arith.constant 0 : i32
        %dma_start3A_236 = arith.constant 0 : i32
        %dma_start3A_237 = tpu.memref_slice %arg2[%arg0, %dma_start3A_235, %dma_start3A_236] : memref<2x10240x128xbf16, #tpu.memory_space<hbm>> -> memref<1x10240x128xbf16, #tpu.memory_space<hbm>>
        %dma_start3A_238 = tpu.memref_squeeze %dma_start3A_237 : memref<1x10240x128xbf16, #tpu.memory_space<hbm>> -> memref<10240x128xbf16, #tpu.memory_space<hbm>>
        %dma_start3A_239 = arith.constant 0 : i32
        %dma_start3A_240 = arith.constant 0 : i32
        %dma_start3A_241 = tpu.memref_slice %dma_start3A_238[%dma_start3A_239, %dma_start3A_240] : memref<10240x128xbf16, #tpu.memory_space<hbm>> -> memref<10240x128xbf16, #tpu.memory_space<hbm>>
        tpu.enqueue_indirect_dma source(%dma_start3A_241 : memref<10240x128xbf16, #tpu.memory_space<hbm>>) target(%arg11 : memref<128x128xbf16, #tpu.memory_space<vmem>>) offsets(%dma_start3A_234 : memref<128xi32, #tpu.memory_space<vmem>>) semaphore(%arg21 : memref<!tpu.dma_semaphore, #tpu.memory_space<semaphore_mem>>)
        %dma_start3A_242 = arith.constant 4 : i32
        %dma_start3A_243 = arith.constant 0 : i32
        %dma_start3A_244 = tpu.memref_slice %arg6[%sub3A_162, %dma_start3A_242, %dma_start3A_243] : memref<2x32x128xi32, #tpu.memory_space<vmem>> -> memref<1x1x128xi32, #tpu.memory_space<vmem>>
        %dma_start3A_245 = tpu.memref_squeeze %dma_start3A_244 : memref<1x1x128xi32, #tpu.memory_space<vmem>> -> memref<128xi32, #tpu.memory_space<vmem>>
        %dma_start3A_246 = arith.constant 0 : i32
        %dma_start3A_247 = arith.constant 0 : i32
        %dma_start3A_248 = tpu.memref_slice %arg2[%arg0, %dma_start3A_246, %dma_start3A_247] : memref<2x10240x128xbf16, #tpu.memory_space<hbm>> -> memref<1x10240x128xbf16, #tpu.memory_space<hbm>>
        %dma_start3A_249 = tpu.memref_squeeze %dma_start3A_248 : memref<1x10240x128xbf16, #tpu.memory_space<hbm>> -> memref<10240x128xbf16, #tpu.memory_space<hbm>>
        %dma_start3A_250 = arith.constant 0 : i32
        %dma_start3A_251 = arith.constant 0 : i32
        %dma_start3A_252 = tpu.memref_slice %dma_start3A_249[%dma_start3A_250, %dma_start3A_251] : memref<10240x128xbf16, #tpu.memory_space<hbm>> -> memref<10240x128xbf16, #tpu.memory_space<hbm>>
        tpu.enqueue_indirect_dma source(%dma_start3A_252 : memref<10240x128xbf16, #tpu.memory_space<hbm>>) target(%arg12 : memref<128x128xbf16, #tpu.memory_space<vmem>>) offsets(%dma_start3A_245 : memref<128xi32, #tpu.memory_space<vmem>>) semaphore(%arg22 : memref<!tpu.dma_semaphore, #tpu.memory_space<semaphore_mem>>)
        %dma_start3A_253 = arith.constant 5 : i32
        %dma_start3A_254 = arith.constant 0 : i32
        %dma_start3A_255 = tpu.memref_slice %arg6[%sub3A_162, %dma_start3A_253, %dma_start3A_254] : memref<2x32x128xi32, #tpu.memory_space<vmem>> -> memref<1x1x128xi32, #tpu.memory_space<vmem>>
        %dma_start3A_256 = tpu.memref_squeeze %dma_start3A_255 : memref<1x1x128xi32, #tpu.memory_space<vmem>> -> memref<128xi32, #tpu.memory_space<vmem>>
        %dma_start3A_257 = arith.constant 0 : i32
        %dma_start3A_258 = arith.constant 0 : i32
        %dma_start3A_259 = tpu.memref_slice %arg2[%arg0, %dma_start3A_257, %dma_start3A_258] : memref<2x10240x128xbf16, #tpu.memory_space<hbm>> -> memref<1x10240x128xbf16, #tpu.memory_space<hbm>>
        %dma_start3A_260 = tpu.memref_squeeze %dma_start3A_259 : memref<1x10240x128xbf16, #tpu.memory_space<hbm>> -> memref<10240x128xbf16, #tpu.memory_space<hbm>>
        %dma_start3A_261 = arith.constant 0 : i32
        %dma_start3A_262 = arith.constant 0 : i32
        %dma_start3A_263 = tpu.memref_slice %dma_start3A_260[%dma_start3A_261, %dma_start3A_262] : memref<10240x128xbf16, #tpu.memory_space<hbm>> -> memref<10240x128xbf16, #tpu.memory_space<hbm>>
        tpu.enqueue_indirect_dma source(%dma_start3A_263 : memref<10240x128xbf16, #tpu.memory_space<hbm>>) target(%arg13 : memref<128x128xbf16, #tpu.memory_space<vmem>>) offsets(%dma_start3A_256 : memref<128xi32, #tpu.memory_space<vmem>>) semaphore(%arg23 : memref<!tpu.dma_semaphore, #tpu.memory_space<semaphore_mem>>)
        %dma_start3A_264 = arith.constant 6 : i32
        %dma_start3A_265 = arith.constant 0 : i32
        %dma_start3A_266 = tpu.memref_slice %arg6[%sub3A_162, %dma_start3A_264, %dma_start3A_265] : memref<2x32x128xi32, #tpu.memory_space<vmem>> -> memref<1x1x128xi32, #tpu.memory_space<vmem>>
        %dma_start3A_267 = tpu.memref_squeeze %dma_start3A_266 : memref<1x1x128xi32, #tpu.memory_space<vmem>> -> memref<128xi32, #tpu.memory_space<vmem>>
        %dma_start3A_268 = arith.constant 0 : i32
        %dma_start3A_269 = arith.constant 0 : i32
        %dma_start3A_270 = tpu.memref_slice %arg2[%arg0, %dma_start3A_268, %dma_start3A_269] : memref<2x10240x128xbf16, #tpu.memory_space<hbm>> -> memref<1x10240x128xbf16, #tpu.memory_space<hbm>>
        %dma_start3A_271 = tpu.memref_squeeze %dma_start3A_270 : memref<1x10240x128xbf16, #tpu.memory_space<hbm>> -> memref<10240x128xbf16, #tpu.memory_space<hbm>>
        %dma_start3A_272 = arith.constant 0 : i32
        %dma_start3A_273 = arith.constant 0 : i32
        %dma_start3A_274 = tpu.memref_slice %dma_start3A_271[%dma_start3A_272, %dma_start3A_273] : memref<10240x128xbf16, #tpu.memory_space<hbm>> -> memref<10240x128xbf16, #tpu.memory_space<hbm>>
        tpu.enqueue_indirect_dma source(%dma_start3A_274 : memref<10240x128xbf16, #tpu.memory_space<hbm>>) target(%arg14 : memref<128x128xbf16, #tpu.memory_space<vmem>>) offsets(%dma_start3A_267 : memref<128xi32, #tpu.memory_space<vmem>>) semaphore(%arg24 : memref<!tpu.dma_semaphore, #tpu.memory_space<semaphore_mem>>)
        %dma_start3A_275 = arith.constant 7 : i32
        %dma_start3A_276 = arith.constant 0 : i32
        %dma_start3A_277 = tpu.memref_slice %arg6[%sub3A_162, %dma_start3A_275, %dma_start3A_276] : memref<2x32x128xi32, #tpu.memory_space<vmem>> -> memref<1x1x128xi32, #tpu.memory_space<vmem>>
        %dma_start3A_278 = tpu.memref_squeeze %dma_start3A_277 : memref<1x1x128xi32, #tpu.memory_space<vmem>> -> memref<128xi32, #tpu.memory_space<vmem>>
        %dma_start3A_279 = arith.constant 0 : i32
        %dma_start3A_280 = arith.constant 0 : i32
        %dma_start3A_281 = tpu.memref_slice %arg2[%arg0, %dma_start3A_279, %dma_start3A_280] : memref<2x10240x128xbf16, #tpu.memory_space<hbm>> -> memref<1x10240x128xbf16, #tpu.memory_space<hbm>>
        %dma_start3A_282 = tpu.memref_squeeze %dma_start3A_281 : memref<1x10240x128xbf16, #tpu.memory_space<hbm>> -> memref<10240x128xbf16, #tpu.memory_space<hbm>>
        %dma_start3A_283 = arith.constant 0 : i32
        %dma_start3A_284 = arith.constant 0 : i32
        %dma_start3A_285 = tpu.memref_slice %dma_start3A_282[%dma_start3A_283, %dma_start3A_284] : memref<10240x128xbf16, #tpu.memory_space<hbm>> -> memref<10240x128xbf16, #tpu.memory_space<hbm>>
        tpu.enqueue_indirect_dma source(%dma_start3A_285 : memref<10240x128xbf16, #tpu.memory_space<hbm>>) target(%arg15 : memref<128x128xbf16, #tpu.memory_space<vmem>>) offsets(%dma_start3A_278 : memref<128xi32, #tpu.memory_space<vmem>>) semaphore(%arg25 : memref<!tpu.dma_semaphore, #tpu.memory_space<semaphore_mem>>)
        %add3A_286 = arith.constant 2 : i32
        %add3A_287 = arith.addi %scan3A_148, %add3A_286 : i32
        %lt3A_288 = arith.constant 5 : i32
        %lt3A_289 = arith.cmpi slt, %add3A_287, %lt3A_288 : i32
        %convert_element_type3A_290 = arith.extui %lt3A_289 : i1 to i32
        %cond3A_291 = arith.constant 0 : i32
        %cond3A_292 = arith.cmpi ne, %convert_element_type3A_290, %cond3A_291 : i32
        scf.if %cond3A_292 {
          %add3A_293 = arith.constant 2 : i32
          %add3A_294 = arith.addi %scan3A_148, %add3A_293 : i32
          %dma_start3A_295 = arith.constant 0 : i32
          %dma_start3A_296 = arith.constant 0 : i32
          %dma_start3A_297 = tpu.memref_slice %arg6[%rem3A_150, %dma_start3A_295, %dma_start3A_296] : memref<2x32x128xi32, #tpu.memory_space<vmem>> -> memref<1x32x128xi32, #tpu.memory_space<vmem>>
          %dma_start3A_298 = tpu.memref_squeeze %dma_start3A_297 : memref<1x32x128xi32, #tpu.memory_space<vmem>> -> memref<32x128xi32, #tpu.memory_space<vmem>>
          %dma_start3A_299 = arith.constant 0 : i32
          %dma_start3A_300 = arith.constant 0 : i32
          %dma_start3A_301 = tpu.memref_slice %arg3[%arg1, %add3A_294, %dma_start3A_299, %dma_start3A_300] : memref<16x5x32x128xi32, #tpu.memory_space<hbm>> -> memref<1x1x32x128xi32, #tpu.memory_space<hbm>>
          %dma_start3A_302 = tpu.memref_squeeze %dma_start3A_301 : memref<1x1x32x128xi32, #tpu.memory_space<hbm>> -> memref<32x128xi32, #tpu.memory_space<hbm>>
          %dma_start3A_303 = arith.constant 0 : i32
          %dma_start3A_304 = arith.constant 0 : i32
          %dma_start3A_305 = tpu.memref_slice %arg6[%rem3A_150, %dma_start3A_303, %dma_start3A_304] : memref<2x32x128xi32, #tpu.memory_space<vmem>> -> memref<1x32x128xi32, #tpu.memory_space<vmem>>
          %dma_start3A_306 = tpu.memref_squeeze %dma_start3A_305 : memref<1x32x128xi32, #tpu.memory_space<vmem>> -> memref<32x128xi32, #tpu.memory_space<vmem>>
          %dma_start3A_307 = arith.constant 0 : i32
          %dma_start3A_308 = arith.constant 0 : i32
          %dma_start3A_309 = tpu.memref_slice %arg3[%arg1, %add3A_294, %dma_start3A_307, %dma_start3A_308] : memref<16x5x32x128xi32, #tpu.memory_space<hbm>> -> memref<1x1x32x128xi32, #tpu.memory_space<hbm>>
          %dma_start3A_310 = tpu.memref_squeeze %dma_start3A_309 : memref<1x1x32x128xi32, #tpu.memory_space<hbm>> -> memref<32x128xi32, #tpu.memory_space<hbm>>
          tpu.enqueue_dma source(%dma_start3A_310 : memref<32x128xi32, #tpu.memory_space<hbm>>) target(%dma_start3A_306 : memref<32x128xi32, #tpu.memory_space<vmem>>) target_semaphore(%arg17 : memref<!tpu.dma_semaphore, #tpu.memory_space<semaphore_mem>>)
          %add3A_311 = arith.constant 2 : i32
          %add3A_312 = arith.addi %scan3A_148, %add3A_311 : i32
          %dma_start3A_313 = arith.constant 0 : i32
          %dma_start3A_314 = arith.constant 0 : i32
          %dma_start3A_315 = tpu.memref_slice %arg7[%rem3A_150, %dma_start3A_313, %dma_start3A_314] : memref<2x32x128xi32, #tpu.memory_space<vmem>> -> memref<1x32x128xi32, #tpu.memory_space<vmem>>
          %dma_start3A_316 = tpu.memref_squeeze %dma_start3A_315 : memref<1x32x128xi32, #tpu.memory_space<vmem>> -> memref<32x128xi32, #tpu.memory_space<vmem>>
          %dma_start3A_317 = arith.constant 0 : i32
          %dma_start3A_318 = arith.constant 0 : i32
          %dma_start3A_319 = tpu.memref_slice %arg4[%arg1, %add3A_312, %dma_start3A_317, %dma_start3A_318] : memref<16x5x32x128xi32, #tpu.memory_space<hbm>> -> memref<1x1x32x128xi32, #tpu.memory_space<hbm>>
          %dma_start3A_320 = tpu.memref_squeeze %dma_start3A_319 : memref<1x1x32x128xi32, #tpu.memory_space<hbm>> -> memref<32x128xi32, #tpu.memory_space<hbm>>
          %dma_start3A_321 = arith.constant 0 : i32
          %dma_start3A_322 = arith.constant 0 : i32
          %dma_start3A_323 = tpu.memref_slice %arg7[%rem3A_150, %dma_start3A_321, %dma_start3A_322] : memref<2x32x128xi32, #tpu.memory_space<vmem>> -> memref<1x32x128xi32, #tpu.memory_space<vmem>>
          %dma_start3A_324 = tpu.memref_squeeze %dma_start3A_323 : memref<1x32x128xi32, #tpu.memory_space<vmem>> -> memref<32x128xi32, #tpu.memory_space<vmem>>
          %dma_start3A_325 = arith.constant 0 : i32
          %dma_start3A_326 = arith.constant 0 : i32
          %dma_start3A_327 = tpu.memref_slice %arg4[%arg1, %add3A_312, %dma_start3A_325, %dma_start3A_326] : memref<16x5x32x128xi32, #tpu.memory_space<hbm>> -> memref<1x1x32x128xi32, #tpu.memory_space<hbm>>
          %dma_start3A_328 = tpu.memref_squeeze %dma_start3A_327 : memref<1x1x32x128xi32, #tpu.memory_space<hbm>> -> memref<32x128xi32, #tpu.memory_space<hbm>>
          tpu.enqueue_dma source(%dma_start3A_328 : memref<32x128xi32, #tpu.memory_space<hbm>>) target(%dma_start3A_324 : memref<32x128xi32, #tpu.memory_space<vmem>>) target_semaphore(%arg17 : memref<!tpu.dma_semaphore, #tpu.memory_space<semaphore_mem>>)
        } else {
        }
      } else {
      }
      %scan3A_161 = arith.constant 0 : i32
      scf.yield %scan3A_161 : i32
    }
    %scan3A_142 = arith.constant 5 : i32
    %barrier3A_143 = arith.constant 0 : index
    tpu.barrier barrier_id(%barrier3A_143)
    %mul3A_144 = arith.constant 640 : i32
    %mul3A_145 = arith.muli %arg1, %mul3A_144 : i32
    %mul3A_146 = arith.constant 640 : i32
    %mul3A_147 = arith.muli %arg1, %mul3A_146 : i32
    "tpu.region"() ({
      %run_scoped3A_148 = tpu.sem_alloc : memref<!tpu.dma_semaphore, #tpu.memory_space<semaphore_mem>>
      %dma_start3A_149 = arith.constant 0 : i32
      %dma_start3A_150 = tpu.memref_slice %arg5[%arg0, %mul3A_147, %dma_start3A_149] : memref<2x10240x128xbf16, #tpu.memory_space<hbm>> -> memref<1x640x128xbf16, #tpu.memory_space<hbm>>
      %dma_start3A_151 = tpu.memref_squeeze %dma_start3A_150 : memref<1x640x128xbf16, #tpu.memory_space<hbm>> -> memref<640x128xbf16, #tpu.memory_space<hbm>>
      %dma_start3A_152 = arith.constant 0 : i32
      %dma_start3A_153 = tpu.memref_slice %arg16[%mul3A_145, %dma_start3A_152] : memref<10240x128xbf16, #tpu.memory_space<vmem_shared>> -> memref<640x128xbf16, #tpu.memory_space<vmem_shared>>
      tpu.enqueue_dma source(%dma_start3A_153 : memref<640x128xbf16, #tpu.memory_space<vmem_shared>>) target(%dma_start3A_151 : memref<640x128xbf16, #tpu.memory_space<hbm>>) target_semaphore(%run_scoped3A_148 : memref<!tpu.dma_semaphore, #tpu.memory_space<semaphore_mem>>)
      %dma_wait3A = arith.constant 0 : i32
      %dma_wait3A_154 = tpu.memref_slice %arg5[%arg0, %mul3A_147, %dma_wait3A] : memref<2x10240x128xbf16, #tpu.memory_space<hbm>> -> memref<1x640x128xbf16, #tpu.memory_space<hbm>>
      %dma_wait3A_155 = tpu.memref_squeeze %dma_wait3A_154 : memref<1x640x128xbf16, #tpu.memory_space<hbm>> -> memref<640x128xbf16, #tpu.memory_space<hbm>>
      %dma_wait3A_156 = arith.constant 0 : i32
      %dma_wait3A_157 = tpu.memref_slice %arg16[%mul3A_145, %dma_wait3A_156] : memref<10240x128xbf16, #tpu.memory_space<vmem_shared>> -> memref<640x128xbf16, #tpu.memory_space<vmem_shared>>
      tpu.wait_dma2 semaphore(%run_scoped3A_148 : memref<!tpu.dma_semaphore, #tpu.memory_space<semaphore_mem>>) src(%dma_wait3A_157 : memref<640x128xbf16, #tpu.memory_space<vmem_shared>>) dst(%dma_wait3A_155 : memref<640x128xbf16, #tpu.memory_space<hbm>>)
      tpu.yield
    }) : () -> ()
    return
  }
}

#map = affine_map<(d0, d1) -> (0, 0, 0, 0)>
#map1 = affine_map<(d0, d1) -> (0, 0)>
module attributes {stable_mosaic.version = 14 : i64} {
  func.func @_deg_kernel(%arg0: i32, %arg1: i32, %arg2: memref<2x16x80x128xi32, #tpu.memory_space<hbm>>, %arg3: memref<2x10240xf32, #tpu.memory_space<hbm>>, %arg4: memref<80x128xi32, #tpu.memory_space<vmem>>, %arg5: memref<128xf32, #tpu.memory_space<vmem>>, %arg6: memref<640xf32, #tpu.memory_space<vmem>>, %arg7: memref<10240xf32, #tpu.memory_space<vmem_shared>>, %arg8: memref<!tpu.dma_semaphore, #tpu.memory_space<semaphore_mem>>) attributes {dimension_semantics = [#tpu.dimension_semantics<core_parallel>, #tpu.dimension_semantics<subcore_parallel>], iteration_bounds = array<i64: 2, 16>, scalar_prefetch = 0 : i64, scratch_operands = 5 : i64, tpu.core_type = #tpu.core_type<sc_vector_subcore>, window_params = [{transform_indices = #map}, {transform_indices = #map1}]} {
    %scan3A = arith.constant 0 : i32
    %scan3A_0 = arith.constant 0 : i32
    %scan3A_1 = arith.constant 40 : i32
    %scan3A_2 = arith.addi %scan3A_0, %scan3A_1 : i32
    %scan3A_3 = arith.constant 1 : i32
    %scan3A_4 = scf.for %scan3A_33 = %scan3A_0 to %scan3A_2 step %scan3A_3 iter_args(%scan3A_34 = %scan3A) -> (i32)  : i32 {
      %broadcast_in_dim3A = arith.constant 0.000000e+00 : f32
      %broadcast_in_dim3A_35 = vector.broadcast %broadcast_in_dim3A : f32 to vector<16xf32>
      %mul3A_36 = arith.constant 16 : i32
      %mul3A_37 = arith.muli %scan3A_33, %mul3A_36 : i32
      %swap3A = arith.index_cast %mul3A_37 : i32 to index
      %swap3A_38 = tpu.vector_load %arg6[%swap3A] {strides = array<i32>} : memref<640xf32, #tpu.memory_space<vmem>>, vector<16xf32>,
      %swap3A_39 = vector.shape_cast %swap3A_38 : vector<16xf32> to vector<16xf32>
      %swap3A_40 = vector.shape_cast %broadcast_in_dim3A_35 : vector<16xf32> to vector<16xf32>
      tpu.vector_store %arg6[%swap3A], %swap3A_40 {strides = array<i32>} : memref<640xf32, #tpu.memory_space<vmem>>, vector<16xf32>,
      %scan3A_41 = arith.constant 0 : i32
      scf.yield %scan3A_41 : i32
    }
    %scan3A_5 = arith.constant 40 : i32
    %scan3A_6 = arith.constant 0 : i32
    %scan3A_7 = arith.constant 0 : i32
    %scan3A_8 = arith.constant 8 : i32
    %scan3A_9 = arith.addi %scan3A_7, %scan3A_8 : i32
    %scan3A_10 = arith.constant 1 : i32
    %scan3A_11 = scf.for %scan3A_33 = %scan3A_7 to %scan3A_9 step %scan3A_10 iter_args(%scan3A_34 = %scan3A_6) -> (i32)  : i32 {
      %broadcast_in_dim3A = arith.constant 1.000000e+00 : f32
      %broadcast_in_dim3A_35 = vector.broadcast %broadcast_in_dim3A : f32 to vector<16xf32>
      %mul3A_36 = arith.constant 16 : i32
      %mul3A_37 = arith.muli %scan3A_33, %mul3A_36 : i32
      %swap3A = arith.index_cast %mul3A_37 : i32 to index
      %swap3A_38 = tpu.vector_load %arg5[%swap3A] {strides = array<i32>} : memref<128xf32, #tpu.memory_space<vmem>>, vector<16xf32>,
      %swap3A_39 = vector.shape_cast %swap3A_38 : vector<16xf32> to vector<16xf32>
      %swap3A_40 = vector.shape_cast %broadcast_in_dim3A_35 : vector<16xf32> to vector<16xf32>
      tpu.vector_store %arg5[%swap3A], %swap3A_40 {strides = array<i32>} : memref<128xf32, #tpu.memory_space<vmem>>, vector<16xf32>,
      %scan3A_41 = arith.constant 0 : i32
      scf.yield %scan3A_41 : i32
    }
    %scan3A_12 = arith.constant 8 : i32
    "tpu.region"() ({
      %run_scoped3A = tpu.sem_alloc : memref<!tpu.dma_semaphore, #tpu.memory_space<semaphore_mem>>
      %dma_start3A = arith.constant 0 : i32
      %dma_start3A_33 = arith.constant 0 : i32
      %dma_start3A_34 = tpu.memref_slice %arg2[%arg0, %arg1, %dma_start3A, %dma_start3A_33] : memref<2x16x80x128xi32, #tpu.memory_space<hbm>> -> memref<1x1x80x128xi32, #tpu.memory_space<hbm>>
      %dma_start3A_35 = tpu.memref_squeeze %dma_start3A_34 : memref<1x1x80x128xi32, #tpu.memory_space<hbm>> -> memref<80x128xi32, #tpu.memory_space<hbm>>
      %dma_start3A_36 = arith.constant 0 : i32
      %dma_start3A_37 = arith.constant 0 : i32
      %dma_start3A_38 = tpu.memref_slice %arg2[%arg0, %arg1, %dma_start3A_36, %dma_start3A_37] : memref<2x16x80x128xi32, #tpu.memory_space<hbm>> -> memref<1x1x80x128xi32, #tpu.memory_space<hbm>>
      %dma_start3A_39 = tpu.memref_squeeze %dma_start3A_38 : memref<1x1x80x128xi32, #tpu.memory_space<hbm>> -> memref<80x128xi32, #tpu.memory_space<hbm>>
      tpu.enqueue_dma source(%dma_start3A_39 : memref<80x128xi32, #tpu.memory_space<hbm>>) target(%arg4 : memref<80x128xi32, #tpu.memory_space<vmem>>) target_semaphore(%run_scoped3A : memref<!tpu.dma_semaphore, #tpu.memory_space<semaphore_mem>>)
      %dma_wait3A = arith.constant 0 : i32
      %dma_wait3A_40 = arith.constant 0 : i32
      %dma_wait3A_41 = tpu.memref_slice %arg2[%arg0, %arg1, %dma_wait3A, %dma_wait3A_40] : memref<2x16x80x128xi32, #tpu.memory_space<hbm>> -> memref<1x1x80x128xi32, #tpu.memory_space<hbm>>
      %dma_wait3A_42 = tpu.memref_squeeze %dma_wait3A_41 : memref<1x1x80x128xi32, #tpu.memory_space<hbm>> -> memref<80x128xi32, #tpu.memory_space<hbm>>
      %dma_wait3A_43 = arith.constant 0 : i32
      %dma_wait3A_44 = arith.constant 0 : i32
      %dma_wait3A_45 = tpu.memref_slice %arg2[%arg0, %arg1, %dma_wait3A_43, %dma_wait3A_44] : memref<2x16x80x128xi32, #tpu.memory_space<hbm>> -> memref<1x1x80x128xi32, #tpu.memory_space<hbm>>
      %dma_wait3A_46 = tpu.memref_squeeze %dma_wait3A_45 : memref<1x1x80x128xi32, #tpu.memory_space<hbm>> -> memref<80x128xi32, #tpu.memory_space<hbm>>
      tpu.wait_dma2 semaphore(%run_scoped3A : memref<!tpu.dma_semaphore, #tpu.memory_space<semaphore_mem>>) src(%dma_wait3A_46 : memref<80x128xi32, #tpu.memory_space<hbm>>) dst(%arg4 : memref<80x128xi32, #tpu.memory_space<vmem>>)
      tpu.yield
    }) : () -> ()
    %mul3A = arith.constant 640 : i32
    %mul3A_13 = arith.muli %arg1, %mul3A : i32
    "tpu.region"() ({
      %run_scoped3A = tpu.sem_alloc : memref<!tpu.dma_semaphore, #tpu.memory_space<semaphore_mem>>
      %dma_start3A = tpu.memref_slice %arg7[%mul3A_13] : memref<10240xf32, #tpu.memory_space<vmem_shared>> -> memref<640xf32, #tpu.memory_space<vmem_shared>>
      %dma_start3A_33 = tpu.memref_slice %arg7[%mul3A_13] : memref<10240xf32, #tpu.memory_space<vmem_shared>> -> memref<640xf32, #tpu.memory_space<vmem_shared>>
      tpu.enqueue_dma source(%arg6 : memref<640xf32, #tpu.memory_space<vmem>>) target(%dma_start3A_33 : memref<640xf32, #tpu.memory_space<vmem_shared>>) target_semaphore(%run_scoped3A : memref<!tpu.dma_semaphore, #tpu.memory_space<semaphore_mem>>)
      %dma_wait3A = tpu.memref_slice %arg7[%mul3A_13] : memref<10240xf32, #tpu.memory_space<vmem_shared>> -> memref<640xf32, #tpu.memory_space<vmem_shared>>
      %dma_wait3A_34 = tpu.memref_slice %arg7[%mul3A_13] : memref<10240xf32, #tpu.memory_space<vmem_shared>> -> memref<640xf32, #tpu.memory_space<vmem_shared>>
      tpu.wait_dma2 semaphore(%run_scoped3A : memref<!tpu.dma_semaphore, #tpu.memory_space<semaphore_mem>>) src(%arg6 : memref<640xf32, #tpu.memory_space<vmem>>) dst(%dma_wait3A_34 : memref<640xf32, #tpu.memory_space<vmem_shared>>)
      tpu.yield
    }) : () -> ()
    %barrier3A = arith.constant 0 : index
    tpu.barrier barrier_id(%barrier3A)
    %scan3A_14 = arith.constant 0 : i32
    %scan3A_15 = arith.constant 0 : i32
    %scan3A_16 = arith.constant 80 : i32
    %scan3A_17 = arith.addi %scan3A_15, %scan3A_16 : i32
    %scan3A_18 = arith.constant 1 : i32
    %scan3A_19 = scf.for %scan3A_33 = %scan3A_15 to %scan3A_17 step %scan3A_18 iter_args(%scan3A_34 = %scan3A_14) -> (i32)  : i32 {
      %dma_start3A = arith.constant 0 : i32
      %dma_start3A_35 = tpu.memref_slice %arg4[%scan3A_33, %dma_start3A] : memref<80x128xi32, #tpu.memory_space<vmem>> -> memref<1x128xi32, #tpu.memory_space<vmem>>
      %dma_start3A_36 = tpu.memref_squeeze %dma_start3A_35 : memref<1x128xi32, #tpu.memory_space<vmem>> -> memref<128xi32, #tpu.memory_space<vmem>>
      %dma_start3A_37 = arith.constant 0 : i32
      %dma_start3A_38 = tpu.memref_slice %arg7[%dma_start3A_37] : memref<10240xf32, #tpu.memory_space<vmem_shared>> -> memref<10240xf32, #tpu.memory_space<vmem_shared>>
      tpu.enqueue_indirect_dma source(%arg5 : memref<128xf32, #tpu.memory_space<vmem>>) target(%dma_start3A_38 : memref<10240xf32, #tpu.memory_space<vmem_shared>>) offsets(%dma_start3A_36 : memref<128xi32, #tpu.memory_space<vmem>>) semaphore(%arg8 : memref<!tpu.dma_semaphore, #tpu.memory_space<semaphore_mem>>) {add = true}
      %ge3A = arith.constant 8 : i32
      %ge3A_39 = arith.cmpi sge, %scan3A_33, %ge3A : i32
      %convert_element_type3A = arith.extui %ge3A_39 : i1 to i32
      %cond3A = arith.constant 0 : i32
      %cond3A_40 = arith.cmpi ne, %convert_element_type3A, %cond3A : i32
      scf.if %cond3A_40 {
        %dma_wait3A = arith.constant 0 : i32
        %dma_wait3A_42 = tpu.memref_slice %arg4[%scan3A_33, %dma_wait3A] : memref<80x128xi32, #tpu.memory_space<vmem>> -> memref<1x128xi32, #tpu.memory_space<vmem>>
        %dma_wait3A_43 = tpu.memref_squeeze %dma_wait3A_42 : memref<1x128xi32, #tpu.memory_space<vmem>> -> memref<128xi32, #tpu.memory_space<vmem>>
        %dma_wait3A_44 = arith.constant 0 : i32
        %dma_wait3A_45 = tpu.memref_slice %arg7[%dma_wait3A_44] : memref<10240xf32, #tpu.memory_space<vmem_shared>> -> memref<10240xf32, #tpu.memory_space<vmem_shared>>
        tpu.wait_indirect_dma semaphore(%arg8 : memref<!tpu.dma_semaphore, #tpu.memory_space<semaphore_mem>>) src(%arg5 : memref<128xf32, #tpu.memory_space<vmem>>) dst(%dma_wait3A_45 : memref<10240xf32, #tpu.memory_space<vmem_shared>>)
      } else {
      }
      %scan3A_41 = arith.constant 0 : i32
      scf.yield %scan3A_41 : i32
    }
    %scan3A_20 = arith.constant 80 : i32
    %scan3A_21 = arith.constant 0 : i32
    %scan3A_22 = arith.constant 0 : i32
    %scan3A_23 = arith.constant 8 : i32
    %scan3A_24 = arith.addi %scan3A_22, %scan3A_23 : i32
    %scan3A_25 = arith.constant 1 : i32
    %scan3A_26 = scf.for %scan3A_33 = %scan3A_22 to %scan3A_24 step %scan3A_25 iter_args(%scan3A_34 = %scan3A_21) -> (i32)  : i32 {
      %dma_wait3A = arith.constant 0 : i32
      %dma_wait3A_35 = arith.constant 0 : i32
      %dma_wait3A_36 = tpu.memref_slice %arg4[%dma_wait3A, %dma_wait3A_35] : memref<80x128xi32, #tpu.memory_space<vmem>> -> memref<1x128xi32, #tpu.memory_space<vmem>>
      %dma_wait3A_37 = tpu.memref_squeeze %dma_wait3A_36 : memref<1x128xi32, #tpu.memory_space<vmem>> -> memref<128xi32, #tpu.memory_space<vmem>>
      %dma_wait3A_38 = arith.constant 0 : i32
      %dma_wait3A_39 = tpu.memref_slice %arg7[%dma_wait3A_38] : memref<10240xf32, #tpu.memory_space<vmem_shared>> -> memref<10240xf32, #tpu.memory_space<vmem_shared>>
      tpu.wait_indirect_dma semaphore(%arg8 : memref<!tpu.dma_semaphore, #tpu.memory_space<semaphore_mem>>) src(%arg5 : memref<128xf32, #tpu.memory_space<vmem>>) dst(%dma_wait3A_39 : memref<10240xf32, #tpu.memory_space<vmem_shared>>)
      %scan3A_40 = arith.constant 0 : i32
      scf.yield %scan3A_40 : i32
    }
    %scan3A_27 = arith.constant 8 : i32
    %barrier3A_28 = arith.constant 0 : index
    tpu.barrier barrier_id(%barrier3A_28)
    %mul3A_29 = arith.constant 640 : i32
    %mul3A_30 = arith.muli %arg1, %mul3A_29 : i32
    %mul3A_31 = arith.constant 640 : i32
    %mul3A_32 = arith.muli %arg1, %mul3A_31 : i32
    "tpu.region"() ({
      %run_scoped3A = tpu.sem_alloc : memref<!tpu.dma_semaphore, #tpu.memory_space<semaphore_mem>>
      %dma_start3A = tpu.memref_slice %arg3[%arg0, %mul3A_32] : memref<2x10240xf32, #tpu.memory_space<hbm>> -> memref<1x640xf32, #tpu.memory_space<hbm>>
      %dma_start3A_33 = tpu.memref_squeeze %dma_start3A : memref<1x640xf32, #tpu.memory_space<hbm>> -> memref<640xf32, #tpu.memory_space<hbm>>
      %dma_start3A_34 = tpu.memref_slice %arg7[%mul3A_30] : memref<10240xf32, #tpu.memory_space<vmem_shared>> -> memref<640xf32, #tpu.memory_space<vmem_shared>>
      tpu.enqueue_dma source(%dma_start3A_34 : memref<640xf32, #tpu.memory_space<vmem_shared>>) target(%dma_start3A_33 : memref<640xf32, #tpu.memory_space<hbm>>) target_semaphore(%run_scoped3A : memref<!tpu.dma_semaphore, #tpu.memory_space<semaphore_mem>>)
      %dma_wait3A = tpu.memref_slice %arg3[%arg0, %mul3A_32] : memref<2x10240xf32, #tpu.memory_space<hbm>> -> memref<1x640xf32, #tpu.memory_space<hbm>>
      %dma_wait3A_35 = tpu.memref_squeeze %dma_wait3A : memref<1x640xf32, #tpu.memory_space<hbm>> -> memref<640xf32, #tpu.memory_space<hbm>>
      %dma_wait3A_36 = tpu.memref_slice %arg7[%mul3A_30] : memref<10240xf32, #tpu.memory_space<vmem_shared>> -> memref<640xf32, #tpu.memory_space<vmem_shared>>
      tpu.wait_dma2 semaphore(%run_scoped3A : memref<!tpu.dma_semaphore, #tpu.memory_space<semaphore_mem>>) src(%dma_wait3A_36 : memref<640xf32, #tpu.memory_space<vmem_shared>>) dst(%dma_wait3A_35 : memref<640xf32, #tpu.memory_space<hbm>>)
      tpu.yield
    }) : () -> ()
    return
  }
}

#map = affine_map<(d0, d1) -> (0, 0, 0)>
#map1 = affine_map<(d0, d1) -> (0, 0, 0, 0)>
module attributes {stable_mosaic.version = 14 : i64} {
  func.func @agg(%arg0: i32, %arg1: i32, %arg2: memref<2x10240x32xbf16, #tpu.memory_space<hbm>>, %arg3: memref<16x5x32x128xi32, #tpu.memory_space<hbm>>, %arg4: memref<16x5x32x128xi32, #tpu.memory_space<hbm>>, %arg5: memref<2x10240x32xbf16, #tpu.memory_space<hbm>>, %arg6: memref<2x32x128xi32, #tpu.memory_space<vmem>>, %arg7: memref<2x32x128xi32, #tpu.memory_space<vmem>>, %arg8: memref<128x32xbf16, #tpu.memory_space<vmem>>, %arg9: memref<128x32xbf16, #tpu.memory_space<vmem>>, %arg10: memref<128x32xbf16, #tpu.memory_space<vmem>>, %arg11: memref<128x32xbf16, #tpu.memory_space<vmem>>, %arg12: memref<128x32xbf16, #tpu.memory_space<vmem>>, %arg13: memref<128x32xbf16, #tpu.memory_space<vmem>>, %arg14: memref<128x32xbf16, #tpu.memory_space<vmem>>, %arg15: memref<128x32xbf16, #tpu.memory_space<vmem>>, %arg16: memref<10240x32xbf16, #tpu.memory_space<vmem_shared>>, %arg17: memref<!tpu.dma_semaphore, #tpu.memory_space<semaphore_mem>>, %arg18: memref<!tpu.dma_semaphore, #tpu.memory_space<semaphore_mem>>, %arg19: memref<!tpu.dma_semaphore, #tpu.memory_space<semaphore_mem>>, %arg20: memref<!tpu.dma_semaphore, #tpu.memory_space<semaphore_mem>>, %arg21: memref<!tpu.dma_semaphore, #tpu.memory_space<semaphore_mem>>, %arg22: memref<!tpu.dma_semaphore, #tpu.memory_space<semaphore_mem>>, %arg23: memref<!tpu.dma_semaphore, #tpu.memory_space<semaphore_mem>>, %arg24: memref<!tpu.dma_semaphore, #tpu.memory_space<semaphore_mem>>, %arg25: memref<!tpu.dma_semaphore, #tpu.memory_space<semaphore_mem>>, %arg26: memref<!tpu.dma_semaphore, #tpu.memory_space<semaphore_mem>>, %arg27: memref<!tpu.dma_semaphore, #tpu.memory_space<semaphore_mem>>, %arg28: memref<!tpu.dma_semaphore, #tpu.memory_space<semaphore_mem>>, %arg29: memref<!tpu.dma_semaphore, #tpu.memory_space<semaphore_mem>>, %arg30: memref<!tpu.dma_semaphore, #tpu.memory_space<semaphore_mem>>, %arg31: memref<!tpu.dma_semaphore, #tpu.memory_space<semaphore_mem>>, %arg32: memref<!tpu.dma_semaphore, #tpu.memory_space<semaphore_mem>>, %arg33: memref<!tpu.dma_semaphore, #tpu.memory_space<semaphore_mem>>) attributes {dimension_semantics = [#tpu.dimension_semantics<core_parallel>, #tpu.dimension_semantics<subcore_parallel>], iteration_bounds = array<i64: 2, 16>, scalar_prefetch = 0 : i64, scratch_operands = 28 : i64, tpu.core_type = #tpu.core_type<sc_vector_subcore>, window_params = [{transform_indices = #map}, {transform_indices = #map1}, {transform_indices = #map1}, {transform_indices = #map}]} {
    %run_scoped3A = arith.constant 0 : i32
    %run_scoped3A_0 = arith.constant 0 : i32
    "tpu.region"() ({
      %run_scoped3A_148 = tpu.sem_alloc : memref<!tpu.dma_semaphore, #tpu.memory_space<semaphore_mem>>
      %dma_start3A_149 = arith.constant 0 : i32
      %dma_start3A_150 = arith.constant 0 : i32
      %dma_start3A_151 = tpu.memref_slice %arg6[%run_scoped3A_0, %dma_start3A_149, %dma_start3A_150] : memref<2x32x128xi32, #tpu.memory_space<vmem>> -> memref<1x32x128xi32, #tpu.memory_space<vmem>>
      %dma_start3A_152 = tpu.memref_squeeze %dma_start3A_151 : memref<1x32x128xi32, #tpu.memory_space<vmem>> -> memref<32x128xi32, #tpu.memory_space<vmem>>
      %dma_start3A_153 = arith.constant 0 : i32
      %dma_start3A_154 = arith.constant 0 : i32
      %dma_start3A_155 = tpu.memref_slice %arg3[%arg1, %run_scoped3A, %dma_start3A_153, %dma_start3A_154] : memref<16x5x32x128xi32, #tpu.memory_space<hbm>> -> memref<1x1x32x128xi32, #tpu.memory_space<hbm>>
      %dma_start3A_156 = tpu.memref_squeeze %dma_start3A_155 : memref<1x1x32x128xi32, #tpu.memory_space<hbm>> -> memref<32x128xi32, #tpu.memory_space<hbm>>
      %dma_start3A_157 = arith.constant 0 : i32
      %dma_start3A_158 = arith.constant 0 : i32
      %dma_start3A_159 = tpu.memref_slice %arg6[%run_scoped3A_0, %dma_start3A_157, %dma_start3A_158] : memref<2x32x128xi32, #tpu.memory_space<vmem>> -> memref<1x32x128xi32, #tpu.memory_space<vmem>>
      %dma_start3A_160 = tpu.memref_squeeze %dma_start3A_159 : memref<1x32x128xi32, #tpu.memory_space<vmem>> -> memref<32x128xi32, #tpu.memory_space<vmem>>
      %dma_start3A_161 = arith.constant 0 : i32
      %dma_start3A_162 = arith.constant 0 : i32
      %dma_start3A_163 = tpu.memref_slice %arg3[%arg1, %run_scoped3A, %dma_start3A_161, %dma_start3A_162] : memref<16x5x32x128xi32, #tpu.memory_space<hbm>> -> memref<1x1x32x128xi32, #tpu.memory_space<hbm>>
      %dma_start3A_164 = tpu.memref_squeeze %dma_start3A_163 : memref<1x1x32x128xi32, #tpu.memory_space<hbm>> -> memref<32x128xi32, #tpu.memory_space<hbm>>
      tpu.enqueue_dma source(%dma_start3A_164 : memref<32x128xi32, #tpu.memory_space<hbm>>) target(%dma_start3A_160 : memref<32x128xi32, #tpu.memory_space<vmem>>) target_semaphore(%run_scoped3A_148 : memref<!tpu.dma_semaphore, #tpu.memory_space<semaphore_mem>>)
      %dma_wait3A = arith.constant 0 : i32
      %dma_wait3A_165 = arith.constant 0 : i32
      %dma_wait3A_166 = tpu.memref_slice %arg6[%run_scoped3A_0, %dma_wait3A, %dma_wait3A_165] : memref<2x32x128xi32, #tpu.memory_space<vmem>> -> memref<1x32x128xi32, #tpu.memory_space<vmem>>
      %dma_wait3A_167 = tpu.memref_squeeze %dma_wait3A_166 : memref<1x32x128xi32, #tpu.memory_space<vmem>> -> memref<32x128xi32, #tpu.memory_space<vmem>>
      %dma_wait3A_168 = arith.constant 0 : i32
      %dma_wait3A_169 = arith.constant 0 : i32
      %dma_wait3A_170 = tpu.memref_slice %arg3[%arg1, %run_scoped3A, %dma_wait3A_168, %dma_wait3A_169] : memref<16x5x32x128xi32, #tpu.memory_space<hbm>> -> memref<1x1x32x128xi32, #tpu.memory_space<hbm>>
      %dma_wait3A_171 = tpu.memref_squeeze %dma_wait3A_170 : memref<1x1x32x128xi32, #tpu.memory_space<hbm>> -> memref<32x128xi32, #tpu.memory_space<hbm>>
      %dma_wait3A_172 = arith.constant 0 : i32
      %dma_wait3A_173 = arith.constant 0 : i32
      %dma_wait3A_174 = tpu.memref_slice %arg6[%run_scoped3A_0, %dma_wait3A_172, %dma_wait3A_173] : memref<2x32x128xi32, #tpu.memory_space<vmem>> -> memref<1x32x128xi32, #tpu.memory_space<vmem>>
      %dma_wait3A_175 = tpu.memref_squeeze %dma_wait3A_174 : memref<1x32x128xi32, #tpu.memory_space<vmem>> -> memref<32x128xi32, #tpu.memory_space<vmem>>
      %dma_wait3A_176 = arith.constant 0 : i32
      %dma_wait3A_177 = arith.constant 0 : i32
      %dma_wait3A_178 = tpu.memref_slice %arg3[%arg1, %run_scoped3A, %dma_wait3A_176, %dma_wait3A_177] : memref<16x5x32x128xi32, #tpu.memory_space<hbm>> -> memref<1x1x32x128xi32, #tpu.memory_space<hbm>>
      %dma_wait3A_179 = tpu.memref_squeeze %dma_wait3A_178 : memref<1x1x32x128xi32, #tpu.memory_space<hbm>> -> memref<32x128xi32, #tpu.memory_space<hbm>>
      tpu.wait_dma2 semaphore(%run_scoped3A_148 : memref<!tpu.dma_semaphore, #tpu.memory_space<semaphore_mem>>) src(%dma_wait3A_179 : memref<32x128xi32, #tpu.memory_space<hbm>>) dst(%dma_wait3A_175 : memref<32x128xi32, #tpu.memory_space<vmem>>)
      tpu.yield
    }) : () -> ()
    %run_scoped3A_1 = arith.constant 0 : i32
    %run_scoped3A_2 = arith.constant 0 : i32
    "tpu.region"() ({
      %run_scoped3A_148 = tpu.sem_alloc : memref<!tpu.dma_semaphore, #tpu.memory_space<semaphore_mem>>
      %dma_start3A_149 = arith.constant 0 : i32
      %dma_start3A_150 = arith.constant 0 : i32
      %dma_start3A_151 = tpu.memref_slice %arg7[%run_scoped3A_2, %dma_start3A_149, %dma_start3A_150] : memref<2x32x128xi32, #tpu.memory_space<vmem>> -> memref<1x32x128xi32, #tpu.memory_space<vmem>>
      %dma_start3A_152 = tpu.memref_squeeze %dma_start3A_151 : memref<1x32x128xi32, #tpu.memory_space<vmem>> -> memref<32x128xi32, #tpu.memory_space<vmem>>
      %dma_start3A_153 = arith.constant 0 : i32
      %dma_start3A_154 = arith.constant 0 : i32
      %dma_start3A_155 = tpu.memref_slice %arg4[%arg1, %run_scoped3A_1, %dma_start3A_153, %dma_start3A_154] : memref<16x5x32x128xi32, #tpu.memory_space<hbm>> -> memref<1x1x32x128xi32, #tpu.memory_space<hbm>>
      %dma_start3A_156 = tpu.memref_squeeze %dma_start3A_155 : memref<1x1x32x128xi32, #tpu.memory_space<hbm>> -> memref<32x128xi32, #tpu.memory_space<hbm>>
      %dma_start3A_157 = arith.constant 0 : i32
      %dma_start3A_158 = arith.constant 0 : i32
      %dma_start3A_159 = tpu.memref_slice %arg7[%run_scoped3A_2, %dma_start3A_157, %dma_start3A_158] : memref<2x32x128xi32, #tpu.memory_space<vmem>> -> memref<1x32x128xi32, #tpu.memory_space<vmem>>
      %dma_start3A_160 = tpu.memref_squeeze %dma_start3A_159 : memref<1x32x128xi32, #tpu.memory_space<vmem>> -> memref<32x128xi32, #tpu.memory_space<vmem>>
      %dma_start3A_161 = arith.constant 0 : i32
      %dma_start3A_162 = arith.constant 0 : i32
      %dma_start3A_163 = tpu.memref_slice %arg4[%arg1, %run_scoped3A_1, %dma_start3A_161, %dma_start3A_162] : memref<16x5x32x128xi32, #tpu.memory_space<hbm>> -> memref<1x1x32x128xi32, #tpu.memory_space<hbm>>
      %dma_start3A_164 = tpu.memref_squeeze %dma_start3A_163 : memref<1x1x32x128xi32, #tpu.memory_space<hbm>> -> memref<32x128xi32, #tpu.memory_space<hbm>>
      tpu.enqueue_dma source(%dma_start3A_164 : memref<32x128xi32, #tpu.memory_space<hbm>>) target(%dma_start3A_160 : memref<32x128xi32, #tpu.memory_space<vmem>>) target_semaphore(%run_scoped3A_148 : memref<!tpu.dma_semaphore, #tpu.memory_space<semaphore_mem>>)
      %dma_wait3A = arith.constant 0 : i32
      %dma_wait3A_165 = arith.constant 0 : i32
      %dma_wait3A_166 = tpu.memref_slice %arg7[%run_scoped3A_2, %dma_wait3A, %dma_wait3A_165] : memref<2x32x128xi32, #tpu.memory_space<vmem>> -> memref<1x32x128xi32, #tpu.memory_space<vmem>>
      %dma_wait3A_167 = tpu.memref_squeeze %dma_wait3A_166 : memref<1x32x128xi32, #tpu.memory_space<vmem>> -> memref<32x128xi32, #tpu.memory_space<vmem>>
      %dma_wait3A_168 = arith.constant 0 : i32
      %dma_wait3A_169 = arith.constant 0 : i32
      %dma_wait3A_170 = tpu.memref_slice %arg4[%arg1, %run_scoped3A_1, %dma_wait3A_168, %dma_wait3A_169] : memref<16x5x32x128xi32, #tpu.memory_space<hbm>> -> memref<1x1x32x128xi32, #tpu.memory_space<hbm>>
      %dma_wait3A_171 = tpu.memref_squeeze %dma_wait3A_170 : memref<1x1x32x128xi32, #tpu.memory_space<hbm>> -> memref<32x128xi32, #tpu.memory_space<hbm>>
      %dma_wait3A_172 = arith.constant 0 : i32
      %dma_wait3A_173 = arith.constant 0 : i32
      %dma_wait3A_174 = tpu.memref_slice %arg7[%run_scoped3A_2, %dma_wait3A_172, %dma_wait3A_173] : memref<2x32x128xi32, #tpu.memory_space<vmem>> -> memref<1x32x128xi32, #tpu.memory_space<vmem>>
      %dma_wait3A_175 = tpu.memref_squeeze %dma_wait3A_174 : memref<1x32x128xi32, #tpu.memory_space<vmem>> -> memref<32x128xi32, #tpu.memory_space<vmem>>
      %dma_wait3A_176 = arith.constant 0 : i32
      %dma_wait3A_177 = arith.constant 0 : i32
      %dma_wait3A_178 = tpu.memref_slice %arg4[%arg1, %run_scoped3A_1, %dma_wait3A_176, %dma_wait3A_177] : memref<16x5x32x128xi32, #tpu.memory_space<hbm>> -> memref<1x1x32x128xi32, #tpu.memory_space<hbm>>
      %dma_wait3A_179 = tpu.memref_squeeze %dma_wait3A_178 : memref<1x1x32x128xi32, #tpu.memory_space<hbm>> -> memref<32x128xi32, #tpu.memory_space<hbm>>
      tpu.wait_dma2 semaphore(%run_scoped3A_148 : memref<!tpu.dma_semaphore, #tpu.memory_space<semaphore_mem>>) src(%dma_wait3A_179 : memref<32x128xi32, #tpu.memory_space<hbm>>) dst(%dma_wait3A_175 : memref<32x128xi32, #tpu.memory_space<vmem>>)
      tpu.yield
    }) : () -> ()
    %mul3A = arith.constant 640 : i32
    %mul3A_3 = arith.muli %arg1, %mul3A : i32
    %mul3A_4 = arith.constant 640 : i32
    %mul3A_5 = arith.muli %arg1, %mul3A_4 : i32
    "tpu.region"() ({
      %run_scoped3A_148 = tpu.sem_alloc : memref<!tpu.dma_semaphore, #tpu.memory_space<semaphore_mem>>
      %dma_start3A_149 = arith.constant 0 : i32
      %dma_start3A_150 = tpu.memref_slice %arg16[%mul3A_5, %dma_start3A_149] : memref<10240x32xbf16, #tpu.memory_space<vmem_shared>> -> memref<640x32xbf16, #tpu.memory_space<vmem_shared>>
      %dma_start3A_151 = arith.constant 0 : i32
      %dma_start3A_152 = arith.constant 0 : i32
      %dma_start3A_153 = tpu.memref_slice %arg2[%arg0, %dma_start3A_151, %dma_start3A_152] : memref<2x10240x32xbf16, #tpu.memory_space<hbm>> -> memref<1x10240x32xbf16, #tpu.memory_space<hbm>>
      %dma_start3A_154 = tpu.memref_squeeze %dma_start3A_153 : memref<1x10240x32xbf16, #tpu.memory_space<hbm>> -> memref<10240x32xbf16, #tpu.memory_space<hbm>>
      %dma_start3A_155 = arith.constant 0 : i32
      %dma_start3A_156 = tpu.memref_slice %dma_start3A_154[%mul3A_3, %dma_start3A_155] : memref<10240x32xbf16, #tpu.memory_space<hbm>> -> memref<640x32xbf16, #tpu.memory_space<hbm>>
      tpu.enqueue_dma source(%dma_start3A_156 : memref<640x32xbf16, #tpu.memory_space<hbm>>) target(%dma_start3A_150 : memref<640x32xbf16, #tpu.memory_space<vmem_shared>>) target_semaphore(%run_scoped3A_148 : memref<!tpu.dma_semaphore, #tpu.memory_space<semaphore_mem>>)
      %dma_wait3A = arith.constant 0 : i32
      %dma_wait3A_157 = tpu.memref_slice %arg16[%mul3A_5, %dma_wait3A] : memref<10240x32xbf16, #tpu.memory_space<vmem_shared>> -> memref<640x32xbf16, #tpu.memory_space<vmem_shared>>
      %dma_wait3A_158 = arith.constant 0 : i32
      %dma_wait3A_159 = arith.constant 0 : i32
      %dma_wait3A_160 = tpu.memref_slice %arg2[%arg0, %dma_wait3A_158, %dma_wait3A_159] : memref<2x10240x32xbf16, #tpu.memory_space<hbm>> -> memref<1x10240x32xbf16, #tpu.memory_space<hbm>>
      %dma_wait3A_161 = tpu.memref_squeeze %dma_wait3A_160 : memref<1x10240x32xbf16, #tpu.memory_space<hbm>> -> memref<10240x32xbf16, #tpu.memory_space<hbm>>
      %dma_wait3A_162 = arith.constant 0 : i32
      %dma_wait3A_163 = tpu.memref_slice %dma_wait3A_161[%mul3A_3, %dma_wait3A_162] : memref<10240x32xbf16, #tpu.memory_space<hbm>> -> memref<640x32xbf16, #tpu.memory_space<hbm>>
      tpu.wait_dma2 semaphore(%run_scoped3A_148 : memref<!tpu.dma_semaphore, #tpu.memory_space<semaphore_mem>>) src(%dma_wait3A_163 : memref<640x32xbf16, #tpu.memory_space<hbm>>) dst(%dma_wait3A_157 : memref<640x32xbf16, #tpu.memory_space<vmem_shared>>)
      tpu.yield
    }) : () -> ()
    %barrier3A = arith.constant 0 : index
    tpu.barrier barrier_id(%barrier3A)
    %dma_start3A = arith.constant 0 : i32
    %dma_start3A_6 = arith.constant 0 : i32
    %dma_start3A_7 = arith.constant 0 : i32
    %dma_start3A_8 = tpu.memref_slice %arg6[%dma_start3A, %dma_start3A_6, %dma_start3A_7] : memref<2x32x128xi32, #tpu.memory_space<vmem>> -> memref<1x1x128xi32, #tpu.memory_space<vmem>>
    %dma_start3A_9 = tpu.memref_squeeze %dma_start3A_8 : memref<1x1x128xi32, #tpu.memory_space<vmem>> -> memref<128xi32, #tpu.memory_space<vmem>>
    %dma_start3A_10 = arith.constant 0 : i32
    %dma_start3A_11 = arith.constant 0 : i32
    %dma_start3A_12 = tpu.memref_slice %arg2[%arg0, %dma_start3A_10, %dma_start3A_11] : memref<2x10240x32xbf16, #tpu.memory_space<hbm>> -> memref<1x10240x32xbf16, #tpu.memory_space<hbm>>
    %dma_start3A_13 = tpu.memref_squeeze %dma_start3A_12 : memref<1x10240x32xbf16, #tpu.memory_space<hbm>> -> memref<10240x32xbf16, #tpu.memory_space<hbm>>
    %dma_start3A_14 = arith.constant 0 : i32
    %dma_start3A_15 = arith.constant 0 : i32
    %dma_start3A_16 = tpu.memref_slice %dma_start3A_13[%dma_start3A_14, %dma_start3A_15] : memref<10240x32xbf16, #tpu.memory_space<hbm>> -> memref<10240x32xbf16, #tpu.memory_space<hbm>>
    tpu.enqueue_indirect_dma source(%dma_start3A_16 : memref<10240x32xbf16, #tpu.memory_space<hbm>>) target(%arg8 : memref<128x32xbf16, #tpu.memory_space<vmem>>) offsets(%dma_start3A_9 : memref<128xi32, #tpu.memory_space<vmem>>) semaphore(%arg18 : memref<!tpu.dma_semaphore, #tpu.memory_space<semaphore_mem>>)
    %dma_start3A_17 = arith.constant 0 : i32
    %dma_start3A_18 = arith.constant 1 : i32
    %dma_start3A_19 = arith.constant 0 : i32
    %dma_start3A_20 = tpu.memref_slice %arg6[%dma_start3A_17, %dma_start3A_18, %dma_start3A_19] : memref<2x32x128xi32, #tpu.memory_space<vmem>> -> memref<1x1x128xi32, #tpu.memory_space<vmem>>
    %dma_start3A_21 = tpu.memref_squeeze %dma_start3A_20 : memref<1x1x128xi32, #tpu.memory_space<vmem>> -> memref<128xi32, #tpu.memory_space<vmem>>
    %dma_start3A_22 = arith.constant 0 : i32
    %dma_start3A_23 = arith.constant 0 : i32
    %dma_start3A_24 = tpu.memref_slice %arg2[%arg0, %dma_start3A_22, %dma_start3A_23] : memref<2x10240x32xbf16, #tpu.memory_space<hbm>> -> memref<1x10240x32xbf16, #tpu.memory_space<hbm>>
    %dma_start3A_25 = tpu.memref_squeeze %dma_start3A_24 : memref<1x10240x32xbf16, #tpu.memory_space<hbm>> -> memref<10240x32xbf16, #tpu.memory_space<hbm>>
    %dma_start3A_26 = arith.constant 0 : i32
    %dma_start3A_27 = arith.constant 0 : i32
    %dma_start3A_28 = tpu.memref_slice %dma_start3A_25[%dma_start3A_26, %dma_start3A_27] : memref<10240x32xbf16, #tpu.memory_space<hbm>> -> memref<10240x32xbf16, #tpu.memory_space<hbm>>
    tpu.enqueue_indirect_dma source(%dma_start3A_28 : memref<10240x32xbf16, #tpu.memory_space<hbm>>) target(%arg9 : memref<128x32xbf16, #tpu.memory_space<vmem>>) offsets(%dma_start3A_21 : memref<128xi32, #tpu.memory_space<vmem>>) semaphore(%arg19 : memref<!tpu.dma_semaphore, #tpu.memory_space<semaphore_mem>>)
    %dma_start3A_29 = arith.constant 0 : i32
    %dma_start3A_30 = arith.constant 2 : i32
    %dma_start3A_31 = arith.constant 0 : i32
    %dma_start3A_32 = tpu.memref_slice %arg6[%dma_start3A_29, %dma_start3A_30, %dma_start3A_31] : memref<2x32x128xi32, #tpu.memory_space<vmem>> -> memref<1x1x128xi32, #tpu.memory_space<vmem>>
    %dma_start3A_33 = tpu.memref_squeeze %dma_start3A_32 : memref<1x1x128xi32, #tpu.memory_space<vmem>> -> memref<128xi32, #tpu.memory_space<vmem>>
    %dma_start3A_34 = arith.constant 0 : i32
    %dma_start3A_35 = arith.constant 0 : i32
    %dma_start3A_36 = tpu.memref_slice %arg2[%arg0, %dma_start3A_34, %dma_start3A_35] : memref<2x10240x32xbf16, #tpu.memory_space<hbm>> -> memref<1x10240x32xbf16, #tpu.memory_space<hbm>>
    %dma_start3A_37 = tpu.memref_squeeze %dma_start3A_36 : memref<1x10240x32xbf16, #tpu.memory_space<hbm>> -> memref<10240x32xbf16, #tpu.memory_space<hbm>>
    %dma_start3A_38 = arith.constant 0 : i32
    %dma_start3A_39 = arith.constant 0 : i32
    %dma_start3A_40 = tpu.memref_slice %dma_start3A_37[%dma_start3A_38, %dma_start3A_39] : memref<10240x32xbf16, #tpu.memory_space<hbm>> -> memref<10240x32xbf16, #tpu.memory_space<hbm>>
    tpu.enqueue_indirect_dma source(%dma_start3A_40 : memref<10240x32xbf16, #tpu.memory_space<hbm>>) target(%arg10 : memref<128x32xbf16, #tpu.memory_space<vmem>>) offsets(%dma_start3A_33 : memref<128xi32, #tpu.memory_space<vmem>>) semaphore(%arg20 : memref<!tpu.dma_semaphore, #tpu.memory_space<semaphore_mem>>)
    %dma_start3A_41 = arith.constant 0 : i32
    %dma_start3A_42 = arith.constant 3 : i32
    %dma_start3A_43 = arith.constant 0 : i32
    %dma_start3A_44 = tpu.memref_slice %arg6[%dma_start3A_41, %dma_start3A_42, %dma_start3A_43] : memref<2x32x128xi32, #tpu.memory_space<vmem>> -> memref<1x1x128xi32, #tpu.memory_space<vmem>>
    %dma_start3A_45 = tpu.memref_squeeze %dma_start3A_44 : memref<1x1x128xi32, #tpu.memory_space<vmem>> -> memref<128xi32, #tpu.memory_space<vmem>>
    %dma_start3A_46 = arith.constant 0 : i32
    %dma_start3A_47 = arith.constant 0 : i32
    %dma_start3A_48 = tpu.memref_slice %arg2[%arg0, %dma_start3A_46, %dma_start3A_47] : memref<2x10240x32xbf16, #tpu.memory_space<hbm>> -> memref<1x10240x32xbf16, #tpu.memory_space<hbm>>
    %dma_start3A_49 = tpu.memref_squeeze %dma_start3A_48 : memref<1x10240x32xbf16, #tpu.memory_space<hbm>> -> memref<10240x32xbf16, #tpu.memory_space<hbm>>
    %dma_start3A_50 = arith.constant 0 : i32
    %dma_start3A_51 = arith.constant 0 : i32
    %dma_start3A_52 = tpu.memref_slice %dma_start3A_49[%dma_start3A_50, %dma_start3A_51] : memref<10240x32xbf16, #tpu.memory_space<hbm>> -> memref<10240x32xbf16, #tpu.memory_space<hbm>>
    tpu.enqueue_indirect_dma source(%dma_start3A_52 : memref<10240x32xbf16, #tpu.memory_space<hbm>>) target(%arg11 : memref<128x32xbf16, #tpu.memory_space<vmem>>) offsets(%dma_start3A_45 : memref<128xi32, #tpu.memory_space<vmem>>) semaphore(%arg21 : memref<!tpu.dma_semaphore, #tpu.memory_space<semaphore_mem>>)
    %dma_start3A_53 = arith.constant 0 : i32
    %dma_start3A_54 = arith.constant 4 : i32
    %dma_start3A_55 = arith.constant 0 : i32
    %dma_start3A_56 = tpu.memref_slice %arg6[%dma_start3A_53, %dma_start3A_54, %dma_start3A_55] : memref<2x32x128xi32, #tpu.memory_space<vmem>> -> memref<1x1x128xi32, #tpu.memory_space<vmem>>
    %dma_start3A_57 = tpu.memref_squeeze %dma_start3A_56 : memref<1x1x128xi32, #tpu.memory_space<vmem>> -> memref<128xi32, #tpu.memory_space<vmem>>
    %dma_start3A_58 = arith.constant 0 : i32
    %dma_start3A_59 = arith.constant 0 : i32
    %dma_start3A_60 = tpu.memref_slice %arg2[%arg0, %dma_start3A_58, %dma_start3A_59] : memref<2x10240x32xbf16, #tpu.memory_space<hbm>> -> memref<1x10240x32xbf16, #tpu.memory_space<hbm>>
    %dma_start3A_61 = tpu.memref_squeeze %dma_start3A_60 : memref<1x10240x32xbf16, #tpu.memory_space<hbm>> -> memref<10240x32xbf16, #tpu.memory_space<hbm>>
    %dma_start3A_62 = arith.constant 0 : i32
    %dma_start3A_63 = arith.constant 0 : i32
    %dma_start3A_64 = tpu.memref_slice %dma_start3A_61[%dma_start3A_62, %dma_start3A_63] : memref<10240x32xbf16, #tpu.memory_space<hbm>> -> memref<10240x32xbf16, #tpu.memory_space<hbm>>
    tpu.enqueue_indirect_dma source(%dma_start3A_64 : memref<10240x32xbf16, #tpu.memory_space<hbm>>) target(%arg12 : memref<128x32xbf16, #tpu.memory_space<vmem>>) offsets(%dma_start3A_57 : memref<128xi32, #tpu.memory_space<vmem>>) semaphore(%arg22 : memref<!tpu.dma_semaphore, #tpu.memory_space<semaphore_mem>>)
    %dma_start3A_65 = arith.constant 0 : i32
    %dma_start3A_66 = arith.constant 5 : i32
    %dma_start3A_67 = arith.constant 0 : i32
    %dma_start3A_68 = tpu.memref_slice %arg6[%dma_start3A_65, %dma_start3A_66, %dma_start3A_67] : memref<2x32x128xi32, #tpu.memory_space<vmem>> -> memref<1x1x128xi32, #tpu.memory_space<vmem>>
    %dma_start3A_69 = tpu.memref_squeeze %dma_start3A_68 : memref<1x1x128xi32, #tpu.memory_space<vmem>> -> memref<128xi32, #tpu.memory_space<vmem>>
    %dma_start3A_70 = arith.constant 0 : i32
    %dma_start3A_71 = arith.constant 0 : i32
    %dma_start3A_72 = tpu.memref_slice %arg2[%arg0, %dma_start3A_70, %dma_start3A_71] : memref<2x10240x32xbf16, #tpu.memory_space<hbm>> -> memref<1x10240x32xbf16, #tpu.memory_space<hbm>>
    %dma_start3A_73 = tpu.memref_squeeze %dma_start3A_72 : memref<1x10240x32xbf16, #tpu.memory_space<hbm>> -> memref<10240x32xbf16, #tpu.memory_space<hbm>>
    %dma_start3A_74 = arith.constant 0 : i32
    %dma_start3A_75 = arith.constant 0 : i32
    %dma_start3A_76 = tpu.memref_slice %dma_start3A_73[%dma_start3A_74, %dma_start3A_75] : memref<10240x32xbf16, #tpu.memory_space<hbm>> -> memref<10240x32xbf16, #tpu.memory_space<hbm>>
    tpu.enqueue_indirect_dma source(%dma_start3A_76 : memref<10240x32xbf16, #tpu.memory_space<hbm>>) target(%arg13 : memref<128x32xbf16, #tpu.memory_space<vmem>>) offsets(%dma_start3A_69 : memref<128xi32, #tpu.memory_space<vmem>>) semaphore(%arg23 : memref<!tpu.dma_semaphore, #tpu.memory_space<semaphore_mem>>)
    %dma_start3A_77 = arith.constant 0 : i32
    %dma_start3A_78 = arith.constant 6 : i32
    %dma_start3A_79 = arith.constant 0 : i32
    %dma_start3A_80 = tpu.memref_slice %arg6[%dma_start3A_77, %dma_start3A_78, %dma_start3A_79] : memref<2x32x128xi32, #tpu.memory_space<vmem>> -> memref<1x1x128xi32, #tpu.memory_space<vmem>>
    %dma_start3A_81 = tpu.memref_squeeze %dma_start3A_80 : memref<1x1x128xi32, #tpu.memory_space<vmem>> -> memref<128xi32, #tpu.memory_space<vmem>>
    %dma_start3A_82 = arith.constant 0 : i32
    %dma_start3A_83 = arith.constant 0 : i32
    %dma_start3A_84 = tpu.memref_slice %arg2[%arg0, %dma_start3A_82, %dma_start3A_83] : memref<2x10240x32xbf16, #tpu.memory_space<hbm>> -> memref<1x10240x32xbf16, #tpu.memory_space<hbm>>
    %dma_start3A_85 = tpu.memref_squeeze %dma_start3A_84 : memref<1x10240x32xbf16, #tpu.memory_space<hbm>> -> memref<10240x32xbf16, #tpu.memory_space<hbm>>
    %dma_start3A_86 = arith.constant 0 : i32
    %dma_start3A_87 = arith.constant 0 : i32
    %dma_start3A_88 = tpu.memref_slice %dma_start3A_85[%dma_start3A_86, %dma_start3A_87] : memref<10240x32xbf16, #tpu.memory_space<hbm>> -> memref<10240x32xbf16, #tpu.memory_space<hbm>>
    tpu.enqueue_indirect_dma source(%dma_start3A_88 : memref<10240x32xbf16, #tpu.memory_space<hbm>>) target(%arg14 : memref<128x32xbf16, #tpu.memory_space<vmem>>) offsets(%dma_start3A_81 : memref<128xi32, #tpu.memory_space<vmem>>) semaphore(%arg24 : memref<!tpu.dma_semaphore, #tpu.memory_space<semaphore_mem>>)
    %dma_start3A_89 = arith.constant 0 : i32
    %dma_start3A_90 = arith.constant 7 : i32
    %dma_start3A_91 = arith.constant 0 : i32
    %dma_start3A_92 = tpu.memref_slice %arg6[%dma_start3A_89, %dma_start3A_90, %dma_start3A_91] : memref<2x32x128xi32, #tpu.memory_space<vmem>> -> memref<1x1x128xi32, #tpu.memory_space<vmem>>
    %dma_start3A_93 = tpu.memref_squeeze %dma_start3A_92 : memref<1x1x128xi32, #tpu.memory_space<vmem>> -> memref<128xi32, #tpu.memory_space<vmem>>
    %dma_start3A_94 = arith.constant 0 : i32
    %dma_start3A_95 = arith.constant 0 : i32
    %dma_start3A_96 = tpu.memref_slice %arg2[%arg0, %dma_start3A_94, %dma_start3A_95] : memref<2x10240x32xbf16, #tpu.memory_space<hbm>> -> memref<1x10240x32xbf16, #tpu.memory_space<hbm>>
    %dma_start3A_97 = tpu.memref_squeeze %dma_start3A_96 : memref<1x10240x32xbf16, #tpu.memory_space<hbm>> -> memref<10240x32xbf16, #tpu.memory_space<hbm>>
    %dma_start3A_98 = arith.constant 0 : i32
    %dma_start3A_99 = arith.constant 0 : i32
    %dma_start3A_100 = tpu.memref_slice %dma_start3A_97[%dma_start3A_98, %dma_start3A_99] : memref<10240x32xbf16, #tpu.memory_space<hbm>> -> memref<10240x32xbf16, #tpu.memory_space<hbm>>
    tpu.enqueue_indirect_dma source(%dma_start3A_100 : memref<10240x32xbf16, #tpu.memory_space<hbm>>) target(%arg15 : memref<128x32xbf16, #tpu.memory_space<vmem>>) offsets(%dma_start3A_93 : memref<128xi32, #tpu.memory_space<vmem>>) semaphore(%arg25 : memref<!tpu.dma_semaphore, #tpu.memory_space<semaphore_mem>>)
    %dma_start3A_101 = arith.constant 1 : i32
    %dma_start3A_102 = arith.constant 1 : i32
    %dma_start3A_103 = arith.constant 0 : i32
    %dma_start3A_104 = arith.constant 0 : i32
    %dma_start3A_105 = tpu.memref_slice %arg6[%dma_start3A_102, %dma_start3A_103, %dma_start3A_104] : memref<2x32x128xi32, #tpu.memory_space<vmem>> -> memref<1x32x128xi32, #tpu.memory_space<vmem>>
    %dma_start3A_106 = tpu.memref_squeeze %dma_start3A_105 : memref<1x32x128xi32, #tpu.memory_space<vmem>> -> memref<32x128xi32, #tpu.memory_space<vmem>>
    %dma_start3A_107 = arith.constant 0 : i32
    %dma_start3A_108 = arith.constant 0 : i32
    %dma_start3A_109 = tpu.memref_slice %arg3[%arg1, %dma_start3A_101, %dma_start3A_107, %dma_start3A_108] : memref<16x5x32x128xi32, #tpu.memory_space<hbm>> -> memref<1x1x32x128xi32, #tpu.memory_space<hbm>>
    %dma_start3A_110 = tpu.memref_squeeze %dma_start3A_109 : memref<1x1x32x128xi32, #tpu.memory_space<hbm>> -> memref<32x128xi32, #tpu.memory_space<hbm>>
    %dma_start3A_111 = arith.constant 0 : i32
    %dma_start3A_112 = arith.constant 0 : i32
    %dma_start3A_113 = tpu.memref_slice %arg6[%dma_start3A_102, %dma_start3A_111, %dma_start3A_112] : memref<2x32x128xi32, #tpu.memory_space<vmem>> -> memref<1x32x128xi32, #tpu.memory_space<vmem>>
    %dma_start3A_114 = tpu.memref_squeeze %dma_start3A_113 : memref<1x32x128xi32, #tpu.memory_space<vmem>> -> memref<32x128xi32, #tpu.memory_space<vmem>>
    %dma_start3A_115 = arith.constant 0 : i32
    %dma_start3A_116 = arith.constant 0 : i32
    %dma_start3A_117 = tpu.memref_slice %arg3[%arg1, %dma_start3A_101, %dma_start3A_115, %dma_start3A_116] : memref<16x5x32x128xi32, #tpu.memory_space<hbm>> -> memref<1x1x32x128xi32, #tpu.memory_space<hbm>>
    %dma_start3A_118 = tpu.memref_squeeze %dma_start3A_117 : memref<1x1x32x128xi32, #tpu.memory_space<hbm>> -> memref<32x128xi32, #tpu.memory_space<hbm>>
    tpu.enqueue_dma source(%dma_start3A_118 : memref<32x128xi32, #tpu.memory_space<hbm>>) target(%dma_start3A_114 : memref<32x128xi32, #tpu.memory_space<vmem>>) target_semaphore(%arg17 : memref<!tpu.dma_semaphore, #tpu.memory_space<semaphore_mem>>)
    %dma_start3A_119 = arith.constant 1 : i32
    %dma_start3A_120 = arith.constant 1 : i32
    %dma_start3A_121 = arith.constant 0 : i32
    %dma_start3A_122 = arith.constant 0 : i32
    %dma_start3A_123 = tpu.memref_slice %arg7[%dma_start3A_120, %dma_start3A_121, %dma_start3A_122] : memref<2x32x128xi32, #tpu.memory_space<vmem>> -> memref<1x32x128xi32, #tpu.memory_space<vmem>>
    %dma_start3A_124 = tpu.memref_squeeze %dma_start3A_123 : memref<1x32x128xi32, #tpu.memory_space<vmem>> -> memref<32x128xi32, #tpu.memory_space<vmem>>
    %dma_start3A_125 = arith.constant 0 : i32
    %dma_start3A_126 = arith.constant 0 : i32
    %dma_start3A_127 = tpu.memref_slice %arg4[%arg1, %dma_start3A_119, %dma_start3A_125, %dma_start3A_126] : memref<16x5x32x128xi32, #tpu.memory_space<hbm>> -> memref<1x1x32x128xi32, #tpu.memory_space<hbm>>
    %dma_start3A_128 = tpu.memref_squeeze %dma_start3A_127 : memref<1x1x32x128xi32, #tpu.memory_space<hbm>> -> memref<32x128xi32, #tpu.memory_space<hbm>>
    %dma_start3A_129 = arith.constant 0 : i32
    %dma_start3A_130 = arith.constant 0 : i32
    %dma_start3A_131 = tpu.memref_slice %arg7[%dma_start3A_120, %dma_start3A_129, %dma_start3A_130] : memref<2x32x128xi32, #tpu.memory_space<vmem>> -> memref<1x32x128xi32, #tpu.memory_space<vmem>>
    %dma_start3A_132 = tpu.memref_squeeze %dma_start3A_131 : memref<1x32x128xi32, #tpu.memory_space<vmem>> -> memref<32x128xi32, #tpu.memory_space<vmem>>
    %dma_start3A_133 = arith.constant 0 : i32
    %dma_start3A_134 = arith.constant 0 : i32
    %dma_start3A_135 = tpu.memref_slice %arg4[%arg1, %dma_start3A_119, %dma_start3A_133, %dma_start3A_134] : memref<16x5x32x128xi32, #tpu.memory_space<hbm>> -> memref<1x1x32x128xi32, #tpu.memory_space<hbm>>
    %dma_start3A_136 = tpu.memref_squeeze %dma_start3A_135 : memref<1x1x32x128xi32, #tpu.memory_space<hbm>> -> memref<32x128xi32, #tpu.memory_space<hbm>>
    tpu.enqueue_dma source(%dma_start3A_136 : memref<32x128xi32, #tpu.memory_space<hbm>>) target(%dma_start3A_132 : memref<32x128xi32, #tpu.memory_space<vmem>>) target_semaphore(%arg17 : memref<!tpu.dma_semaphore, #tpu.memory_space<semaphore_mem>>)
    %scan3A = arith.constant 0 : i32
    %scan3A_137 = arith.constant 0 : i32
    %scan3A_138 = arith.constant 5 : i32
    %scan3A_139 = arith.addi %scan3A_137, %scan3A_138 : i32
    %scan3A_140 = arith.constant 1 : i32
    %scan3A_141 = scf.for %scan3A_148 = %scan3A_137 to %scan3A_139 step %scan3A_140 iter_args(%scan3A_149 = %scan3A) -> (i32)  : i32 {
      %rem3A = arith.constant 2 : i32
      %rem3A_150 = arith.remsi %scan3A_148, %rem3A : i32
      %scan3A_151 = arith.constant 0 : i32
      %scan3A_152 = arith.constant 0 : i32
      %scan3A_153 = arith.constant 4 : i32
      %scan3A_154 = arith.addi %scan3A_152, %scan3A_153 : i32
      %scan3A_155 = arith.constant 1 : i32
      %scan3A_156 = scf.for %scan3A_162 = %scan3A_152 to %scan3A_154 step %scan3A_155 iter_args(%scan3A_163 = %scan3A_151) -> (i32)  : i32 {
        %mul3A_164 = arith.constant 8 : i32
        %mul3A_165 = arith.muli %mul3A_164, %scan3A_162 : i32
        %add3A_166 = arith.constant 0 : i32
        %add3A_167 = arith.addi %mul3A_165, %add3A_166 : i32
        %dma_wait3A = arith.constant 0 : i32
        %dma_wait3A_168 = tpu.memref_slice %arg6[%rem3A_150, %add3A_167, %dma_wait3A] : memref<2x32x128xi32, #tpu.memory_space<vmem>> -> memref<1x1x128xi32, #tpu.memory_space<vmem>>
        %dma_wait3A_169 = tpu.memref_squeeze %dma_wait3A_168 : memref<1x1x128xi32, #tpu.memory_space<vmem>> -> memref<128xi32, #tpu.memory_space<vmem>>
        %dma_wait3A_170 = arith.constant 0 : i32
        %dma_wait3A_171 = arith.constant 0 : i32
        %dma_wait3A_172 = tpu.memref_slice %arg2[%arg0, %dma_wait3A_170, %dma_wait3A_171] : memref<2x10240x32xbf16, #tpu.memory_space<hbm>> -> memref<1x10240x32xbf16, #tpu.memory_space<hbm>>
        %dma_wait3A_173 = tpu.memref_squeeze %dma_wait3A_172 : memref<1x10240x32xbf16, #tpu.memory_space<hbm>> -> memref<10240x32xbf16, #tpu.memory_space<hbm>>
        %dma_wait3A_174 = arith.constant 0 : i32
        %dma_wait3A_175 = arith.constant 0 : i32
        %dma_wait3A_176 = tpu.memref_slice %dma_wait3A_173[%dma_wait3A_174, %dma_wait3A_175] : memref<10240x32xbf16, #tpu.memory_space<hbm>> -> memref<10240x32xbf16, #tpu.memory_space<hbm>>
        tpu.wait_indirect_dma semaphore(%arg18 : memref<!tpu.dma_semaphore, #tpu.memory_space<semaphore_mem>>) src(%dma_wait3A_176 : memref<10240x32xbf16, #tpu.memory_space<hbm>>) dst(%arg8 : memref<128x32xbf16, #tpu.memory_space<vmem>>)
        %dma_start3A_177 = arith.constant 0 : i32
        %dma_start3A_178 = tpu.memref_slice %arg7[%rem3A_150, %add3A_167, %dma_start3A_177] : memref<2x32x128xi32, #tpu.memory_space<vmem>> -> memref<1x1x128xi32, #tpu.memory_space<vmem>>
        %dma_start3A_179 = tpu.memref_squeeze %dma_start3A_178 : memref<1x1x128xi32, #tpu.memory_space<vmem>> -> memref<128xi32, #tpu.memory_space<vmem>>
        %dma_start3A_180 = arith.constant 0 : i32
        %dma_start3A_181 = arith.constant 0 : i32
        %dma_start3A_182 = tpu.memref_slice %arg16[%dma_start3A_180, %dma_start3A_181] : memref<10240x32xbf16, #tpu.memory_space<vmem_shared>> -> memref<10240x32xbf16, #tpu.memory_space<vmem_shared>>
        tpu.enqueue_indirect_dma source(%arg8 : memref<128x32xbf16, #tpu.memory_space<vmem>>) target(%dma_start3A_182 : memref<10240x32xbf16, #tpu.memory_space<vmem_shared>>) offsets(%dma_start3A_179 : memref<128xi32, #tpu.memory_space<vmem>>) semaphore(%arg26 : memref<!tpu.dma_semaphore, #tpu.memory_space<semaphore_mem>>) {add = true}
        %mul3A_183 = arith.constant 8 : i32
        %mul3A_184 = arith.muli %mul3A_183, %scan3A_162 : i32
        %add3A_185 = arith.constant 1 : i32
        %add3A_186 = arith.addi %mul3A_184, %add3A_185 : i32
        %dma_wait3A_187 = arith.constant 0 : i32
        %dma_wait3A_188 = tpu.memref_slice %arg6[%rem3A_150, %add3A_186, %dma_wait3A_187] : memref<2x32x128xi32, #tpu.memory_space<vmem>> -> memref<1x1x128xi32, #tpu.memory_space<vmem>>
        %dma_wait3A_189 = tpu.memref_squeeze %dma_wait3A_188 : memref<1x1x128xi32, #tpu.memory_space<vmem>> -> memref<128xi32, #tpu.memory_space<vmem>>
        %dma_wait3A_190 = arith.constant 0 : i32
        %dma_wait3A_191 = arith.constant 0 : i32
        %dma_wait3A_192 = tpu.memref_slice %arg2[%arg0, %dma_wait3A_190, %dma_wait3A_191] : memref<2x10240x32xbf16, #tpu.memory_space<hbm>> -> memref<1x10240x32xbf16, #tpu.memory_space<hbm>>
        %dma_wait3A_193 = tpu.memref_squeeze %dma_wait3A_192 : memref<1x10240x32xbf16, #tpu.memory_space<hbm>> -> memref<10240x32xbf16, #tpu.memory_space<hbm>>
        %dma_wait3A_194 = arith.constant 0 : i32
        %dma_wait3A_195 = arith.constant 0 : i32
        %dma_wait3A_196 = tpu.memref_slice %dma_wait3A_193[%dma_wait3A_194, %dma_wait3A_195] : memref<10240x32xbf16, #tpu.memory_space<hbm>> -> memref<10240x32xbf16, #tpu.memory_space<hbm>>
        tpu.wait_indirect_dma semaphore(%arg19 : memref<!tpu.dma_semaphore, #tpu.memory_space<semaphore_mem>>) src(%dma_wait3A_196 : memref<10240x32xbf16, #tpu.memory_space<hbm>>) dst(%arg9 : memref<128x32xbf16, #tpu.memory_space<vmem>>)
        %dma_start3A_197 = arith.constant 0 : i32
        %dma_start3A_198 = tpu.memref_slice %arg7[%rem3A_150, %add3A_186, %dma_start3A_197] : memref<2x32x128xi32, #tpu.memory_space<vmem>> -> memref<1x1x128xi32, #tpu.memory_space<vmem>>
        %dma_start3A_199 = tpu.memref_squeeze %dma_start3A_198 : memref<1x1x128xi32, #tpu.memory_space<vmem>> -> memref<128xi32, #tpu.memory_space<vmem>>
        %dma_start3A_200 = arith.constant 0 : i32
        %dma_start3A_201 = arith.constant 0 : i32
        %dma_start3A_202 = tpu.memref_slice %arg16[%dma_start3A_200, %dma_start3A_201] : memref<10240x32xbf16, #tpu.memory_space<vmem_shared>> -> memref<10240x32xbf16, #tpu.memory_space<vmem_shared>>
        tpu.enqueue_indirect_dma source(%arg9 : memref<128x32xbf16, #tpu.memory_space<vmem>>) target(%dma_start3A_202 : memref<10240x32xbf16, #tpu.memory_space<vmem_shared>>) offsets(%dma_start3A_199 : memref<128xi32, #tpu.memory_space<vmem>>) semaphore(%arg27 : memref<!tpu.dma_semaphore, #tpu.memory_space<semaphore_mem>>) {add = true}
        %mul3A_203 = arith.constant 8 : i32
        %mul3A_204 = arith.muli %mul3A_203, %scan3A_162 : i32
        %add3A_205 = arith.constant 2 : i32
        %add3A_206 = arith.addi %mul3A_204, %add3A_205 : i32
        %dma_wait3A_207 = arith.constant 0 : i32
        %dma_wait3A_208 = tpu.memref_slice %arg6[%rem3A_150, %add3A_206, %dma_wait3A_207] : memref<2x32x128xi32, #tpu.memory_space<vmem>> -> memref<1x1x128xi32, #tpu.memory_space<vmem>>
        %dma_wait3A_209 = tpu.memref_squeeze %dma_wait3A_208 : memref<1x1x128xi32, #tpu.memory_space<vmem>> -> memref<128xi32, #tpu.memory_space<vmem>>
        %dma_wait3A_210 = arith.constant 0 : i32
        %dma_wait3A_211 = arith.constant 0 : i32
        %dma_wait3A_212 = tpu.memref_slice %arg2[%arg0, %dma_wait3A_210, %dma_wait3A_211] : memref<2x10240x32xbf16, #tpu.memory_space<hbm>> -> memref<1x10240x32xbf16, #tpu.memory_space<hbm>>
        %dma_wait3A_213 = tpu.memref_squeeze %dma_wait3A_212 : memref<1x10240x32xbf16, #tpu.memory_space<hbm>> -> memref<10240x32xbf16, #tpu.memory_space<hbm>>
        %dma_wait3A_214 = arith.constant 0 : i32
        %dma_wait3A_215 = arith.constant 0 : i32
        %dma_wait3A_216 = tpu.memref_slice %dma_wait3A_213[%dma_wait3A_214, %dma_wait3A_215] : memref<10240x32xbf16, #tpu.memory_space<hbm>> -> memref<10240x32xbf16, #tpu.memory_space<hbm>>
        tpu.wait_indirect_dma semaphore(%arg20 : memref<!tpu.dma_semaphore, #tpu.memory_space<semaphore_mem>>) src(%dma_wait3A_216 : memref<10240x32xbf16, #tpu.memory_space<hbm>>) dst(%arg10 : memref<128x32xbf16, #tpu.memory_space<vmem>>)
        %dma_start3A_217 = arith.constant 0 : i32
        %dma_start3A_218 = tpu.memref_slice %arg7[%rem3A_150, %add3A_206, %dma_start3A_217] : memref<2x32x128xi32, #tpu.memory_space<vmem>> -> memref<1x1x128xi32, #tpu.memory_space<vmem>>
        %dma_start3A_219 = tpu.memref_squeeze %dma_start3A_218 : memref<1x1x128xi32, #tpu.memory_space<vmem>> -> memref<128xi32, #tpu.memory_space<vmem>>
        %dma_start3A_220 = arith.constant 0 : i32
        %dma_start3A_221 = arith.constant 0 : i32
        %dma_start3A_222 = tpu.memref_slice %arg16[%dma_start3A_220, %dma_start3A_221] : memref<10240x32xbf16, #tpu.memory_space<vmem_shared>> -> memref<10240x32xbf16, #tpu.memory_space<vmem_shared>>
        tpu.enqueue_indirect_dma source(%arg10 : memref<128x32xbf16, #tpu.memory_space<vmem>>) target(%dma_start3A_222 : memref<10240x32xbf16, #tpu.memory_space<vmem_shared>>) offsets(%dma_start3A_219 : memref<128xi32, #tpu.memory_space<vmem>>) semaphore(%arg28 : memref<!tpu.dma_semaphore, #tpu.memory_space<semaphore_mem>>) {add = true}
        %mul3A_223 = arith.constant 8 : i32
        %mul3A_224 = arith.muli %mul3A_223, %scan3A_162 : i32
        %add3A_225 = arith.constant 3 : i32
        %add3A_226 = arith.addi %mul3A_224, %add3A_225 : i32
        %dma_wait3A_227 = arith.constant 0 : i32
        %dma_wait3A_228 = tpu.memref_slice %arg6[%rem3A_150, %add3A_226, %dma_wait3A_227] : memref<2x32x128xi32, #tpu.memory_space<vmem>> -> memref<1x1x128xi32, #tpu.memory_space<vmem>>
        %dma_wait3A_229 = tpu.memref_squeeze %dma_wait3A_228 : memref<1x1x128xi32, #tpu.memory_space<vmem>> -> memref<128xi32, #tpu.memory_space<vmem>>
        %dma_wait3A_230 = arith.constant 0 : i32
        %dma_wait3A_231 = arith.constant 0 : i32
        %dma_wait3A_232 = tpu.memref_slice %arg2[%arg0, %dma_wait3A_230, %dma_wait3A_231] : memref<2x10240x32xbf16, #tpu.memory_space<hbm>> -> memref<1x10240x32xbf16, #tpu.memory_space<hbm>>
        %dma_wait3A_233 = tpu.memref_squeeze %dma_wait3A_232 : memref<1x10240x32xbf16, #tpu.memory_space<hbm>> -> memref<10240x32xbf16, #tpu.memory_space<hbm>>
        %dma_wait3A_234 = arith.constant 0 : i32
        %dma_wait3A_235 = arith.constant 0 : i32
        %dma_wait3A_236 = tpu.memref_slice %dma_wait3A_233[%dma_wait3A_234, %dma_wait3A_235] : memref<10240x32xbf16, #tpu.memory_space<hbm>> -> memref<10240x32xbf16, #tpu.memory_space<hbm>>
        tpu.wait_indirect_dma semaphore(%arg21 : memref<!tpu.dma_semaphore, #tpu.memory_space<semaphore_mem>>) src(%dma_wait3A_236 : memref<10240x32xbf16, #tpu.memory_space<hbm>>) dst(%arg11 : memref<128x32xbf16, #tpu.memory_space<vmem>>)
        %dma_start3A_237 = arith.constant 0 : i32
        %dma_start3A_238 = tpu.memref_slice %arg7[%rem3A_150, %add3A_226, %dma_start3A_237] : memref<2x32x128xi32, #tpu.memory_space<vmem>> -> memref<1x1x128xi32, #tpu.memory_space<vmem>>
        %dma_start3A_239 = tpu.memref_squeeze %dma_start3A_238 : memref<1x1x128xi32, #tpu.memory_space<vmem>> -> memref<128xi32, #tpu.memory_space<vmem>>
        %dma_start3A_240 = arith.constant 0 : i32
        %dma_start3A_241 = arith.constant 0 : i32
        %dma_start3A_242 = tpu.memref_slice %arg16[%dma_start3A_240, %dma_start3A_241] : memref<10240x32xbf16, #tpu.memory_space<vmem_shared>> -> memref<10240x32xbf16, #tpu.memory_space<vmem_shared>>
        tpu.enqueue_indirect_dma source(%arg11 : memref<128x32xbf16, #tpu.memory_space<vmem>>) target(%dma_start3A_242 : memref<10240x32xbf16, #tpu.memory_space<vmem_shared>>) offsets(%dma_start3A_239 : memref<128xi32, #tpu.memory_space<vmem>>) semaphore(%arg29 : memref<!tpu.dma_semaphore, #tpu.memory_space<semaphore_mem>>) {add = true}
        %mul3A_243 = arith.constant 8 : i32
        %mul3A_244 = arith.muli %mul3A_243, %scan3A_162 : i32
        %add3A_245 = arith.constant 4 : i32
        %add3A_246 = arith.addi %mul3A_244, %add3A_245 : i32
        %dma_wait3A_247 = arith.constant 0 : i32
        %dma_wait3A_248 = tpu.memref_slice %arg6[%rem3A_150, %add3A_246, %dma_wait3A_247] : memref<2x32x128xi32, #tpu.memory_space<vmem>> -> memref<1x1x128xi32, #tpu.memory_space<vmem>>
        %dma_wait3A_249 = tpu.memref_squeeze %dma_wait3A_248 : memref<1x1x128xi32, #tpu.memory_space<vmem>> -> memref<128xi32, #tpu.memory_space<vmem>>
        %dma_wait3A_250 = arith.constant 0 : i32
        %dma_wait3A_251 = arith.constant 0 : i32
        %dma_wait3A_252 = tpu.memref_slice %arg2[%arg0, %dma_wait3A_250, %dma_wait3A_251] : memref<2x10240x32xbf16, #tpu.memory_space<hbm>> -> memref<1x10240x32xbf16, #tpu.memory_space<hbm>>
        %dma_wait3A_253 = tpu.memref_squeeze %dma_wait3A_252 : memref<1x10240x32xbf16, #tpu.memory_space<hbm>> -> memref<10240x32xbf16, #tpu.memory_space<hbm>>
        %dma_wait3A_254 = arith.constant 0 : i32
        %dma_wait3A_255 = arith.constant 0 : i32
        %dma_wait3A_256 = tpu.memref_slice %dma_wait3A_253[%dma_wait3A_254, %dma_wait3A_255] : memref<10240x32xbf16, #tpu.memory_space<hbm>> -> memref<10240x32xbf16, #tpu.memory_space<hbm>>
        tpu.wait_indirect_dma semaphore(%arg22 : memref<!tpu.dma_semaphore, #tpu.memory_space<semaphore_mem>>) src(%dma_wait3A_256 : memref<10240x32xbf16, #tpu.memory_space<hbm>>) dst(%arg12 : memref<128x32xbf16, #tpu.memory_space<vmem>>)
        %dma_start3A_257 = arith.constant 0 : i32
        %dma_start3A_258 = tpu.memref_slice %arg7[%rem3A_150, %add3A_246, %dma_start3A_257] : memref<2x32x128xi32, #tpu.memory_space<vmem>> -> memref<1x1x128xi32, #tpu.memory_space<vmem>>
        %dma_start3A_259 = tpu.memref_squeeze %dma_start3A_258 : memref<1x1x128xi32, #tpu.memory_space<vmem>> -> memref<128xi32, #tpu.memory_space<vmem>>
        %dma_start3A_260 = arith.constant 0 : i32
        %dma_start3A_261 = arith.constant 0 : i32
        %dma_start3A_262 = tpu.memref_slice %arg16[%dma_start3A_260, %dma_start3A_261] : memref<10240x32xbf16, #tpu.memory_space<vmem_shared>> -> memref<10240x32xbf16, #tpu.memory_space<vmem_shared>>
        tpu.enqueue_indirect_dma source(%arg12 : memref<128x32xbf16, #tpu.memory_space<vmem>>) target(%dma_start3A_262 : memref<10240x32xbf16, #tpu.memory_space<vmem_shared>>) offsets(%dma_start3A_259 : memref<128xi32, #tpu.memory_space<vmem>>) semaphore(%arg30 : memref<!tpu.dma_semaphore, #tpu.memory_space<semaphore_mem>>) {add = true}
        %mul3A_263 = arith.constant 8 : i32
        %mul3A_264 = arith.muli %mul3A_263, %scan3A_162 : i32
        %add3A_265 = arith.constant 5 : i32
        %add3A_266 = arith.addi %mul3A_264, %add3A_265 : i32
        %dma_wait3A_267 = arith.constant 0 : i32
        %dma_wait3A_268 = tpu.memref_slice %arg6[%rem3A_150, %add3A_266, %dma_wait3A_267] : memref<2x32x128xi32, #tpu.memory_space<vmem>> -> memref<1x1x128xi32, #tpu.memory_space<vmem>>
        %dma_wait3A_269 = tpu.memref_squeeze %dma_wait3A_268 : memref<1x1x128xi32, #tpu.memory_space<vmem>> -> memref<128xi32, #tpu.memory_space<vmem>>
        %dma_wait3A_270 = arith.constant 0 : i32
        %dma_wait3A_271 = arith.constant 0 : i32
        %dma_wait3A_272 = tpu.memref_slice %arg2[%arg0, %dma_wait3A_270, %dma_wait3A_271] : memref<2x10240x32xbf16, #tpu.memory_space<hbm>> -> memref<1x10240x32xbf16, #tpu.memory_space<hbm>>
        %dma_wait3A_273 = tpu.memref_squeeze %dma_wait3A_272 : memref<1x10240x32xbf16, #tpu.memory_space<hbm>> -> memref<10240x32xbf16, #tpu.memory_space<hbm>>
        %dma_wait3A_274 = arith.constant 0 : i32
        %dma_wait3A_275 = arith.constant 0 : i32
        %dma_wait3A_276 = tpu.memref_slice %dma_wait3A_273[%dma_wait3A_274, %dma_wait3A_275] : memref<10240x32xbf16, #tpu.memory_space<hbm>> -> memref<10240x32xbf16, #tpu.memory_space<hbm>>
        tpu.wait_indirect_dma semaphore(%arg23 : memref<!tpu.dma_semaphore, #tpu.memory_space<semaphore_mem>>) src(%dma_wait3A_276 : memref<10240x32xbf16, #tpu.memory_space<hbm>>) dst(%arg13 : memref<128x32xbf16, #tpu.memory_space<vmem>>)
        %dma_start3A_277 = arith.constant 0 : i32
        %dma_start3A_278 = tpu.memref_slice %arg7[%rem3A_150, %add3A_266, %dma_start3A_277] : memref<2x32x128xi32, #tpu.memory_space<vmem>> -> memref<1x1x128xi32, #tpu.memory_space<vmem>>
        %dma_start3A_279 = tpu.memref_squeeze %dma_start3A_278 : memref<1x1x128xi32, #tpu.memory_space<vmem>> -> memref<128xi32, #tpu.memory_space<vmem>>
        %dma_start3A_280 = arith.constant 0 : i32
        %dma_start3A_281 = arith.constant 0 : i32
        %dma_start3A_282 = tpu.memref_slice %arg16[%dma_start3A_280, %dma_start3A_281] : memref<10240x32xbf16, #tpu.memory_space<vmem_shared>> -> memref<10240x32xbf16, #tpu.memory_space<vmem_shared>>
        tpu.enqueue_indirect_dma source(%arg13 : memref<128x32xbf16, #tpu.memory_space<vmem>>) target(%dma_start3A_282 : memref<10240x32xbf16, #tpu.memory_space<vmem_shared>>) offsets(%dma_start3A_279 : memref<128xi32, #tpu.memory_space<vmem>>) semaphore(%arg31 : memref<!tpu.dma_semaphore, #tpu.memory_space<semaphore_mem>>) {add = true}
        %mul3A_283 = arith.constant 8 : i32
        %mul3A_284 = arith.muli %mul3A_283, %scan3A_162 : i32
        %add3A_285 = arith.constant 6 : i32
        %add3A_286 = arith.addi %mul3A_284, %add3A_285 : i32
        %dma_wait3A_287 = arith.constant 0 : i32
        %dma_wait3A_288 = tpu.memref_slice %arg6[%rem3A_150, %add3A_286, %dma_wait3A_287] : memref<2x32x128xi32, #tpu.memory_space<vmem>> -> memref<1x1x128xi32, #tpu.memory_space<vmem>>
        %dma_wait3A_289 = tpu.memref_squeeze %dma_wait3A_288 : memref<1x1x128xi32, #tpu.memory_space<vmem>> -> memref<128xi32, #tpu.memory_space<vmem>>
        %dma_wait3A_290 = arith.constant 0 : i32
        %dma_wait3A_291 = arith.constant 0 : i32
        %dma_wait3A_292 = tpu.memref_slice %arg2[%arg0, %dma_wait3A_290, %dma_wait3A_291] : memref<2x10240x32xbf16, #tpu.memory_space<hbm>> -> memref<1x10240x32xbf16, #tpu.memory_space<hbm>>
        %dma_wait3A_293 = tpu.memref_squeeze %dma_wait3A_292 : memref<1x10240x32xbf16, #tpu.memory_space<hbm>> -> memref<10240x32xbf16, #tpu.memory_space<hbm>>
        %dma_wait3A_294 = arith.constant 0 : i32
        %dma_wait3A_295 = arith.constant 0 : i32
        %dma_wait3A_296 = tpu.memref_slice %dma_wait3A_293[%dma_wait3A_294, %dma_wait3A_295] : memref<10240x32xbf16, #tpu.memory_space<hbm>> -> memref<10240x32xbf16, #tpu.memory_space<hbm>>
        tpu.wait_indirect_dma semaphore(%arg24 : memref<!tpu.dma_semaphore, #tpu.memory_space<semaphore_mem>>) src(%dma_wait3A_296 : memref<10240x32xbf16, #tpu.memory_space<hbm>>) dst(%arg14 : memref<128x32xbf16, #tpu.memory_space<vmem>>)
        %dma_start3A_297 = arith.constant 0 : i32
        %dma_start3A_298 = tpu.memref_slice %arg7[%rem3A_150, %add3A_286, %dma_start3A_297] : memref<2x32x128xi32, #tpu.memory_space<vmem>> -> memref<1x1x128xi32, #tpu.memory_space<vmem>>
        %dma_start3A_299 = tpu.memref_squeeze %dma_start3A_298 : memref<1x1x128xi32, #tpu.memory_space<vmem>> -> memref<128xi32, #tpu.memory_space<vmem>>
        %dma_start3A_300 = arith.constant 0 : i32
        %dma_start3A_301 = arith.constant 0 : i32
        %dma_start3A_302 = tpu.memref_slice %arg16[%dma_start3A_300, %dma_start3A_301] : memref<10240x32xbf16, #tpu.memory_space<vmem_shared>> -> memref<10240x32xbf16, #tpu.memory_space<vmem_shared>>
        tpu.enqueue_indirect_dma source(%arg14 : memref<128x32xbf16, #tpu.memory_space<vmem>>) target(%dma_start3A_302 : memref<10240x32xbf16, #tpu.memory_space<vmem_shared>>) offsets(%dma_start3A_299 : memref<128xi32, #tpu.memory_space<vmem>>) semaphore(%arg32 : memref<!tpu.dma_semaphore, #tpu.memory_space<semaphore_mem>>) {add = true}
        %mul3A_303 = arith.constant 8 : i32
        %mul3A_304 = arith.muli %mul3A_303, %scan3A_162 : i32
        %add3A_305 = arith.constant 7 : i32
        %add3A_306 = arith.addi %mul3A_304, %add3A_305 : i32
        %dma_wait3A_307 = arith.constant 0 : i32
        %dma_wait3A_308 = tpu.memref_slice %arg6[%rem3A_150, %add3A_306, %dma_wait3A_307] : memref<2x32x128xi32, #tpu.memory_space<vmem>> -> memref<1x1x128xi32, #tpu.memory_space<vmem>>
        %dma_wait3A_309 = tpu.memref_squeeze %dma_wait3A_308 : memref<1x1x128xi32, #tpu.memory_space<vmem>> -> memref<128xi32, #tpu.memory_space<vmem>>
        %dma_wait3A_310 = arith.constant 0 : i32
        %dma_wait3A_311 = arith.constant 0 : i32
        %dma_wait3A_312 = tpu.memref_slice %arg2[%arg0, %dma_wait3A_310, %dma_wait3A_311] : memref<2x10240x32xbf16, #tpu.memory_space<hbm>> -> memref<1x10240x32xbf16, #tpu.memory_space<hbm>>
        %dma_wait3A_313 = tpu.memref_squeeze %dma_wait3A_312 : memref<1x10240x32xbf16, #tpu.memory_space<hbm>> -> memref<10240x32xbf16, #tpu.memory_space<hbm>>
        %dma_wait3A_314 = arith.constant 0 : i32
        %dma_wait3A_315 = arith.constant 0 : i32
        %dma_wait3A_316 = tpu.memref_slice %dma_wait3A_313[%dma_wait3A_314, %dma_wait3A_315] : memref<10240x32xbf16, #tpu.memory_space<hbm>> -> memref<10240x32xbf16, #tpu.memory_space<hbm>>
        tpu.wait_indirect_dma semaphore(%arg25 : memref<!tpu.dma_semaphore, #tpu.memory_space<semaphore_mem>>) src(%dma_wait3A_316 : memref<10240x32xbf16, #tpu.memory_space<hbm>>) dst(%arg15 : memref<128x32xbf16, #tpu.memory_space<vmem>>)
        %dma_start3A_317 = arith.constant 0 : i32
        %dma_start3A_318 = tpu.memref_slice %arg7[%rem3A_150, %add3A_306, %dma_start3A_317] : memref<2x32x128xi32, #tpu.memory_space<vmem>> -> memref<1x1x128xi32, #tpu.memory_space<vmem>>
        %dma_start3A_319 = tpu.memref_squeeze %dma_start3A_318 : memref<1x1x128xi32, #tpu.memory_space<vmem>> -> memref<128xi32, #tpu.memory_space<vmem>>
        %dma_start3A_320 = arith.constant 0 : i32
        %dma_start3A_321 = arith.constant 0 : i32
        %dma_start3A_322 = tpu.memref_slice %arg16[%dma_start3A_320, %dma_start3A_321] : memref<10240x32xbf16, #tpu.memory_space<vmem_shared>> -> memref<10240x32xbf16, #tpu.memory_space<vmem_shared>>
        tpu.enqueue_indirect_dma source(%arg15 : memref<128x32xbf16, #tpu.memory_space<vmem>>) target(%dma_start3A_322 : memref<10240x32xbf16, #tpu.memory_space<vmem_shared>>) offsets(%dma_start3A_319 : memref<128xi32, #tpu.memory_space<vmem>>) semaphore(%arg33 : memref<!tpu.dma_semaphore, #tpu.memory_space<semaphore_mem>>) {add = true}
        %mul3A_323 = arith.constant 8 : i32
        %mul3A_324 = arith.muli %mul3A_323, %scan3A_162 : i32
        %add3A_325 = arith.constant 0 : i32
        %add3A_326 = arith.addi %mul3A_324, %add3A_325 : i32
        %dma_wait3A_327 = arith.constant 0 : i32
        %dma_wait3A_328 = tpu.memref_slice %arg7[%rem3A_150, %add3A_326, %dma_wait3A_327] : memref<2x32x128xi32, #tpu.memory_space<vmem>> -> memref<1x1x128xi32, #tpu.memory_space<vmem>>
        %dma_wait3A_329 = tpu.memref_squeeze %dma_wait3A_328 : memref<1x1x128xi32, #tpu.memory_space<vmem>> -> memref<128xi32, #tpu.memory_space<vmem>>
        %dma_wait3A_330 = arith.constant 0 : i32
        %dma_wait3A_331 = arith.constant 0 : i32
        %dma_wait3A_332 = tpu.memref_slice %arg16[%dma_wait3A_330, %dma_wait3A_331] : memref<10240x32xbf16, #tpu.memory_space<vmem_shared>> -> memref<10240x32xbf16, #tpu.memory_space<vmem_shared>>
        tpu.wait_indirect_dma semaphore(%arg26 : memref<!tpu.dma_semaphore, #tpu.memory_space<semaphore_mem>>) src(%arg8 : memref<128x32xbf16, #tpu.memory_space<vmem>>) dst(%dma_wait3A_332 : memref<10240x32xbf16, #tpu.memory_space<vmem_shared>>)
        %add3A_333 = arith.constant 8 : i32
        %add3A_334 = arith.addi %add3A_326, %add3A_333 : i32
        %lt3A_335 = arith.constant 32 : i32
        %lt3A_336 = arith.cmpi slt, %add3A_334, %lt3A_335 : i32
        %convert_element_type3A_337 = arith.extui %lt3A_336 : i1 to i32
        %cond3A_338 = arith.constant 0 : i32
        %cond3A_339 = arith.cmpi ne, %convert_element_type3A_337, %cond3A_338 : i32
        scf.if %cond3A_339 {
          %add3A_460 = arith.constant 8 : i32
          %add3A_461 = arith.addi %add3A_326, %add3A_460 : i32
          %dma_start3A_462 = arith.constant 0 : i32
          %dma_start3A_463 = tpu.memref_slice %arg6[%rem3A_150, %add3A_461, %dma_start3A_462] : memref<2x32x128xi32, #tpu.memory_space<vmem>> -> memref<1x1x128xi32, #tpu.memory_space<vmem>>
          %dma_start3A_464 = tpu.memref_squeeze %dma_start3A_463 : memref<1x1x128xi32, #tpu.memory_space<vmem>> -> memref<128xi32, #tpu.memory_space<vmem>>
          %dma_start3A_465 = arith.constant 0 : i32
          %dma_start3A_466 = arith.constant 0 : i32
          %dma_start3A_467 = tpu.memref_slice %arg2[%arg0, %dma_start3A_465, %dma_start3A_466] : memref<2x10240x32xbf16, #tpu.memory_space<hbm>> -> memref<1x10240x32xbf16, #tpu.memory_space<hbm>>
          %dma_start3A_468 = tpu.memref_squeeze %dma_start3A_467 : memref<1x10240x32xbf16, #tpu.memory_space<hbm>> -> memref<10240x32xbf16, #tpu.memory_space<hbm>>
          %dma_start3A_469 = arith.constant 0 : i32
          %dma_start3A_470 = arith.constant 0 : i32
          %dma_start3A_471 = tpu.memref_slice %dma_start3A_468[%dma_start3A_469, %dma_start3A_470] : memref<10240x32xbf16, #tpu.memory_space<hbm>> -> memref<10240x32xbf16, #tpu.memory_space<hbm>>
          tpu.enqueue_indirect_dma source(%dma_start3A_471 : memref<10240x32xbf16, #tpu.memory_space<hbm>>) target(%arg8 : memref<128x32xbf16, #tpu.memory_space<vmem>>) offsets(%dma_start3A_464 : memref<128xi32, #tpu.memory_space<vmem>>) semaphore(%arg18 : memref<!tpu.dma_semaphore, #tpu.memory_space<semaphore_mem>>)
        } else {
        }
        %mul3A_340 = arith.constant 8 : i32
        %mul3A_341 = arith.muli %mul3A_340, %scan3A_162 : i32
        %add3A_342 = arith.constant 1 : i32
        %add3A_343 = arith.addi %mul3A_341, %add3A_342 : i32
        %dma_wait3A_344 = arith.constant 0 : i32
        %dma_wait3A_345 = tpu.memref_slice %arg7[%rem3A_150, %add3A_343, %dma_wait3A_344] : memref<2x32x128xi32, #tpu.memory_space<vmem>> -> memref<1x1x128xi32, #tpu.memory_space<vmem>>
        %dma_wait3A_346 = tpu.memref_squeeze %dma_wait3A_345 : memref<1x1x128xi32, #tpu.memory_space<vmem>> -> memref<128xi32, #tpu.memory_space<vmem>>
        %dma_wait3A_347 = arith.constant 0 : i32
        %dma_wait3A_348 = arith.constant 0 : i32
        %dma_wait3A_349 = tpu.memref_slice %arg16[%dma_wait3A_347, %dma_wait3A_348] : memref<10240x32xbf16, #tpu.memory_space<vmem_shared>> -> memref<10240x32xbf16, #tpu.memory_space<vmem_shared>>
        tpu.wait_indirect_dma semaphore(%arg27 : memref<!tpu.dma_semaphore, #tpu.memory_space<semaphore_mem>>) src(%arg9 : memref<128x32xbf16, #tpu.memory_space<vmem>>) dst(%dma_wait3A_349 : memref<10240x32xbf16, #tpu.memory_space<vmem_shared>>)
        %add3A_350 = arith.constant 8 : i32
        %add3A_351 = arith.addi %add3A_343, %add3A_350 : i32
        %lt3A_352 = arith.constant 32 : i32
        %lt3A_353 = arith.cmpi slt, %add3A_351, %lt3A_352 : i32
        %convert_element_type3A_354 = arith.extui %lt3A_353 : i1 to i32
        %cond3A_355 = arith.constant 0 : i32
        %cond3A_356 = arith.cmpi ne, %convert_element_type3A_354, %cond3A_355 : i32
        scf.if %cond3A_356 {
          %add3A_460 = arith.constant 8 : i32
          %add3A_461 = arith.addi %add3A_343, %add3A_460 : i32
          %dma_start3A_462 = arith.constant 0 : i32
          %dma_start3A_463 = tpu.memref_slice %arg6[%rem3A_150, %add3A_461, %dma_start3A_462] : memref<2x32x128xi32, #tpu.memory_space<vmem>> -> memref<1x1x128xi32, #tpu.memory_space<vmem>>
          %dma_start3A_464 = tpu.memref_squeeze %dma_start3A_463 : memref<1x1x128xi32, #tpu.memory_space<vmem>> -> memref<128xi32, #tpu.memory_space<vmem>>
          %dma_start3A_465 = arith.constant 0 : i32
          %dma_start3A_466 = arith.constant 0 : i32
          %dma_start3A_467 = tpu.memref_slice %arg2[%arg0, %dma_start3A_465, %dma_start3A_466] : memref<2x10240x32xbf16, #tpu.memory_space<hbm>> -> memref<1x10240x32xbf16, #tpu.memory_space<hbm>>
          %dma_start3A_468 = tpu.memref_squeeze %dma_start3A_467 : memref<1x10240x32xbf16, #tpu.memory_space<hbm>> -> memref<10240x32xbf16, #tpu.memory_space<hbm>>
          %dma_start3A_469 = arith.constant 0 : i32
          %dma_start3A_470 = arith.constant 0 : i32
          %dma_start3A_471 = tpu.memref_slice %dma_start3A_468[%dma_start3A_469, %dma_start3A_470] : memref<10240x32xbf16, #tpu.memory_space<hbm>> -> memref<10240x32xbf16, #tpu.memory_space<hbm>>
          tpu.enqueue_indirect_dma source(%dma_start3A_471 : memref<10240x32xbf16, #tpu.memory_space<hbm>>) target(%arg9 : memref<128x32xbf16, #tpu.memory_space<vmem>>) offsets(%dma_start3A_464 : memref<128xi32, #tpu.memory_space<vmem>>) semaphore(%arg19 : memref<!tpu.dma_semaphore, #tpu.memory_space<semaphore_mem>>)
        } else {
        }
        %mul3A_357 = arith.constant 8 : i32
        %mul3A_358 = arith.muli %mul3A_357, %scan3A_162 : i32
        %add3A_359 = arith.constant 2 : i32
        %add3A_360 = arith.addi %mul3A_358, %add3A_359 : i32
        %dma_wait3A_361 = arith.constant 0 : i32
        %dma_wait3A_362 = tpu.memref_slice %arg7[%rem3A_150, %add3A_360, %dma_wait3A_361] : memref<2x32x128xi32, #tpu.memory_space<vmem>> -> memref<1x1x128xi32, #tpu.memory_space<vmem>>
        %dma_wait3A_363 = tpu.memref_squeeze %dma_wait3A_362 : memref<1x1x128xi32, #tpu.memory_space<vmem>> -> memref<128xi32, #tpu.memory_space<vmem>>
        %dma_wait3A_364 = arith.constant 0 : i32
        %dma_wait3A_365 = arith.constant 0 : i32
        %dma_wait3A_366 = tpu.memref_slice %arg16[%dma_wait3A_364, %dma_wait3A_365] : memref<10240x32xbf16, #tpu.memory_space<vmem_shared>> -> memref<10240x32xbf16, #tpu.memory_space<vmem_shared>>
        tpu.wait_indirect_dma semaphore(%arg28 : memref<!tpu.dma_semaphore, #tpu.memory_space<semaphore_mem>>) src(%arg10 : memref<128x32xbf16, #tpu.memory_space<vmem>>) dst(%dma_wait3A_366 : memref<10240x32xbf16, #tpu.memory_space<vmem_shared>>)
        %add3A_367 = arith.constant 8 : i32
        %add3A_368 = arith.addi %add3A_360, %add3A_367 : i32
        %lt3A_369 = arith.constant 32 : i32
        %lt3A_370 = arith.cmpi slt, %add3A_368, %lt3A_369 : i32
        %convert_element_type3A_371 = arith.extui %lt3A_370 : i1 to i32
        %cond3A_372 = arith.constant 0 : i32
        %cond3A_373 = arith.cmpi ne, %convert_element_type3A_371, %cond3A_372 : i32
        scf.if %cond3A_373 {
          %add3A_460 = arith.constant 8 : i32
          %add3A_461 = arith.addi %add3A_360, %add3A_460 : i32
          %dma_start3A_462 = arith.constant 0 : i32
          %dma_start3A_463 = tpu.memref_slice %arg6[%rem3A_150, %add3A_461, %dma_start3A_462] : memref<2x32x128xi32, #tpu.memory_space<vmem>> -> memref<1x1x128xi32, #tpu.memory_space<vmem>>
          %dma_start3A_464 = tpu.memref_squeeze %dma_start3A_463 : memref<1x1x128xi32, #tpu.memory_space<vmem>> -> memref<128xi32, #tpu.memory_space<vmem>>
          %dma_start3A_465 = arith.constant 0 : i32
          %dma_start3A_466 = arith.constant 0 : i32
          %dma_start3A_467 = tpu.memref_slice %arg2[%arg0, %dma_start3A_465, %dma_start3A_466] : memref<2x10240x32xbf16, #tpu.memory_space<hbm>> -> memref<1x10240x32xbf16, #tpu.memory_space<hbm>>
          %dma_start3A_468 = tpu.memref_squeeze %dma_start3A_467 : memref<1x10240x32xbf16, #tpu.memory_space<hbm>> -> memref<10240x32xbf16, #tpu.memory_space<hbm>>
          %dma_start3A_469 = arith.constant 0 : i32
          %dma_start3A_470 = arith.constant 0 : i32
          %dma_start3A_471 = tpu.memref_slice %dma_start3A_468[%dma_start3A_469, %dma_start3A_470] : memref<10240x32xbf16, #tpu.memory_space<hbm>> -> memref<10240x32xbf16, #tpu.memory_space<hbm>>
          tpu.enqueue_indirect_dma source(%dma_start3A_471 : memref<10240x32xbf16, #tpu.memory_space<hbm>>) target(%arg10 : memref<128x32xbf16, #tpu.memory_space<vmem>>) offsets(%dma_start3A_464 : memref<128xi32, #tpu.memory_space<vmem>>) semaphore(%arg20 : memref<!tpu.dma_semaphore, #tpu.memory_space<semaphore_mem>>)
        } else {
        }
        %mul3A_374 = arith.constant 8 : i32
        %mul3A_375 = arith.muli %mul3A_374, %scan3A_162 : i32
        %add3A_376 = arith.constant 3 : i32
        %add3A_377 = arith.addi %mul3A_375, %add3A_376 : i32
        %dma_wait3A_378 = arith.constant 0 : i32
        %dma_wait3A_379 = tpu.memref_slice %arg7[%rem3A_150, %add3A_377, %dma_wait3A_378] : memref<2x32x128xi32, #tpu.memory_space<vmem>> -> memref<1x1x128xi32, #tpu.memory_space<vmem>>
        %dma_wait3A_380 = tpu.memref_squeeze %dma_wait3A_379 : memref<1x1x128xi32, #tpu.memory_space<vmem>> -> memref<128xi32, #tpu.memory_space<vmem>>
        %dma_wait3A_381 = arith.constant 0 : i32
        %dma_wait3A_382 = arith.constant 0 : i32
        %dma_wait3A_383 = tpu.memref_slice %arg16[%dma_wait3A_381, %dma_wait3A_382] : memref<10240x32xbf16, #tpu.memory_space<vmem_shared>> -> memref<10240x32xbf16, #tpu.memory_space<vmem_shared>>
        tpu.wait_indirect_dma semaphore(%arg29 : memref<!tpu.dma_semaphore, #tpu.memory_space<semaphore_mem>>) src(%arg11 : memref<128x32xbf16, #tpu.memory_space<vmem>>) dst(%dma_wait3A_383 : memref<10240x32xbf16, #tpu.memory_space<vmem_shared>>)
        %add3A_384 = arith.constant 8 : i32
        %add3A_385 = arith.addi %add3A_377, %add3A_384 : i32
        %lt3A_386 = arith.constant 32 : i32
        %lt3A_387 = arith.cmpi slt, %add3A_385, %lt3A_386 : i32
        %convert_element_type3A_388 = arith.extui %lt3A_387 : i1 to i32
        %cond3A_389 = arith.constant 0 : i32
        %cond3A_390 = arith.cmpi ne, %convert_element_type3A_388, %cond3A_389 : i32
        scf.if %cond3A_390 {
          %add3A_460 = arith.constant 8 : i32
          %add3A_461 = arith.addi %add3A_377, %add3A_460 : i32
          %dma_start3A_462 = arith.constant 0 : i32
          %dma_start3A_463 = tpu.memref_slice %arg6[%rem3A_150, %add3A_461, %dma_start3A_462] : memref<2x32x128xi32, #tpu.memory_space<vmem>> -> memref<1x1x128xi32, #tpu.memory_space<vmem>>
          %dma_start3A_464 = tpu.memref_squeeze %dma_start3A_463 : memref<1x1x128xi32, #tpu.memory_space<vmem>> -> memref<128xi32, #tpu.memory_space<vmem>>
          %dma_start3A_465 = arith.constant 0 : i32
          %dma_start3A_466 = arith.constant 0 : i32
          %dma_start3A_467 = tpu.memref_slice %arg2[%arg0, %dma_start3A_465, %dma_start3A_466] : memref<2x10240x32xbf16, #tpu.memory_space<hbm>> -> memref<1x10240x32xbf16, #tpu.memory_space<hbm>>
          %dma_start3A_468 = tpu.memref_squeeze %dma_start3A_467 : memref<1x10240x32xbf16, #tpu.memory_space<hbm>> -> memref<10240x32xbf16, #tpu.memory_space<hbm>>
          %dma_start3A_469 = arith.constant 0 : i32
          %dma_start3A_470 = arith.constant 0 : i32
          %dma_start3A_471 = tpu.memref_slice %dma_start3A_468[%dma_start3A_469, %dma_start3A_470] : memref<10240x32xbf16, #tpu.memory_space<hbm>> -> memref<10240x32xbf16, #tpu.memory_space<hbm>>
          tpu.enqueue_indirect_dma source(%dma_start3A_471 : memref<10240x32xbf16, #tpu.memory_space<hbm>>) target(%arg11 : memref<128x32xbf16, #tpu.memory_space<vmem>>) offsets(%dma_start3A_464 : memref<128xi32, #tpu.memory_space<vmem>>) semaphore(%arg21 : memref<!tpu.dma_semaphore, #tpu.memory_space<semaphore_mem>>)
        } else {
        }
        %mul3A_391 = arith.constant 8 : i32
        %mul3A_392 = arith.muli %mul3A_391, %scan3A_162 : i32
        %add3A_393 = arith.constant 4 : i32
        %add3A_394 = arith.addi %mul3A_392, %add3A_393 : i32
        %dma_wait3A_395 = arith.constant 0 : i32
        %dma_wait3A_396 = tpu.memref_slice %arg7[%rem3A_150, %add3A_394, %dma_wait3A_395] : memref<2x32x128xi32, #tpu.memory_space<vmem>> -> memref<1x1x128xi32, #tpu.memory_space<vmem>>
        %dma_wait3A_397 = tpu.memref_squeeze %dma_wait3A_396 : memref<1x1x128xi32, #tpu.memory_space<vmem>> -> memref<128xi32, #tpu.memory_space<vmem>>
        %dma_wait3A_398 = arith.constant 0 : i32
        %dma_wait3A_399 = arith.constant 0 : i32
        %dma_wait3A_400 = tpu.memref_slice %arg16[%dma_wait3A_398, %dma_wait3A_399] : memref<10240x32xbf16, #tpu.memory_space<vmem_shared>> -> memref<10240x32xbf16, #tpu.memory_space<vmem_shared>>
        tpu.wait_indirect_dma semaphore(%arg30 : memref<!tpu.dma_semaphore, #tpu.memory_space<semaphore_mem>>) src(%arg12 : memref<128x32xbf16, #tpu.memory_space<vmem>>) dst(%dma_wait3A_400 : memref<10240x32xbf16, #tpu.memory_space<vmem_shared>>)
        %add3A_401 = arith.constant 8 : i32
        %add3A_402 = arith.addi %add3A_394, %add3A_401 : i32
        %lt3A_403 = arith.constant 32 : i32
        %lt3A_404 = arith.cmpi slt, %add3A_402, %lt3A_403 : i32
        %convert_element_type3A_405 = arith.extui %lt3A_404 : i1 to i32
        %cond3A_406 = arith.constant 0 : i32
        %cond3A_407 = arith.cmpi ne, %convert_element_type3A_405, %cond3A_406 : i32
        scf.if %cond3A_407 {
          %add3A_460 = arith.constant 8 : i32
          %add3A_461 = arith.addi %add3A_394, %add3A_460 : i32
          %dma_start3A_462 = arith.constant 0 : i32
          %dma_start3A_463 = tpu.memref_slice %arg6[%rem3A_150, %add3A_461, %dma_start3A_462] : memref<2x32x128xi32, #tpu.memory_space<vmem>> -> memref<1x1x128xi32, #tpu.memory_space<vmem>>
          %dma_start3A_464 = tpu.memref_squeeze %dma_start3A_463 : memref<1x1x128xi32, #tpu.memory_space<vmem>> -> memref<128xi32, #tpu.memory_space<vmem>>
          %dma_start3A_465 = arith.constant 0 : i32
          %dma_start3A_466 = arith.constant 0 : i32
          %dma_start3A_467 = tpu.memref_slice %arg2[%arg0, %dma_start3A_465, %dma_start3A_466] : memref<2x10240x32xbf16, #tpu.memory_space<hbm>> -> memref<1x10240x32xbf16, #tpu.memory_space<hbm>>
          %dma_start3A_468 = tpu.memref_squeeze %dma_start3A_467 : memref<1x10240x32xbf16, #tpu.memory_space<hbm>> -> memref<10240x32xbf16, #tpu.memory_space<hbm>>
          %dma_start3A_469 = arith.constant 0 : i32
          %dma_start3A_470 = arith.constant 0 : i32
          %dma_start3A_471 = tpu.memref_slice %dma_start3A_468[%dma_start3A_469, %dma_start3A_470] : memref<10240x32xbf16, #tpu.memory_space<hbm>> -> memref<10240x32xbf16, #tpu.memory_space<hbm>>
          tpu.enqueue_indirect_dma source(%dma_start3A_471 : memref<10240x32xbf16, #tpu.memory_space<hbm>>) target(%arg12 : memref<128x32xbf16, #tpu.memory_space<vmem>>) offsets(%dma_start3A_464 : memref<128xi32, #tpu.memory_space<vmem>>) semaphore(%arg22 : memref<!tpu.dma_semaphore, #tpu.memory_space<semaphore_mem>>)
        } else {
        }
        %mul3A_408 = arith.constant 8 : i32
        %mul3A_409 = arith.muli %mul3A_408, %scan3A_162 : i32
        %add3A_410 = arith.constant 5 : i32
        %add3A_411 = arith.addi %mul3A_409, %add3A_410 : i32
        %dma_wait3A_412 = arith.constant 0 : i32
        %dma_wait3A_413 = tpu.memref_slice %arg7[%rem3A_150, %add3A_411, %dma_wait3A_412] : memref<2x32x128xi32, #tpu.memory_space<vmem>> -> memref<1x1x128xi32, #tpu.memory_space<vmem>>
        %dma_wait3A_414 = tpu.memref_squeeze %dma_wait3A_413 : memref<1x1x128xi32, #tpu.memory_space<vmem>> -> memref<128xi32, #tpu.memory_space<vmem>>
        %dma_wait3A_415 = arith.constant 0 : i32
        %dma_wait3A_416 = arith.constant 0 : i32
        %dma_wait3A_417 = tpu.memref_slice %arg16[%dma_wait3A_415, %dma_wait3A_416] : memref<10240x32xbf16, #tpu.memory_space<vmem_shared>> -> memref<10240x32xbf16, #tpu.memory_space<vmem_shared>>
        tpu.wait_indirect_dma semaphore(%arg31 : memref<!tpu.dma_semaphore, #tpu.memory_space<semaphore_mem>>) src(%arg13 : memref<128x32xbf16, #tpu.memory_space<vmem>>) dst(%dma_wait3A_417 : memref<10240x32xbf16, #tpu.memory_space<vmem_shared>>)
        %add3A_418 = arith.constant 8 : i32
        %add3A_419 = arith.addi %add3A_411, %add3A_418 : i32
        %lt3A_420 = arith.constant 32 : i32
        %lt3A_421 = arith.cmpi slt, %add3A_419, %lt3A_420 : i32
        %convert_element_type3A_422 = arith.extui %lt3A_421 : i1 to i32
        %cond3A_423 = arith.constant 0 : i32
        %cond3A_424 = arith.cmpi ne, %convert_element_type3A_422, %cond3A_423 : i32
        scf.if %cond3A_424 {
          %add3A_460 = arith.constant 8 : i32
          %add3A_461 = arith.addi %add3A_411, %add3A_460 : i32
          %dma_start3A_462 = arith.constant 0 : i32
          %dma_start3A_463 = tpu.memref_slice %arg6[%rem3A_150, %add3A_461, %dma_start3A_462] : memref<2x32x128xi32, #tpu.memory_space<vmem>> -> memref<1x1x128xi32, #tpu.memory_space<vmem>>
          %dma_start3A_464 = tpu.memref_squeeze %dma_start3A_463 : memref<1x1x128xi32, #tpu.memory_space<vmem>> -> memref<128xi32, #tpu.memory_space<vmem>>
          %dma_start3A_465 = arith.constant 0 : i32
          %dma_start3A_466 = arith.constant 0 : i32
          %dma_start3A_467 = tpu.memref_slice %arg2[%arg0, %dma_start3A_465, %dma_start3A_466] : memref<2x10240x32xbf16, #tpu.memory_space<hbm>> -> memref<1x10240x32xbf16, #tpu.memory_space<hbm>>
          %dma_start3A_468 = tpu.memref_squeeze %dma_start3A_467 : memref<1x10240x32xbf16, #tpu.memory_space<hbm>> -> memref<10240x32xbf16, #tpu.memory_space<hbm>>
          %dma_start3A_469 = arith.constant 0 : i32
          %dma_start3A_470 = arith.constant 0 : i32
          %dma_start3A_471 = tpu.memref_slice %dma_start3A_468[%dma_start3A_469, %dma_start3A_470] : memref<10240x32xbf16, #tpu.memory_space<hbm>> -> memref<10240x32xbf16, #tpu.memory_space<hbm>>
          tpu.enqueue_indirect_dma source(%dma_start3A_471 : memref<10240x32xbf16, #tpu.memory_space<hbm>>) target(%arg13 : memref<128x32xbf16, #tpu.memory_space<vmem>>) offsets(%dma_start3A_464 : memref<128xi32, #tpu.memory_space<vmem>>) semaphore(%arg23 : memref<!tpu.dma_semaphore, #tpu.memory_space<semaphore_mem>>)
        } else {
        }
        %mul3A_425 = arith.constant 8 : i32
        %mul3A_426 = arith.muli %mul3A_425, %scan3A_162 : i32
        %add3A_427 = arith.constant 6 : i32
        %add3A_428 = arith.addi %mul3A_426, %add3A_427 : i32
        %dma_wait3A_429 = arith.constant 0 : i32
        %dma_wait3A_430 = tpu.memref_slice %arg7[%rem3A_150, %add3A_428, %dma_wait3A_429] : memref<2x32x128xi32, #tpu.memory_space<vmem>> -> memref<1x1x128xi32, #tpu.memory_space<vmem>>
        %dma_wait3A_431 = tpu.memref_squeeze %dma_wait3A_430 : memref<1x1x128xi32, #tpu.memory_space<vmem>> -> memref<128xi32, #tpu.memory_space<vmem>>
        %dma_wait3A_432 = arith.constant 0 : i32
        %dma_wait3A_433 = arith.constant 0 : i32
        %dma_wait3A_434 = tpu.memref_slice %arg16[%dma_wait3A_432, %dma_wait3A_433] : memref<10240x32xbf16, #tpu.memory_space<vmem_shared>> -> memref<10240x32xbf16, #tpu.memory_space<vmem_shared>>
        tpu.wait_indirect_dma semaphore(%arg32 : memref<!tpu.dma_semaphore, #tpu.memory_space<semaphore_mem>>) src(%arg14 : memref<128x32xbf16, #tpu.memory_space<vmem>>) dst(%dma_wait3A_434 : memref<10240x32xbf16, #tpu.memory_space<vmem_shared>>)
        %add3A_435 = arith.constant 8 : i32
        %add3A_436 = arith.addi %add3A_428, %add3A_435 : i32
        %lt3A_437 = arith.constant 32 : i32
        %lt3A_438 = arith.cmpi slt, %add3A_436, %lt3A_437 : i32
        %convert_element_type3A_439 = arith.extui %lt3A_438 : i1 to i32
        %cond3A_440 = arith.constant 0 : i32
        %cond3A_441 = arith.cmpi ne, %convert_element_type3A_439, %cond3A_440 : i32
        scf.if %cond3A_441 {
          %add3A_460 = arith.constant 8 : i32
          %add3A_461 = arith.addi %add3A_428, %add3A_460 : i32
          %dma_start3A_462 = arith.constant 0 : i32
          %dma_start3A_463 = tpu.memref_slice %arg6[%rem3A_150, %add3A_461, %dma_start3A_462] : memref<2x32x128xi32, #tpu.memory_space<vmem>> -> memref<1x1x128xi32, #tpu.memory_space<vmem>>
          %dma_start3A_464 = tpu.memref_squeeze %dma_start3A_463 : memref<1x1x128xi32, #tpu.memory_space<vmem>> -> memref<128xi32, #tpu.memory_space<vmem>>
          %dma_start3A_465 = arith.constant 0 : i32
          %dma_start3A_466 = arith.constant 0 : i32
          %dma_start3A_467 = tpu.memref_slice %arg2[%arg0, %dma_start3A_465, %dma_start3A_466] : memref<2x10240x32xbf16, #tpu.memory_space<hbm>> -> memref<1x10240x32xbf16, #tpu.memory_space<hbm>>
          %dma_start3A_468 = tpu.memref_squeeze %dma_start3A_467 : memref<1x10240x32xbf16, #tpu.memory_space<hbm>> -> memref<10240x32xbf16, #tpu.memory_space<hbm>>
          %dma_start3A_469 = arith.constant 0 : i32
          %dma_start3A_470 = arith.constant 0 : i32
          %dma_start3A_471 = tpu.memref_slice %dma_start3A_468[%dma_start3A_469, %dma_start3A_470] : memref<10240x32xbf16, #tpu.memory_space<hbm>> -> memref<10240x32xbf16, #tpu.memory_space<hbm>>
          tpu.enqueue_indirect_dma source(%dma_start3A_471 : memref<10240x32xbf16, #tpu.memory_space<hbm>>) target(%arg14 : memref<128x32xbf16, #tpu.memory_space<vmem>>) offsets(%dma_start3A_464 : memref<128xi32, #tpu.memory_space<vmem>>) semaphore(%arg24 : memref<!tpu.dma_semaphore, #tpu.memory_space<semaphore_mem>>)
        } else {
        }
        %mul3A_442 = arith.constant 8 : i32
        %mul3A_443 = arith.muli %mul3A_442, %scan3A_162 : i32
        %add3A_444 = arith.constant 7 : i32
        %add3A_445 = arith.addi %mul3A_443, %add3A_444 : i32
        %dma_wait3A_446 = arith.constant 0 : i32
        %dma_wait3A_447 = tpu.memref_slice %arg7[%rem3A_150, %add3A_445, %dma_wait3A_446] : memref<2x32x128xi32, #tpu.memory_space<vmem>> -> memref<1x1x128xi32, #tpu.memory_space<vmem>>
        %dma_wait3A_448 = tpu.memref_squeeze %dma_wait3A_447 : memref<1x1x128xi32, #tpu.memory_space<vmem>> -> memref<128xi32, #tpu.memory_space<vmem>>
        %dma_wait3A_449 = arith.constant 0 : i32
        %dma_wait3A_450 = arith.constant 0 : i32
        %dma_wait3A_451 = tpu.memref_slice %arg16[%dma_wait3A_449, %dma_wait3A_450] : memref<10240x32xbf16, #tpu.memory_space<vmem_shared>> -> memref<10240x32xbf16, #tpu.memory_space<vmem_shared>>
        tpu.wait_indirect_dma semaphore(%arg33 : memref<!tpu.dma_semaphore, #tpu.memory_space<semaphore_mem>>) src(%arg15 : memref<128x32xbf16, #tpu.memory_space<vmem>>) dst(%dma_wait3A_451 : memref<10240x32xbf16, #tpu.memory_space<vmem_shared>>)
        %add3A_452 = arith.constant 8 : i32
        %add3A_453 = arith.addi %add3A_445, %add3A_452 : i32
        %lt3A_454 = arith.constant 32 : i32
        %lt3A_455 = arith.cmpi slt, %add3A_453, %lt3A_454 : i32
        %convert_element_type3A_456 = arith.extui %lt3A_455 : i1 to i32
        %cond3A_457 = arith.constant 0 : i32
        %cond3A_458 = arith.cmpi ne, %convert_element_type3A_456, %cond3A_457 : i32
        scf.if %cond3A_458 {
          %add3A_460 = arith.constant 8 : i32
          %add3A_461 = arith.addi %add3A_445, %add3A_460 : i32
          %dma_start3A_462 = arith.constant 0 : i32
          %dma_start3A_463 = tpu.memref_slice %arg6[%rem3A_150, %add3A_461, %dma_start3A_462] : memref<2x32x128xi32, #tpu.memory_space<vmem>> -> memref<1x1x128xi32, #tpu.memory_space<vmem>>
          %dma_start3A_464 = tpu.memref_squeeze %dma_start3A_463 : memref<1x1x128xi32, #tpu.memory_space<vmem>> -> memref<128xi32, #tpu.memory_space<vmem>>
          %dma_start3A_465 = arith.constant 0 : i32
          %dma_start3A_466 = arith.constant 0 : i32
          %dma_start3A_467 = tpu.memref_slice %arg2[%arg0, %dma_start3A_465, %dma_start3A_466] : memref<2x10240x32xbf16, #tpu.memory_space<hbm>> -> memref<1x10240x32xbf16, #tpu.memory_space<hbm>>
          %dma_start3A_468 = tpu.memref_squeeze %dma_start3A_467 : memref<1x10240x32xbf16, #tpu.memory_space<hbm>> -> memref<10240x32xbf16, #tpu.memory_space<hbm>>
          %dma_start3A_469 = arith.constant 0 : i32
          %dma_start3A_470 = arith.constant 0 : i32
          %dma_start3A_471 = tpu.memref_slice %dma_start3A_468[%dma_start3A_469, %dma_start3A_470] : memref<10240x32xbf16, #tpu.memory_space<hbm>> -> memref<10240x32xbf16, #tpu.memory_space<hbm>>
          tpu.enqueue_indirect_dma source(%dma_start3A_471 : memref<10240x32xbf16, #tpu.memory_space<hbm>>) target(%arg15 : memref<128x32xbf16, #tpu.memory_space<vmem>>) offsets(%dma_start3A_464 : memref<128xi32, #tpu.memory_space<vmem>>) semaphore(%arg25 : memref<!tpu.dma_semaphore, #tpu.memory_space<semaphore_mem>>)
        } else {
        }
        %scan3A_459 = arith.constant 0 : i32
        scf.yield %scan3A_459 : i32
      }
      %scan3A_157 = arith.constant 4 : i32
      %add3A = arith.constant 1 : i32
      %add3A_158 = arith.addi %scan3A_148, %add3A : i32
      %lt3A = arith.constant 5 : i32
      %lt3A_159 = arith.cmpi slt, %add3A_158, %lt3A : i32
      %convert_element_type3A = arith.extui %lt3A_159 : i1 to i32
      %cond3A = arith.constant 0 : i32
      %cond3A_160 = arith.cmpi ne, %convert_element_type3A, %cond3A : i32
      scf.if %cond3A_160 {
        %sub3A = arith.constant 1 : i32
        %sub3A_162 = arith.subi %sub3A, %rem3A_150 : i32
        %add3A_163 = arith.constant 1 : i32
        %add3A_164 = arith.addi %scan3A_148, %add3A_163 : i32
        %dma_wait3A = arith.constant 0 : i32
        %dma_wait3A_165 = arith.constant 0 : i32
        %dma_wait3A_166 = tpu.memref_slice %arg6[%sub3A_162, %dma_wait3A, %dma_wait3A_165] : memref<2x32x128xi32, #tpu.memory_space<vmem>> -> memref<1x32x128xi32, #tpu.memory_space<vmem>>
        %dma_wait3A_167 = tpu.memref_squeeze %dma_wait3A_166 : memref<1x32x128xi32, #tpu.memory_space<vmem>> -> memref<32x128xi32, #tpu.memory_space<vmem>>
        %dma_wait3A_168 = arith.constant 0 : i32
        %dma_wait3A_169 = arith.constant 0 : i32
        %dma_wait3A_170 = tpu.memref_slice %arg3[%arg1, %add3A_164, %dma_wait3A_168, %dma_wait3A_169] : memref<16x5x32x128xi32, #tpu.memory_space<hbm>> -> memref<1x1x32x128xi32, #tpu.memory_space<hbm>>
        %dma_wait3A_171 = tpu.memref_squeeze %dma_wait3A_170 : memref<1x1x32x128xi32, #tpu.memory_space<hbm>> -> memref<32x128xi32, #tpu.memory_space<hbm>>
        %dma_wait3A_172 = arith.constant 0 : i32
        %dma_wait3A_173 = arith.constant 0 : i32
        %dma_wait3A_174 = tpu.memref_slice %arg6[%sub3A_162, %dma_wait3A_172, %dma_wait3A_173] : memref<2x32x128xi32, #tpu.memory_space<vmem>> -> memref<1x32x128xi32, #tpu.memory_space<vmem>>
        %dma_wait3A_175 = tpu.memref_squeeze %dma_wait3A_174 : memref<1x32x128xi32, #tpu.memory_space<vmem>> -> memref<32x128xi32, #tpu.memory_space<vmem>>
        %dma_wait3A_176 = arith.constant 0 : i32
        %dma_wait3A_177 = arith.constant 0 : i32
        %dma_wait3A_178 = tpu.memref_slice %arg3[%arg1, %add3A_164, %dma_wait3A_176, %dma_wait3A_177] : memref<16x5x32x128xi32, #tpu.memory_space<hbm>> -> memref<1x1x32x128xi32, #tpu.memory_space<hbm>>
        %dma_wait3A_179 = tpu.memref_squeeze %dma_wait3A_178 : memref<1x1x32x128xi32, #tpu.memory_space<hbm>> -> memref<32x128xi32, #tpu.memory_space<hbm>>
        tpu.wait_dma2 semaphore(%arg17 : memref<!tpu.dma_semaphore, #tpu.memory_space<semaphore_mem>>) src(%dma_wait3A_179 : memref<32x128xi32, #tpu.memory_space<hbm>>) dst(%dma_wait3A_175 : memref<32x128xi32, #tpu.memory_space<vmem>>)
        %add3A_180 = arith.constant 1 : i32
        %add3A_181 = arith.addi %scan3A_148, %add3A_180 : i32
        %dma_wait3A_182 = arith.constant 0 : i32
        %dma_wait3A_183 = arith.constant 0 : i32
        %dma_wait3A_184 = tpu.memref_slice %arg7[%sub3A_162, %dma_wait3A_182, %dma_wait3A_183] : memref<2x32x128xi32, #tpu.memory_space<vmem>> -> memref<1x32x128xi32, #tpu.memory_space<vmem>>
        %dma_wait3A_185 = tpu.memref_squeeze %dma_wait3A_184 : memref<1x32x128xi32, #tpu.memory_space<vmem>> -> memref<32x128xi32, #tpu.memory_space<vmem>>
        %dma_wait3A_186 = arith.constant 0 : i32
        %dma_wait3A_187 = arith.constant 0 : i32
        %dma_wait3A_188 = tpu.memref_slice %arg4[%arg1, %add3A_181, %dma_wait3A_186, %dma_wait3A_187] : memref<16x5x32x128xi32, #tpu.memory_space<hbm>> -> memref<1x1x32x128xi32, #tpu.memory_space<hbm>>
        %dma_wait3A_189 = tpu.memref_squeeze %dma_wait3A_188 : memref<1x1x32x128xi32, #tpu.memory_space<hbm>> -> memref<32x128xi32, #tpu.memory_space<hbm>>
        %dma_wait3A_190 = arith.constant 0 : i32
        %dma_wait3A_191 = arith.constant 0 : i32
        %dma_wait3A_192 = tpu.memref_slice %arg7[%sub3A_162, %dma_wait3A_190, %dma_wait3A_191] : memref<2x32x128xi32, #tpu.memory_space<vmem>> -> memref<1x32x128xi32, #tpu.memory_space<vmem>>
        %dma_wait3A_193 = tpu.memref_squeeze %dma_wait3A_192 : memref<1x32x128xi32, #tpu.memory_space<vmem>> -> memref<32x128xi32, #tpu.memory_space<vmem>>
        %dma_wait3A_194 = arith.constant 0 : i32
        %dma_wait3A_195 = arith.constant 0 : i32
        %dma_wait3A_196 = tpu.memref_slice %arg4[%arg1, %add3A_181, %dma_wait3A_194, %dma_wait3A_195] : memref<16x5x32x128xi32, #tpu.memory_space<hbm>> -> memref<1x1x32x128xi32, #tpu.memory_space<hbm>>
        %dma_wait3A_197 = tpu.memref_squeeze %dma_wait3A_196 : memref<1x1x32x128xi32, #tpu.memory_space<hbm>> -> memref<32x128xi32, #tpu.memory_space<hbm>>
        tpu.wait_dma2 semaphore(%arg17 : memref<!tpu.dma_semaphore, #tpu.memory_space<semaphore_mem>>) src(%dma_wait3A_197 : memref<32x128xi32, #tpu.memory_space<hbm>>) dst(%dma_wait3A_193 : memref<32x128xi32, #tpu.memory_space<vmem>>)
        %dma_start3A_198 = arith.constant 0 : i32
        %dma_start3A_199 = arith.constant 0 : i32
        %dma_start3A_200 = tpu.memref_slice %arg6[%sub3A_162, %dma_start3A_198, %dma_start3A_199] : memref<2x32x128xi32, #tpu.memory_space<vmem>> -> memref<1x1x128xi32, #tpu.memory_space<vmem>>
        %dma_start3A_201 = tpu.memref_squeeze %dma_start3A_200 : memref<1x1x128xi32, #tpu.memory_space<vmem>> -> memref<128xi32, #tpu.memory_space<vmem>>
        %dma_start3A_202 = arith.constant 0 : i32
        %dma_start3A_203 = arith.constant 0 : i32
        %dma_start3A_204 = tpu.memref_slice %arg2[%arg0, %dma_start3A_202, %dma_start3A_203] : memref<2x10240x32xbf16, #tpu.memory_space<hbm>> -> memref<1x10240x32xbf16, #tpu.memory_space<hbm>>
        %dma_start3A_205 = tpu.memref_squeeze %dma_start3A_204 : memref<1x10240x32xbf16, #tpu.memory_space<hbm>> -> memref<10240x32xbf16, #tpu.memory_space<hbm>>
        %dma_start3A_206 = arith.constant 0 : i32
        %dma_start3A_207 = arith.constant 0 : i32
        %dma_start3A_208 = tpu.memref_slice %dma_start3A_205[%dma_start3A_206, %dma_start3A_207] : memref<10240x32xbf16, #tpu.memory_space<hbm>> -> memref<10240x32xbf16, #tpu.memory_space<hbm>>
        tpu.enqueue_indirect_dma source(%dma_start3A_208 : memref<10240x32xbf16, #tpu.memory_space<hbm>>) target(%arg8 : memref<128x32xbf16, #tpu.memory_space<vmem>>) offsets(%dma_start3A_201 : memref<128xi32, #tpu.memory_space<vmem>>) semaphore(%arg18 : memref<!tpu.dma_semaphore, #tpu.memory_space<semaphore_mem>>)
        %dma_start3A_209 = arith.constant 1 : i32
        %dma_start3A_210 = arith.constant 0 : i32
        %dma_start3A_211 = tpu.memref_slice %arg6[%sub3A_162, %dma_start3A_209, %dma_start3A_210] : memref<2x32x128xi32, #tpu.memory_space<vmem>> -> memref<1x1x128xi32, #tpu.memory_space<vmem>>
        %dma_start3A_212 = tpu.memref_squeeze %dma_start3A_211 : memref<1x1x128xi32, #tpu.memory_space<vmem>> -> memref<128xi32, #tpu.memory_space<vmem>>
        %dma_start3A_213 = arith.constant 0 : i32
        %dma_start3A_214 = arith.constant 0 : i32
        %dma_start3A_215 = tpu.memref_slice %arg2[%arg0, %dma_start3A_213, %dma_start3A_214] : memref<2x10240x32xbf16, #tpu.memory_space<hbm>> -> memref<1x10240x32xbf16, #tpu.memory_space<hbm>>
        %dma_start3A_216 = tpu.memref_squeeze %dma_start3A_215 : memref<1x10240x32xbf16, #tpu.memory_space<hbm>> -> memref<10240x32xbf16, #tpu.memory_space<hbm>>
        %dma_start3A_217 = arith.constant 0 : i32
        %dma_start3A_218 = arith.constant 0 : i32
        %dma_start3A_219 = tpu.memref_slice %dma_start3A_216[%dma_start3A_217, %dma_start3A_218] : memref<10240x32xbf16, #tpu.memory_space<hbm>> -> memref<10240x32xbf16, #tpu.memory_space<hbm>>
        tpu.enqueue_indirect_dma source(%dma_start3A_219 : memref<10240x32xbf16, #tpu.memory_space<hbm>>) target(%arg9 : memref<128x32xbf16, #tpu.memory_space<vmem>>) offsets(%dma_start3A_212 : memref<128xi32, #tpu.memory_space<vmem>>) semaphore(%arg19 : memref<!tpu.dma_semaphore, #tpu.memory_space<semaphore_mem>>)
        %dma_start3A_220 = arith.constant 2 : i32
        %dma_start3A_221 = arith.constant 0 : i32
        %dma_start3A_222 = tpu.memref_slice %arg6[%sub3A_162, %dma_start3A_220, %dma_start3A_221] : memref<2x32x128xi32, #tpu.memory_space<vmem>> -> memref<1x1x128xi32, #tpu.memory_space<vmem>>
        %dma_start3A_223 = tpu.memref_squeeze %dma_start3A_222 : memref<1x1x128xi32, #tpu.memory_space<vmem>> -> memref<128xi32, #tpu.memory_space<vmem>>
        %dma_start3A_224 = arith.constant 0 : i32
        %dma_start3A_225 = arith.constant 0 : i32
        %dma_start3A_226 = tpu.memref_slice %arg2[%arg0, %dma_start3A_224, %dma_start3A_225] : memref<2x10240x32xbf16, #tpu.memory_space<hbm>> -> memref<1x10240x32xbf16, #tpu.memory_space<hbm>>
        %dma_start3A_227 = tpu.memref_squeeze %dma_start3A_226 : memref<1x10240x32xbf16, #tpu.memory_space<hbm>> -> memref<10240x32xbf16, #tpu.memory_space<hbm>>
        %dma_start3A_228 = arith.constant 0 : i32
        %dma_start3A_229 = arith.constant 0 : i32
        %dma_start3A_230 = tpu.memref_slice %dma_start3A_227[%dma_start3A_228, %dma_start3A_229] : memref<10240x32xbf16, #tpu.memory_space<hbm>> -> memref<10240x32xbf16, #tpu.memory_space<hbm>>
        tpu.enqueue_indirect_dma source(%dma_start3A_230 : memref<10240x32xbf16, #tpu.memory_space<hbm>>) target(%arg10 : memref<128x32xbf16, #tpu.memory_space<vmem>>) offsets(%dma_start3A_223 : memref<128xi32, #tpu.memory_space<vmem>>) semaphore(%arg20 : memref<!tpu.dma_semaphore, #tpu.memory_space<semaphore_mem>>)
        %dma_start3A_231 = arith.constant 3 : i32
        %dma_start3A_232 = arith.constant 0 : i32
        %dma_start3A_233 = tpu.memref_slice %arg6[%sub3A_162, %dma_start3A_231, %dma_start3A_232] : memref<2x32x128xi32, #tpu.memory_space<vmem>> -> memref<1x1x128xi32, #tpu.memory_space<vmem>>
        %dma_start3A_234 = tpu.memref_squeeze %dma_start3A_233 : memref<1x1x128xi32, #tpu.memory_space<vmem>> -> memref<128xi32, #tpu.memory_space<vmem>>
        %dma_start3A_235 = arith.constant 0 : i32
        %dma_start3A_236 = arith.constant 0 : i32
        %dma_start3A_237 = tpu.memref_slice %arg2[%arg0, %dma_start3A_235, %dma_start3A_236] : memref<2x10240x32xbf16, #tpu.memory_space<hbm>> -> memref<1x10240x32xbf16, #tpu.memory_space<hbm>>
        %dma_start3A_238 = tpu.memref_squeeze %dma_start3A_237 : memref<1x10240x32xbf16, #tpu.memory_space<hbm>> -> memref<10240x32xbf16, #tpu.memory_space<hbm>>
        %dma_start3A_239 = arith.constant 0 : i32
        %dma_start3A_240 = arith.constant 0 : i32
        %dma_start3A_241 = tpu.memref_slice %dma_start3A_238[%dma_start3A_239, %dma_start3A_240] : memref<10240x32xbf16, #tpu.memory_space<hbm>> -> memref<10240x32xbf16, #tpu.memory_space<hbm>>
        tpu.enqueue_indirect_dma source(%dma_start3A_241 : memref<10240x32xbf16, #tpu.memory_space<hbm>>) target(%arg11 : memref<128x32xbf16, #tpu.memory_space<vmem>>) offsets(%dma_start3A_234 : memref<128xi32, #tpu.memory_space<vmem>>) semaphore(%arg21 : memref<!tpu.dma_semaphore, #tpu.memory_space<semaphore_mem>>)
        %dma_start3A_242 = arith.constant 4 : i32
        %dma_start3A_243 = arith.constant 0 : i32
        %dma_start3A_244 = tpu.memref_slice %arg6[%sub3A_162, %dma_start3A_242, %dma_start3A_243] : memref<2x32x128xi32, #tpu.memory_space<vmem>> -> memref<1x1x128xi32, #tpu.memory_space<vmem>>
        %dma_start3A_245 = tpu.memref_squeeze %dma_start3A_244 : memref<1x1x128xi32, #tpu.memory_space<vmem>> -> memref<128xi32, #tpu.memory_space<vmem>>
        %dma_start3A_246 = arith.constant 0 : i32
        %dma_start3A_247 = arith.constant 0 : i32
        %dma_start3A_248 = tpu.memref_slice %arg2[%arg0, %dma_start3A_246, %dma_start3A_247] : memref<2x10240x32xbf16, #tpu.memory_space<hbm>> -> memref<1x10240x32xbf16, #tpu.memory_space<hbm>>
        %dma_start3A_249 = tpu.memref_squeeze %dma_start3A_248 : memref<1x10240x32xbf16, #tpu.memory_space<hbm>> -> memref<10240x32xbf16, #tpu.memory_space<hbm>>
        %dma_start3A_250 = arith.constant 0 : i32
        %dma_start3A_251 = arith.constant 0 : i32
        %dma_start3A_252 = tpu.memref_slice %dma_start3A_249[%dma_start3A_250, %dma_start3A_251] : memref<10240x32xbf16, #tpu.memory_space<hbm>> -> memref<10240x32xbf16, #tpu.memory_space<hbm>>
        tpu.enqueue_indirect_dma source(%dma_start3A_252 : memref<10240x32xbf16, #tpu.memory_space<hbm>>) target(%arg12 : memref<128x32xbf16, #tpu.memory_space<vmem>>) offsets(%dma_start3A_245 : memref<128xi32, #tpu.memory_space<vmem>>) semaphore(%arg22 : memref<!tpu.dma_semaphore, #tpu.memory_space<semaphore_mem>>)
        %dma_start3A_253 = arith.constant 5 : i32
        %dma_start3A_254 = arith.constant 0 : i32
        %dma_start3A_255 = tpu.memref_slice %arg6[%sub3A_162, %dma_start3A_253, %dma_start3A_254] : memref<2x32x128xi32, #tpu.memory_space<vmem>> -> memref<1x1x128xi32, #tpu.memory_space<vmem>>
        %dma_start3A_256 = tpu.memref_squeeze %dma_start3A_255 : memref<1x1x128xi32, #tpu.memory_space<vmem>> -> memref<128xi32, #tpu.memory_space<vmem>>
        %dma_start3A_257 = arith.constant 0 : i32
        %dma_start3A_258 = arith.constant 0 : i32
        %dma_start3A_259 = tpu.memref_slice %arg2[%arg0, %dma_start3A_257, %dma_start3A_258] : memref<2x10240x32xbf16, #tpu.memory_space<hbm>> -> memref<1x10240x32xbf16, #tpu.memory_space<hbm>>
        %dma_start3A_260 = tpu.memref_squeeze %dma_start3A_259 : memref<1x10240x32xbf16, #tpu.memory_space<hbm>> -> memref<10240x32xbf16, #tpu.memory_space<hbm>>
        %dma_start3A_261 = arith.constant 0 : i32
        %dma_start3A_262 = arith.constant 0 : i32
        %dma_start3A_263 = tpu.memref_slice %dma_start3A_260[%dma_start3A_261, %dma_start3A_262] : memref<10240x32xbf16, #tpu.memory_space<hbm>> -> memref<10240x32xbf16, #tpu.memory_space<hbm>>
        tpu.enqueue_indirect_dma source(%dma_start3A_263 : memref<10240x32xbf16, #tpu.memory_space<hbm>>) target(%arg13 : memref<128x32xbf16, #tpu.memory_space<vmem>>) offsets(%dma_start3A_256 : memref<128xi32, #tpu.memory_space<vmem>>) semaphore(%arg23 : memref<!tpu.dma_semaphore, #tpu.memory_space<semaphore_mem>>)
        %dma_start3A_264 = arith.constant 6 : i32
        %dma_start3A_265 = arith.constant 0 : i32
        %dma_start3A_266 = tpu.memref_slice %arg6[%sub3A_162, %dma_start3A_264, %dma_start3A_265] : memref<2x32x128xi32, #tpu.memory_space<vmem>> -> memref<1x1x128xi32, #tpu.memory_space<vmem>>
        %dma_start3A_267 = tpu.memref_squeeze %dma_start3A_266 : memref<1x1x128xi32, #tpu.memory_space<vmem>> -> memref<128xi32, #tpu.memory_space<vmem>>
        %dma_start3A_268 = arith.constant 0 : i32
        %dma_start3A_269 = arith.constant 0 : i32
        %dma_start3A_270 = tpu.memref_slice %arg2[%arg0, %dma_start3A_268, %dma_start3A_269] : memref<2x10240x32xbf16, #tpu.memory_space<hbm>> -> memref<1x10240x32xbf16, #tpu.memory_space<hbm>>
        %dma_start3A_271 = tpu.memref_squeeze %dma_start3A_270 : memref<1x10240x32xbf16, #tpu.memory_space<hbm>> -> memref<10240x32xbf16, #tpu.memory_space<hbm>>
        %dma_start3A_272 = arith.constant 0 : i32
        %dma_start3A_273 = arith.constant 0 : i32
        %dma_start3A_274 = tpu.memref_slice %dma_start3A_271[%dma_start3A_272, %dma_start3A_273] : memref<10240x32xbf16, #tpu.memory_space<hbm>> -> memref<10240x32xbf16, #tpu.memory_space<hbm>>
        tpu.enqueue_indirect_dma source(%dma_start3A_274 : memref<10240x32xbf16, #tpu.memory_space<hbm>>) target(%arg14 : memref<128x32xbf16, #tpu.memory_space<vmem>>) offsets(%dma_start3A_267 : memref<128xi32, #tpu.memory_space<vmem>>) semaphore(%arg24 : memref<!tpu.dma_semaphore, #tpu.memory_space<semaphore_mem>>)
        %dma_start3A_275 = arith.constant 7 : i32
        %dma_start3A_276 = arith.constant 0 : i32
        %dma_start3A_277 = tpu.memref_slice %arg6[%sub3A_162, %dma_start3A_275, %dma_start3A_276] : memref<2x32x128xi32, #tpu.memory_space<vmem>> -> memref<1x1x128xi32, #tpu.memory_space<vmem>>
        %dma_start3A_278 = tpu.memref_squeeze %dma_start3A_277 : memref<1x1x128xi32, #tpu.memory_space<vmem>> -> memref<128xi32, #tpu.memory_space<vmem>>
        %dma_start3A_279 = arith.constant 0 : i32
        %dma_start3A_280 = arith.constant 0 : i32
        %dma_start3A_281 = tpu.memref_slice %arg2[%arg0, %dma_start3A_279, %dma_start3A_280] : memref<2x10240x32xbf16, #tpu.memory_space<hbm>> -> memref<1x10240x32xbf16, #tpu.memory_space<hbm>>
        %dma_start3A_282 = tpu.memref_squeeze %dma_start3A_281 : memref<1x10240x32xbf16, #tpu.memory_space<hbm>> -> memref<10240x32xbf16, #tpu.memory_space<hbm>>
        %dma_start3A_283 = arith.constant 0 : i32
        %dma_start3A_284 = arith.constant 0 : i32
        %dma_start3A_285 = tpu.memref_slice %dma_start3A_282[%dma_start3A_283, %dma_start3A_284] : memref<10240x32xbf16, #tpu.memory_space<hbm>> -> memref<10240x32xbf16, #tpu.memory_space<hbm>>
        tpu.enqueue_indirect_dma source(%dma_start3A_285 : memref<10240x32xbf16, #tpu.memory_space<hbm>>) target(%arg15 : memref<128x32xbf16, #tpu.memory_space<vmem>>) offsets(%dma_start3A_278 : memref<128xi32, #tpu.memory_space<vmem>>) semaphore(%arg25 : memref<!tpu.dma_semaphore, #tpu.memory_space<semaphore_mem>>)
        %add3A_286 = arith.constant 2 : i32
        %add3A_287 = arith.addi %scan3A_148, %add3A_286 : i32
        %lt3A_288 = arith.constant 5 : i32
        %lt3A_289 = arith.cmpi slt, %add3A_287, %lt3A_288 : i32
        %convert_element_type3A_290 = arith.extui %lt3A_289 : i1 to i32
        %cond3A_291 = arith.constant 0 : i32
        %cond3A_292 = arith.cmpi ne, %convert_element_type3A_290, %cond3A_291 : i32
        scf.if %cond3A_292 {
          %add3A_293 = arith.constant 2 : i32
          %add3A_294 = arith.addi %scan3A_148, %add3A_293 : i32
          %dma_start3A_295 = arith.constant 0 : i32
          %dma_start3A_296 = arith.constant 0 : i32
          %dma_start3A_297 = tpu.memref_slice %arg6[%rem3A_150, %dma_start3A_295, %dma_start3A_296] : memref<2x32x128xi32, #tpu.memory_space<vmem>> -> memref<1x32x128xi32, #tpu.memory_space<vmem>>
          %dma_start3A_298 = tpu.memref_squeeze %dma_start3A_297 : memref<1x32x128xi32, #tpu.memory_space<vmem>> -> memref<32x128xi32, #tpu.memory_space<vmem>>
          %dma_start3A_299 = arith.constant 0 : i32
          %dma_start3A_300 = arith.constant 0 : i32
          %dma_start3A_301 = tpu.memref_slice %arg3[%arg1, %add3A_294, %dma_start3A_299, %dma_start3A_300] : memref<16x5x32x128xi32, #tpu.memory_space<hbm>> -> memref<1x1x32x128xi32, #tpu.memory_space<hbm>>
          %dma_start3A_302 = tpu.memref_squeeze %dma_start3A_301 : memref<1x1x32x128xi32, #tpu.memory_space<hbm>> -> memref<32x128xi32, #tpu.memory_space<hbm>>
          %dma_start3A_303 = arith.constant 0 : i32
          %dma_start3A_304 = arith.constant 0 : i32
          %dma_start3A_305 = tpu.memref_slice %arg6[%rem3A_150, %dma_start3A_303, %dma_start3A_304] : memref<2x32x128xi32, #tpu.memory_space<vmem>> -> memref<1x32x128xi32, #tpu.memory_space<vmem>>
          %dma_start3A_306 = tpu.memref_squeeze %dma_start3A_305 : memref<1x32x128xi32, #tpu.memory_space<vmem>> -> memref<32x128xi32, #tpu.memory_space<vmem>>
          %dma_start3A_307 = arith.constant 0 : i32
          %dma_start3A_308 = arith.constant 0 : i32
          %dma_start3A_309 = tpu.memref_slice %arg3[%arg1, %add3A_294, %dma_start3A_307, %dma_start3A_308] : memref<16x5x32x128xi32, #tpu.memory_space<hbm>> -> memref<1x1x32x128xi32, #tpu.memory_space<hbm>>
          %dma_start3A_310 = tpu.memref_squeeze %dma_start3A_309 : memref<1x1x32x128xi32, #tpu.memory_space<hbm>> -> memref<32x128xi32, #tpu.memory_space<hbm>>
          tpu.enqueue_dma source(%dma_start3A_310 : memref<32x128xi32, #tpu.memory_space<hbm>>) target(%dma_start3A_306 : memref<32x128xi32, #tpu.memory_space<vmem>>) target_semaphore(%arg17 : memref<!tpu.dma_semaphore, #tpu.memory_space<semaphore_mem>>)
          %add3A_311 = arith.constant 2 : i32
          %add3A_312 = arith.addi %scan3A_148, %add3A_311 : i32
          %dma_start3A_313 = arith.constant 0 : i32
          %dma_start3A_314 = arith.constant 0 : i32
          %dma_start3A_315 = tpu.memref_slice %arg7[%rem3A_150, %dma_start3A_313, %dma_start3A_314] : memref<2x32x128xi32, #tpu.memory_space<vmem>> -> memref<1x32x128xi32, #tpu.memory_space<vmem>>
          %dma_start3A_316 = tpu.memref_squeeze %dma_start3A_315 : memref<1x32x128xi32, #tpu.memory_space<vmem>> -> memref<32x128xi32, #tpu.memory_space<vmem>>
          %dma_start3A_317 = arith.constant 0 : i32
          %dma_start3A_318 = arith.constant 0 : i32
          %dma_start3A_319 = tpu.memref_slice %arg4[%arg1, %add3A_312, %dma_start3A_317, %dma_start3A_318] : memref<16x5x32x128xi32, #tpu.memory_space<hbm>> -> memref<1x1x32x128xi32, #tpu.memory_space<hbm>>
          %dma_start3A_320 = tpu.memref_squeeze %dma_start3A_319 : memref<1x1x32x128xi32, #tpu.memory_space<hbm>> -> memref<32x128xi32, #tpu.memory_space<hbm>>
          %dma_start3A_321 = arith.constant 0 : i32
          %dma_start3A_322 = arith.constant 0 : i32
          %dma_start3A_323 = tpu.memref_slice %arg7[%rem3A_150, %dma_start3A_321, %dma_start3A_322] : memref<2x32x128xi32, #tpu.memory_space<vmem>> -> memref<1x32x128xi32, #tpu.memory_space<vmem>>
          %dma_start3A_324 = tpu.memref_squeeze %dma_start3A_323 : memref<1x32x128xi32, #tpu.memory_space<vmem>> -> memref<32x128xi32, #tpu.memory_space<vmem>>
          %dma_start3A_325 = arith.constant 0 : i32
          %dma_start3A_326 = arith.constant 0 : i32
          %dma_start3A_327 = tpu.memref_slice %arg4[%arg1, %add3A_312, %dma_start3A_325, %dma_start3A_326] : memref<16x5x32x128xi32, #tpu.memory_space<hbm>> -> memref<1x1x32x128xi32, #tpu.memory_space<hbm>>
          %dma_start3A_328 = tpu.memref_squeeze %dma_start3A_327 : memref<1x1x32x128xi32, #tpu.memory_space<hbm>> -> memref<32x128xi32, #tpu.memory_space<hbm>>
          tpu.enqueue_dma source(%dma_start3A_328 : memref<32x128xi32, #tpu.memory_space<hbm>>) target(%dma_start3A_324 : memref<32x128xi32, #tpu.memory_space<vmem>>) target_semaphore(%arg17 : memref<!tpu.dma_semaphore, #tpu.memory_space<semaphore_mem>>)
        } else {
        }
      } else {
      }
      %scan3A_161 = arith.constant 0 : i32
      scf.yield %scan3A_161 : i32
    }
    %scan3A_142 = arith.constant 5 : i32
    %barrier3A_143 = arith.constant 0 : index
    tpu.barrier barrier_id(%barrier3A_143)
    %mul3A_144 = arith.constant 640 : i32
    %mul3A_145 = arith.muli %arg1, %mul3A_144 : i32
    %mul3A_146 = arith.constant 640 : i32
    %mul3A_147 = arith.muli %arg1, %mul3A_146 : i32
    "tpu.region"() ({
      %run_scoped3A_148 = tpu.sem_alloc : memref<!tpu.dma_semaphore, #tpu.memory_space<semaphore_mem>>
      %dma_start3A_149 = arith.constant 0 : i32
      %dma_start3A_150 = tpu.memref_slice %arg5[%arg0, %mul3A_147, %dma_start3A_149] : memref<2x10240x32xbf16, #tpu.memory_space<hbm>> -> memref<1x640x32xbf16, #tpu.memory_space<hbm>>
      %dma_start3A_151 = tpu.memref_squeeze %dma_start3A_150 : memref<1x640x32xbf16, #tpu.memory_space<hbm>> -> memref<640x32xbf16, #tpu.memory_space<hbm>>
      %dma_start3A_152 = arith.constant 0 : i32
      %dma_start3A_153 = tpu.memref_slice %arg16[%mul3A_145, %dma_start3A_152] : memref<10240x32xbf16, #tpu.memory_space<vmem_shared>> -> memref<640x32xbf16, #tpu.memory_space<vmem_shared>>
      tpu.enqueue_dma source(%dma_start3A_153 : memref<640x32xbf16, #tpu.memory_space<vmem_shared>>) target(%dma_start3A_151 : memref<640x32xbf16, #tpu.memory_space<hbm>>) target_semaphore(%run_scoped3A_148 : memref<!tpu.dma_semaphore, #tpu.memory_space<semaphore_mem>>)
      %dma_wait3A = arith.constant 0 : i32
      %dma_wait3A_154 = tpu.memref_slice %arg5[%arg0, %mul3A_147, %dma_wait3A] : memref<2x10240x32xbf16, #tpu.memory_space<hbm>> -> memref<1x640x32xbf16, #tpu.memory_space<hbm>>
      %dma_wait3A_155 = tpu.memref_squeeze %dma_wait3A_154 : memref<1x640x32xbf16, #tpu.memory_space<hbm>> -> memref<640x32xbf16, #tpu.memory_space<hbm>>
      %dma_wait3A_156 = arith.constant 0 : i32
      %dma_wait3A_157 = tpu.memref_slice %arg16[%mul3A_145, %dma_wait3A_156] : memref<10240x32xbf16, #tpu.memory_space<vmem_shared>> -> memref<640x32xbf16, #tpu.memory_space<vmem_shared>>
      tpu.wait_dma2 semaphore(%run_scoped3A_148 : memref<!tpu.dma_semaphore, #tpu.memory_space<semaphore_mem>>) src(%dma_wait3A_157 : memref<640x32xbf16, #tpu.memory_space<vmem_shared>>) dst(%dma_wait3A_155 : memref<640x32xbf16, #tpu.memory_space<hbm>>)
      tpu.yield
    }) : () -> ()
    return
  }
}

#map = affine_map<(d0, d1) -> (0, 0, 0)>
#map1 = affine_map<(d0, d1) -> (0, 0, 0, 0)>
module attributes {stable_mosaic.version = 14 : i64} {
  func.func @agg(%arg0: i32, %arg1: i32, %arg2: memref<2x10240x128xbf16, #tpu.memory_space<hbm>>, %arg3: memref<16x5x32x128xi32, #tpu.memory_space<hbm>>, %arg4: memref<16x5x32x128xi32, #tpu.memory_space<hbm>>, %arg5: memref<2x10240x128xbf16, #tpu.memory_space<hbm>>, %arg6: memref<2x32x128xi32, #tpu.memory_space<vmem>>, %arg7: memref<2x32x128xi32, #tpu.memory_space<vmem>>, %arg8: memref<128x128xbf16, #tpu.memory_space<vmem>>, %arg9: memref<128x128xbf16, #tpu.memory_space<vmem>>, %arg10: memref<128x128xbf16, #tpu.memory_space<vmem>>, %arg11: memref<128x128xbf16, #tpu.memory_space<vmem>>, %arg12: memref<128x128xbf16, #tpu.memory_space<vmem>>, %arg13: memref<128x128xbf16, #tpu.memory_space<vmem>>, %arg14: memref<128x128xbf16, #tpu.memory_space<vmem>>, %arg15: memref<128x128xbf16, #tpu.memory_space<vmem>>, %arg16: memref<10240x128xbf16, #tpu.memory_space<vmem_shared>>, %arg17: memref<!tpu.dma_semaphore, #tpu.memory_space<semaphore_mem>>, %arg18: memref<!tpu.dma_semaphore, #tpu.memory_space<semaphore_mem>>, %arg19: memref<!tpu.dma_semaphore, #tpu.memory_space<semaphore_mem>>, %arg20: memref<!tpu.dma_semaphore, #tpu.memory_space<semaphore_mem>>, %arg21: memref<!tpu.dma_semaphore, #tpu.memory_space<semaphore_mem>>, %arg22: memref<!tpu.dma_semaphore, #tpu.memory_space<semaphore_mem>>, %arg23: memref<!tpu.dma_semaphore, #tpu.memory_space<semaphore_mem>>, %arg24: memref<!tpu.dma_semaphore, #tpu.memory_space<semaphore_mem>>, %arg25: memref<!tpu.dma_semaphore, #tpu.memory_space<semaphore_mem>>, %arg26: memref<!tpu.dma_semaphore, #tpu.memory_space<semaphore_mem>>, %arg27: memref<!tpu.dma_semaphore, #tpu.memory_space<semaphore_mem>>, %arg28: memref<!tpu.dma_semaphore, #tpu.memory_space<semaphore_mem>>, %arg29: memref<!tpu.dma_semaphore, #tpu.memory_space<semaphore_mem>>, %arg30: memref<!tpu.dma_semaphore, #tpu.memory_space<semaphore_mem>>, %arg31: memref<!tpu.dma_semaphore, #tpu.memory_space<semaphore_mem>>, %arg32: memref<!tpu.dma_semaphore, #tpu.memory_space<semaphore_mem>>, %arg33: memref<!tpu.dma_semaphore, #tpu.memory_space<semaphore_mem>>) attributes {dimension_semantics = [#tpu.dimension_semantics<core_parallel>, #tpu.dimension_semantics<subcore_parallel>], iteration_bounds = array<i64: 2, 16>, scalar_prefetch = 0 : i64, scratch_operands = 28 : i64, tpu.core_type = #tpu.core_type<sc_vector_subcore>, window_params = [{transform_indices = #map}, {transform_indices = #map1}, {transform_indices = #map1}, {transform_indices = #map}]} {
    %run_scoped3A = arith.constant 0 : i32
    %run_scoped3A_0 = arith.constant 0 : i32
    "tpu.region"() ({
      %run_scoped3A_148 = tpu.sem_alloc : memref<!tpu.dma_semaphore, #tpu.memory_space<semaphore_mem>>
      %dma_start3A_149 = arith.constant 0 : i32
      %dma_start3A_150 = arith.constant 0 : i32
      %dma_start3A_151 = tpu.memref_slice %arg6[%run_scoped3A_0, %dma_start3A_149, %dma_start3A_150] : memref<2x32x128xi32, #tpu.memory_space<vmem>> -> memref<1x32x128xi32, #tpu.memory_space<vmem>>
      %dma_start3A_152 = tpu.memref_squeeze %dma_start3A_151 : memref<1x32x128xi32, #tpu.memory_space<vmem>> -> memref<32x128xi32, #tpu.memory_space<vmem>>
      %dma_start3A_153 = arith.constant 0 : i32
      %dma_start3A_154 = arith.constant 0 : i32
      %dma_start3A_155 = tpu.memref_slice %arg3[%arg1, %run_scoped3A, %dma_start3A_153, %dma_start3A_154] : memref<16x5x32x128xi32, #tpu.memory_space<hbm>> -> memref<1x1x32x128xi32, #tpu.memory_space<hbm>>
      %dma_start3A_156 = tpu.memref_squeeze %dma_start3A_155 : memref<1x1x32x128xi32, #tpu.memory_space<hbm>> -> memref<32x128xi32, #tpu.memory_space<hbm>>
      %dma_start3A_157 = arith.constant 0 : i32
      %dma_start3A_158 = arith.constant 0 : i32
      %dma_start3A_159 = tpu.memref_slice %arg6[%run_scoped3A_0, %dma_start3A_157, %dma_start3A_158] : memref<2x32x128xi32, #tpu.memory_space<vmem>> -> memref<1x32x128xi32, #tpu.memory_space<vmem>>
      %dma_start3A_160 = tpu.memref_squeeze %dma_start3A_159 : memref<1x32x128xi32, #tpu.memory_space<vmem>> -> memref<32x128xi32, #tpu.memory_space<vmem>>
      %dma_start3A_161 = arith.constant 0 : i32
      %dma_start3A_162 = arith.constant 0 : i32
      %dma_start3A_163 = tpu.memref_slice %arg3[%arg1, %run_scoped3A, %dma_start3A_161, %dma_start3A_162] : memref<16x5x32x128xi32, #tpu.memory_space<hbm>> -> memref<1x1x32x128xi32, #tpu.memory_space<hbm>>
      %dma_start3A_164 = tpu.memref_squeeze %dma_start3A_163 : memref<1x1x32x128xi32, #tpu.memory_space<hbm>> -> memref<32x128xi32, #tpu.memory_space<hbm>>
      tpu.enqueue_dma source(%dma_start3A_164 : memref<32x128xi32, #tpu.memory_space<hbm>>) target(%dma_start3A_160 : memref<32x128xi32, #tpu.memory_space<vmem>>) target_semaphore(%run_scoped3A_148 : memref<!tpu.dma_semaphore, #tpu.memory_space<semaphore_mem>>)
      %dma_wait3A = arith.constant 0 : i32
      %dma_wait3A_165 = arith.constant 0 : i32
      %dma_wait3A_166 = tpu.memref_slice %arg6[%run_scoped3A_0, %dma_wait3A, %dma_wait3A_165] : memref<2x32x128xi32, #tpu.memory_space<vmem>> -> memref<1x32x128xi32, #tpu.memory_space<vmem>>
      %dma_wait3A_167 = tpu.memref_squeeze %dma_wait3A_166 : memref<1x32x128xi32, #tpu.memory_space<vmem>> -> memref<32x128xi32, #tpu.memory_space<vmem>>
      %dma_wait3A_168 = arith.constant 0 : i32
      %dma_wait3A_169 = arith.constant 0 : i32
      %dma_wait3A_170 = tpu.memref_slice %arg3[%arg1, %run_scoped3A, %dma_wait3A_168, %dma_wait3A_169] : memref<16x5x32x128xi32, #tpu.memory_space<hbm>> -> memref<1x1x32x128xi32, #tpu.memory_space<hbm>>
      %dma_wait3A_171 = tpu.memref_squeeze %dma_wait3A_170 : memref<1x1x32x128xi32, #tpu.memory_space<hbm>> -> memref<32x128xi32, #tpu.memory_space<hbm>>
      %dma_wait3A_172 = arith.constant 0 : i32
      %dma_wait3A_173 = arith.constant 0 : i32
      %dma_wait3A_174 = tpu.memref_slice %arg6[%run_scoped3A_0, %dma_wait3A_172, %dma_wait3A_173] : memref<2x32x128xi32, #tpu.memory_space<vmem>> -> memref<1x32x128xi32, #tpu.memory_space<vmem>>
      %dma_wait3A_175 = tpu.memref_squeeze %dma_wait3A_174 : memref<1x32x128xi32, #tpu.memory_space<vmem>> -> memref<32x128xi32, #tpu.memory_space<vmem>>
      %dma_wait3A_176 = arith.constant 0 : i32
      %dma_wait3A_177 = arith.constant 0 : i32
      %dma_wait3A_178 = tpu.memref_slice %arg3[%arg1, %run_scoped3A, %dma_wait3A_176, %dma_wait3A_177] : memref<16x5x32x128xi32, #tpu.memory_space<hbm>> -> memref<1x1x32x128xi32, #tpu.memory_space<hbm>>
      %dma_wait3A_179 = tpu.memref_squeeze %dma_wait3A_178 : memref<1x1x32x128xi32, #tpu.memory_space<hbm>> -> memref<32x128xi32, #tpu.memory_space<hbm>>
      tpu.wait_dma2 semaphore(%run_scoped3A_148 : memref<!tpu.dma_semaphore, #tpu.memory_space<semaphore_mem>>) src(%dma_wait3A_179 : memref<32x128xi32, #tpu.memory_space<hbm>>) dst(%dma_wait3A_175 : memref<32x128xi32, #tpu.memory_space<vmem>>)
      tpu.yield
    }) : () -> ()
    %run_scoped3A_1 = arith.constant 0 : i32
    %run_scoped3A_2 = arith.constant 0 : i32
    "tpu.region"() ({
      %run_scoped3A_148 = tpu.sem_alloc : memref<!tpu.dma_semaphore, #tpu.memory_space<semaphore_mem>>
      %dma_start3A_149 = arith.constant 0 : i32
      %dma_start3A_150 = arith.constant 0 : i32
      %dma_start3A_151 = tpu.memref_slice %arg7[%run_scoped3A_2, %dma_start3A_149, %dma_start3A_150] : memref<2x32x128xi32, #tpu.memory_space<vmem>> -> memref<1x32x128xi32, #tpu.memory_space<vmem>>
      %dma_start3A_152 = tpu.memref_squeeze %dma_start3A_151 : memref<1x32x128xi32, #tpu.memory_space<vmem>> -> memref<32x128xi32, #tpu.memory_space<vmem>>
      %dma_start3A_153 = arith.constant 0 : i32
      %dma_start3A_154 = arith.constant 0 : i32
      %dma_start3A_155 = tpu.memref_slice %arg4[%arg1, %run_scoped3A_1, %dma_start3A_153, %dma_start3A_154] : memref<16x5x32x128xi32, #tpu.memory_space<hbm>> -> memref<1x1x32x128xi32, #tpu.memory_space<hbm>>
      %dma_start3A_156 = tpu.memref_squeeze %dma_start3A_155 : memref<1x1x32x128xi32, #tpu.memory_space<hbm>> -> memref<32x128xi32, #tpu.memory_space<hbm>>
      %dma_start3A_157 = arith.constant 0 : i32
      %dma_start3A_158 = arith.constant 0 : i32
      %dma_start3A_159 = tpu.memref_slice %arg7[%run_scoped3A_2, %dma_start3A_157, %dma_start3A_158] : memref<2x32x128xi32, #tpu.memory_space<vmem>> -> memref<1x32x128xi32, #tpu.memory_space<vmem>>
      %dma_start3A_160 = tpu.memref_squeeze %dma_start3A_159 : memref<1x32x128xi32, #tpu.memory_space<vmem>> -> memref<32x128xi32, #tpu.memory_space<vmem>>
      %dma_start3A_161 = arith.constant 0 : i32
      %dma_start3A_162 = arith.constant 0 : i32
      %dma_start3A_163 = tpu.memref_slice %arg4[%arg1, %run_scoped3A_1, %dma_start3A_161, %dma_start3A_162] : memref<16x5x32x128xi32, #tpu.memory_space<hbm>> -> memref<1x1x32x128xi32, #tpu.memory_space<hbm>>
      %dma_start3A_164 = tpu.memref_squeeze %dma_start3A_163 : memref<1x1x32x128xi32, #tpu.memory_space<hbm>> -> memref<32x128xi32, #tpu.memory_space<hbm>>
      tpu.enqueue_dma source(%dma_start3A_164 : memref<32x128xi32, #tpu.memory_space<hbm>>) target(%dma_start3A_160 : memref<32x128xi32, #tpu.memory_space<vmem>>) target_semaphore(%run_scoped3A_148 : memref<!tpu.dma_semaphore, #tpu.memory_space<semaphore_mem>>)
      %dma_wait3A = arith.constant 0 : i32
      %dma_wait3A_165 = arith.constant 0 : i32
      %dma_wait3A_166 = tpu.memref_slice %arg7[%run_scoped3A_2, %dma_wait3A, %dma_wait3A_165] : memref<2x32x128xi32, #tpu.memory_space<vmem>> -> memref<1x32x128xi32, #tpu.memory_space<vmem>>
      %dma_wait3A_167 = tpu.memref_squeeze %dma_wait3A_166 : memref<1x32x128xi32, #tpu.memory_space<vmem>> -> memref<32x128xi32, #tpu.memory_space<vmem>>
      %dma_wait3A_168 = arith.constant 0 : i32
      %dma_wait3A_169 = arith.constant 0 : i32
      %dma_wait3A_170 = tpu.memref_slice %arg4[%arg1, %run_scoped3A_1, %dma_wait3A_168, %dma_wait3A_169] : memref<16x5x32x128xi32, #tpu.memory_space<hbm>> -> memref<1x1x32x128xi32, #tpu.memory_space<hbm>>
      %dma_wait3A_171 = tpu.memref_squeeze %dma_wait3A_170 : memref<1x1x32x128xi32, #tpu.memory_space<hbm>> -> memref<32x128xi32, #tpu.memory_space<hbm>>
      %dma_wait3A_172 = arith.constant 0 : i32
      %dma_wait3A_173 = arith.constant 0 : i32
      %dma_wait3A_174 = tpu.memref_slice %arg7[%run_scoped3A_2, %dma_wait3A_172, %dma_wait3A_173] : memref<2x32x128xi32, #tpu.memory_space<vmem>> -> memref<1x32x128xi32, #tpu.memory_space<vmem>>
      %dma_wait3A_175 = tpu.memref_squeeze %dma_wait3A_174 : memref<1x32x128xi32, #tpu.memory_space<vmem>> -> memref<32x128xi32, #tpu.memory_space<vmem>>
      %dma_wait3A_176 = arith.constant 0 : i32
      %dma_wait3A_177 = arith.constant 0 : i32
      %dma_wait3A_178 = tpu.memref_slice %arg4[%arg1, %run_scoped3A_1, %dma_wait3A_176, %dma_wait3A_177] : memref<16x5x32x128xi32, #tpu.memory_space<hbm>> -> memref<1x1x32x128xi32, #tpu.memory_space<hbm>>
      %dma_wait3A_179 = tpu.memref_squeeze %dma_wait3A_178 : memref<1x1x32x128xi32, #tpu.memory_space<hbm>> -> memref<32x128xi32, #tpu.memory_space<hbm>>
      tpu.wait_dma2 semaphore(%run_scoped3A_148 : memref<!tpu.dma_semaphore, #tpu.memory_space<semaphore_mem>>) src(%dma_wait3A_179 : memref<32x128xi32, #tpu.memory_space<hbm>>) dst(%dma_wait3A_175 : memref<32x128xi32, #tpu.memory_space<vmem>>)
      tpu.yield
    }) : () -> ()
    %mul3A = arith.constant 640 : i32
    %mul3A_3 = arith.muli %arg1, %mul3A : i32
    %mul3A_4 = arith.constant 640 : i32
    %mul3A_5 = arith.muli %arg1, %mul3A_4 : i32
    "tpu.region"() ({
      %run_scoped3A_148 = tpu.sem_alloc : memref<!tpu.dma_semaphore, #tpu.memory_space<semaphore_mem>>
      %dma_start3A_149 = arith.constant 0 : i32
      %dma_start3A_150 = tpu.memref_slice %arg16[%mul3A_5, %dma_start3A_149] : memref<10240x128xbf16, #tpu.memory_space<vmem_shared>> -> memref<640x128xbf16, #tpu.memory_space<vmem_shared>>
      %dma_start3A_151 = arith.constant 0 : i32
      %dma_start3A_152 = arith.constant 0 : i32
      %dma_start3A_153 = tpu.memref_slice %arg2[%arg0, %dma_start3A_151, %dma_start3A_152] : memref<2x10240x128xbf16, #tpu.memory_space<hbm>> -> memref<1x10240x128xbf16, #tpu.memory_space<hbm>>
      %dma_start3A_154 = tpu.memref_squeeze %dma_start3A_153 : memref<1x10240x128xbf16, #tpu.memory_space<hbm>> -> memref<10240x128xbf16, #tpu.memory_space<hbm>>
      %dma_start3A_155 = arith.constant 0 : i32
      %dma_start3A_156 = tpu.memref_slice %dma_start3A_154[%mul3A_3, %dma_start3A_155] : memref<10240x128xbf16, #tpu.memory_space<hbm>> -> memref<640x128xbf16, #tpu.memory_space<hbm>>
      tpu.enqueue_dma source(%dma_start3A_156 : memref<640x128xbf16, #tpu.memory_space<hbm>>) target(%dma_start3A_150 : memref<640x128xbf16, #tpu.memory_space<vmem_shared>>) target_semaphore(%run_scoped3A_148 : memref<!tpu.dma_semaphore, #tpu.memory_space<semaphore_mem>>)
      %dma_wait3A = arith.constant 0 : i32
      %dma_wait3A_157 = tpu.memref_slice %arg16[%mul3A_5, %dma_wait3A] : memref<10240x128xbf16, #tpu.memory_space<vmem_shared>> -> memref<640x128xbf16, #tpu.memory_space<vmem_shared>>
      %dma_wait3A_158 = arith.constant 0 : i32
      %dma_wait3A_159 = arith.constant 0 : i32
      %dma_wait3A_160 = tpu.memref_slice %arg2[%arg0, %dma_wait3A_158, %dma_wait3A_159] : memref<2x10240x128xbf16, #tpu.memory_space<hbm>> -> memref<1x10240x128xbf16, #tpu.memory_space<hbm>>
      %dma_wait3A_161 = tpu.memref_squeeze %dma_wait3A_160 : memref<1x10240x128xbf16, #tpu.memory_space<hbm>> -> memref<10240x128xbf16, #tpu.memory_space<hbm>>
      %dma_wait3A_162 = arith.constant 0 : i32
      %dma_wait3A_163 = tpu.memref_slice %dma_wait3A_161[%mul3A_3, %dma_wait3A_162] : memref<10240x128xbf16, #tpu.memory_space<hbm>> -> memref<640x128xbf16, #tpu.memory_space<hbm>>
      tpu.wait_dma2 semaphore(%run_scoped3A_148 : memref<!tpu.dma_semaphore, #tpu.memory_space<semaphore_mem>>) src(%dma_wait3A_163 : memref<640x128xbf16, #tpu.memory_space<hbm>>) dst(%dma_wait3A_157 : memref<640x128xbf16, #tpu.memory_space<vmem_shared>>)
      tpu.yield
    }) : () -> ()
    %barrier3A = arith.constant 0 : index
    tpu.barrier barrier_id(%barrier3A)
    %dma_start3A = arith.constant 0 : i32
    %dma_start3A_6 = arith.constant 0 : i32
    %dma_start3A_7 = arith.constant 0 : i32
    %dma_start3A_8 = tpu.memref_slice %arg6[%dma_start3A, %dma_start3A_6, %dma_start3A_7] : memref<2x32x128xi32, #tpu.memory_space<vmem>> -> memref<1x1x128xi32, #tpu.memory_space<vmem>>
    %dma_start3A_9 = tpu.memref_squeeze %dma_start3A_8 : memref<1x1x128xi32, #tpu.memory_space<vmem>> -> memref<128xi32, #tpu.memory_space<vmem>>
    %dma_start3A_10 = arith.constant 0 : i32
    %dma_start3A_11 = arith.constant 0 : i32
    %dma_start3A_12 = tpu.memref_slice %arg2[%arg0, %dma_start3A_10, %dma_start3A_11] : memref<2x10240x128xbf16, #tpu.memory_space<hbm>> -> memref<1x10240x128xbf16, #tpu.memory_space<hbm>>
    %dma_start3A_13 = tpu.memref_squeeze %dma_start3A_12 : memref<1x10240x128xbf16, #tpu.memory_space<hbm>> -> memref<10240x128xbf16, #tpu.memory_space<hbm>>
    %dma_start3A_14 = arith.constant 0 : i32
    %dma_start3A_15 = arith.constant 0 : i32
    %dma_start3A_16 = tpu.memref_slice %dma_start3A_13[%dma_start3A_14, %dma_start3A_15] : memref<10240x128xbf16, #tpu.memory_space<hbm>> -> memref<10240x128xbf16, #tpu.memory_space<hbm>>
    tpu.enqueue_indirect_dma source(%dma_start3A_16 : memref<10240x128xbf16, #tpu.memory_space<hbm>>) target(%arg8 : memref<128x128xbf16, #tpu.memory_space<vmem>>) offsets(%dma_start3A_9 : memref<128xi32, #tpu.memory_space<vmem>>) semaphore(%arg18 : memref<!tpu.dma_semaphore, #tpu.memory_space<semaphore_mem>>)
    %dma_start3A_17 = arith.constant 0 : i32
    %dma_start3A_18 = arith.constant 1 : i32
    %dma_start3A_19 = arith.constant 0 : i32
    %dma_start3A_20 = tpu.memref_slice %arg6[%dma_start3A_17, %dma_start3A_18, %dma_start3A_19] : memref<2x32x128xi32, #tpu.memory_space<vmem>> -> memref<1x1x128xi32, #tpu.memory_space<vmem>>
    %dma_start3A_21 = tpu.memref_squeeze %dma_start3A_20 : memref<1x1x128xi32, #tpu.memory_space<vmem>> -> memref<128xi32, #tpu.memory_space<vmem>>
    %dma_start3A_22 = arith.constant 0 : i32
    %dma_start3A_23 = arith.constant 0 : i32
    %dma_start3A_24 = tpu.memref_slice %arg2[%arg0, %dma_start3A_22, %dma_start3A_23] : memref<2x10240x128xbf16, #tpu.memory_space<hbm>> -> memref<1x10240x128xbf16, #tpu.memory_space<hbm>>
    %dma_start3A_25 = tpu.memref_squeeze %dma_start3A_24 : memref<1x10240x128xbf16, #tpu.memory_space<hbm>> -> memref<10240x128xbf16, #tpu.memory_space<hbm>>
    %dma_start3A_26 = arith.constant 0 : i32
    %dma_start3A_27 = arith.constant 0 : i32
    %dma_start3A_28 = tpu.memref_slice %dma_start3A_25[%dma_start3A_26, %dma_start3A_27] : memref<10240x128xbf16, #tpu.memory_space<hbm>> -> memref<10240x128xbf16, #tpu.memory_space<hbm>>
    tpu.enqueue_indirect_dma source(%dma_start3A_28 : memref<10240x128xbf16, #tpu.memory_space<hbm>>) target(%arg9 : memref<128x128xbf16, #tpu.memory_space<vmem>>) offsets(%dma_start3A_21 : memref<128xi32, #tpu.memory_space<vmem>>) semaphore(%arg19 : memref<!tpu.dma_semaphore, #tpu.memory_space<semaphore_mem>>)
    %dma_start3A_29 = arith.constant 0 : i32
    %dma_start3A_30 = arith.constant 2 : i32
    %dma_start3A_31 = arith.constant 0 : i32
    %dma_start3A_32 = tpu.memref_slice %arg6[%dma_start3A_29, %dma_start3A_30, %dma_start3A_31] : memref<2x32x128xi32, #tpu.memory_space<vmem>> -> memref<1x1x128xi32, #tpu.memory_space<vmem>>
    %dma_start3A_33 = tpu.memref_squeeze %dma_start3A_32 : memref<1x1x128xi32, #tpu.memory_space<vmem>> -> memref<128xi32, #tpu.memory_space<vmem>>
    %dma_start3A_34 = arith.constant 0 : i32
    %dma_start3A_35 = arith.constant 0 : i32
    %dma_start3A_36 = tpu.memref_slice %arg2[%arg0, %dma_start3A_34, %dma_start3A_35] : memref<2x10240x128xbf16, #tpu.memory_space<hbm>> -> memref<1x10240x128xbf16, #tpu.memory_space<hbm>>
    %dma_start3A_37 = tpu.memref_squeeze %dma_start3A_36 : memref<1x10240x128xbf16, #tpu.memory_space<hbm>> -> memref<10240x128xbf16, #tpu.memory_space<hbm>>
    %dma_start3A_38 = arith.constant 0 : i32
    %dma_start3A_39 = arith.constant 0 : i32
    %dma_start3A_40 = tpu.memref_slice %dma_start3A_37[%dma_start3A_38, %dma_start3A_39] : memref<10240x128xbf16, #tpu.memory_space<hbm>> -> memref<10240x128xbf16, #tpu.memory_space<hbm>>
    tpu.enqueue_indirect_dma source(%dma_start3A_40 : memref<10240x128xbf16, #tpu.memory_space<hbm>>) target(%arg10 : memref<128x128xbf16, #tpu.memory_space<vmem>>) offsets(%dma_start3A_33 : memref<128xi32, #tpu.memory_space<vmem>>) semaphore(%arg20 : memref<!tpu.dma_semaphore, #tpu.memory_space<semaphore_mem>>)
    %dma_start3A_41 = arith.constant 0 : i32
    %dma_start3A_42 = arith.constant 3 : i32
    %dma_start3A_43 = arith.constant 0 : i32
    %dma_start3A_44 = tpu.memref_slice %arg6[%dma_start3A_41, %dma_start3A_42, %dma_start3A_43] : memref<2x32x128xi32, #tpu.memory_space<vmem>> -> memref<1x1x128xi32, #tpu.memory_space<vmem>>
    %dma_start3A_45 = tpu.memref_squeeze %dma_start3A_44 : memref<1x1x128xi32, #tpu.memory_space<vmem>> -> memref<128xi32, #tpu.memory_space<vmem>>
    %dma_start3A_46 = arith.constant 0 : i32
    %dma_start3A_47 = arith.constant 0 : i32
    %dma_start3A_48 = tpu.memref_slice %arg2[%arg0, %dma_start3A_46, %dma_start3A_47] : memref<2x10240x128xbf16, #tpu.memory_space<hbm>> -> memref<1x10240x128xbf16, #tpu.memory_space<hbm>>
    %dma_start3A_49 = tpu.memref_squeeze %dma_start3A_48 : memref<1x10240x128xbf16, #tpu.memory_space<hbm>> -> memref<10240x128xbf16, #tpu.memory_space<hbm>>
    %dma_start3A_50 = arith.constant 0 : i32
    %dma_start3A_51 = arith.constant 0 : i32
    %dma_start3A_52 = tpu.memref_slice %dma_start3A_49[%dma_start3A_50, %dma_start3A_51] : memref<10240x128xbf16, #tpu.memory_space<hbm>> -> memref<10240x128xbf16, #tpu.memory_space<hbm>>
    tpu.enqueue_indirect_dma source(%dma_start3A_52 : memref<10240x128xbf16, #tpu.memory_space<hbm>>) target(%arg11 : memref<128x128xbf16, #tpu.memory_space<vmem>>) offsets(%dma_start3A_45 : memref<128xi32, #tpu.memory_space<vmem>>) semaphore(%arg21 : memref<!tpu.dma_semaphore, #tpu.memory_space<semaphore_mem>>)
    %dma_start3A_53 = arith.constant 0 : i32
    %dma_start3A_54 = arith.constant 4 : i32
    %dma_start3A_55 = arith.constant 0 : i32
    %dma_start3A_56 = tpu.memref_slice %arg6[%dma_start3A_53, %dma_start3A_54, %dma_start3A_55] : memref<2x32x128xi32, #tpu.memory_space<vmem>> -> memref<1x1x128xi32, #tpu.memory_space<vmem>>
    %dma_start3A_57 = tpu.memref_squeeze %dma_start3A_56 : memref<1x1x128xi32, #tpu.memory_space<vmem>> -> memref<128xi32, #tpu.memory_space<vmem>>
    %dma_start3A_58 = arith.constant 0 : i32
    %dma_start3A_59 = arith.constant 0 : i32
    %dma_start3A_60 = tpu.memref_slice %arg2[%arg0, %dma_start3A_58, %dma_start3A_59] : memref<2x10240x128xbf16, #tpu.memory_space<hbm>> -> memref<1x10240x128xbf16, #tpu.memory_space<hbm>>
    %dma_start3A_61 = tpu.memref_squeeze %dma_start3A_60 : memref<1x10240x128xbf16, #tpu.memory_space<hbm>> -> memref<10240x128xbf16, #tpu.memory_space<hbm>>
    %dma_start3A_62 = arith.constant 0 : i32
    %dma_start3A_63 = arith.constant 0 : i32
    %dma_start3A_64 = tpu.memref_slice %dma_start3A_61[%dma_start3A_62, %dma_start3A_63] : memref<10240x128xbf16, #tpu.memory_space<hbm>> -> memref<10240x128xbf16, #tpu.memory_space<hbm>>
    tpu.enqueue_indirect_dma source(%dma_start3A_64 : memref<10240x128xbf16, #tpu.memory_space<hbm>>) target(%arg12 : memref<128x128xbf16, #tpu.memory_space<vmem>>) offsets(%dma_start3A_57 : memref<128xi32, #tpu.memory_space<vmem>>) semaphore(%arg22 : memref<!tpu.dma_semaphore, #tpu.memory_space<semaphore_mem>>)
    %dma_start3A_65 = arith.constant 0 : i32
    %dma_start3A_66 = arith.constant 5 : i32
    %dma_start3A_67 = arith.constant 0 : i32
    %dma_start3A_68 = tpu.memref_slice %arg6[%dma_start3A_65, %dma_start3A_66, %dma_start3A_67] : memref<2x32x128xi32, #tpu.memory_space<vmem>> -> memref<1x1x128xi32, #tpu.memory_space<vmem>>
    %dma_start3A_69 = tpu.memref_squeeze %dma_start3A_68 : memref<1x1x128xi32, #tpu.memory_space<vmem>> -> memref<128xi32, #tpu.memory_space<vmem>>
    %dma_start3A_70 = arith.constant 0 : i32
    %dma_start3A_71 = arith.constant 0 : i32
    %dma_start3A_72 = tpu.memref_slice %arg2[%arg0, %dma_start3A_70, %dma_start3A_71] : memref<2x10240x128xbf16, #tpu.memory_space<hbm>> -> memref<1x10240x128xbf16, #tpu.memory_space<hbm>>
    %dma_start3A_73 = tpu.memref_squeeze %dma_start3A_72 : memref<1x10240x128xbf16, #tpu.memory_space<hbm>> -> memref<10240x128xbf16, #tpu.memory_space<hbm>>
    %dma_start3A_74 = arith.constant 0 : i32
    %dma_start3A_75 = arith.constant 0 : i32
    %dma_start3A_76 = tpu.memref_slice %dma_start3A_73[%dma_start3A_74, %dma_start3A_75] : memref<10240x128xbf16, #tpu.memory_space<hbm>> -> memref<10240x128xbf16, #tpu.memory_space<hbm>>
    tpu.enqueue_indirect_dma source(%dma_start3A_76 : memref<10240x128xbf16, #tpu.memory_space<hbm>>) target(%arg13 : memref<128x128xbf16, #tpu.memory_space<vmem>>) offsets(%dma_start3A_69 : memref<128xi32, #tpu.memory_space<vmem>>) semaphore(%arg23 : memref<!tpu.dma_semaphore, #tpu.memory_space<semaphore_mem>>)
    %dma_start3A_77 = arith.constant 0 : i32
    %dma_start3A_78 = arith.constant 6 : i32
    %dma_start3A_79 = arith.constant 0 : i32
    %dma_start3A_80 = tpu.memref_slice %arg6[%dma_start3A_77, %dma_start3A_78, %dma_start3A_79] : memref<2x32x128xi32, #tpu.memory_space<vmem>> -> memref<1x1x128xi32, #tpu.memory_space<vmem>>
    %dma_start3A_81 = tpu.memref_squeeze %dma_start3A_80 : memref<1x1x128xi32, #tpu.memory_space<vmem>> -> memref<128xi32, #tpu.memory_space<vmem>>
    %dma_start3A_82 = arith.constant 0 : i32
    %dma_start3A_83 = arith.constant 0 : i32
    %dma_start3A_84 = tpu.memref_slice %arg2[%arg0, %dma_start3A_82, %dma_start3A_83] : memref<2x10240x128xbf16, #tpu.memory_space<hbm>> -> memref<1x10240x128xbf16, #tpu.memory_space<hbm>>
    %dma_start3A_85 = tpu.memref_squeeze %dma_start3A_84 : memref<1x10240x128xbf16, #tpu.memory_space<hbm>> -> memref<10240x128xbf16, #tpu.memory_space<hbm>>
    %dma_start3A_86 = arith.constant 0 : i32
    %dma_start3A_87 = arith.constant 0 : i32
    %dma_start3A_88 = tpu.memref_slice %dma_start3A_85[%dma_start3A_86, %dma_start3A_87] : memref<10240x128xbf16, #tpu.memory_space<hbm>> -> memref<10240x128xbf16, #tpu.memory_space<hbm>>
    tpu.enqueue_indirect_dma source(%dma_start3A_88 : memref<10240x128xbf16, #tpu.memory_space<hbm>>) target(%arg14 : memref<128x128xbf16, #tpu.memory_space<vmem>>) offsets(%dma_start3A_81 : memref<128xi32, #tpu.memory_space<vmem>>) semaphore(%arg24 : memref<!tpu.dma_semaphore, #tpu.memory_space<semaphore_mem>>)
    %dma_start3A_89 = arith.constant 0 : i32
    %dma_start3A_90 = arith.constant 7 : i32
    %dma_start3A_91 = arith.constant 0 : i32
    %dma_start3A_92 = tpu.memref_slice %arg6[%dma_start3A_89, %dma_start3A_90, %dma_start3A_91] : memref<2x32x128xi32, #tpu.memory_space<vmem>> -> memref<1x1x128xi32, #tpu.memory_space<vmem>>
    %dma_start3A_93 = tpu.memref_squeeze %dma_start3A_92 : memref<1x1x128xi32, #tpu.memory_space<vmem>> -> memref<128xi32, #tpu.memory_space<vmem>>
    %dma_start3A_94 = arith.constant 0 : i32
    %dma_start3A_95 = arith.constant 0 : i32
    %dma_start3A_96 = tpu.memref_slice %arg2[%arg0, %dma_start3A_94, %dma_start3A_95] : memref<2x10240x128xbf16, #tpu.memory_space<hbm>> -> memref<1x10240x128xbf16, #tpu.memory_space<hbm>>
    %dma_start3A_97 = tpu.memref_squeeze %dma_start3A_96 : memref<1x10240x128xbf16, #tpu.memory_space<hbm>> -> memref<10240x128xbf16, #tpu.memory_space<hbm>>
    %dma_start3A_98 = arith.constant 0 : i32
    %dma_start3A_99 = arith.constant 0 : i32
    %dma_start3A_100 = tpu.memref_slice %dma_start3A_97[%dma_start3A_98, %dma_start3A_99] : memref<10240x128xbf16, #tpu.memory_space<hbm>> -> memref<10240x128xbf16, #tpu.memory_space<hbm>>
    tpu.enqueue_indirect_dma source(%dma_start3A_100 : memref<10240x128xbf16, #tpu.memory_space<hbm>>) target(%arg15 : memref<128x128xbf16, #tpu.memory_space<vmem>>) offsets(%dma_start3A_93 : memref<128xi32, #tpu.memory_space<vmem>>) semaphore(%arg25 : memref<!tpu.dma_semaphore, #tpu.memory_space<semaphore_mem>>)
    %dma_start3A_101 = arith.constant 1 : i32
    %dma_start3A_102 = arith.constant 1 : i32
    %dma_start3A_103 = arith.constant 0 : i32
    %dma_start3A_104 = arith.constant 0 : i32
    %dma_start3A_105 = tpu.memref_slice %arg6[%dma_start3A_102, %dma_start3A_103, %dma_start3A_104] : memref<2x32x128xi32, #tpu.memory_space<vmem>> -> memref<1x32x128xi32, #tpu.memory_space<vmem>>
    %dma_start3A_106 = tpu.memref_squeeze %dma_start3A_105 : memref<1x32x128xi32, #tpu.memory_space<vmem>> -> memref<32x128xi32, #tpu.memory_space<vmem>>
    %dma_start3A_107 = arith.constant 0 : i32
    %dma_start3A_108 = arith.constant 0 : i32
    %dma_start3A_109 = tpu.memref_slice %arg3[%arg1, %dma_start3A_101, %dma_start3A_107, %dma_start3A_108] : memref<16x5x32x128xi32, #tpu.memory_space<hbm>> -> memref<1x1x32x128xi32, #tpu.memory_space<hbm>>
    %dma_start3A_110 = tpu.memref_squeeze %dma_start3A_109 : memref<1x1x32x128xi32, #tpu.memory_space<hbm>> -> memref<32x128xi32, #tpu.memory_space<hbm>>
    %dma_start3A_111 = arith.constant 0 : i32
    %dma_start3A_112 = arith.constant 0 : i32
    %dma_start3A_113 = tpu.memref_slice %arg6[%dma_start3A_102, %dma_start3A_111, %dma_start3A_112] : memref<2x32x128xi32, #tpu.memory_space<vmem>> -> memref<1x32x128xi32, #tpu.memory_space<vmem>>
    %dma_start3A_114 = tpu.memref_squeeze %dma_start3A_113 : memref<1x32x128xi32, #tpu.memory_space<vmem>> -> memref<32x128xi32, #tpu.memory_space<vmem>>
    %dma_start3A_115 = arith.constant 0 : i32
    %dma_start3A_116 = arith.constant 0 : i32
    %dma_start3A_117 = tpu.memref_slice %arg3[%arg1, %dma_start3A_101, %dma_start3A_115, %dma_start3A_116] : memref<16x5x32x128xi32, #tpu.memory_space<hbm>> -> memref<1x1x32x128xi32, #tpu.memory_space<hbm>>
    %dma_start3A_118 = tpu.memref_squeeze %dma_start3A_117 : memref<1x1x32x128xi32, #tpu.memory_space<hbm>> -> memref<32x128xi32, #tpu.memory_space<hbm>>
    tpu.enqueue_dma source(%dma_start3A_118 : memref<32x128xi32, #tpu.memory_space<hbm>>) target(%dma_start3A_114 : memref<32x128xi32, #tpu.memory_space<vmem>>) target_semaphore(%arg17 : memref<!tpu.dma_semaphore, #tpu.memory_space<semaphore_mem>>)
    %dma_start3A_119 = arith.constant 1 : i32
    %dma_start3A_120 = arith.constant 1 : i32
    %dma_start3A_121 = arith.constant 0 : i32
    %dma_start3A_122 = arith.constant 0 : i32
    %dma_start3A_123 = tpu.memref_slice %arg7[%dma_start3A_120, %dma_start3A_121, %dma_start3A_122] : memref<2x32x128xi32, #tpu.memory_space<vmem>> -> memref<1x32x128xi32, #tpu.memory_space<vmem>>
    %dma_start3A_124 = tpu.memref_squeeze %dma_start3A_123 : memref<1x32x128xi32, #tpu.memory_space<vmem>> -> memref<32x128xi32, #tpu.memory_space<vmem>>
    %dma_start3A_125 = arith.constant 0 : i32
    %dma_start3A_126 = arith.constant 0 : i32
    %dma_start3A_127 = tpu.memref_slice %arg4[%arg1, %dma_start3A_119, %dma_start3A_125, %dma_start3A_126] : memref<16x5x32x128xi32, #tpu.memory_space<hbm>> -> memref<1x1x32x128xi32, #tpu.memory_space<hbm>>
    %dma_start3A_128 = tpu.memref_squeeze %dma_start3A_127 : memref<1x1x32x128xi32, #tpu.memory_space<hbm>> -> memref<32x128xi32, #tpu.memory_space<hbm>>
    %dma_start3A_129 = arith.constant 0 : i32
    %dma_start3A_130 = arith.constant 0 : i32
    %dma_start3A_131 = tpu.memref_slice %arg7[%dma_start3A_120, %dma_start3A_129, %dma_start3A_130] : memref<2x32x128xi32, #tpu.memory_space<vmem>> -> memref<1x32x128xi32, #tpu.memory_space<vmem>>
    %dma_start3A_132 = tpu.memref_squeeze %dma_start3A_131 : memref<1x32x128xi32, #tpu.memory_space<vmem>> -> memref<32x128xi32, #tpu.memory_space<vmem>>
    %dma_start3A_133 = arith.constant 0 : i32
    %dma_start3A_134 = arith.constant 0 : i32
    %dma_start3A_135 = tpu.memref_slice %arg4[%arg1, %dma_start3A_119, %dma_start3A_133, %dma_start3A_134] : memref<16x5x32x128xi32, #tpu.memory_space<hbm>> -> memref<1x1x32x128xi32, #tpu.memory_space<hbm>>
    %dma_start3A_136 = tpu.memref_squeeze %dma_start3A_135 : memref<1x1x32x128xi32, #tpu.memory_space<hbm>> -> memref<32x128xi32, #tpu.memory_space<hbm>>
    tpu.enqueue_dma source(%dma_start3A_136 : memref<32x128xi32, #tpu.memory_space<hbm>>) target(%dma_start3A_132 : memref<32x128xi32, #tpu.memory_space<vmem>>) target_semaphore(%arg17 : memref<!tpu.dma_semaphore, #tpu.memory_space<semaphore_mem>>)
    %scan3A = arith.constant 0 : i32
    %scan3A_137 = arith.constant 0 : i32
    %scan3A_138 = arith.constant 5 : i32
    %scan3A_139 = arith.addi %scan3A_137, %scan3A_138 : i32
    %scan3A_140 = arith.constant 1 : i32
    %scan3A_141 = scf.for %scan3A_148 = %scan3A_137 to %scan3A_139 step %scan3A_140 iter_args(%scan3A_149 = %scan3A) -> (i32)  : i32 {
      %rem3A = arith.constant 2 : i32
      %rem3A_150 = arith.remsi %scan3A_148, %rem3A : i32
      %scan3A_151 = arith.constant 0 : i32
      %scan3A_152 = arith.constant 0 : i32
      %scan3A_153 = arith.constant 4 : i32
      %scan3A_154 = arith.addi %scan3A_152, %scan3A_153 : i32
      %scan3A_155 = arith.constant 1 : i32
      %scan3A_156 = scf.for %scan3A_162 = %scan3A_152 to %scan3A_154 step %scan3A_155 iter_args(%scan3A_163 = %scan3A_151) -> (i32)  : i32 {
        %mul3A_164 = arith.constant 8 : i32
        %mul3A_165 = arith.muli %mul3A_164, %scan3A_162 : i32
        %add3A_166 = arith.constant 0 : i32
        %add3A_167 = arith.addi %mul3A_165, %add3A_166 : i32
        %dma_wait3A = arith.constant 0 : i32
        %dma_wait3A_168 = tpu.memref_slice %arg6[%rem3A_150, %add3A_167, %dma_wait3A] : memref<2x32x128xi32, #tpu.memory_space<vmem>> -> memref<1x1x128xi32, #tpu.memory_space<vmem>>
        %dma_wait3A_169 = tpu.memref_squeeze %dma_wait3A_168 : memref<1x1x128xi32, #tpu.memory_space<vmem>> -> memref<128xi32, #tpu.memory_space<vmem>>
        %dma_wait3A_170 = arith.constant 0 : i32
        %dma_wait3A_171 = arith.constant 0 : i32
        %dma_wait3A_172 = tpu.memref_slice %arg2[%arg0, %dma_wait3A_170, %dma_wait3A_171] : memref<2x10240x128xbf16, #tpu.memory_space<hbm>> -> memref<1x10240x128xbf16, #tpu.memory_space<hbm>>
        %dma_wait3A_173 = tpu.memref_squeeze %dma_wait3A_172 : memref<1x10240x128xbf16, #tpu.memory_space<hbm>> -> memref<10240x128xbf16, #tpu.memory_space<hbm>>
        %dma_wait3A_174 = arith.constant 0 : i32
        %dma_wait3A_175 = arith.constant 0 : i32
        %dma_wait3A_176 = tpu.memref_slice %dma_wait3A_173[%dma_wait3A_174, %dma_wait3A_175] : memref<10240x128xbf16, #tpu.memory_space<hbm>> -> memref<10240x128xbf16, #tpu.memory_space<hbm>>
        tpu.wait_indirect_dma semaphore(%arg18 : memref<!tpu.dma_semaphore, #tpu.memory_space<semaphore_mem>>) src(%dma_wait3A_176 : memref<10240x128xbf16, #tpu.memory_space<hbm>>) dst(%arg8 : memref<128x128xbf16, #tpu.memory_space<vmem>>)
        %dma_start3A_177 = arith.constant 0 : i32
        %dma_start3A_178 = tpu.memref_slice %arg7[%rem3A_150, %add3A_167, %dma_start3A_177] : memref<2x32x128xi32, #tpu.memory_space<vmem>> -> memref<1x1x128xi32, #tpu.memory_space<vmem>>
        %dma_start3A_179 = tpu.memref_squeeze %dma_start3A_178 : memref<1x1x128xi32, #tpu.memory_space<vmem>> -> memref<128xi32, #tpu.memory_space<vmem>>
        %dma_start3A_180 = arith.constant 0 : i32
        %dma_start3A_181 = arith.constant 0 : i32
        %dma_start3A_182 = tpu.memref_slice %arg16[%dma_start3A_180, %dma_start3A_181] : memref<10240x128xbf16, #tpu.memory_space<vmem_shared>> -> memref<10240x128xbf16, #tpu.memory_space<vmem_shared>>
        tpu.enqueue_indirect_dma source(%arg8 : memref<128x128xbf16, #tpu.memory_space<vmem>>) target(%dma_start3A_182 : memref<10240x128xbf16, #tpu.memory_space<vmem_shared>>) offsets(%dma_start3A_179 : memref<128xi32, #tpu.memory_space<vmem>>) semaphore(%arg26 : memref<!tpu.dma_semaphore, #tpu.memory_space<semaphore_mem>>) {add = true}
        %mul3A_183 = arith.constant 8 : i32
        %mul3A_184 = arith.muli %mul3A_183, %scan3A_162 : i32
        %add3A_185 = arith.constant 1 : i32
        %add3A_186 = arith.addi %mul3A_184, %add3A_185 : i32
        %dma_wait3A_187 = arith.constant 0 : i32
        %dma_wait3A_188 = tpu.memref_slice %arg6[%rem3A_150, %add3A_186, %dma_wait3A_187] : memref<2x32x128xi32, #tpu.memory_space<vmem>> -> memref<1x1x128xi32, #tpu.memory_space<vmem>>
        %dma_wait3A_189 = tpu.memref_squeeze %dma_wait3A_188 : memref<1x1x128xi32, #tpu.memory_space<vmem>> -> memref<128xi32, #tpu.memory_space<vmem>>
        %dma_wait3A_190 = arith.constant 0 : i32
        %dma_wait3A_191 = arith.constant 0 : i32
        %dma_wait3A_192 = tpu.memref_slice %arg2[%arg0, %dma_wait3A_190, %dma_wait3A_191] : memref<2x10240x128xbf16, #tpu.memory_space<hbm>> -> memref<1x10240x128xbf16, #tpu.memory_space<hbm>>
        %dma_wait3A_193 = tpu.memref_squeeze %dma_wait3A_192 : memref<1x10240x128xbf16, #tpu.memory_space<hbm>> -> memref<10240x128xbf16, #tpu.memory_space<hbm>>
        %dma_wait3A_194 = arith.constant 0 : i32
        %dma_wait3A_195 = arith.constant 0 : i32
        %dma_wait3A_196 = tpu.memref_slice %dma_wait3A_193[%dma_wait3A_194, %dma_wait3A_195] : memref<10240x128xbf16, #tpu.memory_space<hbm>> -> memref<10240x128xbf16, #tpu.memory_space<hbm>>
        tpu.wait_indirect_dma semaphore(%arg19 : memref<!tpu.dma_semaphore, #tpu.memory_space<semaphore_mem>>) src(%dma_wait3A_196 : memref<10240x128xbf16, #tpu.memory_space<hbm>>) dst(%arg9 : memref<128x128xbf16, #tpu.memory_space<vmem>>)
        %dma_start3A_197 = arith.constant 0 : i32
        %dma_start3A_198 = tpu.memref_slice %arg7[%rem3A_150, %add3A_186, %dma_start3A_197] : memref<2x32x128xi32, #tpu.memory_space<vmem>> -> memref<1x1x128xi32, #tpu.memory_space<vmem>>
        %dma_start3A_199 = tpu.memref_squeeze %dma_start3A_198 : memref<1x1x128xi32, #tpu.memory_space<vmem>> -> memref<128xi32, #tpu.memory_space<vmem>>
        %dma_start3A_200 = arith.constant 0 : i32
        %dma_start3A_201 = arith.constant 0 : i32
        %dma_start3A_202 = tpu.memref_slice %arg16[%dma_start3A_200, %dma_start3A_201] : memref<10240x128xbf16, #tpu.memory_space<vmem_shared>> -> memref<10240x128xbf16, #tpu.memory_space<vmem_shared>>
        tpu.enqueue_indirect_dma source(%arg9 : memref<128x128xbf16, #tpu.memory_space<vmem>>) target(%dma_start3A_202 : memref<10240x128xbf16, #tpu.memory_space<vmem_shared>>) offsets(%dma_start3A_199 : memref<128xi32, #tpu.memory_space<vmem>>) semaphore(%arg27 : memref<!tpu.dma_semaphore, #tpu.memory_space<semaphore_mem>>) {add = true}
        %mul3A_203 = arith.constant 8 : i32
        %mul3A_204 = arith.muli %mul3A_203, %scan3A_162 : i32
        %add3A_205 = arith.constant 2 : i32
        %add3A_206 = arith.addi %mul3A_204, %add3A_205 : i32
        %dma_wait3A_207 = arith.constant 0 : i32
        %dma_wait3A_208 = tpu.memref_slice %arg6[%rem3A_150, %add3A_206, %dma_wait3A_207] : memref<2x32x128xi32, #tpu.memory_space<vmem>> -> memref<1x1x128xi32, #tpu.memory_space<vmem>>
        %dma_wait3A_209 = tpu.memref_squeeze %dma_wait3A_208 : memref<1x1x128xi32, #tpu.memory_space<vmem>> -> memref<128xi32, #tpu.memory_space<vmem>>
        %dma_wait3A_210 = arith.constant 0 : i32
        %dma_wait3A_211 = arith.constant 0 : i32
        %dma_wait3A_212 = tpu.memref_slice %arg2[%arg0, %dma_wait3A_210, %dma_wait3A_211] : memref<2x10240x128xbf16, #tpu.memory_space<hbm>> -> memref<1x10240x128xbf16, #tpu.memory_space<hbm>>
        %dma_wait3A_213 = tpu.memref_squeeze %dma_wait3A_212 : memref<1x10240x128xbf16, #tpu.memory_space<hbm>> -> memref<10240x128xbf16, #tpu.memory_space<hbm>>
        %dma_wait3A_214 = arith.constant 0 : i32
        %dma_wait3A_215 = arith.constant 0 : i32
        %dma_wait3A_216 = tpu.memref_slice %dma_wait3A_213[%dma_wait3A_214, %dma_wait3A_215] : memref<10240x128xbf16, #tpu.memory_space<hbm>> -> memref<10240x128xbf16, #tpu.memory_space<hbm>>
        tpu.wait_indirect_dma semaphore(%arg20 : memref<!tpu.dma_semaphore, #tpu.memory_space<semaphore_mem>>) src(%dma_wait3A_216 : memref<10240x128xbf16, #tpu.memory_space<hbm>>) dst(%arg10 : memref<128x128xbf16, #tpu.memory_space<vmem>>)
        %dma_start3A_217 = arith.constant 0 : i32
        %dma_start3A_218 = tpu.memref_slice %arg7[%rem3A_150, %add3A_206, %dma_start3A_217] : memref<2x32x128xi32, #tpu.memory_space<vmem>> -> memref<1x1x128xi32, #tpu.memory_space<vmem>>
        %dma_start3A_219 = tpu.memref_squeeze %dma_start3A_218 : memref<1x1x128xi32, #tpu.memory_space<vmem>> -> memref<128xi32, #tpu.memory_space<vmem>>
        %dma_start3A_220 = arith.constant 0 : i32
        %dma_start3A_221 = arith.constant 0 : i32
        %dma_start3A_222 = tpu.memref_slice %arg16[%dma_start3A_220, %dma_start3A_221] : memref<10240x128xbf16, #tpu.memory_space<vmem_shared>> -> memref<10240x128xbf16, #tpu.memory_space<vmem_shared>>
        tpu.enqueue_indirect_dma source(%arg10 : memref<128x128xbf16, #tpu.memory_space<vmem>>) target(%dma_start3A_222 : memref<10240x128xbf16, #tpu.memory_space<vmem_shared>>) offsets(%dma_start3A_219 : memref<128xi32, #tpu.memory_space<vmem>>) semaphore(%arg28 : memref<!tpu.dma_semaphore, #tpu.memory_space<semaphore_mem>>) {add = true}
        %mul3A_223 = arith.constant 8 : i32
        %mul3A_224 = arith.muli %mul3A_223, %scan3A_162 : i32
        %add3A_225 = arith.constant 3 : i32
        %add3A_226 = arith.addi %mul3A_224, %add3A_225 : i32
        %dma_wait3A_227 = arith.constant 0 : i32
        %dma_wait3A_228 = tpu.memref_slice %arg6[%rem3A_150, %add3A_226, %dma_wait3A_227] : memref<2x32x128xi32, #tpu.memory_space<vmem>> -> memref<1x1x128xi32, #tpu.memory_space<vmem>>
        %dma_wait3A_229 = tpu.memref_squeeze %dma_wait3A_228 : memref<1x1x128xi32, #tpu.memory_space<vmem>> -> memref<128xi32, #tpu.memory_space<vmem>>
        %dma_wait3A_230 = arith.constant 0 : i32
        %dma_wait3A_231 = arith.constant 0 : i32
        %dma_wait3A_232 = tpu.memref_slice %arg2[%arg0, %dma_wait3A_230, %dma_wait3A_231] : memref<2x10240x128xbf16, #tpu.memory_space<hbm>> -> memref<1x10240x128xbf16, #tpu.memory_space<hbm>>
        %dma_wait3A_233 = tpu.memref_squeeze %dma_wait3A_232 : memref<1x10240x128xbf16, #tpu.memory_space<hbm>> -> memref<10240x128xbf16, #tpu.memory_space<hbm>>
        %dma_wait3A_234 = arith.constant 0 : i32
        %dma_wait3A_235 = arith.constant 0 : i32
        %dma_wait3A_236 = tpu.memref_slice %dma_wait3A_233[%dma_wait3A_234, %dma_wait3A_235] : memref<10240x128xbf16, #tpu.memory_space<hbm>> -> memref<10240x128xbf16, #tpu.memory_space<hbm>>
        tpu.wait_indirect_dma semaphore(%arg21 : memref<!tpu.dma_semaphore, #tpu.memory_space<semaphore_mem>>) src(%dma_wait3A_236 : memref<10240x128xbf16, #tpu.memory_space<hbm>>) dst(%arg11 : memref<128x128xbf16, #tpu.memory_space<vmem>>)
        %dma_start3A_237 = arith.constant 0 : i32
        %dma_start3A_238 = tpu.memref_slice %arg7[%rem3A_150, %add3A_226, %dma_start3A_237] : memref<2x32x128xi32, #tpu.memory_space<vmem>> -> memref<1x1x128xi32, #tpu.memory_space<vmem>>
        %dma_start3A_239 = tpu.memref_squeeze %dma_start3A_238 : memref<1x1x128xi32, #tpu.memory_space<vmem>> -> memref<128xi32, #tpu.memory_space<vmem>>
        %dma_start3A_240 = arith.constant 0 : i32
        %dma_start3A_241 = arith.constant 0 : i32
        %dma_start3A_242 = tpu.memref_slice %arg16[%dma_start3A_240, %dma_start3A_241] : memref<10240x128xbf16, #tpu.memory_space<vmem_shared>> -> memref<10240x128xbf16, #tpu.memory_space<vmem_shared>>
        tpu.enqueue_indirect_dma source(%arg11 : memref<128x128xbf16, #tpu.memory_space<vmem>>) target(%dma_start3A_242 : memref<10240x128xbf16, #tpu.memory_space<vmem_shared>>) offsets(%dma_start3A_239 : memref<128xi32, #tpu.memory_space<vmem>>) semaphore(%arg29 : memref<!tpu.dma_semaphore, #tpu.memory_space<semaphore_mem>>) {add = true}
        %mul3A_243 = arith.constant 8 : i32
        %mul3A_244 = arith.muli %mul3A_243, %scan3A_162 : i32
        %add3A_245 = arith.constant 4 : i32
        %add3A_246 = arith.addi %mul3A_244, %add3A_245 : i32
        %dma_wait3A_247 = arith.constant 0 : i32
        %dma_wait3A_248 = tpu.memref_slice %arg6[%rem3A_150, %add3A_246, %dma_wait3A_247] : memref<2x32x128xi32, #tpu.memory_space<vmem>> -> memref<1x1x128xi32, #tpu.memory_space<vmem>>
        %dma_wait3A_249 = tpu.memref_squeeze %dma_wait3A_248 : memref<1x1x128xi32, #tpu.memory_space<vmem>> -> memref<128xi32, #tpu.memory_space<vmem>>
        %dma_wait3A_250 = arith.constant 0 : i32
        %dma_wait3A_251 = arith.constant 0 : i32
        %dma_wait3A_252 = tpu.memref_slice %arg2[%arg0, %dma_wait3A_250, %dma_wait3A_251] : memref<2x10240x128xbf16, #tpu.memory_space<hbm>> -> memref<1x10240x128xbf16, #tpu.memory_space<hbm>>
        %dma_wait3A_253 = tpu.memref_squeeze %dma_wait3A_252 : memref<1x10240x128xbf16, #tpu.memory_space<hbm>> -> memref<10240x128xbf16, #tpu.memory_space<hbm>>
        %dma_wait3A_254 = arith.constant 0 : i32
        %dma_wait3A_255 = arith.constant 0 : i32
        %dma_wait3A_256 = tpu.memref_slice %dma_wait3A_253[%dma_wait3A_254, %dma_wait3A_255] : memref<10240x128xbf16, #tpu.memory_space<hbm>> -> memref<10240x128xbf16, #tpu.memory_space<hbm>>
        tpu.wait_indirect_dma semaphore(%arg22 : memref<!tpu.dma_semaphore, #tpu.memory_space<semaphore_mem>>) src(%dma_wait3A_256 : memref<10240x128xbf16, #tpu.memory_space<hbm>>) dst(%arg12 : memref<128x128xbf16, #tpu.memory_space<vmem>>)
        %dma_start3A_257 = arith.constant 0 : i32
        %dma_start3A_258 = tpu.memref_slice %arg7[%rem3A_150, %add3A_246, %dma_start3A_257] : memref<2x32x128xi32, #tpu.memory_space<vmem>> -> memref<1x1x128xi32, #tpu.memory_space<vmem>>
        %dma_start3A_259 = tpu.memref_squeeze %dma_start3A_258 : memref<1x1x128xi32, #tpu.memory_space<vmem>> -> memref<128xi32, #tpu.memory_space<vmem>>
        %dma_start3A_260 = arith.constant 0 : i32
        %dma_start3A_261 = arith.constant 0 : i32
        %dma_start3A_262 = tpu.memref_slice %arg16[%dma_start3A_260, %dma_start3A_261] : memref<10240x128xbf16, #tpu.memory_space<vmem_shared>> -> memref<10240x128xbf16, #tpu.memory_space<vmem_shared>>
        tpu.enqueue_indirect_dma source(%arg12 : memref<128x128xbf16, #tpu.memory_space<vmem>>) target(%dma_start3A_262 : memref<10240x128xbf16, #tpu.memory_space<vmem_shared>>) offsets(%dma_start3A_259 : memref<128xi32, #tpu.memory_space<vmem>>) semaphore(%arg30 : memref<!tpu.dma_semaphore, #tpu.memory_space<semaphore_mem>>) {add = true}
        %mul3A_263 = arith.constant 8 : i32
        %mul3A_264 = arith.muli %mul3A_263, %scan3A_162 : i32
        %add3A_265 = arith.constant 5 : i32
        %add3A_266 = arith.addi %mul3A_264, %add3A_265 : i32
        %dma_wait3A_267 = arith.constant 0 : i32
        %dma_wait3A_268 = tpu.memref_slice %arg6[%rem3A_150, %add3A_266, %dma_wait3A_267] : memref<2x32x128xi32, #tpu.memory_space<vmem>> -> memref<1x1x128xi32, #tpu.memory_space<vmem>>
        %dma_wait3A_269 = tpu.memref_squeeze %dma_wait3A_268 : memref<1x1x128xi32, #tpu.memory_space<vmem>> -> memref<128xi32, #tpu.memory_space<vmem>>
        %dma_wait3A_270 = arith.constant 0 : i32
        %dma_wait3A_271 = arith.constant 0 : i32
        %dma_wait3A_272 = tpu.memref_slice %arg2[%arg0, %dma_wait3A_270, %dma_wait3A_271] : memref<2x10240x128xbf16, #tpu.memory_space<hbm>> -> memref<1x10240x128xbf16, #tpu.memory_space<hbm>>
        %dma_wait3A_273 = tpu.memref_squeeze %dma_wait3A_272 : memref<1x10240x128xbf16, #tpu.memory_space<hbm>> -> memref<10240x128xbf16, #tpu.memory_space<hbm>>
        %dma_wait3A_274 = arith.constant 0 : i32
        %dma_wait3A_275 = arith.constant 0 : i32
        %dma_wait3A_276 = tpu.memref_slice %dma_wait3A_273[%dma_wait3A_274, %dma_wait3A_275] : memref<10240x128xbf16, #tpu.memory_space<hbm>> -> memref<10240x128xbf16, #tpu.memory_space<hbm>>
        tpu.wait_indirect_dma semaphore(%arg23 : memref<!tpu.dma_semaphore, #tpu.memory_space<semaphore_mem>>) src(%dma_wait3A_276 : memref<10240x128xbf16, #tpu.memory_space<hbm>>) dst(%arg13 : memref<128x128xbf16, #tpu.memory_space<vmem>>)
        %dma_start3A_277 = arith.constant 0 : i32
        %dma_start3A_278 = tpu.memref_slice %arg7[%rem3A_150, %add3A_266, %dma_start3A_277] : memref<2x32x128xi32, #tpu.memory_space<vmem>> -> memref<1x1x128xi32, #tpu.memory_space<vmem>>
        %dma_start3A_279 = tpu.memref_squeeze %dma_start3A_278 : memref<1x1x128xi32, #tpu.memory_space<vmem>> -> memref<128xi32, #tpu.memory_space<vmem>>
        %dma_start3A_280 = arith.constant 0 : i32
        %dma_start3A_281 = arith.constant 0 : i32
        %dma_start3A_282 = tpu.memref_slice %arg16[%dma_start3A_280, %dma_start3A_281] : memref<10240x128xbf16, #tpu.memory_space<vmem_shared>> -> memref<10240x128xbf16, #tpu.memory_space<vmem_shared>>
        tpu.enqueue_indirect_dma source(%arg13 : memref<128x128xbf16, #tpu.memory_space<vmem>>) target(%dma_start3A_282 : memref<10240x128xbf16, #tpu.memory_space<vmem_shared>>) offsets(%dma_start3A_279 : memref<128xi32, #tpu.memory_space<vmem>>) semaphore(%arg31 : memref<!tpu.dma_semaphore, #tpu.memory_space<semaphore_mem>>) {add = true}
        %mul3A_283 = arith.constant 8 : i32
        %mul3A_284 = arith.muli %mul3A_283, %scan3A_162 : i32
        %add3A_285 = arith.constant 6 : i32
        %add3A_286 = arith.addi %mul3A_284, %add3A_285 : i32
        %dma_wait3A_287 = arith.constant 0 : i32
        %dma_wait3A_288 = tpu.memref_slice %arg6[%rem3A_150, %add3A_286, %dma_wait3A_287] : memref<2x32x128xi32, #tpu.memory_space<vmem>> -> memref<1x1x128xi32, #tpu.memory_space<vmem>>
        %dma_wait3A_289 = tpu.memref_squeeze %dma_wait3A_288 : memref<1x1x128xi32, #tpu.memory_space<vmem>> -> memref<128xi32, #tpu.memory_space<vmem>>
        %dma_wait3A_290 = arith.constant 0 : i32
        %dma_wait3A_291 = arith.constant 0 : i32
        %dma_wait3A_292 = tpu.memref_slice %arg2[%arg0, %dma_wait3A_290, %dma_wait3A_291] : memref<2x10240x128xbf16, #tpu.memory_space<hbm>> -> memref<1x10240x128xbf16, #tpu.memory_space<hbm>>
        %dma_wait3A_293 = tpu.memref_squeeze %dma_wait3A_292 : memref<1x10240x128xbf16, #tpu.memory_space<hbm>> -> memref<10240x128xbf16, #tpu.memory_space<hbm>>
        %dma_wait3A_294 = arith.constant 0 : i32
        %dma_wait3A_295 = arith.constant 0 : i32
        %dma_wait3A_296 = tpu.memref_slice %dma_wait3A_293[%dma_wait3A_294, %dma_wait3A_295] : memref<10240x128xbf16, #tpu.memory_space<hbm>> -> memref<10240x128xbf16, #tpu.memory_space<hbm>>
        tpu.wait_indirect_dma semaphore(%arg24 : memref<!tpu.dma_semaphore, #tpu.memory_space<semaphore_mem>>) src(%dma_wait3A_296 : memref<10240x128xbf16, #tpu.memory_space<hbm>>) dst(%arg14 : memref<128x128xbf16, #tpu.memory_space<vmem>>)
        %dma_start3A_297 = arith.constant 0 : i32
        %dma_start3A_298 = tpu.memref_slice %arg7[%rem3A_150, %add3A_286, %dma_start3A_297] : memref<2x32x128xi32, #tpu.memory_space<vmem>> -> memref<1x1x128xi32, #tpu.memory_space<vmem>>
        %dma_start3A_299 = tpu.memref_squeeze %dma_start3A_298 : memref<1x1x128xi32, #tpu.memory_space<vmem>> -> memref<128xi32, #tpu.memory_space<vmem>>
        %dma_start3A_300 = arith.constant 0 : i32
        %dma_start3A_301 = arith.constant 0 : i32
        %dma_start3A_302 = tpu.memref_slice %arg16[%dma_start3A_300, %dma_start3A_301] : memref<10240x128xbf16, #tpu.memory_space<vmem_shared>> -> memref<10240x128xbf16, #tpu.memory_space<vmem_shared>>
        tpu.enqueue_indirect_dma source(%arg14 : memref<128x128xbf16, #tpu.memory_space<vmem>>) target(%dma_start3A_302 : memref<10240x128xbf16, #tpu.memory_space<vmem_shared>>) offsets(%dma_start3A_299 : memref<128xi32, #tpu.memory_space<vmem>>) semaphore(%arg32 : memref<!tpu.dma_semaphore, #tpu.memory_space<semaphore_mem>>) {add = true}
        %mul3A_303 = arith.constant 8 : i32
        %mul3A_304 = arith.muli %mul3A_303, %scan3A_162 : i32
        %add3A_305 = arith.constant 7 : i32
        %add3A_306 = arith.addi %mul3A_304, %add3A_305 : i32
        %dma_wait3A_307 = arith.constant 0 : i32
        %dma_wait3A_308 = tpu.memref_slice %arg6[%rem3A_150, %add3A_306, %dma_wait3A_307] : memref<2x32x128xi32, #tpu.memory_space<vmem>> -> memref<1x1x128xi32, #tpu.memory_space<vmem>>
        %dma_wait3A_309 = tpu.memref_squeeze %dma_wait3A_308 : memref<1x1x128xi32, #tpu.memory_space<vmem>> -> memref<128xi32, #tpu.memory_space<vmem>>
        %dma_wait3A_310 = arith.constant 0 : i32
        %dma_wait3A_311 = arith.constant 0 : i32
        %dma_wait3A_312 = tpu.memref_slice %arg2[%arg0, %dma_wait3A_310, %dma_wait3A_311] : memref<2x10240x128xbf16, #tpu.memory_space<hbm>> -> memref<1x10240x128xbf16, #tpu.memory_space<hbm>>
        %dma_wait3A_313 = tpu.memref_squeeze %dma_wait3A_312 : memref<1x10240x128xbf16, #tpu.memory_space<hbm>> -> memref<10240x128xbf16, #tpu.memory_space<hbm>>
        %dma_wait3A_314 = arith.constant 0 : i32
        %dma_wait3A_315 = arith.constant 0 : i32
        %dma_wait3A_316 = tpu.memref_slice %dma_wait3A_313[%dma_wait3A_314, %dma_wait3A_315] : memref<10240x128xbf16, #tpu.memory_space<hbm>> -> memref<10240x128xbf16, #tpu.memory_space<hbm>>
        tpu.wait_indirect_dma semaphore(%arg25 : memref<!tpu.dma_semaphore, #tpu.memory_space<semaphore_mem>>) src(%dma_wait3A_316 : memref<10240x128xbf16, #tpu.memory_space<hbm>>) dst(%arg15 : memref<128x128xbf16, #tpu.memory_space<vmem>>)
        %dma_start3A_317 = arith.constant 0 : i32
        %dma_start3A_318 = tpu.memref_slice %arg7[%rem3A_150, %add3A_306, %dma_start3A_317] : memref<2x32x128xi32, #tpu.memory_space<vmem>> -> memref<1x1x128xi32, #tpu.memory_space<vmem>>
        %dma_start3A_319 = tpu.memref_squeeze %dma_start3A_318 : memref<1x1x128xi32, #tpu.memory_space<vmem>> -> memref<128xi32, #tpu.memory_space<vmem>>
        %dma_start3A_320 = arith.constant 0 : i32
        %dma_start3A_321 = arith.constant 0 : i32
        %dma_start3A_322 = tpu.memref_slice %arg16[%dma_start3A_320, %dma_start3A_321] : memref<10240x128xbf16, #tpu.memory_space<vmem_shared>> -> memref<10240x128xbf16, #tpu.memory_space<vmem_shared>>
        tpu.enqueue_indirect_dma source(%arg15 : memref<128x128xbf16, #tpu.memory_space<vmem>>) target(%dma_start3A_322 : memref<10240x128xbf16, #tpu.memory_space<vmem_shared>>) offsets(%dma_start3A_319 : memref<128xi32, #tpu.memory_space<vmem>>) semaphore(%arg33 : memref<!tpu.dma_semaphore, #tpu.memory_space<semaphore_mem>>) {add = true}
        %mul3A_323 = arith.constant 8 : i32
        %mul3A_324 = arith.muli %mul3A_323, %scan3A_162 : i32
        %add3A_325 = arith.constant 0 : i32
        %add3A_326 = arith.addi %mul3A_324, %add3A_325 : i32
        %dma_wait3A_327 = arith.constant 0 : i32
        %dma_wait3A_328 = tpu.memref_slice %arg7[%rem3A_150, %add3A_326, %dma_wait3A_327] : memref<2x32x128xi32, #tpu.memory_space<vmem>> -> memref<1x1x128xi32, #tpu.memory_space<vmem>>
        %dma_wait3A_329 = tpu.memref_squeeze %dma_wait3A_328 : memref<1x1x128xi32, #tpu.memory_space<vmem>> -> memref<128xi32, #tpu.memory_space<vmem>>
        %dma_wait3A_330 = arith.constant 0 : i32
        %dma_wait3A_331 = arith.constant 0 : i32
        %dma_wait3A_332 = tpu.memref_slice %arg16[%dma_wait3A_330, %dma_wait3A_331] : memref<10240x128xbf16, #tpu.memory_space<vmem_shared>> -> memref<10240x128xbf16, #tpu.memory_space<vmem_shared>>
        tpu.wait_indirect_dma semaphore(%arg26 : memref<!tpu.dma_semaphore, #tpu.memory_space<semaphore_mem>>) src(%arg8 : memref<128x128xbf16, #tpu.memory_space<vmem>>) dst(%dma_wait3A_332 : memref<10240x128xbf16, #tpu.memory_space<vmem_shared>>)
        %add3A_333 = arith.constant 8 : i32
        %add3A_334 = arith.addi %add3A_326, %add3A_333 : i32
        %lt3A_335 = arith.constant 32 : i32
        %lt3A_336 = arith.cmpi slt, %add3A_334, %lt3A_335 : i32
        %convert_element_type3A_337 = arith.extui %lt3A_336 : i1 to i32
        %cond3A_338 = arith.constant 0 : i32
        %cond3A_339 = arith.cmpi ne, %convert_element_type3A_337, %cond3A_338 : i32
        scf.if %cond3A_339 {
          %add3A_460 = arith.constant 8 : i32
          %add3A_461 = arith.addi %add3A_326, %add3A_460 : i32
          %dma_start3A_462 = arith.constant 0 : i32
          %dma_start3A_463 = tpu.memref_slice %arg6[%rem3A_150, %add3A_461, %dma_start3A_462] : memref<2x32x128xi32, #tpu.memory_space<vmem>> -> memref<1x1x128xi32, #tpu.memory_space<vmem>>
          %dma_start3A_464 = tpu.memref_squeeze %dma_start3A_463 : memref<1x1x128xi32, #tpu.memory_space<vmem>> -> memref<128xi32, #tpu.memory_space<vmem>>
          %dma_start3A_465 = arith.constant 0 : i32
          %dma_start3A_466 = arith.constant 0 : i32
          %dma_start3A_467 = tpu.memref_slice %arg2[%arg0, %dma_start3A_465, %dma_start3A_466] : memref<2x10240x128xbf16, #tpu.memory_space<hbm>> -> memref<1x10240x128xbf16, #tpu.memory_space<hbm>>
          %dma_start3A_468 = tpu.memref_squeeze %dma_start3A_467 : memref<1x10240x128xbf16, #tpu.memory_space<hbm>> -> memref<10240x128xbf16, #tpu.memory_space<hbm>>
          %dma_start3A_469 = arith.constant 0 : i32
          %dma_start3A_470 = arith.constant 0 : i32
          %dma_start3A_471 = tpu.memref_slice %dma_start3A_468[%dma_start3A_469, %dma_start3A_470] : memref<10240x128xbf16, #tpu.memory_space<hbm>> -> memref<10240x128xbf16, #tpu.memory_space<hbm>>
          tpu.enqueue_indirect_dma source(%dma_start3A_471 : memref<10240x128xbf16, #tpu.memory_space<hbm>>) target(%arg8 : memref<128x128xbf16, #tpu.memory_space<vmem>>) offsets(%dma_start3A_464 : memref<128xi32, #tpu.memory_space<vmem>>) semaphore(%arg18 : memref<!tpu.dma_semaphore, #tpu.memory_space<semaphore_mem>>)
        } else {
        }
        %mul3A_340 = arith.constant 8 : i32
        %mul3A_341 = arith.muli %mul3A_340, %scan3A_162 : i32
        %add3A_342 = arith.constant 1 : i32
        %add3A_343 = arith.addi %mul3A_341, %add3A_342 : i32
        %dma_wait3A_344 = arith.constant 0 : i32
        %dma_wait3A_345 = tpu.memref_slice %arg7[%rem3A_150, %add3A_343, %dma_wait3A_344] : memref<2x32x128xi32, #tpu.memory_space<vmem>> -> memref<1x1x128xi32, #tpu.memory_space<vmem>>
        %dma_wait3A_346 = tpu.memref_squeeze %dma_wait3A_345 : memref<1x1x128xi32, #tpu.memory_space<vmem>> -> memref<128xi32, #tpu.memory_space<vmem>>
        %dma_wait3A_347 = arith.constant 0 : i32
        %dma_wait3A_348 = arith.constant 0 : i32
        %dma_wait3A_349 = tpu.memref_slice %arg16[%dma_wait3A_347, %dma_wait3A_348] : memref<10240x128xbf16, #tpu.memory_space<vmem_shared>> -> memref<10240x128xbf16, #tpu.memory_space<vmem_shared>>
        tpu.wait_indirect_dma semaphore(%arg27 : memref<!tpu.dma_semaphore, #tpu.memory_space<semaphore_mem>>) src(%arg9 : memref<128x128xbf16, #tpu.memory_space<vmem>>) dst(%dma_wait3A_349 : memref<10240x128xbf16, #tpu.memory_space<vmem_shared>>)
        %add3A_350 = arith.constant 8 : i32
        %add3A_351 = arith.addi %add3A_343, %add3A_350 : i32
        %lt3A_352 = arith.constant 32 : i32
        %lt3A_353 = arith.cmpi slt, %add3A_351, %lt3A_352 : i32
        %convert_element_type3A_354 = arith.extui %lt3A_353 : i1 to i32
        %cond3A_355 = arith.constant 0 : i32
        %cond3A_356 = arith.cmpi ne, %convert_element_type3A_354, %cond3A_355 : i32
        scf.if %cond3A_356 {
          %add3A_460 = arith.constant 8 : i32
          %add3A_461 = arith.addi %add3A_343, %add3A_460 : i32
          %dma_start3A_462 = arith.constant 0 : i32
          %dma_start3A_463 = tpu.memref_slice %arg6[%rem3A_150, %add3A_461, %dma_start3A_462] : memref<2x32x128xi32, #tpu.memory_space<vmem>> -> memref<1x1x128xi32, #tpu.memory_space<vmem>>
          %dma_start3A_464 = tpu.memref_squeeze %dma_start3A_463 : memref<1x1x128xi32, #tpu.memory_space<vmem>> -> memref<128xi32, #tpu.memory_space<vmem>>
          %dma_start3A_465 = arith.constant 0 : i32
          %dma_start3A_466 = arith.constant 0 : i32
          %dma_start3A_467 = tpu.memref_slice %arg2[%arg0, %dma_start3A_465, %dma_start3A_466] : memref<2x10240x128xbf16, #tpu.memory_space<hbm>> -> memref<1x10240x128xbf16, #tpu.memory_space<hbm>>
          %dma_start3A_468 = tpu.memref_squeeze %dma_start3A_467 : memref<1x10240x128xbf16, #tpu.memory_space<hbm>> -> memref<10240x128xbf16, #tpu.memory_space<hbm>>
          %dma_start3A_469 = arith.constant 0 : i32
          %dma_start3A_470 = arith.constant 0 : i32
          %dma_start3A_471 = tpu.memref_slice %dma_start3A_468[%dma_start3A_469, %dma_start3A_470] : memref<10240x128xbf16, #tpu.memory_space<hbm>> -> memref<10240x128xbf16, #tpu.memory_space<hbm>>
          tpu.enqueue_indirect_dma source(%dma_start3A_471 : memref<10240x128xbf16, #tpu.memory_space<hbm>>) target(%arg9 : memref<128x128xbf16, #tpu.memory_space<vmem>>) offsets(%dma_start3A_464 : memref<128xi32, #tpu.memory_space<vmem>>) semaphore(%arg19 : memref<!tpu.dma_semaphore, #tpu.memory_space<semaphore_mem>>)
        } else {
        }
        %mul3A_357 = arith.constant 8 : i32
        %mul3A_358 = arith.muli %mul3A_357, %scan3A_162 : i32
        %add3A_359 = arith.constant 2 : i32
        %add3A_360 = arith.addi %mul3A_358, %add3A_359 : i32
        %dma_wait3A_361 = arith.constant 0 : i32
        %dma_wait3A_362 = tpu.memref_slice %arg7[%rem3A_150, %add3A_360, %dma_wait3A_361] : memref<2x32x128xi32, #tpu.memory_space<vmem>> -> memref<1x1x128xi32, #tpu.memory_space<vmem>>
        %dma_wait3A_363 = tpu.memref_squeeze %dma_wait3A_362 : memref<1x1x128xi32, #tpu.memory_space<vmem>> -> memref<128xi32, #tpu.memory_space<vmem>>
        %dma_wait3A_364 = arith.constant 0 : i32
        %dma_wait3A_365 = arith.constant 0 : i32
        %dma_wait3A_366 = tpu.memref_slice %arg16[%dma_wait3A_364, %dma_wait3A_365] : memref<10240x128xbf16, #tpu.memory_space<vmem_shared>> -> memref<10240x128xbf16, #tpu.memory_space<vmem_shared>>
        tpu.wait_indirect_dma semaphore(%arg28 : memref<!tpu.dma_semaphore, #tpu.memory_space<semaphore_mem>>) src(%arg10 : memref<128x128xbf16, #tpu.memory_space<vmem>>) dst(%dma_wait3A_366 : memref<10240x128xbf16, #tpu.memory_space<vmem_shared>>)
        %add3A_367 = arith.constant 8 : i32
        %add3A_368 = arith.addi %add3A_360, %add3A_367 : i32
        %lt3A_369 = arith.constant 32 : i32
        %lt3A_370 = arith.cmpi slt, %add3A_368, %lt3A_369 : i32
        %convert_element_type3A_371 = arith.extui %lt3A_370 : i1 to i32
        %cond3A_372 = arith.constant 0 : i32
        %cond3A_373 = arith.cmpi ne, %convert_element_type3A_371, %cond3A_372 : i32
        scf.if %cond3A_373 {
          %add3A_460 = arith.constant 8 : i32
          %add3A_461 = arith.addi %add3A_360, %add3A_460 : i32
          %dma_start3A_462 = arith.constant 0 : i32
          %dma_start3A_463 = tpu.memref_slice %arg6[%rem3A_150, %add3A_461, %dma_start3A_462] : memref<2x32x128xi32, #tpu.memory_space<vmem>> -> memref<1x1x128xi32, #tpu.memory_space<vmem>>
          %dma_start3A_464 = tpu.memref_squeeze %dma_start3A_463 : memref<1x1x128xi32, #tpu.memory_space<vmem>> -> memref<128xi32, #tpu.memory_space<vmem>>
          %dma_start3A_465 = arith.constant 0 : i32
          %dma_start3A_466 = arith.constant 0 : i32
          %dma_start3A_467 = tpu.memref_slice %arg2[%arg0, %dma_start3A_465, %dma_start3A_466] : memref<2x10240x128xbf16, #tpu.memory_space<hbm>> -> memref<1x10240x128xbf16, #tpu.memory_space<hbm>>
          %dma_start3A_468 = tpu.memref_squeeze %dma_start3A_467 : memref<1x10240x128xbf16, #tpu.memory_space<hbm>> -> memref<10240x128xbf16, #tpu.memory_space<hbm>>
          %dma_start3A_469 = arith.constant 0 : i32
          %dma_start3A_470 = arith.constant 0 : i32
          %dma_start3A_471 = tpu.memref_slice %dma_start3A_468[%dma_start3A_469, %dma_start3A_470] : memref<10240x128xbf16, #tpu.memory_space<hbm>> -> memref<10240x128xbf16, #tpu.memory_space<hbm>>
          tpu.enqueue_indirect_dma source(%dma_start3A_471 : memref<10240x128xbf16, #tpu.memory_space<hbm>>) target(%arg10 : memref<128x128xbf16, #tpu.memory_space<vmem>>) offsets(%dma_start3A_464 : memref<128xi32, #tpu.memory_space<vmem>>) semaphore(%arg20 : memref<!tpu.dma_semaphore, #tpu.memory_space<semaphore_mem>>)
        } else {
        }
        %mul3A_374 = arith.constant 8 : i32
        %mul3A_375 = arith.muli %mul3A_374, %scan3A_162 : i32
        %add3A_376 = arith.constant 3 : i32
        %add3A_377 = arith.addi %mul3A_375, %add3A_376 : i32
        %dma_wait3A_378 = arith.constant 0 : i32
        %dma_wait3A_379 = tpu.memref_slice %arg7[%rem3A_150, %add3A_377, %dma_wait3A_378] : memref<2x32x128xi32, #tpu.memory_space<vmem>> -> memref<1x1x128xi32, #tpu.memory_space<vmem>>
        %dma_wait3A_380 = tpu.memref_squeeze %dma_wait3A_379 : memref<1x1x128xi32, #tpu.memory_space<vmem>> -> memref<128xi32, #tpu.memory_space<vmem>>
        %dma_wait3A_381 = arith.constant 0 : i32
        %dma_wait3A_382 = arith.constant 0 : i32
        %dma_wait3A_383 = tpu.memref_slice %arg16[%dma_wait3A_381, %dma_wait3A_382] : memref<10240x128xbf16, #tpu.memory_space<vmem_shared>> -> memref<10240x128xbf16, #tpu.memory_space<vmem_shared>>
        tpu.wait_indirect_dma semaphore(%arg29 : memref<!tpu.dma_semaphore, #tpu.memory_space<semaphore_mem>>) src(%arg11 : memref<128x128xbf16, #tpu.memory_space<vmem>>) dst(%dma_wait3A_383 : memref<10240x128xbf16, #tpu.memory_space<vmem_shared>>)
        %add3A_384 = arith.constant 8 : i32
        %add3A_385 = arith.addi %add3A_377, %add3A_384 : i32
        %lt3A_386 = arith.constant 32 : i32
        %lt3A_387 = arith.cmpi slt, %add3A_385, %lt3A_386 : i32
        %convert_element_type3A_388 = arith.extui %lt3A_387 : i1 to i32
        %cond3A_389 = arith.constant 0 : i32
        %cond3A_390 = arith.cmpi ne, %convert_element_type3A_388, %cond3A_389 : i32
        scf.if %cond3A_390 {
          %add3A_460 = arith.constant 8 : i32
          %add3A_461 = arith.addi %add3A_377, %add3A_460 : i32
          %dma_start3A_462 = arith.constant 0 : i32
          %dma_start3A_463 = tpu.memref_slice %arg6[%rem3A_150, %add3A_461, %dma_start3A_462] : memref<2x32x128xi32, #tpu.memory_space<vmem>> -> memref<1x1x128xi32, #tpu.memory_space<vmem>>
          %dma_start3A_464 = tpu.memref_squeeze %dma_start3A_463 : memref<1x1x128xi32, #tpu.memory_space<vmem>> -> memref<128xi32, #tpu.memory_space<vmem>>
          %dma_start3A_465 = arith.constant 0 : i32
          %dma_start3A_466 = arith.constant 0 : i32
          %dma_start3A_467 = tpu.memref_slice %arg2[%arg0, %dma_start3A_465, %dma_start3A_466] : memref<2x10240x128xbf16, #tpu.memory_space<hbm>> -> memref<1x10240x128xbf16, #tpu.memory_space<hbm>>
          %dma_start3A_468 = tpu.memref_squeeze %dma_start3A_467 : memref<1x10240x128xbf16, #tpu.memory_space<hbm>> -> memref<10240x128xbf16, #tpu.memory_space<hbm>>
          %dma_start3A_469 = arith.constant 0 : i32
          %dma_start3A_470 = arith.constant 0 : i32
          %dma_start3A_471 = tpu.memref_slice %dma_start3A_468[%dma_start3A_469, %dma_start3A_470] : memref<10240x128xbf16, #tpu.memory_space<hbm>> -> memref<10240x128xbf16, #tpu.memory_space<hbm>>
          tpu.enqueue_indirect_dma source(%dma_start3A_471 : memref<10240x128xbf16, #tpu.memory_space<hbm>>) target(%arg11 : memref<128x128xbf16, #tpu.memory_space<vmem>>) offsets(%dma_start3A_464 : memref<128xi32, #tpu.memory_space<vmem>>) semaphore(%arg21 : memref<!tpu.dma_semaphore, #tpu.memory_space<semaphore_mem>>)
        } else {
        }
        %mul3A_391 = arith.constant 8 : i32
        %mul3A_392 = arith.muli %mul3A_391, %scan3A_162 : i32
        %add3A_393 = arith.constant 4 : i32
        %add3A_394 = arith.addi %mul3A_392, %add3A_393 : i32
        %dma_wait3A_395 = arith.constant 0 : i32
        %dma_wait3A_396 = tpu.memref_slice %arg7[%rem3A_150, %add3A_394, %dma_wait3A_395] : memref<2x32x128xi32, #tpu.memory_space<vmem>> -> memref<1x1x128xi32, #tpu.memory_space<vmem>>
        %dma_wait3A_397 = tpu.memref_squeeze %dma_wait3A_396 : memref<1x1x128xi32, #tpu.memory_space<vmem>> -> memref<128xi32, #tpu.memory_space<vmem>>
        %dma_wait3A_398 = arith.constant 0 : i32
        %dma_wait3A_399 = arith.constant 0 : i32
        %dma_wait3A_400 = tpu.memref_slice %arg16[%dma_wait3A_398, %dma_wait3A_399] : memref<10240x128xbf16, #tpu.memory_space<vmem_shared>> -> memref<10240x128xbf16, #tpu.memory_space<vmem_shared>>
        tpu.wait_indirect_dma semaphore(%arg30 : memref<!tpu.dma_semaphore, #tpu.memory_space<semaphore_mem>>) src(%arg12 : memref<128x128xbf16, #tpu.memory_space<vmem>>) dst(%dma_wait3A_400 : memref<10240x128xbf16, #tpu.memory_space<vmem_shared>>)
        %add3A_401 = arith.constant 8 : i32
        %add3A_402 = arith.addi %add3A_394, %add3A_401 : i32
        %lt3A_403 = arith.constant 32 : i32
        %lt3A_404 = arith.cmpi slt, %add3A_402, %lt3A_403 : i32
        %convert_element_type3A_405 = arith.extui %lt3A_404 : i1 to i32
        %cond3A_406 = arith.constant 0 : i32
        %cond3A_407 = arith.cmpi ne, %convert_element_type3A_405, %cond3A_406 : i32
        scf.if %cond3A_407 {
          %add3A_460 = arith.constant 8 : i32
          %add3A_461 = arith.addi %add3A_394, %add3A_460 : i32
          %dma_start3A_462 = arith.constant 0 : i32
          %dma_start3A_463 = tpu.memref_slice %arg6[%rem3A_150, %add3A_461, %dma_start3A_462] : memref<2x32x128xi32, #tpu.memory_space<vmem>> -> memref<1x1x128xi32, #tpu.memory_space<vmem>>
          %dma_start3A_464 = tpu.memref_squeeze %dma_start3A_463 : memref<1x1x128xi32, #tpu.memory_space<vmem>> -> memref<128xi32, #tpu.memory_space<vmem>>
          %dma_start3A_465 = arith.constant 0 : i32
          %dma_start3A_466 = arith.constant 0 : i32
          %dma_start3A_467 = tpu.memref_slice %arg2[%arg0, %dma_start3A_465, %dma_start3A_466] : memref<2x10240x128xbf16, #tpu.memory_space<hbm>> -> memref<1x10240x128xbf16, #tpu.memory_space<hbm>>
          %dma_start3A_468 = tpu.memref_squeeze %dma_start3A_467 : memref<1x10240x128xbf16, #tpu.memory_space<hbm>> -> memref<10240x128xbf16, #tpu.memory_space<hbm>>
          %dma_start3A_469 = arith.constant 0 : i32
          %dma_start3A_470 = arith.constant 0 : i32
          %dma_start3A_471 = tpu.memref_slice %dma_start3A_468[%dma_start3A_469, %dma_start3A_470] : memref<10240x128xbf16, #tpu.memory_space<hbm>> -> memref<10240x128xbf16, #tpu.memory_space<hbm>>
          tpu.enqueue_indirect_dma source(%dma_start3A_471 : memref<10240x128xbf16, #tpu.memory_space<hbm>>) target(%arg12 : memref<128x128xbf16, #tpu.memory_space<vmem>>) offsets(%dma_start3A_464 : memref<128xi32, #tpu.memory_space<vmem>>) semaphore(%arg22 : memref<!tpu.dma_semaphore, #tpu.memory_space<semaphore_mem>>)
        } else {
        }
        %mul3A_408 = arith.constant 8 : i32
        %mul3A_409 = arith.muli %mul3A_408, %scan3A_162 : i32
        %add3A_410 = arith.constant 5 : i32
        %add3A_411 = arith.addi %mul3A_409, %add3A_410 : i32
        %dma_wait3A_412 = arith.constant 0 : i32
        %dma_wait3A_413 = tpu.memref_slice %arg7[%rem3A_150, %add3A_411, %dma_wait3A_412] : memref<2x32x128xi32, #tpu.memory_space<vmem>> -> memref<1x1x128xi32, #tpu.memory_space<vmem>>
        %dma_wait3A_414 = tpu.memref_squeeze %dma_wait3A_413 : memref<1x1x128xi32, #tpu.memory_space<vmem>> -> memref<128xi32, #tpu.memory_space<vmem>>
        %dma_wait3A_415 = arith.constant 0 : i32
        %dma_wait3A_416 = arith.constant 0 : i32
        %dma_wait3A_417 = tpu.memref_slice %arg16[%dma_wait3A_415, %dma_wait3A_416] : memref<10240x128xbf16, #tpu.memory_space<vmem_shared>> -> memref<10240x128xbf16, #tpu.memory_space<vmem_shared>>
        tpu.wait_indirect_dma semaphore(%arg31 : memref<!tpu.dma_semaphore, #tpu.memory_space<semaphore_mem>>) src(%arg13 : memref<128x128xbf16, #tpu.memory_space<vmem>>) dst(%dma_wait3A_417 : memref<10240x128xbf16, #tpu.memory_space<vmem_shared>>)
        %add3A_418 = arith.constant 8 : i32
        %add3A_419 = arith.addi %add3A_411, %add3A_418 : i32
        %lt3A_420 = arith.constant 32 : i32
        %lt3A_421 = arith.cmpi slt, %add3A_419, %lt3A_420 : i32
        %convert_element_type3A_422 = arith.extui %lt3A_421 : i1 to i32
        %cond3A_423 = arith.constant 0 : i32
        %cond3A_424 = arith.cmpi ne, %convert_element_type3A_422, %cond3A_423 : i32
        scf.if %cond3A_424 {
          %add3A_460 = arith.constant 8 : i32
          %add3A_461 = arith.addi %add3A_411, %add3A_460 : i32
          %dma_start3A_462 = arith.constant 0 : i32
          %dma_start3A_463 = tpu.memref_slice %arg6[%rem3A_150, %add3A_461, %dma_start3A_462] : memref<2x32x128xi32, #tpu.memory_space<vmem>> -> memref<1x1x128xi32, #tpu.memory_space<vmem>>
          %dma_start3A_464 = tpu.memref_squeeze %dma_start3A_463 : memref<1x1x128xi32, #tpu.memory_space<vmem>> -> memref<128xi32, #tpu.memory_space<vmem>>
          %dma_start3A_465 = arith.constant 0 : i32
          %dma_start3A_466 = arith.constant 0 : i32
          %dma_start3A_467 = tpu.memref_slice %arg2[%arg0, %dma_start3A_465, %dma_start3A_466] : memref<2x10240x128xbf16, #tpu.memory_space<hbm>> -> memref<1x10240x128xbf16, #tpu.memory_space<hbm>>
          %dma_start3A_468 = tpu.memref_squeeze %dma_start3A_467 : memref<1x10240x128xbf16, #tpu.memory_space<hbm>> -> memref<10240x128xbf16, #tpu.memory_space<hbm>>
          %dma_start3A_469 = arith.constant 0 : i32
          %dma_start3A_470 = arith.constant 0 : i32
          %dma_start3A_471 = tpu.memref_slice %dma_start3A_468[%dma_start3A_469, %dma_start3A_470] : memref<10240x128xbf16, #tpu.memory_space<hbm>> -> memref<10240x128xbf16, #tpu.memory_space<hbm>>
          tpu.enqueue_indirect_dma source(%dma_start3A_471 : memref<10240x128xbf16, #tpu.memory_space<hbm>>) target(%arg13 : memref<128x128xbf16, #tpu.memory_space<vmem>>) offsets(%dma_start3A_464 : memref<128xi32, #tpu.memory_space<vmem>>) semaphore(%arg23 : memref<!tpu.dma_semaphore, #tpu.memory_space<semaphore_mem>>)
        } else {
        }
        %mul3A_425 = arith.constant 8 : i32
        %mul3A_426 = arith.muli %mul3A_425, %scan3A_162 : i32
        %add3A_427 = arith.constant 6 : i32
        %add3A_428 = arith.addi %mul3A_426, %add3A_427 : i32
        %dma_wait3A_429 = arith.constant 0 : i32
        %dma_wait3A_430 = tpu.memref_slice %arg7[%rem3A_150, %add3A_428, %dma_wait3A_429] : memref<2x32x128xi32, #tpu.memory_space<vmem>> -> memref<1x1x128xi32, #tpu.memory_space<vmem>>
        %dma_wait3A_431 = tpu.memref_squeeze %dma_wait3A_430 : memref<1x1x128xi32, #tpu.memory_space<vmem>> -> memref<128xi32, #tpu.memory_space<vmem>>
        %dma_wait3A_432 = arith.constant 0 : i32
        %dma_wait3A_433 = arith.constant 0 : i32
        %dma_wait3A_434 = tpu.memref_slice %arg16[%dma_wait3A_432, %dma_wait3A_433] : memref<10240x128xbf16, #tpu.memory_space<vmem_shared>> -> memref<10240x128xbf16, #tpu.memory_space<vmem_shared>>
        tpu.wait_indirect_dma semaphore(%arg32 : memref<!tpu.dma_semaphore, #tpu.memory_space<semaphore_mem>>) src(%arg14 : memref<128x128xbf16, #tpu.memory_space<vmem>>) dst(%dma_wait3A_434 : memref<10240x128xbf16, #tpu.memory_space<vmem_shared>>)
        %add3A_435 = arith.constant 8 : i32
        %add3A_436 = arith.addi %add3A_428, %add3A_435 : i32
        %lt3A_437 = arith.constant 32 : i32
        %lt3A_438 = arith.cmpi slt, %add3A_436, %lt3A_437 : i32
        %convert_element_type3A_439 = arith.extui %lt3A_438 : i1 to i32
        %cond3A_440 = arith.constant 0 : i32
        %cond3A_441 = arith.cmpi ne, %convert_element_type3A_439, %cond3A_440 : i32
        scf.if %cond3A_441 {
          %add3A_460 = arith.constant 8 : i32
          %add3A_461 = arith.addi %add3A_428, %add3A_460 : i32
          %dma_start3A_462 = arith.constant 0 : i32
          %dma_start3A_463 = tpu.memref_slice %arg6[%rem3A_150, %add3A_461, %dma_start3A_462] : memref<2x32x128xi32, #tpu.memory_space<vmem>> -> memref<1x1x128xi32, #tpu.memory_space<vmem>>
          %dma_start3A_464 = tpu.memref_squeeze %dma_start3A_463 : memref<1x1x128xi32, #tpu.memory_space<vmem>> -> memref<128xi32, #tpu.memory_space<vmem>>
          %dma_start3A_465 = arith.constant 0 : i32
          %dma_start3A_466 = arith.constant 0 : i32
          %dma_start3A_467 = tpu.memref_slice %arg2[%arg0, %dma_start3A_465, %dma_start3A_466] : memref<2x10240x128xbf16, #tpu.memory_space<hbm>> -> memref<1x10240x128xbf16, #tpu.memory_space<hbm>>
          %dma_start3A_468 = tpu.memref_squeeze %dma_start3A_467 : memref<1x10240x128xbf16, #tpu.memory_space<hbm>> -> memref<10240x128xbf16, #tpu.memory_space<hbm>>
          %dma_start3A_469 = arith.constant 0 : i32
          %dma_start3A_470 = arith.constant 0 : i32
          %dma_start3A_471 = tpu.memref_slice %dma_start3A_468[%dma_start3A_469, %dma_start3A_470] : memref<10240x128xbf16, #tpu.memory_space<hbm>> -> memref<10240x128xbf16, #tpu.memory_space<hbm>>
          tpu.enqueue_indirect_dma source(%dma_start3A_471 : memref<10240x128xbf16, #tpu.memory_space<hbm>>) target(%arg14 : memref<128x128xbf16, #tpu.memory_space<vmem>>) offsets(%dma_start3A_464 : memref<128xi32, #tpu.memory_space<vmem>>) semaphore(%arg24 : memref<!tpu.dma_semaphore, #tpu.memory_space<semaphore_mem>>)
        } else {
        }
        %mul3A_442 = arith.constant 8 : i32
        %mul3A_443 = arith.muli %mul3A_442, %scan3A_162 : i32
        %add3A_444 = arith.constant 7 : i32
        %add3A_445 = arith.addi %mul3A_443, %add3A_444 : i32
        %dma_wait3A_446 = arith.constant 0 : i32
        %dma_wait3A_447 = tpu.memref_slice %arg7[%rem3A_150, %add3A_445, %dma_wait3A_446] : memref<2x32x128xi32, #tpu.memory_space<vmem>> -> memref<1x1x128xi32, #tpu.memory_space<vmem>>
        %dma_wait3A_448 = tpu.memref_squeeze %dma_wait3A_447 : memref<1x1x128xi32, #tpu.memory_space<vmem>> -> memref<128xi32, #tpu.memory_space<vmem>>
        %dma_wait3A_449 = arith.constant 0 : i32
        %dma_wait3A_450 = arith.constant 0 : i32
        %dma_wait3A_451 = tpu.memref_slice %arg16[%dma_wait3A_449, %dma_wait3A_450] : memref<10240x128xbf16, #tpu.memory_space<vmem_shared>> -> memref<10240x128xbf16, #tpu.memory_space<vmem_shared>>
        tpu.wait_indirect_dma semaphore(%arg33 : memref<!tpu.dma_semaphore, #tpu.memory_space<semaphore_mem>>) src(%arg15 : memref<128x128xbf16, #tpu.memory_space<vmem>>) dst(%dma_wait3A_451 : memref<10240x128xbf16, #tpu.memory_space<vmem_shared>>)
        %add3A_452 = arith.constant 8 : i32
        %add3A_453 = arith.addi %add3A_445, %add3A_452 : i32
        %lt3A_454 = arith.constant 32 : i32
        %lt3A_455 = arith.cmpi slt, %add3A_453, %lt3A_454 : i32
        %convert_element_type3A_456 = arith.extui %lt3A_455 : i1 to i32
        %cond3A_457 = arith.constant 0 : i32
        %cond3A_458 = arith.cmpi ne, %convert_element_type3A_456, %cond3A_457 : i32
        scf.if %cond3A_458 {
          %add3A_460 = arith.constant 8 : i32
          %add3A_461 = arith.addi %add3A_445, %add3A_460 : i32
          %dma_start3A_462 = arith.constant 0 : i32
          %dma_start3A_463 = tpu.memref_slice %arg6[%rem3A_150, %add3A_461, %dma_start3A_462] : memref<2x32x128xi32, #tpu.memory_space<vmem>> -> memref<1x1x128xi32, #tpu.memory_space<vmem>>
          %dma_start3A_464 = tpu.memref_squeeze %dma_start3A_463 : memref<1x1x128xi32, #tpu.memory_space<vmem>> -> memref<128xi32, #tpu.memory_space<vmem>>
          %dma_start3A_465 = arith.constant 0 : i32
          %dma_start3A_466 = arith.constant 0 : i32
          %dma_start3A_467 = tpu.memref_slice %arg2[%arg0, %dma_start3A_465, %dma_start3A_466] : memref<2x10240x128xbf16, #tpu.memory_space<hbm>> -> memref<1x10240x128xbf16, #tpu.memory_space<hbm>>
          %dma_start3A_468 = tpu.memref_squeeze %dma_start3A_467 : memref<1x10240x128xbf16, #tpu.memory_space<hbm>> -> memref<10240x128xbf16, #tpu.memory_space<hbm>>
          %dma_start3A_469 = arith.constant 0 : i32
          %dma_start3A_470 = arith.constant 0 : i32
          %dma_start3A_471 = tpu.memref_slice %dma_start3A_468[%dma_start3A_469, %dma_start3A_470] : memref<10240x128xbf16, #tpu.memory_space<hbm>> -> memref<10240x128xbf16, #tpu.memory_space<hbm>>
          tpu.enqueue_indirect_dma source(%dma_start3A_471 : memref<10240x128xbf16, #tpu.memory_space<hbm>>) target(%arg15 : memref<128x128xbf16, #tpu.memory_space<vmem>>) offsets(%dma_start3A_464 : memref<128xi32, #tpu.memory_space<vmem>>) semaphore(%arg25 : memref<!tpu.dma_semaphore, #tpu.memory_space<semaphore_mem>>)
        } else {
        }
        %scan3A_459 = arith.constant 0 : i32
        scf.yield %scan3A_459 : i32
      }
      %scan3A_157 = arith.constant 4 : i32
      %add3A = arith.constant 1 : i32
      %add3A_158 = arith.addi %scan3A_148, %add3A : i32
      %lt3A = arith.constant 5 : i32
      %lt3A_159 = arith.cmpi slt, %add3A_158, %lt3A : i32
      %convert_element_type3A = arith.extui %lt3A_159 : i1 to i32
      %cond3A = arith.constant 0 : i32
      %cond3A_160 = arith.cmpi ne, %convert_element_type3A, %cond3A : i32
      scf.if %cond3A_160 {
        %sub3A = arith.constant 1 : i32
        %sub3A_162 = arith.subi %sub3A, %rem3A_150 : i32
        %add3A_163 = arith.constant 1 : i32
        %add3A_164 = arith.addi %scan3A_148, %add3A_163 : i32
        %dma_wait3A = arith.constant 0 : i32
        %dma_wait3A_165 = arith.constant 0 : i32
        %dma_wait3A_166 = tpu.memref_slice %arg6[%sub3A_162, %dma_wait3A, %dma_wait3A_165] : memref<2x32x128xi32, #tpu.memory_space<vmem>> -> memref<1x32x128xi32, #tpu.memory_space<vmem>>
        %dma_wait3A_167 = tpu.memref_squeeze %dma_wait3A_166 : memref<1x32x128xi32, #tpu.memory_space<vmem>> -> memref<32x128xi32, #tpu.memory_space<vmem>>
        %dma_wait3A_168 = arith.constant 0 : i32
        %dma_wait3A_169 = arith.constant 0 : i32
        %dma_wait3A_170 = tpu.memref_slice %arg3[%arg1, %add3A_164, %dma_wait3A_168, %dma_wait3A_169] : memref<16x5x32x128xi32, #tpu.memory_space<hbm>> -> memref<1x1x32x128xi32, #tpu.memory_space<hbm>>
        %dma_wait3A_171 = tpu.memref_squeeze %dma_wait3A_170 : memref<1x1x32x128xi32, #tpu.memory_space<hbm>> -> memref<32x128xi32, #tpu.memory_space<hbm>>
        %dma_wait3A_172 = arith.constant 0 : i32
        %dma_wait3A_173 = arith.constant 0 : i32
        %dma_wait3A_174 = tpu.memref_slice %arg6[%sub3A_162, %dma_wait3A_172, %dma_wait3A_173] : memref<2x32x128xi32, #tpu.memory_space<vmem>> -> memref<1x32x128xi32, #tpu.memory_space<vmem>>
        %dma_wait3A_175 = tpu.memref_squeeze %dma_wait3A_174 : memref<1x32x128xi32, #tpu.memory_space<vmem>> -> memref<32x128xi32, #tpu.memory_space<vmem>>
        %dma_wait3A_176 = arith.constant 0 : i32
        %dma_wait3A_177 = arith.constant 0 : i32
        %dma_wait3A_178 = tpu.memref_slice %arg3[%arg1, %add3A_164, %dma_wait3A_176, %dma_wait3A_177] : memref<16x5x32x128xi32, #tpu.memory_space<hbm>> -> memref<1x1x32x128xi32, #tpu.memory_space<hbm>>
        %dma_wait3A_179 = tpu.memref_squeeze %dma_wait3A_178 : memref<1x1x32x128xi32, #tpu.memory_space<hbm>> -> memref<32x128xi32, #tpu.memory_space<hbm>>
        tpu.wait_dma2 semaphore(%arg17 : memref<!tpu.dma_semaphore, #tpu.memory_space<semaphore_mem>>) src(%dma_wait3A_179 : memref<32x128xi32, #tpu.memory_space<hbm>>) dst(%dma_wait3A_175 : memref<32x128xi32, #tpu.memory_space<vmem>>)
        %add3A_180 = arith.constant 1 : i32
        %add3A_181 = arith.addi %scan3A_148, %add3A_180 : i32
        %dma_wait3A_182 = arith.constant 0 : i32
        %dma_wait3A_183 = arith.constant 0 : i32
        %dma_wait3A_184 = tpu.memref_slice %arg7[%sub3A_162, %dma_wait3A_182, %dma_wait3A_183] : memref<2x32x128xi32, #tpu.memory_space<vmem>> -> memref<1x32x128xi32, #tpu.memory_space<vmem>>
        %dma_wait3A_185 = tpu.memref_squeeze %dma_wait3A_184 : memref<1x32x128xi32, #tpu.memory_space<vmem>> -> memref<32x128xi32, #tpu.memory_space<vmem>>
        %dma_wait3A_186 = arith.constant 0 : i32
        %dma_wait3A_187 = arith.constant 0 : i32
        %dma_wait3A_188 = tpu.memref_slice %arg4[%arg1, %add3A_181, %dma_wait3A_186, %dma_wait3A_187] : memref<16x5x32x128xi32, #tpu.memory_space<hbm>> -> memref<1x1x32x128xi32, #tpu.memory_space<hbm>>
        %dma_wait3A_189 = tpu.memref_squeeze %dma_wait3A_188 : memref<1x1x32x128xi32, #tpu.memory_space<hbm>> -> memref<32x128xi32, #tpu.memory_space<hbm>>
        %dma_wait3A_190 = arith.constant 0 : i32
        %dma_wait3A_191 = arith.constant 0 : i32
        %dma_wait3A_192 = tpu.memref_slice %arg7[%sub3A_162, %dma_wait3A_190, %dma_wait3A_191] : memref<2x32x128xi32, #tpu.memory_space<vmem>> -> memref<1x32x128xi32, #tpu.memory_space<vmem>>
        %dma_wait3A_193 = tpu.memref_squeeze %dma_wait3A_192 : memref<1x32x128xi32, #tpu.memory_space<vmem>> -> memref<32x128xi32, #tpu.memory_space<vmem>>
        %dma_wait3A_194 = arith.constant 0 : i32
        %dma_wait3A_195 = arith.constant 0 : i32
        %dma_wait3A_196 = tpu.memref_slice %arg4[%arg1, %add3A_181, %dma_wait3A_194, %dma_wait3A_195] : memref<16x5x32x128xi32, #tpu.memory_space<hbm>> -> memref<1x1x32x128xi32, #tpu.memory_space<hbm>>
        %dma_wait3A_197 = tpu.memref_squeeze %dma_wait3A_196 : memref<1x1x32x128xi32, #tpu.memory_space<hbm>> -> memref<32x128xi32, #tpu.memory_space<hbm>>
        tpu.wait_dma2 semaphore(%arg17 : memref<!tpu.dma_semaphore, #tpu.memory_space<semaphore_mem>>) src(%dma_wait3A_197 : memref<32x128xi32, #tpu.memory_space<hbm>>) dst(%dma_wait3A_193 : memref<32x128xi32, #tpu.memory_space<vmem>>)
        %dma_start3A_198 = arith.constant 0 : i32
        %dma_start3A_199 = arith.constant 0 : i32
        %dma_start3A_200 = tpu.memref_slice %arg6[%sub3A_162, %dma_start3A_198, %dma_start3A_199] : memref<2x32x128xi32, #tpu.memory_space<vmem>> -> memref<1x1x128xi32, #tpu.memory_space<vmem>>
        %dma_start3A_201 = tpu.memref_squeeze %dma_start3A_200 : memref<1x1x128xi32, #tpu.memory_space<vmem>> -> memref<128xi32, #tpu.memory_space<vmem>>
        %dma_start3A_202 = arith.constant 0 : i32
        %dma_start3A_203 = arith.constant 0 : i32
        %dma_start3A_204 = tpu.memref_slice %arg2[%arg0, %dma_start3A_202, %dma_start3A_203] : memref<2x10240x128xbf16, #tpu.memory_space<hbm>> -> memref<1x10240x128xbf16, #tpu.memory_space<hbm>>
        %dma_start3A_205 = tpu.memref_squeeze %dma_start3A_204 : memref<1x10240x128xbf16, #tpu.memory_space<hbm>> -> memref<10240x128xbf16, #tpu.memory_space<hbm>>
        %dma_start3A_206 = arith.constant 0 : i32
        %dma_start3A_207 = arith.constant 0 : i32
        %dma_start3A_208 = tpu.memref_slice %dma_start3A_205[%dma_start3A_206, %dma_start3A_207] : memref<10240x128xbf16, #tpu.memory_space<hbm>> -> memref<10240x128xbf16, #tpu.memory_space<hbm>>
        tpu.enqueue_indirect_dma source(%dma_start3A_208 : memref<10240x128xbf16, #tpu.memory_space<hbm>>) target(%arg8 : memref<128x128xbf16, #tpu.memory_space<vmem>>) offsets(%dma_start3A_201 : memref<128xi32, #tpu.memory_space<vmem>>) semaphore(%arg18 : memref<!tpu.dma_semaphore, #tpu.memory_space<semaphore_mem>>)
        %dma_start3A_209 = arith.constant 1 : i32
        %dma_start3A_210 = arith.constant 0 : i32
        %dma_start3A_211 = tpu.memref_slice %arg6[%sub3A_162, %dma_start3A_209, %dma_start3A_210] : memref<2x32x128xi32, #tpu.memory_space<vmem>> -> memref<1x1x128xi32, #tpu.memory_space<vmem>>
        %dma_start3A_212 = tpu.memref_squeeze %dma_start3A_211 : memref<1x1x128xi32, #tpu.memory_space<vmem>> -> memref<128xi32, #tpu.memory_space<vmem>>
        %dma_start3A_213 = arith.constant 0 : i32
        %dma_start3A_214 = arith.constant 0 : i32
        %dma_start3A_215 = tpu.memref_slice %arg2[%arg0, %dma_start3A_213, %dma_start3A_214] : memref<2x10240x128xbf16, #tpu.memory_space<hbm>> -> memref<1x10240x128xbf16, #tpu.memory_space<hbm>>
        %dma_start3A_216 = tpu.memref_squeeze %dma_start3A_215 : memref<1x10240x128xbf16, #tpu.memory_space<hbm>> -> memref<10240x128xbf16, #tpu.memory_space<hbm>>
        %dma_start3A_217 = arith.constant 0 : i32
        %dma_start3A_218 = arith.constant 0 : i32
        %dma_start3A_219 = tpu.memref_slice %dma_start3A_216[%dma_start3A_217, %dma_start3A_218] : memref<10240x128xbf16, #tpu.memory_space<hbm>> -> memref<10240x128xbf16, #tpu.memory_space<hbm>>
        tpu.enqueue_indirect_dma source(%dma_start3A_219 : memref<10240x128xbf16, #tpu.memory_space<hbm>>) target(%arg9 : memref<128x128xbf16, #tpu.memory_space<vmem>>) offsets(%dma_start3A_212 : memref<128xi32, #tpu.memory_space<vmem>>) semaphore(%arg19 : memref<!tpu.dma_semaphore, #tpu.memory_space<semaphore_mem>>)
        %dma_start3A_220 = arith.constant 2 : i32
        %dma_start3A_221 = arith.constant 0 : i32
        %dma_start3A_222 = tpu.memref_slice %arg6[%sub3A_162, %dma_start3A_220, %dma_start3A_221] : memref<2x32x128xi32, #tpu.memory_space<vmem>> -> memref<1x1x128xi32, #tpu.memory_space<vmem>>
        %dma_start3A_223 = tpu.memref_squeeze %dma_start3A_222 : memref<1x1x128xi32, #tpu.memory_space<vmem>> -> memref<128xi32, #tpu.memory_space<vmem>>
        %dma_start3A_224 = arith.constant 0 : i32
        %dma_start3A_225 = arith.constant 0 : i32
        %dma_start3A_226 = tpu.memref_slice %arg2[%arg0, %dma_start3A_224, %dma_start3A_225] : memref<2x10240x128xbf16, #tpu.memory_space<hbm>> -> memref<1x10240x128xbf16, #tpu.memory_space<hbm>>
        %dma_start3A_227 = tpu.memref_squeeze %dma_start3A_226 : memref<1x10240x128xbf16, #tpu.memory_space<hbm>> -> memref<10240x128xbf16, #tpu.memory_space<hbm>>
        %dma_start3A_228 = arith.constant 0 : i32
        %dma_start3A_229 = arith.constant 0 : i32
        %dma_start3A_230 = tpu.memref_slice %dma_start3A_227[%dma_start3A_228, %dma_start3A_229] : memref<10240x128xbf16, #tpu.memory_space<hbm>> -> memref<10240x128xbf16, #tpu.memory_space<hbm>>
        tpu.enqueue_indirect_dma source(%dma_start3A_230 : memref<10240x128xbf16, #tpu.memory_space<hbm>>) target(%arg10 : memref<128x128xbf16, #tpu.memory_space<vmem>>) offsets(%dma_start3A_223 : memref<128xi32, #tpu.memory_space<vmem>>) semaphore(%arg20 : memref<!tpu.dma_semaphore, #tpu.memory_space<semaphore_mem>>)
        %dma_start3A_231 = arith.constant 3 : i32
        %dma_start3A_232 = arith.constant 0 : i32
        %dma_start3A_233 = tpu.memref_slice %arg6[%sub3A_162, %dma_start3A_231, %dma_start3A_232] : memref<2x32x128xi32, #tpu.memory_space<vmem>> -> memref<1x1x128xi32, #tpu.memory_space<vmem>>
        %dma_start3A_234 = tpu.memref_squeeze %dma_start3A_233 : memref<1x1x128xi32, #tpu.memory_space<vmem>> -> memref<128xi32, #tpu.memory_space<vmem>>
        %dma_start3A_235 = arith.constant 0 : i32
        %dma_start3A_236 = arith.constant 0 : i32
        %dma_start3A_237 = tpu.memref_slice %arg2[%arg0, %dma_start3A_235, %dma_start3A_236] : memref<2x10240x128xbf16, #tpu.memory_space<hbm>> -> memref<1x10240x128xbf16, #tpu.memory_space<hbm>>
        %dma_start3A_238 = tpu.memref_squeeze %dma_start3A_237 : memref<1x10240x128xbf16, #tpu.memory_space<hbm>> -> memref<10240x128xbf16, #tpu.memory_space<hbm>>
        %dma_start3A_239 = arith.constant 0 : i32
        %dma_start3A_240 = arith.constant 0 : i32
        %dma_start3A_241 = tpu.memref_slice %dma_start3A_238[%dma_start3A_239, %dma_start3A_240] : memref<10240x128xbf16, #tpu.memory_space<hbm>> -> memref<10240x128xbf16, #tpu.memory_space<hbm>>
        tpu.enqueue_indirect_dma source(%dma_start3A_241 : memref<10240x128xbf16, #tpu.memory_space<hbm>>) target(%arg11 : memref<128x128xbf16, #tpu.memory_space<vmem>>) offsets(%dma_start3A_234 : memref<128xi32, #tpu.memory_space<vmem>>) semaphore(%arg21 : memref<!tpu.dma_semaphore, #tpu.memory_space<semaphore_mem>>)
        %dma_start3A_242 = arith.constant 4 : i32
        %dma_start3A_243 = arith.constant 0 : i32
        %dma_start3A_244 = tpu.memref_slice %arg6[%sub3A_162, %dma_start3A_242, %dma_start3A_243] : memref<2x32x128xi32, #tpu.memory_space<vmem>> -> memref<1x1x128xi32, #tpu.memory_space<vmem>>
        %dma_start3A_245 = tpu.memref_squeeze %dma_start3A_244 : memref<1x1x128xi32, #tpu.memory_space<vmem>> -> memref<128xi32, #tpu.memory_space<vmem>>
        %dma_start3A_246 = arith.constant 0 : i32
        %dma_start3A_247 = arith.constant 0 : i32
        %dma_start3A_248 = tpu.memref_slice %arg2[%arg0, %dma_start3A_246, %dma_start3A_247] : memref<2x10240x128xbf16, #tpu.memory_space<hbm>> -> memref<1x10240x128xbf16, #tpu.memory_space<hbm>>
        %dma_start3A_249 = tpu.memref_squeeze %dma_start3A_248 : memref<1x10240x128xbf16, #tpu.memory_space<hbm>> -> memref<10240x128xbf16, #tpu.memory_space<hbm>>
        %dma_start3A_250 = arith.constant 0 : i32
        %dma_start3A_251 = arith.constant 0 : i32
        %dma_start3A_252 = tpu.memref_slice %dma_start3A_249[%dma_start3A_250, %dma_start3A_251] : memref<10240x128xbf16, #tpu.memory_space<hbm>> -> memref<10240x128xbf16, #tpu.memory_space<hbm>>
        tpu.enqueue_indirect_dma source(%dma_start3A_252 : memref<10240x128xbf16, #tpu.memory_space<hbm>>) target(%arg12 : memref<128x128xbf16, #tpu.memory_space<vmem>>) offsets(%dma_start3A_245 : memref<128xi32, #tpu.memory_space<vmem>>) semaphore(%arg22 : memref<!tpu.dma_semaphore, #tpu.memory_space<semaphore_mem>>)
        %dma_start3A_253 = arith.constant 5 : i32
        %dma_start3A_254 = arith.constant 0 : i32
        %dma_start3A_255 = tpu.memref_slice %arg6[%sub3A_162, %dma_start3A_253, %dma_start3A_254] : memref<2x32x128xi32, #tpu.memory_space<vmem>> -> memref<1x1x128xi32, #tpu.memory_space<vmem>>
        %dma_start3A_256 = tpu.memref_squeeze %dma_start3A_255 : memref<1x1x128xi32, #tpu.memory_space<vmem>> -> memref<128xi32, #tpu.memory_space<vmem>>
        %dma_start3A_257 = arith.constant 0 : i32
        %dma_start3A_258 = arith.constant 0 : i32
        %dma_start3A_259 = tpu.memref_slice %arg2[%arg0, %dma_start3A_257, %dma_start3A_258] : memref<2x10240x128xbf16, #tpu.memory_space<hbm>> -> memref<1x10240x128xbf16, #tpu.memory_space<hbm>>
        %dma_start3A_260 = tpu.memref_squeeze %dma_start3A_259 : memref<1x10240x128xbf16, #tpu.memory_space<hbm>> -> memref<10240x128xbf16, #tpu.memory_space<hbm>>
        %dma_start3A_261 = arith.constant 0 : i32
        %dma_start3A_262 = arith.constant 0 : i32
        %dma_start3A_263 = tpu.memref_slice %dma_start3A_260[%dma_start3A_261, %dma_start3A_262] : memref<10240x128xbf16, #tpu.memory_space<hbm>> -> memref<10240x128xbf16, #tpu.memory_space<hbm>>
        tpu.enqueue_indirect_dma source(%dma_start3A_263 : memref<10240x128xbf16, #tpu.memory_space<hbm>>) target(%arg13 : memref<128x128xbf16, #tpu.memory_space<vmem>>) offsets(%dma_start3A_256 : memref<128xi32, #tpu.memory_space<vmem>>) semaphore(%arg23 : memref<!tpu.dma_semaphore, #tpu.memory_space<semaphore_mem>>)
        %dma_start3A_264 = arith.constant 6 : i32
        %dma_start3A_265 = arith.constant 0 : i32
        %dma_start3A_266 = tpu.memref_slice %arg6[%sub3A_162, %dma_start3A_264, %dma_start3A_265] : memref<2x32x128xi32, #tpu.memory_space<vmem>> -> memref<1x1x128xi32, #tpu.memory_space<vmem>>
        %dma_start3A_267 = tpu.memref_squeeze %dma_start3A_266 : memref<1x1x128xi32, #tpu.memory_space<vmem>> -> memref<128xi32, #tpu.memory_space<vmem>>
        %dma_start3A_268 = arith.constant 0 : i32
        %dma_start3A_269 = arith.constant 0 : i32
        %dma_start3A_270 = tpu.memref_slice %arg2[%arg0, %dma_start3A_268, %dma_start3A_269] : memref<2x10240x128xbf16, #tpu.memory_space<hbm>> -> memref<1x10240x128xbf16, #tpu.memory_space<hbm>>
        %dma_start3A_271 = tpu.memref_squeeze %dma_start3A_270 : memref<1x10240x128xbf16, #tpu.memory_space<hbm>> -> memref<10240x128xbf16, #tpu.memory_space<hbm>>
        %dma_start3A_272 = arith.constant 0 : i32
        %dma_start3A_273 = arith.constant 0 : i32
        %dma_start3A_274 = tpu.memref_slice %dma_start3A_271[%dma_start3A_272, %dma_start3A_273] : memref<10240x128xbf16, #tpu.memory_space<hbm>> -> memref<10240x128xbf16, #tpu.memory_space<hbm>>
        tpu.enqueue_indirect_dma source(%dma_start3A_274 : memref<10240x128xbf16, #tpu.memory_space<hbm>>) target(%arg14 : memref<128x128xbf16, #tpu.memory_space<vmem>>) offsets(%dma_start3A_267 : memref<128xi32, #tpu.memory_space<vmem>>) semaphore(%arg24 : memref<!tpu.dma_semaphore, #tpu.memory_space<semaphore_mem>>)
        %dma_start3A_275 = arith.constant 7 : i32
        %dma_start3A_276 = arith.constant 0 : i32
        %dma_start3A_277 = tpu.memref_slice %arg6[%sub3A_162, %dma_start3A_275, %dma_start3A_276] : memref<2x32x128xi32, #tpu.memory_space<vmem>> -> memref<1x1x128xi32, #tpu.memory_space<vmem>>
        %dma_start3A_278 = tpu.memref_squeeze %dma_start3A_277 : memref<1x1x128xi32, #tpu.memory_space<vmem>> -> memref<128xi32, #tpu.memory_space<vmem>>
        %dma_start3A_279 = arith.constant 0 : i32
        %dma_start3A_280 = arith.constant 0 : i32
        %dma_start3A_281 = tpu.memref_slice %arg2[%arg0, %dma_start3A_279, %dma_start3A_280] : memref<2x10240x128xbf16, #tpu.memory_space<hbm>> -> memref<1x10240x128xbf16, #tpu.memory_space<hbm>>
        %dma_start3A_282 = tpu.memref_squeeze %dma_start3A_281 : memref<1x10240x128xbf16, #tpu.memory_space<hbm>> -> memref<10240x128xbf16, #tpu.memory_space<hbm>>
        %dma_start3A_283 = arith.constant 0 : i32
        %dma_start3A_284 = arith.constant 0 : i32
        %dma_start3A_285 = tpu.memref_slice %dma_start3A_282[%dma_start3A_283, %dma_start3A_284] : memref<10240x128xbf16, #tpu.memory_space<hbm>> -> memref<10240x128xbf16, #tpu.memory_space<hbm>>
        tpu.enqueue_indirect_dma source(%dma_start3A_285 : memref<10240x128xbf16, #tpu.memory_space<hbm>>) target(%arg15 : memref<128x128xbf16, #tpu.memory_space<vmem>>) offsets(%dma_start3A_278 : memref<128xi32, #tpu.memory_space<vmem>>) semaphore(%arg25 : memref<!tpu.dma_semaphore, #tpu.memory_space<semaphore_mem>>)
        %add3A_286 = arith.constant 2 : i32
        %add3A_287 = arith.addi %scan3A_148, %add3A_286 : i32
        %lt3A_288 = arith.constant 5 : i32
        %lt3A_289 = arith.cmpi slt, %add3A_287, %lt3A_288 : i32
        %convert_element_type3A_290 = arith.extui %lt3A_289 : i1 to i32
        %cond3A_291 = arith.constant 0 : i32
        %cond3A_292 = arith.cmpi ne, %convert_element_type3A_290, %cond3A_291 : i32
        scf.if %cond3A_292 {
          %add3A_293 = arith.constant 2 : i32
          %add3A_294 = arith.addi %scan3A_148, %add3A_293 : i32
          %dma_start3A_295 = arith.constant 0 : i32
          %dma_start3A_296 = arith.constant 0 : i32
          %dma_start3A_297 = tpu.memref_slice %arg6[%rem3A_150, %dma_start3A_295, %dma_start3A_296] : memref<2x32x128xi32, #tpu.memory_space<vmem>> -> memref<1x32x128xi32, #tpu.memory_space<vmem>>
          %dma_start3A_298 = tpu.memref_squeeze %dma_start3A_297 : memref<1x32x128xi32, #tpu.memory_space<vmem>> -> memref<32x128xi32, #tpu.memory_space<vmem>>
          %dma_start3A_299 = arith.constant 0 : i32
          %dma_start3A_300 = arith.constant 0 : i32
          %dma_start3A_301 = tpu.memref_slice %arg3[%arg1, %add3A_294, %dma_start3A_299, %dma_start3A_300] : memref<16x5x32x128xi32, #tpu.memory_space<hbm>> -> memref<1x1x32x128xi32, #tpu.memory_space<hbm>>
          %dma_start3A_302 = tpu.memref_squeeze %dma_start3A_301 : memref<1x1x32x128xi32, #tpu.memory_space<hbm>> -> memref<32x128xi32, #tpu.memory_space<hbm>>
          %dma_start3A_303 = arith.constant 0 : i32
          %dma_start3A_304 = arith.constant 0 : i32
          %dma_start3A_305 = tpu.memref_slice %arg6[%rem3A_150, %dma_start3A_303, %dma_start3A_304] : memref<2x32x128xi32, #tpu.memory_space<vmem>> -> memref<1x32x128xi32, #tpu.memory_space<vmem>>
          %dma_start3A_306 = tpu.memref_squeeze %dma_start3A_305 : memref<1x32x128xi32, #tpu.memory_space<vmem>> -> memref<32x128xi32, #tpu.memory_space<vmem>>
          %dma_start3A_307 = arith.constant 0 : i32
          %dma_start3A_308 = arith.constant 0 : i32
          %dma_start3A_309 = tpu.memref_slice %arg3[%arg1, %add3A_294, %dma_start3A_307, %dma_start3A_308] : memref<16x5x32x128xi32, #tpu.memory_space<hbm>> -> memref<1x1x32x128xi32, #tpu.memory_space<hbm>>
          %dma_start3A_310 = tpu.memref_squeeze %dma_start3A_309 : memref<1x1x32x128xi32, #tpu.memory_space<hbm>> -> memref<32x128xi32, #tpu.memory_space<hbm>>
          tpu.enqueue_dma source(%dma_start3A_310 : memref<32x128xi32, #tpu.memory_space<hbm>>) target(%dma_start3A_306 : memref<32x128xi32, #tpu.memory_space<vmem>>) target_semaphore(%arg17 : memref<!tpu.dma_semaphore, #tpu.memory_space<semaphore_mem>>)
          %add3A_311 = arith.constant 2 : i32
          %add3A_312 = arith.addi %scan3A_148, %add3A_311 : i32
          %dma_start3A_313 = arith.constant 0 : i32
          %dma_start3A_314 = arith.constant 0 : i32
          %dma_start3A_315 = tpu.memref_slice %arg7[%rem3A_150, %dma_start3A_313, %dma_start3A_314] : memref<2x32x128xi32, #tpu.memory_space<vmem>> -> memref<1x32x128xi32, #tpu.memory_space<vmem>>
          %dma_start3A_316 = tpu.memref_squeeze %dma_start3A_315 : memref<1x32x128xi32, #tpu.memory_space<vmem>> -> memref<32x128xi32, #tpu.memory_space<vmem>>
          %dma_start3A_317 = arith.constant 0 : i32
          %dma_start3A_318 = arith.constant 0 : i32
          %dma_start3A_319 = tpu.memref_slice %arg4[%arg1, %add3A_312, %dma_start3A_317, %dma_start3A_318] : memref<16x5x32x128xi32, #tpu.memory_space<hbm>> -> memref<1x1x32x128xi32, #tpu.memory_space<hbm>>
          %dma_start3A_320 = tpu.memref_squeeze %dma_start3A_319 : memref<1x1x32x128xi32, #tpu.memory_space<hbm>> -> memref<32x128xi32, #tpu.memory_space<hbm>>
          %dma_start3A_321 = arith.constant 0 : i32
          %dma_start3A_322 = arith.constant 0 : i32
          %dma_start3A_323 = tpu.memref_slice %arg7[%rem3A_150, %dma_start3A_321, %dma_start3A_322] : memref<2x32x128xi32, #tpu.memory_space<vmem>> -> memref<1x32x128xi32, #tpu.memory_space<vmem>>
          %dma_start3A_324 = tpu.memref_squeeze %dma_start3A_323 : memref<1x32x128xi32, #tpu.memory_space<vmem>> -> memref<32x128xi32, #tpu.memory_space<vmem>>
          %dma_start3A_325 = arith.constant 0 : i32
          %dma_start3A_326 = arith.constant 0 : i32
          %dma_start3A_327 = tpu.memref_slice %arg4[%arg1, %add3A_312, %dma_start3A_325, %dma_start3A_326] : memref<16x5x32x128xi32, #tpu.memory_space<hbm>> -> memref<1x1x32x128xi32, #tpu.memory_space<hbm>>
          %dma_start3A_328 = tpu.memref_squeeze %dma_start3A_327 : memref<1x1x32x128xi32, #tpu.memory_space<hbm>> -> memref<32x128xi32, #tpu.memory_space<hbm>>
          tpu.enqueue_dma source(%dma_start3A_328 : memref<32x128xi32, #tpu.memory_space<hbm>>) target(%dma_start3A_324 : memref<32x128xi32, #tpu.memory_space<vmem>>) target_semaphore(%arg17 : memref<!tpu.dma_semaphore, #tpu.memory_space<semaphore_mem>>)
        } else {
        }
      } else {
      }
      %scan3A_161 = arith.constant 0 : i32
      scf.yield %scan3A_161 : i32
    }
    %scan3A_142 = arith.constant 5 : i32
    %barrier3A_143 = arith.constant 0 : index
    tpu.barrier barrier_id(%barrier3A_143)
    %mul3A_144 = arith.constant 640 : i32
    %mul3A_145 = arith.muli %arg1, %mul3A_144 : i32
    %mul3A_146 = arith.constant 640 : i32
    %mul3A_147 = arith.muli %arg1, %mul3A_146 : i32
    "tpu.region"() ({
      %run_scoped3A_148 = tpu.sem_alloc : memref<!tpu.dma_semaphore, #tpu.memory_space<semaphore_mem>>
      %dma_start3A_149 = arith.constant 0 : i32
      %dma_start3A_150 = tpu.memref_slice %arg5[%arg0, %mul3A_147, %dma_start3A_149] : memref<2x10240x128xbf16, #tpu.memory_space<hbm>> -> memref<1x640x128xbf16, #tpu.memory_space<hbm>>
      %dma_start3A_151 = tpu.memref_squeeze %dma_start3A_150 : memref<1x640x128xbf16, #tpu.memory_space<hbm>> -> memref<640x128xbf16, #tpu.memory_space<hbm>>
      %dma_start3A_152 = arith.constant 0 : i32
      %dma_start3A_153 = tpu.memref_slice %arg16[%mul3A_145, %dma_start3A_152] : memref<10240x128xbf16, #tpu.memory_space<vmem_shared>> -> memref<640x128xbf16, #tpu.memory_space<vmem_shared>>
      tpu.enqueue_dma source(%dma_start3A_153 : memref<640x128xbf16, #tpu.memory_space<vmem_shared>>) target(%dma_start3A_151 : memref<640x128xbf16, #tpu.memory_space<hbm>>) target_semaphore(%run_scoped3A_148 : memref<!tpu.dma_semaphore, #tpu.memory_space<semaphore_mem>>)
      %dma_wait3A = arith.constant 0 : i32
      %dma_wait3A_154 = tpu.memref_slice %arg5[%arg0, %mul3A_147, %dma_wait3A] : memref<2x10240x128xbf16, #tpu.memory_space<hbm>> -> memref<1x640x128xbf16, #tpu.memory_space<hbm>>
      %dma_wait3A_155 = tpu.memref_squeeze %dma_wait3A_154 : memref<1x640x128xbf16, #tpu.memory_space<hbm>> -> memref<640x128xbf16, #tpu.memory_space<hbm>>
      %dma_wait3A_156 = arith.constant 0 : i32
      %dma_wait3A_157 = tpu.memref_slice %arg16[%mul3A_145, %dma_wait3A_156] : memref<10240x128xbf16, #tpu.memory_space<vmem_shared>> -> memref<640x128xbf16, #tpu.memory_space<vmem_shared>>
      tpu.wait_dma2 semaphore(%run_scoped3A_148 : memref<!tpu.dma_semaphore, #tpu.memory_space<semaphore_mem>>) src(%dma_wait3A_157 : memref<640x128xbf16, #tpu.memory_space<vmem_shared>>) dst(%dma_wait3A_155 : memref<640x128xbf16, #tpu.memory_space<hbm>>)
      tpu.yield
    }) : () -> ()
    return
  }
}

module attributes {stable_mosaic.version = 14 : i64} {
  func.func @body(%arg0: i32, %arg1: memref<1024x128xf32, #tpu.memory_space<vmem>>, %arg2: memref<128x256xf32, #tpu.memory_space<vmem>>, %arg3: memref<1024xf32, #tpu.memory_space<vmem>>, %arg4: memref<1024xf32, #tpu.memory_space<vmem>>, %arg5: memref<2x1024x128xbf16, #tpu.memory_space<vmem>>, %arg6: memref<1024xf32, #tpu.memory_space<vmem>>) attributes {dimension_semantics = [#tpu.dimension_semantics<arbitrary>], iteration_bounds = array<i64: 10>, scalar_prefetch = 0 : i64, scratch_operands = 0 : i64, tpu.core_type = #tpu.core_type<tc>, window_params = [{transform_indices = @transform_0, window_bounds = array<i64: 1024, 128>}, {pipeline_mode = #tpu.pipeline_mode<synchronous>, transform_indices = @transform_1, window_bounds = array<i64: 128, 256>}, {transform_indices = @transform_2, window_bounds = array<i64: 1024>}, {transform_indices = @transform_3, window_bounds = array<i64: 1024>}, {transform_indices = @transform_4, window_bounds = array<i64: 2, 1024, 128>}, {transform_indices = @transform_5, window_bounds = array<i64: 1024>}]} {
    %get3A = arith.constant 0 : index
    %get3A_0 = vector.load %arg3[%get3A] : memref<1024xf32, #tpu.memory_space<vmem>>, vector<1024xf32>
    %add3A = arith.constant 1.000000e+00 : f32
    %add3A_1 = vector.broadcast %add3A : f32 to vector<1024xf32>
    %add3A_2 = arith.addf %add3A_1, %get3A_0 : vector<1024xf32>
    %get3A_3 = arith.constant 0 : index
    %get3A_4 = vector.load %arg4[%get3A_3] : memref<1024xf32, #tpu.memory_space<vmem>>, vector<1024xf32>
    %add3A_5 = arith.addf %add3A_2, %get3A_4 : vector<1024xf32>
    %rsqrt3A = math.rsqrt %add3A_5 : vector<1024xf32>
    %get3A_6 = arith.constant 0 : index
    %get3A_7 = arith.constant 0 : index
    %get3A_8 = vector.load %arg1[%get3A_6, %get3A_7] : memref<1024x128xf32, #tpu.memory_space<vmem>>, vector<1024x128xf32>
    %convert_element_type3A = arith.truncf %get3A_8 : vector<1024x128xf32> to vector<1024x128xbf16>
    %get3A_9 = arith.constant 0 : index
    %get3A_10 = arith.constant 0 : index
    %get3A_11 = vector.load %arg2[%get3A_9, %get3A_10] : memref<128x256xf32, #tpu.memory_space<vmem>>, vector<128x256xf32>
    %convert_element_type3A_12 = arith.truncf %get3A_11 : vector<128x256xf32> to vector<128x256xbf16>
    %dot_general3A = arith.constant dense<0.000000e+00> : vector<1024x256xf32>
    %dot_general3A_13 = tpu.matmul %convert_element_type3A, %convert_element_type3A_12, %dot_general3A {dimension_numbers = #tpu.dot_dimension_numbers<[1], [0], [0], [1], [0, 0, 1, 1], [], []>, transpose_lhs_hint = false} : vector<1024x128xbf16>, vector<128x256xbf16>, vector<1024x256xf32> -> vector<1024x256xf32>
    %broadcast_in_dim3A = vector.shape_cast %rsqrt3A : vector<1024xf32> to vector<1024x1xf32>
    %mul3A = vector.broadcast %broadcast_in_dim3A : vector<1024x1xf32> to vector<1024x256xf32>
    %mul3A_14 = arith.mulf %dot_general3A_13, %mul3A : vector<1024x256xf32>
    %convert_element_type3A_15 = arith.truncf %mul3A_14 : vector<1024x256xf32> to vector<1024x256xbf16>
    %slice3A = vector.extract_strided_slice %convert_element_type3A_15 {offsets = [0, 0], sizes = [1024, 128], strides = [1, 1]} : vector<1024x256xbf16> to vector<1024x128xbf16>
    %swap3A = arith.constant 0 : index
    %swap3A_16 = arith.constant 0 : index
    %swap3A_17 = arith.constant 0 : index
    %swap3A_18 = vector.load %arg5[%swap3A, %swap3A_16, %swap3A_17] : memref<2x1024x128xbf16, #tpu.memory_space<vmem>>, vector<1x1024x128xbf16>
    %swap3A_19 = vector.shape_cast %swap3A_18 : vector<1x1024x128xbf16> to vector<1024x128xbf16>
    %swap3A_20 = vector.shape_cast %slice3A : vector<1024x128xbf16> to vector<1x1024x128xbf16>
    tpu.vector_store %arg5[%swap3A, %swap3A_16, %swap3A_17], %swap3A_20 {strides = array<i32>} : memref<2x1024x128xbf16, #tpu.memory_space<vmem>>, vector<1x1024x128xbf16>,
    %slice3A_21 = vector.extract_strided_slice %convert_element_type3A_15 {offsets = [0, 128], sizes = [1024, 128], strides = [1, 1]} : vector<1024x256xbf16> to vector<1024x128xbf16>
    %swap3A_22 = arith.constant 1 : index
    %swap3A_23 = arith.constant 0 : index
    %swap3A_24 = arith.constant 0 : index
    %swap3A_25 = vector.load %arg5[%swap3A_22, %swap3A_23, %swap3A_24] : memref<2x1024x128xbf16, #tpu.memory_space<vmem>>, vector<1x1024x128xbf16>
    %swap3A_26 = vector.shape_cast %swap3A_25 : vector<1x1024x128xbf16> to vector<1024x128xbf16>
    %swap3A_27 = vector.shape_cast %slice3A_21 : vector<1024x128xbf16> to vector<1x1024x128xbf16>
    tpu.vector_store %arg5[%swap3A_22, %swap3A_23, %swap3A_24], %swap3A_27 {strides = array<i32>} : memref<2x1024x128xbf16, #tpu.memory_space<vmem>>, vector<1x1024x128xbf16>,
    %swap3A_28 = arith.constant 0 : index
    %swap3A_29 = vector.load %arg6[%swap3A_28] : memref<1024xf32, #tpu.memory_space<vmem>>, vector<1024xf32>
    tpu.vector_store %arg6[%swap3A_28], %rsqrt3A {strides = array<i32>} : memref<1024xf32, #tpu.memory_space<vmem>>, vector<1024xf32>,
    return
  }
  func.func @transform_0(%arg0: i32) -> (i32, i32) {
    %c0_i32 = arith.constant 0 : i32
    %c0_i32_0 = arith.constant 0 : i32
    return %arg0, %c0_i32 : i32, i32
  }
  func.func @transform_1(%arg0: i32) -> (i32, i32) {
    %c0_i32 = arith.constant 0 : i32
    %c0_i32_0 = arith.constant 0 : i32
    %c0_i32_1 = arith.constant 0 : i32
    return %c0_i32, %c0_i32_0 : i32, i32
  }
  func.func @transform_2(%arg0: i32) -> i32 {
    %c0_i32 = arith.constant 0 : i32
    return %arg0 : i32
  }
  func.func @transform_3(%arg0: i32) -> i32 {
    %c0_i32 = arith.constant 0 : i32
    return %arg0 : i32
  }
  func.func @transform_4(%arg0: i32) -> (i32, i32, i32) {
    %c0_i32 = arith.constant 0 : i32
    %c0_i32_0 = arith.constant 0 : i32
    %c0_i32_1 = arith.constant 0 : i32
    return %c0_i32, %arg0, %c0_i32_0 : i32, i32, i32
  }
  func.func @transform_5(%arg0: i32) -> i32 {
    %c0_i32 = arith.constant 0 : i32
    return %arg0 : i32
  }
}

module attributes {stable_mosaic.version = 14 : i64} {
  func.func @body(%arg0: i32, %arg1: memref<2x1024x128xbf16, #tpu.memory_space<vmem>>, %arg2: memref<1024xf32, #tpu.memory_space<vmem>>, %arg3: memref<256x256xf32, #tpu.memory_space<vmem>>, %arg4: memref<1x256xf32, #tpu.memory_space<vmem>>, %arg5: memref<1x256xf32, #tpu.memory_space<vmem>>, %arg6: memref<1x256xf32, #tpu.memory_space<vmem>>, %arg7: memref<2x1024x128xbf16, #tpu.memory_space<vmem>>) attributes {dimension_semantics = [#tpu.dimension_semantics<arbitrary>], iteration_bounds = array<i64: 10>, scalar_prefetch = 0 : i64, scratch_operands = 0 : i64, tpu.core_type = #tpu.core_type<tc>, window_params = [{transform_indices = @transform_0, window_bounds = array<i64: 2, 1024, 128>}, {transform_indices = @transform_1, window_bounds = array<i64: 1024>}, {pipeline_mode = #tpu.pipeline_mode<synchronous>, transform_indices = @transform_2, window_bounds = array<i64: 256, 256>}, {pipeline_mode = #tpu.pipeline_mode<synchronous>, transform_indices = @transform_3, window_bounds = array<i64: 1, 256>}, {pipeline_mode = #tpu.pipeline_mode<synchronous>, transform_indices = @transform_4, window_bounds = array<i64: 1, 256>}, {pipeline_mode = #tpu.pipeline_mode<synchronous>, transform_indices = @transform_5, window_bounds = array<i64: 1, 256>}, {transform_indices = @transform_6, window_bounds = array<i64: 2, 1024, 128>}]} {
    %get3A = arith.constant 0 : index
    %get3A_0 = vector.load %arg2[%get3A] : memref<1024xf32, #tpu.memory_space<vmem>>, vector<1024xf32>
    %get3A_1 = arith.constant 0 : index
    %get3A_2 = arith.constant 0 : index
    %get3A_3 = arith.constant 0 : index
    %get3A_4 = vector.load %arg1[%get3A_1, %get3A_2, %get3A_3] : memref<2x1024x128xbf16, #tpu.memory_space<vmem>>, vector<1x1024x128xbf16>
    %get3A_5 = vector.shape_cast %get3A_4 : vector<1x1024x128xbf16> to vector<1024x128xbf16>
    %get3A_6 = arith.constant 1 : index
    %get3A_7 = arith.constant 0 : index
    %get3A_8 = arith.constant 0 : index
    %get3A_9 = vector.load %arg1[%get3A_6, %get3A_7, %get3A_8] : memref<2x1024x128xbf16, #tpu.memory_space<vmem>>, vector<1x1024x128xbf16>
    %get3A_10 = vector.shape_cast %get3A_9 : vector<1x1024x128xbf16> to vector<1024x128xbf16>
    %concatenate3A = tpu.concatenate %get3A_5, %get3A_10 in 1 : vector<1024x128xbf16>, vector<1024x128xbf16> -> vector<1024x256xbf16>
    %convert_element_type3A = arith.extf %concatenate3A : vector<1024x256xbf16> to vector<1024x256xf32>
    %get3A_11 = arith.constant 0 : index
    %get3A_12 = arith.constant 0 : index
    %get3A_13 = vector.load %arg5[%get3A_11, %get3A_12] : memref<1x256xf32, #tpu.memory_space<vmem>>, vector<1x256xf32>
    %mul3A = arith.constant 0.999994993 : f32
    %mul3A_14 = vector.broadcast %mul3A : f32 to vector<1x256xf32>
    %mul3A_15 = arith.mulf %get3A_13, %mul3A_14 : vector<1x256xf32>
    %get3A_16 = arith.constant 0 : index
    %get3A_17 = arith.constant 0 : index
    %get3A_18 = vector.load %arg4[%get3A_16, %get3A_17] : memref<1x256xf32, #tpu.memory_space<vmem>>, vector<1x256xf32>
    %mul3A_19 = arith.mulf %get3A_18, %mul3A_15 : vector<1x256xf32>
    %get3A_20 = arith.constant 0 : index
    %get3A_21 = arith.constant 0 : index
    %get3A_22 = vector.load %arg6[%get3A_20, %get3A_21] : memref<1x256xf32, #tpu.memory_space<vmem>>, vector<1x256xf32>
    %add3A = arith.addf %mul3A_19, %get3A_22 : vector<1x256xf32>
    %broadcast_in_dim3A = vector.shape_cast %get3A_0 : vector<1024xf32> to vector<1024x1xf32>
    %mul3A_23 = vector.broadcast %broadcast_in_dim3A : vector<1024x1xf32> to vector<1024x256xf32>
    %mul3A_24 = arith.mulf %convert_element_type3A, %mul3A_23 : vector<1024x256xf32>
    %mul3A_25 = vector.broadcast %mul3A_15 : vector<1x256xf32> to vector<1024x256xf32>
    %mul3A_26 = arith.mulf %mul3A_24, %mul3A_25 : vector<1024x256xf32>
    %add3A_27 = vector.broadcast %add3A : vector<1x256xf32> to vector<1024x256xf32>
    %add3A_28 = arith.addf %mul3A_26, %add3A_27 : vector<1024x256xf32>
    %max3A = arith.constant 0.000000e+00 : f32
    %max3A_29 = vector.broadcast %max3A : f32 to vector<1024x256xf32>
    %max3A_30 = arith.maximumf %add3A_28, %max3A_29 : vector<1024x256xf32>
    %convert_element_type3A_31 = arith.truncf %max3A_30 : vector<1024x256xf32> to vector<1024x256xbf16>
    %get3A_32 = arith.constant 0 : index
    %get3A_33 = arith.constant 0 : index
    %get3A_34 = vector.load %arg3[%get3A_32, %get3A_33] : memref<256x256xf32, #tpu.memory_space<vmem>>, vector<256x256xf32>
    %convert_element_type3A_35 = arith.truncf %get3A_34 : vector<256x256xf32> to vector<256x256xbf16>
    %dot_general3A = arith.constant dense<0.000000e+00> : vector<1024x256xf32>
    %dot_general3A_36 = tpu.matmul %convert_element_type3A_31, %convert_element_type3A_35, %dot_general3A {dimension_numbers = #tpu.dot_dimension_numbers<[1], [0], [0], [1], [0, 0, 1, 1], [], []>, transpose_lhs_hint = false} : vector<1024x256xbf16>, vector<256x256xbf16>, vector<1024x256xf32> -> vector<1024x256xf32>
    %broadcast_in_dim3A_37 = vector.shape_cast %get3A_0 : vector<1024xf32> to vector<1024x1xf32>
    %mul3A_38 = vector.broadcast %broadcast_in_dim3A_37 : vector<1024x1xf32> to vector<1024x256xf32>
    %mul3A_39 = arith.mulf %dot_general3A_36, %mul3A_38 : vector<1024x256xf32>
    %convert_element_type3A_40 = arith.truncf %mul3A_39 : vector<1024x256xf32> to vector<1024x256xbf16>
    %slice3A = vector.extract_strided_slice %convert_element_type3A_40 {offsets = [0, 0], sizes = [1024, 128], strides = [1, 1]} : vector<1024x256xbf16> to vector<1024x128xbf16>
    %swap3A = arith.constant 0 : index
    %swap3A_41 = arith.constant 0 : index
    %swap3A_42 = arith.constant 0 : index
    %swap3A_43 = vector.load %arg7[%swap3A, %swap3A_41, %swap3A_42] : memref<2x1024x128xbf16, #tpu.memory_space<vmem>>, vector<1x1024x128xbf16>
    %swap3A_44 = vector.shape_cast %swap3A_43 : vector<1x1024x128xbf16> to vector<1024x128xbf16>
    %swap3A_45 = vector.shape_cast %slice3A : vector<1024x128xbf16> to vector<1x1024x128xbf16>
    tpu.vector_store %arg7[%swap3A, %swap3A_41, %swap3A_42], %swap3A_45 {strides = array<i32>} : memref<2x1024x128xbf16, #tpu.memory_space<vmem>>, vector<1x1024x128xbf16>,
    %slice3A_46 = vector.extract_strided_slice %convert_element_type3A_40 {offsets = [0, 128], sizes = [1024, 128], strides = [1, 1]} : vector<1024x256xbf16> to vector<1024x128xbf16>
    %swap3A_47 = arith.constant 1 : index
    %swap3A_48 = arith.constant 0 : index
    %swap3A_49 = arith.constant 0 : index
    %swap3A_50 = vector.load %arg7[%swap3A_47, %swap3A_48, %swap3A_49] : memref<2x1024x128xbf16, #tpu.memory_space<vmem>>, vector<1x1024x128xbf16>
    %swap3A_51 = vector.shape_cast %swap3A_50 : vector<1x1024x128xbf16> to vector<1024x128xbf16>
    %swap3A_52 = vector.shape_cast %slice3A_46 : vector<1024x128xbf16> to vector<1x1024x128xbf16>
    tpu.vector_store %arg7[%swap3A_47, %swap3A_48, %swap3A_49], %swap3A_52 {strides = array<i32>} : memref<2x1024x128xbf16, #tpu.memory_space<vmem>>, vector<1x1024x128xbf16>,
    return
  }
  func.func @transform_0(%arg0: i32) -> (i32, i32, i32) {
    %c0_i32 = arith.constant 0 : i32
    %c0_i32_0 = arith.constant 0 : i32
    %c0_i32_1 = arith.constant 0 : i32
    return %c0_i32, %arg0, %c0_i32_0 : i32, i32, i32
  }
  func.func @transform_1(%arg0: i32) -> i32 {
    %c0_i32 = arith.constant 0 : i32
    return %arg0 : i32
  }
  func.func @transform_2(%arg0: i32) -> (i32, i32) {
    %c0_i32 = arith.constant 0 : i32
    %c0_i32_0 = arith.constant 0 : i32
    %c0_i32_1 = arith.constant 0 : i32
    return %c0_i32, %c0_i32_0 : i32, i32
  }
  func.func @transform_3(%arg0: i32) -> (i32, i32) {
    %c0_i32 = arith.constant 0 : i32
    %c0_i32_0 = arith.constant 0 : i32
    %c0_i32_1 = arith.constant 0 : i32
    return %c0_i32, %c0_i32_0 : i32, i32
  }
  func.func @transform_4(%arg0: i32) -> (i32, i32) {
    %c0_i32 = arith.constant 0 : i32
    %c0_i32_0 = arith.constant 0 : i32
    %c0_i32_1 = arith.constant 0 : i32
    return %c0_i32, %c0_i32_0 : i32, i32
  }
  func.func @transform_5(%arg0: i32) -> (i32, i32) {
    %c0_i32 = arith.constant 0 : i32
    %c0_i32_0 = arith.constant 0 : i32
    %c0_i32_1 = arith.constant 0 : i32
    return %c0_i32, %c0_i32_0 : i32, i32
  }
  func.func @transform_6(%arg0: i32) -> (i32, i32, i32) {
    %c0_i32 = arith.constant 0 : i32
    %c0_i32_0 = arith.constant 0 : i32
    %c0_i32_1 = arith.constant 0 : i32
    return %c0_i32, %arg0, %c0_i32_0 : i32, i32, i32
  }
}

module attributes {stable_mosaic.version = 14 : i64} {
  func.func @body(%arg0: i32, %arg1: memref<2x1024x128xbf16, #tpu.memory_space<vmem>>, %arg2: memref<1024xf32, #tpu.memory_space<vmem>>, %arg3: memref<256x64xf32, #tpu.memory_space<vmem>>, %arg4: memref<1x256xf32, #tpu.memory_space<vmem>>, %arg5: memref<1x256xf32, #tpu.memory_space<vmem>>, %arg6: memref<1x256xf32, #tpu.memory_space<vmem>>, %arg7: memref<2x1024x32xbf16, #tpu.memory_space<vmem>>) attributes {dimension_semantics = [#tpu.dimension_semantics<arbitrary>], iteration_bounds = array<i64: 10>, scalar_prefetch = 0 : i64, scratch_operands = 0 : i64, tpu.core_type = #tpu.core_type<tc>, window_params = [{transform_indices = @transform_0, window_bounds = array<i64: 2, 1024, 128>}, {transform_indices = @transform_1, window_bounds = array<i64: 1024>}, {pipeline_mode = #tpu.pipeline_mode<synchronous>, transform_indices = @transform_2, window_bounds = array<i64: 256, 64>}, {pipeline_mode = #tpu.pipeline_mode<synchronous>, transform_indices = @transform_3, window_bounds = array<i64: 1, 256>}, {pipeline_mode = #tpu.pipeline_mode<synchronous>, transform_indices = @transform_4, window_bounds = array<i64: 1, 256>}, {pipeline_mode = #tpu.pipeline_mode<synchronous>, transform_indices = @transform_5, window_bounds = array<i64: 1, 256>}, {transform_indices = @transform_6, window_bounds = array<i64: 2, 1024, 32>}]} {
    %get3A = arith.constant 0 : index
    %get3A_0 = vector.load %arg2[%get3A] : memref<1024xf32, #tpu.memory_space<vmem>>, vector<1024xf32>
    %get3A_1 = arith.constant 0 : index
    %get3A_2 = arith.constant 0 : index
    %get3A_3 = arith.constant 0 : index
    %get3A_4 = vector.load %arg1[%get3A_1, %get3A_2, %get3A_3] : memref<2x1024x128xbf16, #tpu.memory_space<vmem>>, vector<1x1024x128xbf16>
    %get3A_5 = vector.shape_cast %get3A_4 : vector<1x1024x128xbf16> to vector<1024x128xbf16>
    %get3A_6 = arith.constant 1 : index
    %get3A_7 = arith.constant 0 : index
    %get3A_8 = arith.constant 0 : index
    %get3A_9 = vector.load %arg1[%get3A_6, %get3A_7, %get3A_8] : memref<2x1024x128xbf16, #tpu.memory_space<vmem>>, vector<1x1024x128xbf16>
    %get3A_10 = vector.shape_cast %get3A_9 : vector<1x1024x128xbf16> to vector<1024x128xbf16>
    %concatenate3A = tpu.concatenate %get3A_5, %get3A_10 in 1 : vector<1024x128xbf16>, vector<1024x128xbf16> -> vector<1024x256xbf16>
    %convert_element_type3A = arith.extf %concatenate3A : vector<1024x256xbf16> to vector<1024x256xf32>
    %get3A_11 = arith.constant 0 : index
    %get3A_12 = arith.constant 0 : index
    %get3A_13 = vector.load %arg5[%get3A_11, %get3A_12] : memref<1x256xf32, #tpu.memory_space<vmem>>, vector<1x256xf32>
    %mul3A = arith.constant 0.999994993 : f32
    %mul3A_14 = vector.broadcast %mul3A : f32 to vector<1x256xf32>
    %mul3A_15 = arith.mulf %get3A_13, %mul3A_14 : vector<1x256xf32>
    %get3A_16 = arith.constant 0 : index
    %get3A_17 = arith.constant 0 : index
    %get3A_18 = vector.load %arg4[%get3A_16, %get3A_17] : memref<1x256xf32, #tpu.memory_space<vmem>>, vector<1x256xf32>
    %mul3A_19 = arith.mulf %get3A_18, %mul3A_15 : vector<1x256xf32>
    %get3A_20 = arith.constant 0 : index
    %get3A_21 = arith.constant 0 : index
    %get3A_22 = vector.load %arg6[%get3A_20, %get3A_21] : memref<1x256xf32, #tpu.memory_space<vmem>>, vector<1x256xf32>
    %add3A = arith.addf %mul3A_19, %get3A_22 : vector<1x256xf32>
    %broadcast_in_dim3A = vector.shape_cast %get3A_0 : vector<1024xf32> to vector<1024x1xf32>
    %mul3A_23 = vector.broadcast %broadcast_in_dim3A : vector<1024x1xf32> to vector<1024x256xf32>
    %mul3A_24 = arith.mulf %convert_element_type3A, %mul3A_23 : vector<1024x256xf32>
    %mul3A_25 = vector.broadcast %mul3A_15 : vector<1x256xf32> to vector<1024x256xf32>
    %mul3A_26 = arith.mulf %mul3A_24, %mul3A_25 : vector<1024x256xf32>
    %add3A_27 = vector.broadcast %add3A : vector<1x256xf32> to vector<1024x256xf32>
    %add3A_28 = arith.addf %mul3A_26, %add3A_27 : vector<1024x256xf32>
    %max3A = arith.constant 0.000000e+00 : f32
    %max3A_29 = vector.broadcast %max3A : f32 to vector<1024x256xf32>
    %max3A_30 = arith.maximumf %add3A_28, %max3A_29 : vector<1024x256xf32>
    %convert_element_type3A_31 = arith.truncf %max3A_30 : vector<1024x256xf32> to vector<1024x256xbf16>
    %get3A_32 = arith.constant 0 : index
    %get3A_33 = arith.constant 0 : index
    %get3A_34 = vector.load %arg3[%get3A_32, %get3A_33] : memref<256x64xf32, #tpu.memory_space<vmem>>, vector<256x64xf32>
    %convert_element_type3A_35 = arith.truncf %get3A_34 : vector<256x64xf32> to vector<256x64xbf16>
    %dot_general3A = arith.constant dense<0.000000e+00> : vector<1024x64xf32>
    %dot_general3A_36 = tpu.matmul %convert_element_type3A_31, %convert_element_type3A_35, %dot_general3A {dimension_numbers = #tpu.dot_dimension_numbers<[1], [0], [0], [1], [0, 0, 1, 1], [], []>, transpose_lhs_hint = false} : vector<1024x256xbf16>, vector<256x64xbf16>, vector<1024x64xf32> -> vector<1024x64xf32>
    %broadcast_in_dim3A_37 = vector.shape_cast %get3A_0 : vector<1024xf32> to vector<1024x1xf32>
    %mul3A_38 = vector.broadcast %broadcast_in_dim3A_37 : vector<1024x1xf32> to vector<1024x64xf32>
    %mul3A_39 = arith.mulf %dot_general3A_36, %mul3A_38 : vector<1024x64xf32>
    %convert_element_type3A_40 = arith.truncf %mul3A_39 : vector<1024x64xf32> to vector<1024x64xbf16>
    %slice3A = vector.extract_strided_slice %convert_element_type3A_40 {offsets = [0, 0], sizes = [1024, 32], strides = [1, 1]} : vector<1024x64xbf16> to vector<1024x32xbf16>
    %swap3A = arith.constant 0 : index
    %swap3A_41 = arith.constant 0 : index
    %swap3A_42 = arith.constant 0 : index
    %swap3A_43 = vector.load %arg7[%swap3A, %swap3A_41, %swap3A_42] : memref<2x1024x32xbf16, #tpu.memory_space<vmem>>, vector<1x1024x32xbf16>
    %swap3A_44 = vector.shape_cast %swap3A_43 : vector<1x1024x32xbf16> to vector<1024x32xbf16>
    %swap3A_45 = vector.shape_cast %slice3A : vector<1024x32xbf16> to vector<1x1024x32xbf16>
    tpu.vector_store %arg7[%swap3A, %swap3A_41, %swap3A_42], %swap3A_45 {strides = array<i32>} : memref<2x1024x32xbf16, #tpu.memory_space<vmem>>, vector<1x1024x32xbf16>,
    %slice3A_46 = vector.extract_strided_slice %convert_element_type3A_40 {offsets = [0, 32], sizes = [1024, 32], strides = [1, 1]} : vector<1024x64xbf16> to vector<1024x32xbf16>
    %swap3A_47 = arith.constant 1 : index
    %swap3A_48 = arith.constant 0 : index
    %swap3A_49 = arith.constant 0 : index
    %swap3A_50 = vector.load %arg7[%swap3A_47, %swap3A_48, %swap3A_49] : memref<2x1024x32xbf16, #tpu.memory_space<vmem>>, vector<1x1024x32xbf16>
    %swap3A_51 = vector.shape_cast %swap3A_50 : vector<1x1024x32xbf16> to vector<1024x32xbf16>
    %swap3A_52 = vector.shape_cast %slice3A_46 : vector<1024x32xbf16> to vector<1x1024x32xbf16>
    tpu.vector_store %arg7[%swap3A_47, %swap3A_48, %swap3A_49], %swap3A_52 {strides = array<i32>} : memref<2x1024x32xbf16, #tpu.memory_space<vmem>>, vector<1x1024x32xbf16>,
    return
  }
  func.func @transform_0(%arg0: i32) -> (i32, i32, i32) {
    %c0_i32 = arith.constant 0 : i32
    %c0_i32_0 = arith.constant 0 : i32
    %c0_i32_1 = arith.constant 0 : i32
    return %c0_i32, %arg0, %c0_i32_0 : i32, i32, i32
  }
  func.func @transform_1(%arg0: i32) -> i32 {
    %c0_i32 = arith.constant 0 : i32
    return %arg0 : i32
  }
  func.func @transform_2(%arg0: i32) -> (i32, i32) {
    %c0_i32 = arith.constant 0 : i32
    %c0_i32_0 = arith.constant 0 : i32
    %c0_i32_1 = arith.constant 0 : i32
    return %c0_i32, %c0_i32_0 : i32, i32
  }
  func.func @transform_3(%arg0: i32) -> (i32, i32) {
    %c0_i32 = arith.constant 0 : i32
    %c0_i32_0 = arith.constant 0 : i32
    %c0_i32_1 = arith.constant 0 : i32
    return %c0_i32, %c0_i32_0 : i32, i32
  }
  func.func @transform_4(%arg0: i32) -> (i32, i32) {
    %c0_i32 = arith.constant 0 : i32
    %c0_i32_0 = arith.constant 0 : i32
    %c0_i32_1 = arith.constant 0 : i32
    return %c0_i32, %c0_i32_0 : i32, i32
  }
  func.func @transform_5(%arg0: i32) -> (i32, i32) {
    %c0_i32 = arith.constant 0 : i32
    %c0_i32_0 = arith.constant 0 : i32
    %c0_i32_1 = arith.constant 0 : i32
    return %c0_i32, %c0_i32_0 : i32, i32
  }
  func.func @transform_6(%arg0: i32) -> (i32, i32, i32) {
    %c0_i32 = arith.constant 0 : i32
    %c0_i32_0 = arith.constant 0 : i32
    %c0_i32_1 = arith.constant 0 : i32
    return %c0_i32, %arg0, %c0_i32_0 : i32, i32, i32
  }
}

module attributes {stable_mosaic.version = 14 : i64} {
  func.func @body(%arg0: i32, %arg1: memref<2x1024x32xbf16, #tpu.memory_space<vmem>>, %arg2: memref<1024xf32, #tpu.memory_space<vmem>>, %arg3: memref<1x64xf32, #tpu.memory_space<vmem>>, %arg4: memref<1024x64xf32, #tpu.memory_space<vmem>>) attributes {dimension_semantics = [#tpu.dimension_semantics<arbitrary>], iteration_bounds = array<i64: 10>, scalar_prefetch = 0 : i64, scratch_operands = 0 : i64, tpu.core_type = #tpu.core_type<tc>, window_params = [{transform_indices = @transform_0, window_bounds = array<i64: 2, 1024, 32>}, {transform_indices = @transform_1, window_bounds = array<i64: 1024>}, {pipeline_mode = #tpu.pipeline_mode<synchronous>, transform_indices = @transform_2, window_bounds = array<i64: 1, 64>}, {transform_indices = @transform_3, window_bounds = array<i64: 1024, 64>}]} {
    %get3A = arith.constant 0 : index
    %get3A_0 = arith.constant 0 : index
    %get3A_1 = arith.constant 0 : index
    %get3A_2 = vector.load %arg1[%get3A, %get3A_0, %get3A_1] : memref<2x1024x32xbf16, #tpu.memory_space<vmem>>, vector<1x1024x32xbf16>
    %get3A_3 = vector.shape_cast %get3A_2 : vector<1x1024x32xbf16> to vector<1024x32xbf16>
    %get3A_4 = arith.constant 1 : index
    %get3A_5 = arith.constant 0 : index
    %get3A_6 = arith.constant 0 : index
    %get3A_7 = vector.load %arg1[%get3A_4, %get3A_5, %get3A_6] : memref<2x1024x32xbf16, #tpu.memory_space<vmem>>, vector<1x1024x32xbf16>
    %get3A_8 = vector.shape_cast %get3A_7 : vector<1x1024x32xbf16> to vector<1024x32xbf16>
    %concatenate3A = tpu.concatenate %get3A_3, %get3A_8 in 1 : vector<1024x32xbf16>, vector<1024x32xbf16> -> vector<1024x64xbf16>
    %convert_element_type3A = arith.extf %concatenate3A : vector<1024x64xbf16> to vector<1024x64xf32>
    %get3A_9 = arith.constant 0 : index
    %get3A_10 = vector.load %arg2[%get3A_9] : memref<1024xf32, #tpu.memory_space<vmem>>, vector<1024xf32>
    %broadcast_in_dim3A = vector.shape_cast %get3A_10 : vector<1024xf32> to vector<1024x1xf32>
    %mul3A = vector.broadcast %broadcast_in_dim3A : vector<1024x1xf32> to vector<1024x64xf32>
    %mul3A_11 = arith.mulf %convert_element_type3A, %mul3A : vector<1024x64xf32>
    %get3A_12 = arith.constant 0 : index
    %get3A_13 = arith.constant 0 : index
    %get3A_14 = vector.load %arg3[%get3A_12, %get3A_13] : memref<1x64xf32, #tpu.memory_space<vmem>>, vector<1x64xf32>
    %add3A = vector.broadcast %get3A_14 : vector<1x64xf32> to vector<1024x64xf32>
    %add3A_15 = arith.addf %mul3A_11, %add3A : vector<1024x64xf32>
    %reduce_max3A = arith.constant dense<0xFF800000> : vector<1024xf32>
    %reduce_max3A_16 = vector.multi_reduction <maximumf>, %add3A_15, %reduce_max3A [1] : vector<1024x64xf32> to vector<1024xf32>
    %broadcast_in_dim3A_17 = vector.shape_cast %reduce_max3A_16 : vector<1024xf32> to vector<1024x1xf32>
    %sub3A = vector.broadcast %broadcast_in_dim3A_17 : vector<1024x1xf32> to vector<1024x64xf32>
    %sub3A_18 = arith.subf %add3A_15, %sub3A : vector<1024x64xf32>
    %exp3A = math.exp %sub3A_18 : vector<1024x64xf32>
    %sub3A_19 = vector.broadcast %broadcast_in_dim3A_17 : vector<1024x1xf32> to vector<1024x64xf32>
    %sub3A_20 = arith.subf %add3A_15, %sub3A_19 : vector<1024x64xf32>
    %reduce_sum3A = arith.constant dense<0.000000e+00> : vector<1024xf32>
    %reduce_sum3A_21 = vector.multi_reduction <add>, %exp3A, %reduce_sum3A [1] : vector<1024x64xf32> to vector<1024xf32>
    %broadcast_in_dim3A_22 = vector.shape_cast %reduce_sum3A_21 : vector<1024xf32> to vector<1024x1xf32>
    %log3A = math.log %broadcast_in_dim3A_22 : vector<1024x1xf32>
    %sub3A_23 = vector.broadcast %log3A : vector<1024x1xf32> to vector<1024x64xf32>
    %sub3A_24 = arith.subf %sub3A_20, %sub3A_23 : vector<1024x64xf32>
    %swap3A = arith.constant 0 : index
    %swap3A_25 = arith.constant 0 : index
    %swap3A_26 = vector.load %arg4[%swap3A, %swap3A_25] : memref<1024x64xf32, #tpu.memory_space<vmem>>, vector<1024x64xf32>
    tpu.vector_store %arg4[%swap3A, %swap3A_25], %sub3A_24 {strides = array<i32>} : memref<1024x64xf32, #tpu.memory_space<vmem>>, vector<1024x64xf32>,
    return
  }
  func.func @transform_0(%arg0: i32) -> (i32, i32, i32) {
    %c0_i32 = arith.constant 0 : i32
    %c0_i32_0 = arith.constant 0 : i32
    %c0_i32_1 = arith.constant 0 : i32
    return %c0_i32, %arg0, %c0_i32_0 : i32, i32, i32
  }
  func.func @transform_1(%arg0: i32) -> i32 {
    %c0_i32 = arith.constant 0 : i32
    return %arg0 : i32
  }
  func.func @transform_2(%arg0: i32) -> (i32, i32) {
    %c0_i32 = arith.constant 0 : i32
    %c0_i32_0 = arith.constant 0 : i32
    %c0_i32_1 = arith.constant 0 : i32
    return %c0_i32, %c0_i32_0 : i32, i32
  }
  func.func @transform_3(%arg0: i32) -> (i32, i32) {
    %c0_i32 = arith.constant 0 : i32
    %c0_i32_0 = arith.constant 0 : i32
    return %arg0, %c0_i32 : i32, i32
  }
}

</mosaic_0001>

<sc_bundles>
// kernel: kernel.10.cloned.1.call-start
scs
__scs_entry_jumppad:
0x0: {  	(pc) =	sbr.rel $0x88, $3  }
0x1: {  	(tag) =	ssettag $0x0;
	lr =	simm.s32 $0x1  }
0x2: {  	[smem:$0x3F95] =	sst lr;
	_ =	strace $0xD0000000  }
0x3: {  	_ = 	snop  }
0x4: {  	_ = 	snop  }
0x5: {  	_ = 	snop  }
0x6: {  	_ = 	snop  }
0x7: {  	_ = 	snop  }
__scs_overlays_trampoline_lowered:
0x8: {  	[smem:$0x3FA4] =	sst s0  }
0x9: {  	[smem:$0x3FA5] =	sst s1  }
0xa: {  	[smem:$0x3FA6] =	sst s2  }
0xb: {  	[smem:$0x3FA7] =	sst s3  }
0xc: {  	[smem:$0x3FA8] =	sst s4  }
0xd: {  	[smem:$0x3FA9] =	sst s5  }
0xe: {  	[smem:$0x3FAA] =	sst s6  }
0xf: {  	[smem:$0x3FAB] =	sst s7  }
0x10: {  	[smem:$0x3FAC] =	sst s8  }
0x11: {  	[smem:$0x3FAD] =	sst s9;
	s0 =	simm.s32 @!p0 $0x0  }
0x12: {  	s1 =	sld [smem:$0x3F93];
	s0 =	simm.s32 @p0 $0x1  }
0x13: {  	[smem:$0x3FAE] =	sst s0;
	s0 =	simm.s32 @!p1 $0x0  }
0x14: {  	s2 =	sld [smem:$0x3F92];
	s0 =	simm.s32 @p1 $0x1  }
0x15: {  	[smem:$0x3FAF] =	sst s0;
	s0 =	simm.s32 @!p2 $0x0  }
0x16: {  	s3 =	sld [smem:$0x3FDB];
	s0 =	simm.s32 @p2 $0x1  }
0x17: {  	s4 =	simm.s32 $0x1BF5;
	[smem:$0x3FB1] =	sst s0  }
0x18: {  	s0 =	sld [smem:$0x3F94];
	_ =	swait.ge [sflag:s4], $0x0  }
0x19: {  	s7 =	sld [smem:$0x3F95]  }
0x1a: {  	s8 =	sadd.s32 $0xFFFFE003, lr  }
0x1b: {  	s9 =	sadd.s32 $0xFFFFFEF7, lr;
	s5 =	simm.s32 $0xFFFFFFFF;
	p2 =	slt.u32 s8, $0xFFFFF086  }
0x1c: {  	p1 =	slt.u32 s9, $0xF7A;
	s5 =	simm.s32 @!p2 $0x0  }
0x1d: {  	s5 =	simm.s32 @p1 $0x1;
	p0 =	seq.s32 s7, s2  }
0x1e: {  	s7 =	smul.u32 @!p0 $0xF7A, s2;
	p2 =	seq.s32 @!p0 s5, $0x0  }
0x1f: {  	s9 =	smul.u32 $0xF7A, s1;
	s8 =	simm.s32 @!p0 $0x1BF5;
	p2 =	por !p2, p0  }
0x20: {  	[sflag:s8] =	ssyncset.s32 @!p0 $0xFFFFF086;
	s6 =	sadd.s32 @!p0 s3, s7;
	s7 =	simm.s32 @!p0 $0x108  }
0x21: {  	s3 =	sadd.s32 s3, s9;
	s6 =	sadd.s32 @!p0 $0x88, s6;
	s7 =	simm.s32 @p2 $0x1082  }
0x22: {  	[simem:s7], [sflag:s8] =	dma.local @!p0 [hbm:s6], $0xF7A  }
0x23: {  	s9 =	sor.u32 $0xD0000000, s2;
	s6 =	simm.s32 $0x108;
	_ =	swait.ge @!p0 [sflag:s8], $0x0  }
0x24: {  	s3 =	sadd.s32 $0x88, s3;
	s6 =	simm.s32 @!p1 $0x1082;
	[sflag:s4] =	ssyncset.s32 $0xFFFFF086  }
0x25: {  	[simem:s6], [sflag:s4] =	dma.local [hbm:s3], $0xF7A  }
0x26: {  	[smem:$0x3F95] =	sst s1;
	(tag) =	ssettag s2;
	_ =	strace s9  }
0x27: {  	s1 =	sld [smem:$0x3FA5]  }
0x28: {  	s2 =	sld [smem:$0x3FA6]  }
0x29: {  	s4 =	sld [smem:$0x3FA8]  }
0x2a: {  	p0 =	seq.s32 s5, $0x0;
	s5 =	sld [smem:$0x3FA9]  }
0x2b: {  	s6 =	sld [smem:$0x3FAA]  }
0x2c: {  	s7 =	sld [smem:$0x3FAB]  }
0x2d: {  	s3 =	simm.s32 $0x108;
	s8 =	sld [smem:$0x3FAC]  }
0x2e: {  	s3 =	simm.s32 @!p0 $0x1082;
	s9 =	sld [smem:$0x3FAD]  }
0x2f: {  	lr =	sadd.s32 s0, s3;
	s0 =	sld [smem:$0x3FA4]  }
0x30: {  	s3 =	sld [smem:$0x3FA7]  }
0x31: {  	[smem:$0x3FB0] =	sst s10  }
0x32: {  	s10 =	sld [smem:$0x3FAE];
	_ =	sdelay $0x3  }
0x33: {  	p0 =	seq.s32 s10, $0x1;
	s10 =	sld [smem:$0x3FB0];
	_ =	sdelay $0x3  }
0x34: {  	[smem:$0x3FB0] =	sst s10  }
0x35: {  	s10 =	sld [smem:$0x3FAF];
	_ =	sdelay $0x3  }
0x36: {  	p1 =	seq.s32 s10, $0x1;
	s10 =	sld [smem:$0x3FB0];
	_ =	sdelay $0x3  }
0x37: {  	[smem:$0x3FB0] =	sst s10  }
0x38: {  	s10 =	sld [smem:$0x3FB1]  }
0x39: {  	_ = 	snop;
	(pc) =	sbr.ind lr, $3  }
0x3a: {  	_ = 	snop  }
0x3b: {  	_ = 	snop  }
0x3c: {  	p2 =	seq.s32 s10, $0x1;
	s10 =	sld [smem:$0x3FB0]  }
0x3d: {  	_ =	shalt  }
0x3e: {  	_ =	shalt  }
0x3f: {  	_ =	shalt  }
0x40: {  	_ =	shalt  }
0x41: {  	_ =	shalt  }
0x42: {  	_ =	shalt  }
0x43: {  	_ =	shalt  }
0x44: {  	_ =	shalt  }
0x45: {  	_ =	shalt  }
0x46: {  	_ =	shalt  }
0x47: {  	_ =	shalt  }
0x48: {  	_ =	shalt  }
0x49: {  	_ =	shalt  }
0x4a: {  	_ =	shalt  }
0x4b: {  	_ =	shalt  }
0x4c: {  	_ =	shalt  }
0x4d: {  	_ =	shalt  }
0x4e: {  	_ =	shalt  }
0x4f: {  	_ =	shalt  }
0x50: {  	_ =	shalt  }
0x51: {  	_ =	shalt  }
0x52: {  	_ =	shalt  }
0x53: {  	_ =	shalt  }
0x54: {  	_ =	shalt  }
0x55: {  	_ =	shalt  }
0x56: {  	_ =	shalt  }
0x57: {  	_ =	shalt  }
0x58: {  	_ =	shalt  }
0x59: {  	_ =	shalt  }
0x5a: {  	_ =	shalt  }
0x5b: {  	_ =	shalt  }
0x5c: {  	_ =	shalt  }
0x5d: {  	_ =	shalt  }
0x5e: {  	_ =	shalt  }
0x5f: {  	_ =	shalt  }
0x60: {  	_ =	shalt  }
0x61: {  	_ =	shalt  }
0x62: {  	_ =	shalt  }
0x63: {  	_ =	shalt  }
0x64: {  	_ =	shalt  }
0x65: {  	_ =	shalt  }
0x66: {  	_ =	shalt  }
0x67: {  	_ =	shalt  }
0x68: {  	_ =	shalt  }
0x69: {  	_ =	shalt  }
0x6a: {  	_ =	shalt  }
0x6b: {  	_ =	shalt  }
0x6c: {  	_ =	shalt  }
0x6d: {  	_ =	shalt  }
0x6e: {  	_ =	shalt  }
0x6f: {  	_ =	shalt  }
0x70: {  	_ =	shalt  }
0x71: {  	_ =	shalt  }
0x72: {  	_ =	shalt  }
0x73: {  	_ =	shalt  }
0x74: {  	_ =	shalt  }
0x75: {  	_ =	shalt  }
0x76: {  	_ =	shalt  }
0x77: {  	_ =	shalt  }
0x78: {  	_ =	shalt  }
0x79: {  	_ =	shalt  }
0x7a: {  	_ =	shalt  }
0x7b: {  	_ =	shalt  }
0x7c: {  	_ =	shalt  }
0x7d: {  	_ =	shalt  }
0x7e: {  	_ =	shalt  }
0x7f: {  	_ =	shalt  }
0x80: {  	_ =	shalt  }
0x81: {  	_ =	shalt  }
0x82: {  	_ =	shalt  }
0x83: {  	_ =	shalt  }
0x84: {  	_ =	shalt  }
0x85: {  	_ =	shalt  }
0x86: {  	_ =	shalt  }
0x87: {  	_ =	shalt  }
.Lfunc_end0:
.L_simem_size_0:
called_computation_lowered:
.L_overlay_start_0:
0x88: {  	s2 =	sld [smem:$0x3FD9]  }
0x89: {  	s3 =	sld [smem:$0x3FFE];
	_ =	sdelay $0x1  }
0x8a: {  	s1 =	srdreg.scid  }
0x8b: {  	s0 =	sand.u32 $0x1, s1  }
0x8c: {  	s16 =	sshll.u32 s0, $0xA;
	s2 =	sadd.s32 s3, s2  }
0x8d: {  	s2 =	sadd.s32 s2, s16  }
0x8e: {  	[smem:$0x3FBC] =	sst s2  }
0x8f: {  	_ = 	snop  }
0x90: {  	(tm) =	ssettm $0x1  }
0x91: {  	s17 =	sld [smem:$0x3FFB];
	_ =	sdelay $0x3  }
0x92: {  	_ =	strace s17  }
0x93: {  	s2 =	sld [smem:$0x3FFC];
	_ =	sdelay $0x3  }
0x94: {  	_ =	strace s2  }
0x95: {  	s2 =	sld [smem:$0x3FFD];
	_ =	sdelay $0x3  }
0x96: {  	_ =	strace s2  }
0x97: {  	_ =	strace $0x8FFFFFFF  }
0x98: {  	s18 =	sld [smem:$0x3FDB];
	_ =	sdelay $0x1  }
0x99: {  	s19 =	simm.s32 $_scs_section_size  }
0x9a: {  	s4 =	simm.s32 $_size__tile_overlayer_lowered;
	s5 =	simm.s32 $_tile_overlayer_lowered  }
0x9b: {  	s22 =	simm.s32 $0x1BFF;
	s21 =	sshll.u32 s5, $0x1;
	s2 =	sadd.s32 s19, s18  }
0x9c: {  	s6 =	simm.s32 $0x0;
	s20 =	sshll.u32 s4, $0x1;
	s4 =	sadd.s32 s21, s2  }
0x9d: {  	[timem:s6], [sflag:s22] =	dma.local [hbm:s4], s20  }
0x9e: {  	_ =	swait.ge [sflag:s22], s20  }
0x9f: {  	s3 =	ssub.s32 $0x0, s20;
	[sflag:s22] =	ssyncset.done $0x0  }
0xa0: {  	[sflag:s22] =	ssyncadd.s32 s3;
	_ =	sdelay $0x1  }
0xa1: {  	s23 =	simm.s32 $0x1B8B  }
0xa2: {  	_ =	swait.ge [sflag:s23], $0x1  }
0xa3: {  	[sflag:s23] =	ssyncset.done $0x0  }
0xa4: {  	s25 =	simm.s32 $0x1B8E;
	s24 =	sld [smem:$0x3FFE];
	[sflag:s23] =	ssyncadd.s32 $0xFFFFFFFF  }
0xa5: {  	s26 =	simm.s32 $execute0_lowered;
	[smem:$0x3FD2] =	sst s25  }
0xa6: {  	s4 =	sshll.u32 s26, $0x1;
	_ =	strace $0x80000046;
	[dreg:$0x1] =	wrdreg $0xFFFFFFFF  }
0xa7: {  	s28 =	simm.s32 $_size_execute0_lowered;
	s2 =	sadd.s32 s2, s4;
	[dreg:$0x0] =	wrdreg $0x0  }
0xa8: {  	s4 =	sshll.u32 s28, $0x1;
	[dreg:$0x2] =	wrdreg s2  }
0xa9: {  	[dreg:$0x3] =	wrdreg s4  }
0xaa: {  	[dreg:$0x4] =	wrdreg $0xC0  }
0xab: {  	_ =	task [dreg:s6], $0x5FFFF  }
0xac: {  	[dreg:$0x1] =	wrdreg $0xFFFFFFFF  }
0xad: {  	[dreg:$0x0] =	wrdreg $0x60  }
0xae: {  	[dreg:$0x2] =	wrdreg s24  }
0xaf: {  	[dreg:$0x3] =	wrdreg $0x2B000  }
0xb0: {  	[dreg:$0x4] =	wrdreg $0x9  }
0xb1: {  	_ =	task.clear_ibuf [dreg:s6], $0x5FFFF;
	_ =	strace $0x90000046  }
0xb2: {  	s29 =	simm.s32 $0x9;
	_ =	strace $0x80000048  }
0xb3: {  	_ =	swait.ge [sflag:s29], $0x1  }
0xb4: {  	[sflag:s29] =	ssyncadd.s32 $0xFFFFFFFF  }
0xb5: {  	_ =	strace $0x90000048  }
0xb6: {  	_ =	sfence  }
0xb7: {  	s30 =	sld [smem:$0x0];
	_ =	sdelay $0x2  }
0xb8: {  	s31 =	sshll.u32 s1, $0xD;
	s1 =	sshrl.u32 s1, $0x2  }
0xb9: {  	s3 =	sand.u32 $0x4000, s31;
	s1 =	sadd.s32 s1, s30  }
0xba: {  	s0 =	sor.u32 s3, s0;
	s1 =	sshll.u32 s1, $0x11  }
0xbb: {  	s0 =	sor.u32 s1, s0  }
0xbc: {  	s0 =	sadd.s32 $0x8F2B, s0  }
0xbd: {  	[sflag:s0] =	ssyncadd.remote.s32 $0x1  }
0xbe: {  	_ =	sfence.sel $0xFFFF  }
0xbf: {  	[dreg:$0x0] =	wrdreg $0xFFFFFFFF;
	(pc) =	sbr.abs _section_cstart, $3  }
0xc0: {  	[dreg:$0x1] =	wrdreg $0xFFFFFFFF  }
0xc1: {  	_ =	task.clear_ibuf [dreg:s6], $0x2FFFF;
	_ =	strace $0x9FFFFFFF  }
0xc2: {  	(tm) =	ssettm $0x7FFFFFFF  }
0xc3: {  	_ =	shalt  }
tec
execute0_lowered:
.L_overlay_start_1:
0x0: {  	(tag) =	ssettag $0x1  }
0x1: {  	s4 =	rddreg [dreg:$0x0]  }
0x2: {  	s0 =	srdreg.scid;
	s2 =	rddreg [dreg:$0x1]  }
0x3: {  	s1 =	rddreg [dreg:$0x2];
	s3 =	simm.s32 $0x0;
	s10 =	simm.s32 $0x80  }
0x4: {  	s11 =	simm.s32 $0x2800;
	s12 =	simm.s32 $0x1;
	s5 =	sand.u32 $0x1, s0  }
0x5: {  	s15 =	simm.s32 $0x20;
	s0 =	stileid.u32;
	s6 =	smul.u32 $0x28000, s5  }
0x6: {  	s16 =	simm.s32 $0x10;
	[smem:$0x7FF] =	sst s3;
	s7 =	smul.u32 $0x2800, s0  }
0x7: {  	s17 =	simm.s32 $0x0;
	s29 =	smul.u32 $0x500, s0;
	_ =	strace $0x80000047  }
0x8: {  	s8 =	sshll.u32 s5, $0x7;
	s5 =	ssub.s32 $0x2, s5;
	s13 =	sshll.u32 s0, $0x6  }
0x9: {  	s30 =	smul.u32 $0xA00, s0;
	s9 =	sshrl.u32 s5, $0x1;
	s13 =	sor.u32 $0x1C02, s13  }
0xa: {  	s6 =	sadd.s32 s7, s6;
	s7 =	sor.u32 s8, s29;
	s9 =	ssub.s32 s5, s9  }
0xb: {  	s31 =	sshrl.u32 s30, $0x2;
	s8 =	simm.s32 $0x2;
	s6 =	sshrl.u32 s6, $0x3  }
0xc: {  	s7 =	sshrl.u32 s7, $0x3;
	s5 =	sadd.s32 s31, s2;
	s6 =	sadd.s32 s6, s4  }
0xd: {  	s7 =	sadd.s32 s7, s4;
	s14 =	sshrl.u32 s5, $0x3;
	s4 =	sadd.s32 $0x2A00, s6  }
0xe: {  	v0 =	vimm.f32 $0.0e+00;
	v1 =	vimm.f32 $1.000000000e+00;
	s6 =	sadd.s32 $0xCA00, s7;
	s7 =	smax.u32 s9, $0x1;
	s9 =	simm.s32 $0x2880  }
.LBB2_1:
0xf: {  	[tilespmem:$0x2880] =	vst v0  }
0x10: {  	[tilespmem:$0x2890] =	vst v0  }
0x11: {  	[tilespmem:$0x28A0] =	vst v0  }
0x12: {  	[tilespmem:$0x28B0] =	vst v0  }
0x13: {  	[tilespmem:$0x28C0] =	vst v0  }
0x14: {  	[tilespmem:$0x28D0] =	vst v0  }
0x15: {  	[tilespmem:$0x28E0] =	vst v0  }
0x16: {  	[tilespmem:$0x28F0] =	vst v0  }
0x17: {  	[tilespmem:$0x2900] =	vst v0  }
0x18: {  	[tilespmem:$0x2910] =	vst v0  }
0x19: {  	[tilespmem:$0x2920] =	vst v0  }
0x1a: {  	[tilespmem:$0x2930] =	vst v0  }
0x1b: {  	[tilespmem:$0x2940] =	vst v0  }
0x1c: {  	[tilespmem:$0x2950] =	vst v0  }
0x1d: {  	[tilespmem:$0x2960] =	vst v0  }
0x1e: {  	[tilespmem:$0x2970] =	vst v0  }
0x1f: {  	[tilespmem:$0x2980] =	vst v0  }
0x20: {  	[tilespmem:$0x2990] =	vst v0  }
0x21: {  	[tilespmem:$0x29A0] =	vst v0  }
0x22: {  	[tilespmem:$0x29B0] =	vst v0  }
0x23: {  	[tilespmem:$0x29C0] =	vst v0  }
0x24: {  	[tilespmem:$0x29D0] =	vst v0  }
0x25: {  	[tilespmem:$0x29E0] =	vst v0  }
0x26: {  	[tilespmem:$0x29F0] =	vst v0  }
0x27: {  	[tilespmem:$0x2A00] =	vst v0  }
0x28: {  	[tilespmem:$0x2A10] =	vst v0  }
0x29: {  	[tilespmem:$0x2A20] =	vst v0  }
0x2a: {  	[tilespmem:$0x2A30] =	vst v0  }
0x2b: {  	[tilespmem:$0x2A40] =	vst v0  }
0x2c: {  	[tilespmem:$0x2A50] =	vst v0  }
0x2d: {  	[tilespmem:$0x2A60] =	vst v0  }
0x2e: {  	[tilespmem:$0x2A70] =	vst v0  }
0x2f: {  	[tilespmem:$0x2A80] =	vst v0  }
0x30: {  	[tilespmem:$0x2A90] =	vst v0  }
0x31: {  	[tilespmem:$0x2AA0] =	vst v0  }
0x32: {  	[tilespmem:$0x2AB0] =	vst v0  }
0x33: {  	[tilespmem:$0x2AC0] =	vst v0  }
0x34: {  	[tilespmem:$0x2AD0] =	vst v0  }
0x35: {  	[tilespmem:$0x2AE0] =	vst v0  }
0x36: {  	[tilespmem:$0x2AF0] =	vst v0  }
0x37: {  	[tilespmem:$0x2800] =	vst v1  }
0x38: {  	[tilespmem:$0x2810] =	vst v1  }
0x39: {  	[tilespmem:$0x2820] =	vst v1  }
0x3a: {  	[tilespmem:$0x2830] =	vst v1  }
0x3b: {  	[tilespmem:$0x2840] =	vst v1  }
0x3c: {  	[tilespmem:$0x2850] =	vst v1  }
0x3d: {  	[tilespmem:$0x2860] =	vst v1  }
0x3e: {  	[tilespmem:$0x2870] =	vst v1  }
0x3f: {  	[tilespmem:s3], [sflag:$0x2] =	stream.linear.gather [hbm4b:s4+s3], $0x2800, $0x38;
	[tilespmem:$0x2D80] =	vst v63  }
0x40: {  	_ =	swait.ge [sflag:s8], $0x2800  }
0x41: {  	[sflag:s8] =	ssyncset.done $0x0  }
0x42: {  	[sflag:s8] =	ssyncadd.s32 $0xFFFFD800  }
0x43: {  	[spmem:s5] =	stream.linear.scatter [tilespmem:s9], [sflag:$0x2], $0x280, $0x38;
	[tilespmem:$0x2D80] =	vst v63  }
0x44: {  	_ =	swait.ge [sflag:s8], $0x280  }
0x45: {  	[sflag:s8] =	ssyncset.done $0x0  }
0x46: {  	p0 =	por $0x1, $0x1;
	[sflag:s8] =	ssyncadd.s32 $0xFFFFFD80  }
0x47: {  	s20 =	simm.s32 @!p0 $0x1;
	[bflag:$0x0] =	sbarrier.arrive $0xFFFF  }
0x48: {  	[spmem:s2] =	stream.indirect.scatter.add.f32 [tilespmem:s11], [sflag:$0x1], $0x1, s3, s10, $0xb8;
	[tilespmem:$0x2D80] =	vst v63  }
0x49: {  	_ =	swait.ge @!p0 [sflag:s20], $0x80  }
0x4a: {  	s18 =	simm.s32 $0x1;
	s19 =	simm.s32 $0x0;
	[sflag:s20] =	ssyncset.done @!p0 $0x0  }
.LBB2_2:
0x4b: {  	[sflag:s20] =	ssyncadd.s32 @!p0 $0xFFFFFF80  }
0x4c: {  	s19 =	sadd.s32 $0x80, s19;
	s20 =	smov.u32 s18;
	s18 =	sadd.s32 $0x1, s18  }
0x4d: {  	p1 =	sne.s32 s18, $0x50  }
0x4e: {  	[spmem:s2] =	stream.indirect.scatter.add.f32 [tilespmem:s11], [sflag:$0x1], $0x1, s19, s10, $0xb8;
	[tilespmem:$0x2D80] =	vst v63  }
.Ltmp0:
0x4f: {  	_ = 	snop;
	(pc) =	sbr.rel @p1 .LBB2_2-.Ltmp0, $4  }
0x50: {  	p0 =	slt.u32 s20, $0x8  }
0x51: {  	s20 =	simm.s32 @!p0 $0x1  }
0x52: {  	_ =	swait.ge @!p0 [sflag:s20], $0x80  }
0x53: {  	[sflag:s20] =	ssyncset.done @!p0 $0x0  }
0x54: {  	[sflag:s20] =	ssyncadd.s32 @!p0 $0xFFFFFF80  }
0x55: {  	_ =	swait.ge [sflag:s12], $0x80  }
0x56: {  	[sflag:s12] =	ssyncset.done $0x0  }
0x57: {  	[sflag:s12] =	ssyncadd.s32 $0xFFFFFF80  }
0x58: {  	_ =	swait.ge [sflag:s12], $0x80  }
0x59: {  	[sflag:s12] =	ssyncset.done $0x0  }
0x5a: {  	[sflag:s12] =	ssyncadd.s32 $0xFFFFFF80  }
0x5b: {  	_ =	swait.ge [sflag:s12], $0x80  }
0x5c: {  	[sflag:s12] =	ssyncset.done $0x0  }
0x5d: {  	[sflag:s12] =	ssyncadd.s32 $0xFFFFFF80  }
0x5e: {  	_ =	swait.ge [sflag:s12], $0x80  }
0x5f: {  	[sflag:s12] =	ssyncset.done $0x0  }
0x60: {  	[sflag:s12] =	ssyncadd.s32 $0xFFFFFF80  }
0x61: {  	_ =	swait.ge [sflag:s12], $0x80  }
0x62: {  	[sflag:s12] =	ssyncset.done $0x0  }
0x63: {  	[sflag:s12] =	ssyncadd.s32 $0xFFFFFF80  }
0x64: {  	_ =	swait.ge [sflag:s12], $0x80  }
0x65: {  	[sflag:s12] =	ssyncset.done $0x0  }
0x66: {  	[sflag:s12] =	ssyncadd.s32 $0xFFFFFF80  }
0x67: {  	_ =	swait.ge [sflag:s12], $0x80  }
0x68: {  	[sflag:s12] =	ssyncset.done $0x0  }
0x69: {  	[sflag:s12] =	ssyncadd.s32 $0xFFFFFF80  }
0x6a: {  	_ =	swait.ge [sflag:s12], $0x80  }
0x6b: {  	s17 =	sadd.s32 $0x1, s17;
	[sflag:s12] =	ssyncset.done $0x0  }
0x6c: {  	p0 =	sne.s32 s17, s7;
	[sflag:s12] =	ssyncadd.s32 $0xFFFFFF80  }
.Ltmp1:
0x6d: {  	[bflag:$0x0] =	sbarrier.arrive $0xFFFF;
	(pc) =	sbr.rel @p0 .LBB2_1-.Ltmp1, $4  }
0x6e: {  	[hbm:s6@s15], [sflag:s13] =	dma.strided [spmem:s14@s16], $0x50, s12, $0x10   }
0x6f: {  	_ =	swait.ge [sflag:s8], $0x50  }
0x70: {  	[sflag:s8] =	ssyncset.done $0x0  }
0x71: {  	[sflag:s8] =	ssyncadd.s32 $0xFFFFFFB0  }
0x72: {  	_ =	sfence.sel $0x180000  }
0x73: {  	[bflag:$0x0] =	sbarrier.arrive $0xFFFF  }
0x74: {  	p0 =	sne.s32 s0, $0x0;
	_ =	strace $0x90000047  }
0x75: {  	s0 =	sadd.s32 @!p0 $0x100000, s1;
	[bflag:$0x2] =	sbarrier.arrive $0xFFFF  }
0x76: {  	[sflag:s0] =	ssyncadd.tile.s32 @!p0 $0x1;
	_ =	shalt  }
.Lfunc_end2:
_tile_overlayer_lowered:
.L_overlay_start_2:
0x77: {  	(tag) =	ssettag $0x2  }
0x78: {  	s0 =	rddreg [dreg:$0x0];
	s2 =	stileid.u32  }
0x79: {  	s1 =	rddreg [dreg:$0x1];
	p0 =	sne.s32 s2, $0x0  }
0x7a: {  	s3 =	rddreg [dreg:$0x2];
	[bflag:$0x3] =	sbarrier.arrive $0xFFFF;
	s2 =	simm.s32 @!p0 $0x1C02  }
0x7b: {  	[timem:s3], [sflag:s2] =	dma.local @!p0 [hbm:s0], s1  }
0x7c: {  	s0 =	simm.s32 @!p0 $0x2  }
0x7d: {  	_ =	swait.ge @!p0 [sflag:s0], s1  }
0x7e: {  	s1 =	ssub.s32 @!p0 $0x0, s1;
	[sflag:s0] =	ssyncset.done @!p0 $0x0  }
0x7f: {  	[sflag:s0] =	ssyncadd.s32 @!p0 s1  }
0x80: {  	[bflag:$0x3] =	sbarrier.arrive $0xFFFF  }
0x81: {  	_ =	shalt  }

// kernel: kernel.13.cloned.1.call-start
scs
__scs_entry_jumppad:
0x0: {  	(pc) =	sbr.rel $0x88, $3  }
0x1: {  	(tag) =	ssettag $0x0;
	lr =	simm.s32 $0x1  }
0x2: {  	[smem:$0x3F95] =	sst lr;
	_ =	strace $0xD0000000  }
0x3: {  	_ = 	snop  }
0x4: {  	_ = 	snop  }
0x5: {  	_ = 	snop  }
0x6: {  	_ = 	snop  }
0x7: {  	_ = 	snop  }
__scs_overlays_trampoline_lowered:
0x8: {  	[smem:$0x3FA4] =	sst s0  }
0x9: {  	[smem:$0x3FA5] =	sst s1  }
0xa: {  	[smem:$0x3FA6] =	sst s2  }
0xb: {  	[smem:$0x3FA7] =	sst s3  }
0xc: {  	[smem:$0x3FA8] =	sst s4  }
0xd: {  	[smem:$0x3FA9] =	sst s5  }
0xe: {  	[smem:$0x3FAA] =	sst s6  }
0xf: {  	[smem:$0x3FAB] =	sst s7  }
0x10: {  	[smem:$0x3FAC] =	sst s8  }
0x11: {  	[smem:$0x3FAD] =	sst s9;
	s0 =	simm.s32 @!p0 $0x0  }
0x12: {  	s1 =	sld [smem:$0x3F93];
	s0 =	simm.s32 @p0 $0x1  }
0x13: {  	[smem:$0x3FAE] =	sst s0;
	s0 =	simm.s32 @!p1 $0x0  }
0x14: {  	s2 =	sld [smem:$0x3F92];
	s0 =	simm.s32 @p1 $0x1  }
0x15: {  	[smem:$0x3FAF] =	sst s0;
	s0 =	simm.s32 @!p2 $0x0  }
0x16: {  	s3 =	sld [smem:$0x3FDB];
	s0 =	simm.s32 @p2 $0x1  }
0x17: {  	s4 =	simm.s32 $0x1BF5;
	[smem:$0x3FB1] =	sst s0  }
0x18: {  	s0 =	sld [smem:$0x3F94];
	_ =	swait.ge [sflag:s4], $0x0  }
0x19: {  	s7 =	sld [smem:$0x3F95]  }
0x1a: {  	s8 =	sadd.s32 $0xFFFFE003, lr  }
0x1b: {  	s9 =	sadd.s32 $0xFFFFFEF7, lr;
	s5 =	simm.s32 $0xFFFFFFFF;
	p2 =	slt.u32 s8, $0xFFFFF086  }
0x1c: {  	p1 =	slt.u32 s9, $0xF7A;
	s5 =	simm.s32 @!p2 $0x0  }
0x1d: {  	s5 =	simm.s32 @p1 $0x1;
	p0 =	seq.s32 s7, s2  }
0x1e: {  	s7 =	smul.u32 @!p0 $0xF7A, s2;
	p2 =	seq.s32 @!p0 s5, $0x0  }
0x1f: {  	s9 =	smul.u32 $0xF7A, s1;
	s8 =	simm.s32 @!p0 $0x1BF5;
	p2 =	por !p2, p0  }
0x20: {  	[sflag:s8] =	ssyncset.s32 @!p0 $0xFFFFF086;
	s6 =	sadd.s32 @!p0 s3, s7;
	s7 =	simm.s32 @!p0 $0x108  }
0x21: {  	s3 =	sadd.s32 s3, s9;
	s6 =	sadd.s32 @!p0 $0x88, s6;
	s7 =	simm.s32 @p2 $0x1082  }
0x22: {  	[simem:s7], [sflag:s8] =	dma.local @!p0 [hbm:s6], $0xF7A  }
0x23: {  	s9 =	sor.u32 $0xD0000000, s2;
	s6 =	simm.s32 $0x108;
	_ =	swait.ge @!p0 [sflag:s8], $0x0  }
0x24: {  	s3 =	sadd.s32 $0x88, s3;
	s6 =	simm.s32 @!p1 $0x1082;
	[sflag:s4] =	ssyncset.s32 $0xFFFFF086  }
0x25: {  	[simem:s6], [sflag:s4] =	dma.local [hbm:s3], $0xF7A  }
0x26: {  	[smem:$0x3F95] =	sst s1;
	(tag) =	ssettag s2;
	_ =	strace s9  }
0x27: {  	s1 =	sld [smem:$0x3FA5]  }
0x28: {  	s2 =	sld [smem:$0x3FA6]  }
0x29: {  	s4 =	sld [smem:$0x3FA8]  }
0x2a: {  	p0 =	seq.s32 s5, $0x0;
	s5 =	sld [smem:$0x3FA9]  }
0x2b: {  	s6 =	sld [smem:$0x3FAA]  }
0x2c: {  	s7 =	sld [smem:$0x3FAB]  }
0x2d: {  	s3 =	simm.s32 $0x108;
	s8 =	sld [smem:$0x3FAC]  }
0x2e: {  	s3 =	simm.s32 @!p0 $0x1082;
	s9 =	sld [smem:$0x3FAD]  }
0x2f: {  	lr =	sadd.s32 s0, s3;
	s0 =	sld [smem:$0x3FA4]  }
0x30: {  	s3 =	sld [smem:$0x3FA7]  }
0x31: {  	[smem:$0x3FB0] =	sst s10  }
0x32: {  	s10 =	sld [smem:$0x3FAE];
	_ =	sdelay $0x3  }
0x33: {  	p0 =	seq.s32 s10, $0x1;
	s10 =	sld [smem:$0x3FB0];
	_ =	sdelay $0x3  }
0x34: {  	[smem:$0x3FB0] =	sst s10  }
0x35: {  	s10 =	sld [smem:$0x3FAF];
	_ =	sdelay $0x3  }
0x36: {  	p1 =	seq.s32 s10, $0x1;
	s10 =	sld [smem:$0x3FB0];
	_ =	sdelay $0x3  }
0x37: {  	[smem:$0x3FB0] =	sst s10  }
0x38: {  	s10 =	sld [smem:$0x3FB1]  }
0x39: {  	_ = 	snop;
	(pc) =	sbr.ind lr, $3  }
0x3a: {  	_ = 	snop  }
0x3b: {  	_ = 	snop  }
0x3c: {  	p2 =	seq.s32 s10, $0x1;
	s10 =	sld [smem:$0x3FB0]  }
0x3d: {  	_ =	shalt  }
0x3e: {  	_ =	shalt  }
0x3f: {  	_ =	shalt  }
0x40: {  	_ =	shalt  }
0x41: {  	_ =	shalt  }
0x42: {  	_ =	shalt  }
0x43: {  	_ =	shalt  }
0x44: {  	_ =	shalt  }
0x45: {  	_ =	shalt  }
0x46: {  	_ =	shalt  }
0x47: {  	_ =	shalt  }
0x48: {  	_ =	shalt  }
0x49: {  	_ =	shalt  }
0x4a: {  	_ =	shalt  }
0x4b: {  	_ =	shalt  }
0x4c: {  	_ =	shalt  }
0x4d: {  	_ =	shalt  }
0x4e: {  	_ =	shalt  }
0x4f: {  	_ =	shalt  }
0x50: {  	_ =	shalt  }
0x51: {  	_ =	shalt  }
0x52: {  	_ =	shalt  }
0x53: {  	_ =	shalt  }
0x54: {  	_ =	shalt  }
0x55: {  	_ =	shalt  }
0x56: {  	_ =	shalt  }
0x57: {  	_ =	shalt  }
0x58: {  	_ =	shalt  }
0x59: {  	_ =	shalt  }
0x5a: {  	_ =	shalt  }
0x5b: {  	_ =	shalt  }
0x5c: {  	_ =	shalt  }
0x5d: {  	_ =	shalt  }
0x5e: {  	_ =	shalt  }
0x5f: {  	_ =	shalt  }
0x60: {  	_ =	shalt  }
0x61: {  	_ =	shalt  }
0x62: {  	_ =	shalt  }
0x63: {  	_ =	shalt  }
0x64: {  	_ =	shalt  }
0x65: {  	_ =	shalt  }
0x66: {  	_ =	shalt  }
0x67: {  	_ =	shalt  }
0x68: {  	_ =	shalt  }
0x69: {  	_ =	shalt  }
0x6a: {  	_ =	shalt  }
0x6b: {  	_ =	shalt  }
0x6c: {  	_ =	shalt  }
0x6d: {  	_ =	shalt  }
0x6e: {  	_ =	shalt  }
0x6f: {  	_ =	shalt  }
0x70: {  	_ =	shalt  }
0x71: {  	_ =	shalt  }
0x72: {  	_ =	shalt  }
0x73: {  	_ =	shalt  }
0x74: {  	_ =	shalt  }
0x75: {  	_ =	shalt  }
0x76: {  	_ =	shalt  }
0x77: {  	_ =	shalt  }
0x78: {  	_ =	shalt  }
0x79: {  	_ =	shalt  }
0x7a: {  	_ =	shalt  }
0x7b: {  	_ =	shalt  }
0x7c: {  	_ =	shalt  }
0x7d: {  	_ =	shalt  }
0x7e: {  	_ =	shalt  }
0x7f: {  	_ =	shalt  }
0x80: {  	_ =	shalt  }
0x81: {  	_ =	shalt  }
0x82: {  	_ =	shalt  }
0x83: {  	_ =	shalt  }
0x84: {  	_ =	shalt  }
0x85: {  	_ =	shalt  }
0x86: {  	_ =	shalt  }
0x87: {  	_ =	shalt  }
.Lfunc_end0:
.L_simem_size_0:
called_computation.1_lowered:
.L_overlay_start_0:
0x88: {  	s2 =	sld [smem:$0x3FD9]  }
0x89: {  	s3 =	sld [smem:$0x3FFE];
	_ =	sdelay $0x1  }
0x8a: {  	s1 =	srdreg.scid  }
0x8b: {  	s0 =	sand.u32 $0x1, s1  }
0x8c: {  	s17 =	sshll.u32 s0, $0xA;
	s2 =	sadd.s32 s3, s2  }
0x8d: {  	s2 =	sadd.s32 s2, s17  }
0x8e: {  	[smem:$0x3FBC] =	sst s2  }
0x8f: {  	_ = 	snop  }
0x90: {  	s2 =	sld [smem:$0x3FD0];
	(tm) =	ssettm $0x1  }
0x91: {  	s18 =	sld [smem:$0x3FFB];
	_ =	sdelay $0x3  }
0x92: {  	_ =	strace s18  }
0x93: {  	s3 =	sld [smem:$0x3FFC];
	_ =	sdelay $0x3  }
0x94: {  	_ =	strace s3  }
0x95: {  	s3 =	sld [smem:$0x3FFD];
	_ =	sdelay $0x3  }
0x96: {  	_ =	strace s3  }
0x97: {  	_ =	strace $0x8FFFFFFF  }
0x98: {  	s19 =	sld [smem:$0x3FDB];
	_ =	sdelay $0x1  }
0x99: {  	s4 =	simm.s32 $_scs_section_size  }
0x9a: {  	s5 =	simm.s32 $_size__tile_overlayer_lowered;
	s6 =	simm.s32 $_tile_overlayer_lowered  }
0x9b: {  	s22 =	simm.s32 $0x1BFF;
	s21 =	sshll.u32 s6, $0x1;
	s3 =	sadd.s32 s4, s19  }
0x9c: {  	s7 =	simm.s32 $0x0;
	s20 =	sshll.u32 s5, $0x1;
	s5 =	sadd.s32 s21, s3  }
0x9d: {  	[timem:s7], [sflag:s22] =	dma.local [hbm:s5], s20  }
0x9e: {  	_ =	swait.ge [sflag:s22], s20  }
0x9f: {  	s4 =	ssub.s32 $0x0, s20;
	[sflag:s22] =	ssyncset.done $0x0  }
0xa0: {  	[sflag:s22] =	ssyncadd.s32 s4;
	_ =	sdelay $0x1  }
0xa1: {  	s23 =	simm.s32 $0x1B8B  }
0xa2: {  	_ =	swait.ge [sflag:s23], $0x1  }
0xa3: {  	[sflag:s23] =	ssyncset.done $0x0  }
0xa4: {  	s25 =	simm.s32 $0x1B8E;
	s24 =	sld [smem:$0x3FFE];
	[sflag:s23] =	ssyncadd.s32 $0xFFFFFFFF  }
0xa5: {  	s26 =	simm.s32 $execute0_lowered;
	[smem:$0x3FD2] =	sst s25  }
0xa6: {  	s5 =	sshll.u32 s26, $0x1;
	_ =	strace $0x80000049;
	[dreg:$0x1] =	wrdreg $0xFFFFFFFF  }
0xa7: {  	s28 =	simm.s32 $_size_execute0_lowered;
	s3 =	sadd.s32 s3, s5;
	[dreg:$0x0] =	wrdreg $0x0  }
0xa8: {  	s5 =	sshll.u32 s28, $0x1;
	[dreg:$0x2] =	wrdreg s3  }
0xa9: {  	[dreg:$0x3] =	wrdreg s5  }
0xaa: {  	[dreg:$0x4] =	wrdreg $0xC0  }
0xab: {  	_ =	task [dreg:s7], $0x5FFFF  }
0xac: {  	[dreg:$0x1] =	wrdreg $0xFFFFFFFF  }
0xad: {  	[dreg:$0x0] =	wrdreg $0x60  }
0xae: {  	[dreg:$0x2] =	wrdreg s24  }
0xaf: {  	[dreg:$0x3] =	wrdreg s2  }
0xb0: {  	[dreg:$0x4] =	wrdreg $0x140000  }
0xb1: {  	[dreg:$0x5] =	wrdreg $0x9  }
0xb2: {  	_ =	task.clear_ibuf [dreg:s7], $0x6FFFF;
	_ =	strace $0x90000049  }
0xb3: {  	s29 =	simm.s32 $0x9;
	_ =	strace $0x8000004B  }
0xb4: {  	_ =	swait.ge [sflag:s29], $0x1  }
0xb5: {  	[sflag:s29] =	ssyncadd.s32 $0xFFFFFFFF  }
0xb6: {  	_ =	strace $0x9000004B  }
0xb7: {  	_ =	sfence  }
0xb8: {  	s30 =	sld [smem:$0x0];
	_ =	sdelay $0x2  }
0xb9: {  	s31 =	sshll.u32 s1, $0xD;
	s1 =	sshrl.u32 s1, $0x2  }
0xba: {  	s3 =	sand.u32 $0x4000, s31;
	s1 =	sadd.s32 s1, s30  }
0xbb: {  	s0 =	sor.u32 s3, s0;
	s1 =	sshll.u32 s1, $0x11  }
0xbc: {  	s0 =	sor.u32 s1, s0  }
0xbd: {  	s0 =	sadd.s32 $0x8F2B, s0  }
0xbe: {  	[sflag:s0] =	ssyncadd.remote.s32 $0x1  }
0xbf: {  	_ =	sfence.sel $0xFFFF  }
0xc0: {  	[dreg:$0x0] =	wrdreg $0xFFFFFFFF;
	(pc) =	sbr.abs _section_cstart, $3  }
0xc1: {  	[dreg:$0x1] =	wrdreg $0xFFFFFFFF  }
0xc2: {  	_ =	task.clear_ibuf [dreg:s7], $0x2FFFF;
	_ =	strace $0x9FFFFFFF  }
0xc3: {  	(tm) =	ssettm $0x7FFFFFFF  }
tec
execute0_lowered:
.L_overlay_start_1:
0x0: {  	(tag) =	ssettag $0x1  }
0x1: {  	s0 =	rddreg [dreg:$0x0]  }
0x2: {  	s9 =	rddreg [dreg:$0x1];
	s1 =	srdreg.scid  }
0x3: {  	s3 =	rddreg [dreg:$0x2];
	s10 =	stileid.u32  }
0x4: {  	s5 =	simm.s32 $0x0;
	s28 =	simm.s32 $0xA000;
	s15 =	simm.s32 $0xE000  }
0x5: {  	s30 =	simm.s32 $0x10000;
	s31 =	simm.s32 $0x4;
	s12 =	simm.s32 $0xC  }
0x6: {  	s13 =	simm.s32 $0xD;
	s16 =	simm.s32 $0xE;
	s17 =	simm.s32 $0xF  }
0x7: {  	s18 =	simm.s32 $0x10;
	s1 =	sand.u32 $0x1, s1;
	s4 =	smul.u32 $0x14000, s10  }
0x8: {  	[smem:$0x7FF] =	sst s5;
	s6 =	smul.u32 $0x5000, s10;
	s11 =	sadd.s32 $0x2A00, s0  }
0x9: {  	s29 =	sshll.u32 s10, $0x6;
	s10 =	simm.s32 $0xB;
	s2 =	smul.u32 $0x140000, s1  }
0xa: {  	_ =	strace $0x8000004A;
	s1 =	ssub.s32 $0x2, s1;
	[dreg:$0x4] =	wrdreg s11  }
0xb: {  	s20 =	sshrl.u32 s1, $0x1;
	s21 =	sshrl.u32 s6, $0x3;
	s7 =	sshrl.u32 s4, $0x1  }
0xc: {  	s24 =	sadd.s32 $0x2000, s6;
	s6 =	simm.s32 $0x8;
	s19 =	sshrl.u32 s2, $0x4  }
0xd: {  	s2 =	sadd.s32 s4, s2;
	s1 =	ssub.s32 s1, s20;
	s8 =	sadd.s32 s9, s21  }
0xe: {  	s22 =	sadd.s32 s11, s21;
	s7 =	sadd.s32 s7, s3;
	s4 =	sshrl.u32 s4, $0x4  }
0xf: {  	[dreg:$0x9] =	wrdreg s24;
	s20 =	sor.u32 $0x1C12, s29;
	s24 =	simm.s32 $0x7  }
0x10: {  	s5 =	sadd.s32 s19, s0;
	s2 =	sshrl.u32 s2, $0x4;
	[dreg:$0x5] =	wrdreg s8  }
0x11: {  	[dreg:$0x6] =	wrdreg s22;
	s25 =	smax.u32 s1, $0x1;
	s19 =	simm.s32 $0x80  }
0x12: {  	s22 =	simm.s32 $0x6;
	[dreg:$0xd] =	wrdreg s20;
	s0 =	sadd.s32 s2, s0  }
0x13: {  	s8 =	sadd.s32 $0xCA00, s5;
	s2 =	sadd.s32 $0x200, s21;
	[dreg:$0xb] =	wrdreg s25  }
0x14: {  	s21 =	sshrl.u32 s7, $0x3;
	s25 =	simm.s32 $0x8000;
	s7 =	simm.s32 $0x9  }
0x15: {  	s5 =	simm.s32 $0x0;
	s23 =	sadd.s32 s9, s2;
	[dreg:$0xe] =	wrdreg s21  }
.Ltmp0:
0x16: {  	s2 =	sadd.s32 s11, s2;
	[dreg:$0x7] =	wrdreg s23;
	(pc) =	sbr.rel .LBB2_1-.Ltmp0, $4  }
0x17: {  	s0 =	sadd.s32 $0x34A00, s0;
	s11 =	simm.s32 $0x12;
	[dreg:$0x8] =	wrdreg s2  }
0x18: {  	s26 =	sadd.s32 s4, s8;
	s9 =	simm.s32 $0xA;
	[dreg:$0xa] =	wrdreg s0  }
0x19: {  	s4 =	simm.s32 $0x11;
	[dreg:$0xc] =	wrdreg s26;
	s23 =	simm.s32 $0x6000  }
0x1a: {  	s0 =	simm.s32 $0xC000;
	s26 =	simm.s32 $0x12000;
	s2 =	simm.s32 $0x5  }
.LBB2_6:
0x1b: {  	[bflag:$0x0] =	sbarrier.arrive $0xFFFF  }
0x1c: {  	s1 =	rddreg [dreg:$0xa]  }
0x1d: {  	s20 =	rddreg [dreg:$0xd]  }
0x1e: {  	s11 =	simm.s32 $0x12;
	s21 =	rddreg [dreg:$0xe]  }
0x1f: {  	[hbm:s1], [sflag:s20] =	dma.local [spmem:s21], $0x1400  }
0x20: {  	_ =	swait.ge [sflag:s11], $0x1400  }
0x21: {  	s5 =	rddreg [dreg:$0xf]  }
0x22: {  	s29 =	rddreg [dreg:$0xb];
	s5 =	sadd.s32 $0x1, s5  }
0x23: {  	p0 =	sne.s32 s5, s29  }
.Ltmp1:
0x24: {  	_ = 	snop;
	(pc) =	sbr.rel @!p0 .LBB2_7-.Ltmp1, $4  }
0x25: {  	_ = 	snop  }
0x26: {  	s23 =	simm.s32 $0x6000  }
0x27: {  	s25 =	simm.s32 $0x8000;
	s28 =	simm.s32 $0xA000;
	[sflag:s11] =	ssyncset.done $0x0  }
0x28: {  	s0 =	simm.s32 $0xC000;
	s15 =	simm.s32 $0xE000;
	[sflag:s11] =	ssyncadd.s32 $0xFFFFEC00  }
.LBB2_1:
0x29: {  	[dreg:$0xf] =	wrdreg s5  }
0x2a: {  	s1 =	simm.s32 $0x0;
	s14 =	rddreg [dreg:$0x5]  }
0x2b: {  	[tilespmem:s1], [sflag:$0x12] =	stream.linear.gather [hbm4b:s14+s1], $0x1000, $0x38;
	[tilespmem:$0x1E000] =	vst v63  }
0x2c: {  	_ =	swait.ge [sflag:s11], $0x1000  }
0x2d: {  	[sflag:s11] =	ssyncset.done $0x0  }
0x2e: {  	s14 =	simm.s32 $0x2000;
	s29 =	rddreg [dreg:$0x6];
	[sflag:s11] =	ssyncadd.s32 $0xFFFFF000  }
0x2f: {  	[tilespmem:s14], [sflag:$0x12] =	stream.linear.gather [hbm4b:s29+s1], $0x1000, $0x38;
	[tilespmem:$0x1E000] =	vst v63  }
0x30: {  	_ =	swait.ge [sflag:s11], $0x1000  }
0x31: {  	[sflag:s11] =	ssyncset.done $0x0  }
0x32: {  	s14 =	rddreg [dreg:$0xc];
	[sflag:s11] =	ssyncadd.s32 $0xFFFFF000  }
0x33: {  	[spmem:s21], [sflag:s20] =	dma.local [hbm:s14], $0x1400  }
0x34: {  	_ =	swait.ge [sflag:s11], $0x1400  }
0x35: {  	[sflag:s11] =	ssyncset.done $0x0  }
0x36: {  	[sflag:s11] =	ssyncadd.s32 $0xFFFFEC00  }
0x37: {  	s21 =	simm.s32 $0x4000;
	[bflag:$0x0] =	sbarrier.arrive $0xFFFF  }
0x38: {  	[tilespmem:s21], [sflag:$0x2] =	stream.indirect.gather [hbm4b:s8+s19], $0x40, s1, s19, $0xb8;
	[tilespmem:$0x1E000] =	vst v63  }
0x39: {  	_ = 	snop  }
0x3a: {  	[tilespmem:s23], [sflag:$0x3] =	stream.indirect.gather [hbm4b:s8+s19], $0x40, s19, s19, $0xb8;
	[tilespmem:$0x1E000] =	vst v63  }
0x3b: {  	s29 =	simm.s32 $0x100  }
0x3c: {  	[tilespmem:s25], [sflag:$0x4] =	stream.indirect.gather [hbm4b:s8+s19], $0x40, s29, s19, $0xb8;
	[tilespmem:$0x1E000] =	vst v63  }
0x3d: {  	s11 =	simm.s32 $0x180  }
0x3e: {  	[tilespmem:s28], [sflag:$0x5] =	stream.indirect.gather [hbm4b:s8+s19], $0x40, s11, s19, $0xb8;
	[tilespmem:$0x1E000] =	vst v63  }
0x3f: {  	s14 =	simm.s32 $0x200  }
0x40: {  	[tilespmem:s0], [sflag:$0x6] =	stream.indirect.gather [hbm4b:s8+s19], $0x40, s14, s19, $0xb8;
	[tilespmem:$0x1E000] =	vst v63  }
0x41: {  	s20 =	simm.s32 $0x280  }
0x42: {  	[tilespmem:s15], [sflag:$0x7] =	stream.indirect.gather [hbm4b:s8+s19], $0x40, s20, s19, $0xb8;
	[tilespmem:$0x1E000] =	vst v63  }
0x43: {  	s23 =	simm.s32 $0x300  }
0x44: {  	[tilespmem:s30], [sflag:$0x8] =	stream.indirect.gather [hbm4b:s8+s19], $0x40, s23, s19, $0xb8;
	[tilespmem:$0x1E000] =	vst v63  }
0x45: {  	s25 =	simm.s32 $0x380  }
0x46: {  	[tilespmem:s26], [sflag:$0x9] =	stream.indirect.gather [hbm4b:s8+s19], $0x40, s25, s19, $0xb8;
	[tilespmem:$0x1E000] =	vst v63  }
.Ltmp2:
0x47: {  	_ = 	snop;
	(pc) =	sbr.rel .LBB2_2-.Ltmp2, $4  }
0x48: {  	p0 =	por $0x0, $0x0;
	s28 =	simm.s32 $0x1000;
	s26 =	rddreg [dreg:$0x7]  }
0x49: {  	[tilespmem:s28], [sflag:$0x1] =	stream.linear.gather [hbm4b:s26+s1], $0x1000, $0x38;
	[tilespmem:$0x1E000] =	vst v63  }
0x4a: {  	s5 =	simm.s32 $0x0;
	s29 =	rddreg [dreg:$0x8];
	s30 =	simm.s32 $0x3000  }
0x4b: {  	[tilespmem:s30], [sflag:$0x1] =	stream.linear.gather [hbm4b:s29+s1], $0x1000, $0x38;
	[tilespmem:$0x1E000] =	vst v63  }
.LBB2_5:
0x4c: {  	_ =	swait.ge [sflag:s10], $0x2000  }
0x4d: {  	[sflag:s10] =	ssyncset.done $0x0  }
0x4e: {  	[sflag:s10] =	ssyncadd.s32 $0xFFFFE000  }
0x4f: {  	_ =	swait.ge [sflag:s12], $0x2000  }
0x50: {  	[sflag:s12] =	ssyncset.done $0x0  }
0x51: {  	[sflag:s12] =	ssyncadd.s32 $0xFFFFE000  }
0x52: {  	_ =	swait.ge [sflag:s13], $0x2000  }
0x53: {  	[sflag:s13] =	ssyncset.done $0x0  }
0x54: {  	[sflag:s13] =	ssyncadd.s32 $0xFFFFE000  }
0x55: {  	_ =	swait.ge [sflag:s16], $0x2000  }
0x56: {  	[sflag:s16] =	ssyncset.done $0x0  }
0x57: {  	[sflag:s16] =	ssyncadd.s32 $0xFFFFE000  }
0x58: {  	_ =	swait.ge [sflag:s17], $0x2000  }
0x59: {  	[sflag:s17] =	ssyncset.done $0x0  }
0x5a: {  	[sflag:s17] =	ssyncadd.s32 $0xFFFFE000  }
0x5b: {  	_ =	swait.ge [sflag:s18], $0x2000  }
0x5c: {  	[sflag:s18] =	ssyncset.done $0x0  }
0x5d: {  	[sflag:s18] =	ssyncadd.s32 $0xFFFFE000  }
0x5e: {  	_ =	swait.ge [sflag:s4], $0x2000  }
0x5f: {  	s0 =	rddreg [dreg:$0x10]  }
0x60: {  	[sflag:s4] =	ssyncset.done $0x0;
	p1 =	seq.s32 s0, $0x4  }
0x61: {  	[sflag:s4] =	ssyncadd.s32 $0xFFFFE000;
	s1 =	simm.s32 @!p1 $0x1  }
0x62: {  	_ =	swait.ge @!p1 [sflag:s1], $0x1000  }
0x63: {  	[sflag:s1] =	ssyncset.done @!p1 $0x0  }
0x64: {  	[sflag:s1] =	ssyncadd.s32 @!p1 $0xFFFFF000  }
0x65: {  	_ =	swait.ge @!p1 [sflag:s1], $0x1000  }
0x66: {  	s5 =	simm.s32 @!p1 $0x80;
	[sflag:s1] =	ssyncset.done @!p1 $0x0;
	s14 =	rddreg [dreg:$0x12]  }
0x67: {  	s11 =	simm.s32 @!p1 $0x4000;
	[sflag:s1] =	ssyncadd.s32 @!p1 $0xFFFFF000;
	s1 =	ssub.s32 @!p1 $0x1000, s14  }
0x68: {  	[tilespmem:s11], [sflag:$0x2] =	stream.indirect.gather @!p1 [hbm4b:s8+s5], $0x40, s1, s5, $0xb8;
	[tilespmem:$0x1E000] =	vst v63  }
0x69: {  	s1 =	ssub.s32 @!p1 $0x1080, s14;
	s11 =	simm.s32 @!p1 $0x6000  }
0x6a: {  	[tilespmem:s11], [sflag:$0x3] =	stream.indirect.gather @!p1 [hbm4b:s8+s5], $0x40, s1, s5, $0xb8;
	[tilespmem:$0x1E000] =	vst v63  }
0x6b: {  	s1 =	ssub.s32 @!p1 $0x1100, s14;
	s11 =	simm.s32 @!p1 $0x8000  }
0x6c: {  	[tilespmem:s11], [sflag:$0x4] =	stream.indirect.gather @!p1 [hbm4b:s8+s5], $0x40, s1, s5, $0xb8;
	[tilespmem:$0x1E000] =	vst v63  }
0x6d: {  	s1 =	ssub.s32 @!p1 $0x1180, s14;
	s11 =	simm.s32 @!p1 $0xA000  }
0x6e: {  	[tilespmem:s11], [sflag:$0x5] =	stream.indirect.gather @!p1 [hbm4b:s8+s5], $0x40, s1, s5, $0xb8;
	[tilespmem:$0x1E000] =	vst v63  }
0x6f: {  	s1 =	ssub.s32 @!p1 $0x1200, s14;
	s11 =	simm.s32 @!p1 $0xC000  }
0x70: {  	[tilespmem:s11], [sflag:$0x6] =	stream.indirect.gather @!p1 [hbm4b:s8+s5], $0x40, s1, s5, $0xb8;
	[tilespmem:$0x1E000] =	vst v63  }
0x71: {  	s1 =	ssub.s32 @!p1 $0x1280, s14;
	s11 =	simm.s32 @!p1 $0xE000  }
0x72: {  	[tilespmem:s11], [sflag:$0x7] =	stream.indirect.gather @!p1 [hbm4b:s8+s5], $0x40, s1, s5, $0xb8;
	[tilespmem:$0x1E000] =	vst v63  }
0x73: {  	s1 =	ssub.s32 @!p1 $0x1300, s14;
	s11 =	simm.s32 @!p1 $0x10000  }
0x74: {  	[tilespmem:s11], [sflag:$0x8] =	stream.indirect.gather @!p1 [hbm4b:s8+s5], $0x40, s1, s5, $0xb8;
	[tilespmem:$0x1E000] =	vst v63  }
0x75: {  	s1 =	ssub.s32 @!p1 $0x1380, s14;
	s11 =	simm.s32 @!p1 $0x12000  }
0x76: {  	[tilespmem:s11], [sflag:$0x9] =	stream.indirect.gather @!p1 [hbm4b:s8+s5], $0x40, s1, s5, $0xb8;
	[tilespmem:$0x1E000] =	vst v63  }
0x77: {  	p2 =	sgt.u32 @!p1 s0, $0x2;
	s1 =	rddreg [dreg:$0x9]  }
0x78: {  	p2 =	por p2, p1;
	s5 =	rddreg [dreg:$0x13]  }
0x79: {  	s1 =	sadd.s32 @!p2 s5, s1  }
0x7a: {  	s5 =	rddreg [dreg:$0x1];
	s1 =	sshrl.u32 @!p2 s1, $0x3  }
0x7b: {  	s11 =	simm.s32 @!p2 $0x0;
	s5 =	sadd.s32 @!p2 s5, s1  }
0x7c: {  	[tilespmem:s14], [sflag:$0x1] =	stream.linear.gather @!p2 [hbm4b:s5+s11], $0x1000, $0x38;
	[tilespmem:$0x1E000] =	vst v63  }
0x7d: {  	s14 =	rddreg [dreg:$0x4]  }
0x7e: {  	s5 =	sadd.s32 $0x1, s0;
	s0 =	rddreg [dreg:$0x11];
	s1 =	sadd.s32 @!p2 s14, s1  }
0x7f: {  	[tilespmem:s0], [sflag:$0x1] =	stream.linear.gather @!p2 [hbm4b:s1+s11], $0x1000, $0x38;
	[tilespmem:$0x1E000] =	vst v63  }
0x80: {  	p2 =	sne.s32 @!p1 s5, $0x5  }
0x81: {  	p2 =	por p1, !p2  }
.Ltmp3:
0x82: {  	_ = 	snop;
	(pc) =	sbr.rel @p2 .LBB2_6-.Ltmp3, $2  }
0x83: {  	_ =	sdelay $0x2  }
0x84: {  	s30 =	simm.s32 $0x10000;
	s21 =	simm.s32 $0x4000;
	p0 =	por @!p1 !p0, !p0  }
.LBB2_2:
0x85: {  	s1 =	simm.s32 $0x1  }
0x86: {  	[dreg:$0x10] =	wrdreg s5;
	s0 =	sshll.u32 s5, $0xC;
	s14 =	simm.s32 $0x0  }
0x87: {  	s25 =	simm.s32 $0x6000;
	s28 =	simm.s32 $0x8000;
	s30 =	simm.s32 $0xA000  }
0x88: {  	s15 =	simm.s32 $0xE000;
	s29 =	simm.s32 $0x12000;
	s26 =	simm.s32 $0x10000  }
0x89: {  	s1 =	simm.s32 @!p0 $0x0;
	[dreg:$0x13] =	wrdreg s0;
	s0 =	sand.u32 $0x1000, s0  }
0x8a: {  	s1 =	sshll.u32 s1, $0xC;
	[dreg:$0x12] =	wrdreg s0;
	s0 =	sor.u32 $0x2000, s0  }
0x8b: {  	s11 =	sor.u32 $0x2000, s1;
	[dreg:$0x11] =	wrdreg s0;
	s0 =	simm.s32 $0xC000  }
.LBB2_3:
0x8c: {  	s20 =	simm.s32 $0x2  }
0x8d: {  	_ =	swait.ge [sflag:s20], $0x2000  }
0x8e: {  	s5 =	sshra.s32 s14, $0x2;
	[sflag:s20] =	ssyncset.done $0x0  }
0x8f: {  	s23 =	simm.s32 $0x3;
	[sflag:s20] =	ssyncadd.s32 $0xFFFFE000;
	s20 =	sadd.s32 s5, s11  }
0x90: {  	[spmem:s3] =	stream.indirect.scatter.add.bf16 [tilespmem:s21], [sflag:$0xA], $0x40, s20, s19, $0xb8;
	[tilespmem:$0x1E000] =	vst v63  }
0x91: {  	_ =	swait.ge [sflag:s23], $0x2000  }
0x92: {  	[sflag:s23] =	ssyncset.done $0x0  }
0x93: {  	s21 =	sadd.s32 $0x80, s20;
	[sflag:s23] =	ssyncadd.s32 $0xFFFFE000  }
0x94: {  	[spmem:s3] =	stream.indirect.scatter.add.bf16 [tilespmem:s25], [sflag:$0xB], $0x40, s21, s19, $0xb8;
	[tilespmem:$0x1E000] =	vst v63  }
0x95: {  	_ =	swait.ge [sflag:s31], $0x2000  }
0x96: {  	[sflag:s31] =	ssyncset.done $0x0  }
0x97: {  	s21 =	sadd.s32 $0x100, s20;
	[sflag:s31] =	ssyncadd.s32 $0xFFFFE000  }
0x98: {  	[spmem:s3] =	stream.indirect.scatter.add.bf16 [tilespmem:s28], [sflag:$0xC], $0x40, s21, s19, $0xb8;
	[tilespmem:$0x1E000] =	vst v63  }
0x99: {  	_ =	swait.ge [sflag:s2], $0x2000  }
0x9a: {  	[sflag:s2] =	ssyncset.done $0x0  }
0x9b: {  	s21 =	sadd.s32 $0x180, s20;
	[sflag:s2] =	ssyncadd.s32 $0xFFFFE000  }
0x9c: {  	[spmem:s3] =	stream.indirect.scatter.add.bf16 [tilespmem:s30], [sflag:$0xD], $0x40, s21, s19, $0xb8;
	[tilespmem:$0x1E000] =	vst v63  }
0x9d: {  	_ =	swait.ge [sflag:s22], $0x2000  }
0x9e: {  	[sflag:s22] =	ssyncset.done $0x0  }
0x9f: {  	s21 =	sadd.s32 $0x200, s20;
	[sflag:s22] =	ssyncadd.s32 $0xFFFFE000  }
0xa0: {  	[spmem:s3] =	stream.indirect.scatter.add.bf16 [tilespmem:s0], [sflag:$0xE], $0x40, s21, s19, $0xb8;
	[tilespmem:$0x1E000] =	vst v63  }
0xa1: {  	_ =	swait.ge [sflag:s24], $0x2000  }
0xa2: {  	[sflag:s24] =	ssyncset.done $0x0  }
0xa3: {  	s21 =	sadd.s32 $0x280, s20;
	[sflag:s24] =	ssyncadd.s32 $0xFFFFE000  }
0xa4: {  	[spmem:s3] =	stream.indirect.scatter.add.bf16 [tilespmem:s15], [sflag:$0xF], $0x40, s21, s19, $0xb8;
	[tilespmem:$0x1E000] =	vst v63  }
0xa5: {  	_ =	swait.ge [sflag:s6], $0x2000  }
0xa6: {  	[sflag:s6] =	ssyncset.done $0x0  }
0xa7: {  	s21 =	sadd.s32 $0x300, s20;
	[sflag:s6] =	ssyncadd.s32 $0xFFFFE000  }
0xa8: {  	[spmem:s3] =	stream.indirect.scatter.add.bf16 [tilespmem:s26], [sflag:$0x10], $0x40, s21, s19, $0xb8;
	[tilespmem:$0x1E000] =	vst v63  }
0xa9: {  	_ =	swait.ge [sflag:s7], $0x2000  }
0xaa: {  	p1 =	seq.s32 s14, $0x3000;
	[sflag:s7] =	ssyncset.done $0x0  }
.Ltmp4:
0xab: {  	s20 =	sadd.s32 $0x380, s20;
	[sflag:s7] =	ssyncadd.s32 $0xFFFFE000;
	(pc) =	sbr.rel @p1 .LBB2_5-.Ltmp4, $4  }
0xac: {  	[spmem:s3] =	stream.indirect.scatter.add.bf16 [tilespmem:s29], [sflag:$0x11], $0x40, s20, s19, $0xb8;
	[tilespmem:$0x1E000] =	vst v63  }
0xad: {  	_ =	swait.ge [sflag:s9], $0x2000  }
0xae: {  	s23 =	simm.s32 $0x4000;
	[sflag:s9] =	ssyncset.done $0x0  }
0xaf: {  	s21 =	simm.s32 $0x10000;
	s26 =	simm.s32 $0x12000;
	[sflag:s9] =	ssyncadd.s32 $0xFFFFE000  }
0xb0: {  	s5 =	sadd.s32 s5, s1  }
0xb1: {  	s20 =	sadd.s32 $0x400, s5  }
0xb2: {  	[tilespmem:s23], [sflag:$0x2] =	stream.indirect.gather [hbm4b:s8+s19], $0x40, s20, s19, $0xb8;
	[tilespmem:$0x1E000] =	vst v63  }
0xb3: {  	_ =	swait.ge [sflag:s10], $0x2000  }
0xb4: {  	[sflag:s10] =	ssyncset.done $0x0  }
0xb5: {  	s23 =	sadd.s32 $0x480, s5;
	[sflag:s10] =	ssyncadd.s32 $0xFFFFE000  }
0xb6: {  	[tilespmem:s25], [sflag:$0x3] =	stream.indirect.gather [hbm4b:s8+s19], $0x40, s23, s19, $0xb8;
	[tilespmem:$0x1E000] =	vst v63  }
0xb7: {  	_ =	swait.ge [sflag:s12], $0x2000  }
0xb8: {  	[sflag:s12] =	ssyncset.done $0x0  }
0xb9: {  	s23 =	sadd.s32 $0x500, s5;
	[sflag:s12] =	ssyncadd.s32 $0xFFFFE000  }
0xba: {  	[tilespmem:s28], [sflag:$0x4] =	stream.indirect.gather [hbm4b:s8+s19], $0x40, s23, s19, $0xb8;
	[tilespmem:$0x1E000] =	vst v63  }
0xbb: {  	_ =	swait.ge [sflag:s13], $0x2000  }
0xbc: {  	[sflag:s13] =	ssyncset.done $0x0  }
0xbd: {  	s23 =	sadd.s32 $0x580, s5;
	[sflag:s13] =	ssyncadd.s32 $0xFFFFE000  }
0xbe: {  	[tilespmem:s30], [sflag:$0x5] =	stream.indirect.gather [hbm4b:s8+s19], $0x40, s23, s19, $0xb8;
	[tilespmem:$0x1E000] =	vst v63  }
0xbf: {  	_ =	swait.ge [sflag:s16], $0x2000  }
0xc0: {  	[sflag:s16] =	ssyncset.done $0x0  }
0xc1: {  	s23 =	sadd.s32 $0x600, s5;
	[sflag:s16] =	ssyncadd.s32 $0xFFFFE000  }
0xc2: {  	[tilespmem:s0], [sflag:$0x6] =	stream.indirect.gather [hbm4b:s8+s19], $0x40, s23, s19, $0xb8;
	[tilespmem:$0x1E000] =	vst v63  }
0xc3: {  	_ =	swait.ge [sflag:s17], $0x2000  }
0xc4: {  	[sflag:s17] =	ssyncset.done $0x0  }
0xc5: {  	s23 =	sadd.s32 $0x680, s5;
	[sflag:s17] =	ssyncadd.s32 $0xFFFFE000  }
0xc6: {  	[tilespmem:s15], [sflag:$0x7] =	stream.indirect.gather [hbm4b:s8+s19], $0x40, s23, s19, $0xb8;
	[tilespmem:$0x1E000] =	vst v63  }
0xc7: {  	_ =	swait.ge [sflag:s18], $0x2000  }
0xc8: {  	[sflag:s18] =	ssyncset.done $0x0  }
0xc9: {  	s23 =	sadd.s32 $0x700, s5;
	[sflag:s18] =	ssyncadd.s32 $0xFFFFE000  }
0xca: {  	[tilespmem:s21], [sflag:$0x8] =	stream.indirect.gather [hbm4b:s8+s19], $0x40, s23, s19, $0xb8;
	[tilespmem:$0x1E000] =	vst v63  }
.Ltmp5:
0xcb: {  	_ =	swait.ge [sflag:s4], $0x2000;
	(pc) =	sbr.rel .LBB2_3-.Ltmp5, $4  }
0xcc: {  	[sflag:s4] =	ssyncset.done $0x0  }
0xcd: {  	s14 =	sadd.s32 $0x1000, s14;
	s5 =	sadd.s32 $0x780, s5;
	[sflag:s4] =	ssyncadd.s32 $0xFFFFE000  }
0xce: {  	[tilespmem:s26], [sflag:$0x9] =	stream.indirect.gather [hbm4b:s8+s19], $0x40, s5, s19, $0xb8;
	[tilespmem:$0x1E000] =	vst v63  }
0xcf: {  	s29 =	simm.s32 $0x12000;
	s21 =	simm.s32 $0x4000;
	s26 =	simm.s32 $0x10000  }
.LBB2_7:
0xd0: {  	_ =	sfence.sel $0x180000  }
0xd1: {  	[bflag:$0x0] =	sbarrier.arrive $0xFFFF  }
0xd2: {  	_ =	strace $0x9000004A  }
0xd3: {  	s0 =	stileid.u32;
	[bflag:$0x2] =	sbarrier.arrive $0xFFFF  }
0xd4: {  	p0 =	sne.s32 s0, $0x0;
	s0 =	rddreg [dreg:$0x3]  }
0xd5: {  	s0 =	sadd.s32 @!p0 $0x100000, s0  }
0xd6: {  	[sflag:s0] =	ssyncadd.tile.s32 @!p0 $0x1;
	_ =	shalt  }
.Lfunc_end2:
_tile_overlayer_lowered:
.L_overlay_start_2:
0xd7: {  	(tag) =	ssettag $0x2  }
0xd8: {  	s0 =	rddreg [dreg:$0x0];
	s2 =	stileid.u32  }
0xd9: {  	s1 =	rddreg [dreg:$0x1];
	p0 =	sne.s32 s2, $0x0  }
0xda: {  	s3 =	rddreg [dreg:$0x2];
	[bflag:$0x3] =	sbarrier.arrive $0xFFFF;
	s2 =	simm.s32 @!p0 $0x1C12  }
0xdb: {  	[timem:s3], [sflag:s2] =	dma.local @!p0 [hbm:s0], s1  }
0xdc: {  	s0 =	simm.s32 @!p0 $0x12  }
0xdd: {  	_ =	swait.ge @!p0 [sflag:s0], s1  }
0xde: {  	s1 =	ssub.s32 @!p0 $0x0, s1;
	[sflag:s0] =	ssyncset.done @!p0 $0x0  }
0xdf: {  	[sflag:s0] =	ssyncadd.s32 @!p0 s1  }
0xe0: {  	[bflag:$0x3] =	sbarrier.arrive $0xFFFF  }
0xe1: {  	_ =	shalt  }

// kernel: kernel.16.cloned.1.call-start
scs
__scs_entry_jumppad:
0x0: {  	(pc) =	sbr.rel $0x88, $3  }
0x1: {  	(tag) =	ssettag $0x0;
	lr =	simm.s32 $0x1  }
0x2: {  	[smem:$0x3F95] =	sst lr;
	_ =	strace $0xD0000000  }
0x3: {  	_ = 	snop  }
0x4: {  	_ = 	snop  }
0x5: {  	_ = 	snop  }
0x6: {  	_ = 	snop  }
0x7: {  	_ = 	snop  }
__scs_overlays_trampoline_lowered:
0x8: {  	[smem:$0x3FA4] =	sst s0  }
0x9: {  	[smem:$0x3FA5] =	sst s1  }
0xa: {  	[smem:$0x3FA6] =	sst s2  }
0xb: {  	[smem:$0x3FA7] =	sst s3  }
0xc: {  	[smem:$0x3FA8] =	sst s4  }
0xd: {  	[smem:$0x3FA9] =	sst s5  }
0xe: {  	[smem:$0x3FAA] =	sst s6  }
0xf: {  	[smem:$0x3FAB] =	sst s7  }
0x10: {  	[smem:$0x3FAC] =	sst s8  }
0x11: {  	[smem:$0x3FAD] =	sst s9;
	s0 =	simm.s32 @!p0 $0x0  }
0x12: {  	s1 =	sld [smem:$0x3F93];
	s0 =	simm.s32 @p0 $0x1  }
0x13: {  	[smem:$0x3FAE] =	sst s0;
	s0 =	simm.s32 @!p1 $0x0  }
0x14: {  	s2 =	sld [smem:$0x3F92];
	s0 =	simm.s32 @p1 $0x1  }
0x15: {  	[smem:$0x3FAF] =	sst s0;
	s0 =	simm.s32 @!p2 $0x0  }
0x16: {  	s3 =	sld [smem:$0x3FDB];
	s0 =	simm.s32 @p2 $0x1  }
0x17: {  	s4 =	simm.s32 $0x1BF5;
	[smem:$0x3FB1] =	sst s0  }
0x18: {  	s0 =	sld [smem:$0x3F94];
	_ =	swait.ge [sflag:s4], $0x0  }
0x19: {  	s7 =	sld [smem:$0x3F95]  }
0x1a: {  	s8 =	sadd.s32 $0xFFFFE003, lr  }
0x1b: {  	s9 =	sadd.s32 $0xFFFFFEF7, lr;
	s5 =	simm.s32 $0xFFFFFFFF;
	p2 =	slt.u32 s8, $0xFFFFF086  }
0x1c: {  	p1 =	slt.u32 s9, $0xF7A;
	s5 =	simm.s32 @!p2 $0x0  }
0x1d: {  	s5 =	simm.s32 @p1 $0x1;
	p0 =	seq.s32 s7, s2  }
0x1e: {  	s7 =	smul.u32 @!p0 $0xF7A, s2;
	p2 =	seq.s32 @!p0 s5, $0x0  }
0x1f: {  	s9 =	smul.u32 $0xF7A, s1;
	s8 =	simm.s32 @!p0 $0x1BF5;
	p2 =	por !p2, p0  }
0x20: {  	[sflag:s8] =	ssyncset.s32 @!p0 $0xFFFFF086;
	s6 =	sadd.s32 @!p0 s3, s7;
	s7 =	simm.s32 @!p0 $0x108  }
0x21: {  	s3 =	sadd.s32 s3, s9;
	s6 =	sadd.s32 @!p0 $0x88, s6;
	s7 =	simm.s32 @p2 $0x1082  }
0x22: {  	[simem:s7], [sflag:s8] =	dma.local @!p0 [hbm:s6], $0xF7A  }
0x23: {  	s9 =	sor.u32 $0xD0000000, s2;
	s6 =	simm.s32 $0x108;
	_ =	swait.ge @!p0 [sflag:s8], $0x0  }
0x24: {  	s3 =	sadd.s32 $0x88, s3;
	s6 =	simm.s32 @!p1 $0x1082;
	[sflag:s4] =	ssyncset.s32 $0xFFFFF086  }
0x25: {  	[simem:s6], [sflag:s4] =	dma.local [hbm:s3], $0xF7A  }
0x26: {  	[smem:$0x3F95] =	sst s1;
	(tag) =	ssettag s2;
	_ =	strace s9  }
0x27: {  	s1 =	sld [smem:$0x3FA5]  }
0x28: {  	s2 =	sld [smem:$0x3FA6]  }
0x29: {  	s4 =	sld [smem:$0x3FA8]  }
0x2a: {  	p0 =	seq.s32 s5, $0x0;
	s5 =	sld [smem:$0x3FA9]  }
0x2b: {  	s6 =	sld [smem:$0x3FAA]  }
0x2c: {  	s7 =	sld [smem:$0x3FAB]  }
0x2d: {  	s3 =	simm.s32 $0x108;
	s8 =	sld [smem:$0x3FAC]  }
0x2e: {  	s3 =	simm.s32 @!p0 $0x1082;
	s9 =	sld [smem:$0x3FAD]  }
0x2f: {  	lr =	sadd.s32 s0, s3;
	s0 =	sld [smem:$0x3FA4]  }
0x30: {  	s3 =	sld [smem:$0x3FA7]  }
0x31: {  	[smem:$0x3FB0] =	sst s10  }
0x32: {  	s10 =	sld [smem:$0x3FAE];
	_ =	sdelay $0x3  }
0x33: {  	p0 =	seq.s32 s10, $0x1;
	s10 =	sld [smem:$0x3FB0];
	_ =	sdelay $0x3  }
0x34: {  	[smem:$0x3FB0] =	sst s10  }
0x35: {  	s10 =	sld [smem:$0x3FAF];
	_ =	sdelay $0x3  }
0x36: {  	p1 =	seq.s32 s10, $0x1;
	s10 =	sld [smem:$0x3FB0];
	_ =	sdelay $0x3  }
0x37: {  	[smem:$0x3FB0] =	sst s10  }
0x38: {  	s10 =	sld [smem:$0x3FB1]  }
0x39: {  	_ = 	snop;
	(pc) =	sbr.ind lr, $3  }
0x3a: {  	_ = 	snop  }
0x3b: {  	_ = 	snop  }
0x3c: {  	p2 =	seq.s32 s10, $0x1;
	s10 =	sld [smem:$0x3FB0]  }
0x3d: {  	_ =	shalt  }
0x3e: {  	_ =	shalt  }
0x3f: {  	_ =	shalt  }
0x40: {  	_ =	shalt  }
0x41: {  	_ =	shalt  }
0x42: {  	_ =	shalt  }
0x43: {  	_ =	shalt  }
0x44: {  	_ =	shalt  }
0x45: {  	_ =	shalt  }
0x46: {  	_ =	shalt  }
0x47: {  	_ =	shalt  }
0x48: {  	_ =	shalt  }
0x49: {  	_ =	shalt  }
0x4a: {  	_ =	shalt  }
0x4b: {  	_ =	shalt  }
0x4c: {  	_ =	shalt  }
0x4d: {  	_ =	shalt  }
0x4e: {  	_ =	shalt  }
0x4f: {  	_ =	shalt  }
0x50: {  	_ =	shalt  }
0x51: {  	_ =	shalt  }
0x52: {  	_ =	shalt  }
0x53: {  	_ =	shalt  }
0x54: {  	_ =	shalt  }
0x55: {  	_ =	shalt  }
0x56: {  	_ =	shalt  }
0x57: {  	_ =	shalt  }
0x58: {  	_ =	shalt  }
0x59: {  	_ =	shalt  }
0x5a: {  	_ =	shalt  }
0x5b: {  	_ =	shalt  }
0x5c: {  	_ =	shalt  }
0x5d: {  	_ =	shalt  }
0x5e: {  	_ =	shalt  }
0x5f: {  	_ =	shalt  }
0x60: {  	_ =	shalt  }
0x61: {  	_ =	shalt  }
0x62: {  	_ =	shalt  }
0x63: {  	_ =	shalt  }
0x64: {  	_ =	shalt  }
0x65: {  	_ =	shalt  }
0x66: {  	_ =	shalt  }
0x67: {  	_ =	shalt  }
0x68: {  	_ =	shalt  }
0x69: {  	_ =	shalt  }
0x6a: {  	_ =	shalt  }
0x6b: {  	_ =	shalt  }
0x6c: {  	_ =	shalt  }
0x6d: {  	_ =	shalt  }
0x6e: {  	_ =	shalt  }
0x6f: {  	_ =	shalt  }
0x70: {  	_ =	shalt  }
0x71: {  	_ =	shalt  }
0x72: {  	_ =	shalt  }
0x73: {  	_ =	shalt  }
0x74: {  	_ =	shalt  }
0x75: {  	_ =	shalt  }
0x76: {  	_ =	shalt  }
0x77: {  	_ =	shalt  }
0x78: {  	_ =	shalt  }
0x79: {  	_ =	shalt  }
0x7a: {  	_ =	shalt  }
0x7b: {  	_ =	shalt  }
0x7c: {  	_ =	shalt  }
0x7d: {  	_ =	shalt  }
0x7e: {  	_ =	shalt  }
0x7f: {  	_ =	shalt  }
0x80: {  	_ =	shalt  }
0x81: {  	_ =	shalt  }
0x82: {  	_ =	shalt  }
0x83: {  	_ =	shalt  }
0x84: {  	_ =	shalt  }
0x85: {  	_ =	shalt  }
0x86: {  	_ =	shalt  }
0x87: {  	_ =	shalt  }
.Lfunc_end0:
.L_simem_size_0:
called_computation.2_lowered:
.L_overlay_start_0:
0x88: {  	s2 =	sld [smem:$0x3FD9]  }
0x89: {  	s3 =	sld [smem:$0x3FFE];
	_ =	sdelay $0x1  }
0x8a: {  	s1 =	srdreg.scid  }
0x8b: {  	s0 =	sand.u32 $0x1, s1  }
0x8c: {  	s17 =	sshll.u32 s0, $0xA;
	s2 =	sadd.s32 s3, s2  }
0x8d: {  	s2 =	sadd.s32 s2, s17  }
0x8e: {  	[smem:$0x3FBC] =	sst s2  }
0x8f: {  	_ = 	snop  }
0x90: {  	s2 =	sld [smem:$0x3FD0];
	(tm) =	ssettm $0x1  }
0x91: {  	s18 =	sld [smem:$0x3FFB];
	_ =	sdelay $0x3  }
0x92: {  	_ =	strace s18  }
0x93: {  	s3 =	sld [smem:$0x3FFC];
	_ =	sdelay $0x3  }
0x94: {  	_ =	strace s3  }
0x95: {  	s3 =	sld [smem:$0x3FFD];
	_ =	sdelay $0x3  }
0x96: {  	_ =	strace s3  }
0x97: {  	_ =	strace $0x8FFFFFFF  }
0x98: {  	s19 =	sld [smem:$0x3FDB];
	_ =	sdelay $0x1  }
0x99: {  	s4 =	simm.s32 $_scs_section_size  }
0x9a: {  	s5 =	simm.s32 $_size__tile_overlayer_lowered;
	s6 =	simm.s32 $_tile_overlayer_lowered  }
0x9b: {  	s22 =	simm.s32 $0x1BFF;
	s21 =	sshll.u32 s6, $0x1;
	s3 =	sadd.s32 s4, s19  }
0x9c: {  	s7 =	simm.s32 $0x0;
	s20 =	sshll.u32 s5, $0x1;
	s5 =	sadd.s32 s21, s3  }
0x9d: {  	[timem:s7], [sflag:s22] =	dma.local [hbm:s5], s20  }
0x9e: {  	_ =	swait.ge [sflag:s22], s20  }
0x9f: {  	s4 =	ssub.s32 $0x0, s20;
	[sflag:s22] =	ssyncset.done $0x0  }
0xa0: {  	[sflag:s22] =	ssyncadd.s32 s4;
	_ =	sdelay $0x1  }
0xa1: {  	s23 =	simm.s32 $0x1B8B  }
0xa2: {  	_ =	swait.ge [sflag:s23], $0x1  }
0xa3: {  	[sflag:s23] =	ssyncset.done $0x0  }
0xa4: {  	s25 =	simm.s32 $0x1B8E;
	s24 =	sld [smem:$0x3FFE];
	[sflag:s23] =	ssyncadd.s32 $0xFFFFFFFF  }
0xa5: {  	s26 =	simm.s32 $execute0_lowered;
	[smem:$0x3FD2] =	sst s25  }
0xa6: {  	s5 =	sshll.u32 s26, $0x1;
	_ =	strace $0x8000004C;
	[dreg:$0x1] =	wrdreg $0xFFFFFFFF  }
0xa7: {  	s28 =	simm.s32 $_size_execute0_lowered;
	s3 =	sadd.s32 s3, s5;
	[dreg:$0x0] =	wrdreg $0x0  }
0xa8: {  	s5 =	sshll.u32 s28, $0x1;
	[dreg:$0x2] =	wrdreg s3  }
0xa9: {  	[dreg:$0x3] =	wrdreg s5  }
0xaa: {  	[dreg:$0x4] =	wrdreg $0xC0  }
0xab: {  	_ =	task [dreg:s7], $0x5FFFF  }
0xac: {  	[dreg:$0x1] =	wrdreg $0xFFFFFFFF  }
0xad: {  	[dreg:$0x0] =	wrdreg $0x60  }
0xae: {  	[dreg:$0x2] =	wrdreg s24  }
0xaf: {  	[dreg:$0x3] =	wrdreg s2  }
0xb0: {  	[dreg:$0x4] =	wrdreg $0x140000  }
0xb1: {  	[dreg:$0x5] =	wrdreg $0x9  }
0xb2: {  	_ =	task.clear_ibuf [dreg:s7], $0x6FFFF;
	_ =	strace $0x9000004C  }
0xb3: {  	s29 =	simm.s32 $0x9;
	_ =	strace $0x8000004E  }
0xb4: {  	_ =	swait.ge [sflag:s29], $0x1  }
0xb5: {  	[sflag:s29] =	ssyncadd.s32 $0xFFFFFFFF  }
0xb6: {  	_ =	strace $0x9000004E  }
0xb7: {  	_ =	sfence  }
0xb8: {  	s30 =	sld [smem:$0x0];
	_ =	sdelay $0x2  }
0xb9: {  	s31 =	sshll.u32 s1, $0xD;
	s1 =	sshrl.u32 s1, $0x2  }
0xba: {  	s3 =	sand.u32 $0x4000, s31;
	s1 =	sadd.s32 s1, s30  }
0xbb: {  	s0 =	sor.u32 s3, s0;
	s1 =	sshll.u32 s1, $0x11  }
0xbc: {  	s0 =	sor.u32 s1, s0  }
0xbd: {  	s0 =	sadd.s32 $0x8F2B, s0  }
0xbe: {  	[sflag:s0] =	ssyncadd.remote.s32 $0x1  }
0xbf: {  	_ =	sfence.sel $0xFFFF  }
0xc0: {  	[dreg:$0x0] =	wrdreg $0xFFFFFFFF;
	(pc) =	sbr.abs _section_cstart, $3  }
0xc1: {  	[dreg:$0x1] =	wrdreg $0xFFFFFFFF  }
0xc2: {  	_ =	task.clear_ibuf [dreg:s7], $0x2FFFF;
	_ =	strace $0x9FFFFFFF  }
0xc3: {  	(tm) =	ssettm $0x7FFFFFFF  }
tec
execute0_lowered:
.L_overlay_start_1:
0x0: {  	(tag) =	ssettag $0x1  }
0x1: {  	s0 =	rddreg [dreg:$0x0]  }
0x2: {  	s9 =	rddreg [dreg:$0x1];
	s1 =	srdreg.scid  }
0x3: {  	s3 =	rddreg [dreg:$0x2];
	s10 =	stileid.u32  }
0x4: {  	s5 =	simm.s32 $0x0;
	s28 =	simm.s32 $0xA000;
	s15 =	simm.s32 $0xE000  }
0x5: {  	s30 =	simm.s32 $0x10000;
	s31 =	simm.s32 $0x4;
	s12 =	simm.s32 $0xC  }
0x6: {  	s13 =	simm.s32 $0xD;
	s16 =	simm.s32 $0xE;
	s17 =	simm.s32 $0xF  }
0x7: {  	s18 =	simm.s32 $0x10;
	s1 =	sand.u32 $0x1, s1;
	s4 =	smul.u32 $0x14000, s10  }
0x8: {  	[smem:$0x7FF] =	sst s5;
	s6 =	smul.u32 $0x5000, s10;
	s11 =	sadd.s32 $0x2A00, s0  }
0x9: {  	s29 =	sshll.u32 s10, $0x6;
	s10 =	simm.s32 $0xB;
	s2 =	smul.u32 $0x140000, s1  }
0xa: {  	_ =	strace $0x8000004D;
	s1 =	ssub.s32 $0x2, s1;
	[dreg:$0x4] =	wrdreg s11  }
0xb: {  	s20 =	sshrl.u32 s1, $0x1;
	s21 =	sshrl.u32 s6, $0x3;
	s7 =	sshrl.u32 s4, $0x1  }
0xc: {  	s24 =	sadd.s32 $0x2000, s6;
	s6 =	simm.s32 $0x8;
	s19 =	sshrl.u32 s2, $0x4  }
0xd: {  	s2 =	sadd.s32 s4, s2;
	s1 =	ssub.s32 s1, s20;
	s8 =	sadd.s32 s9, s21  }
0xe: {  	s22 =	sadd.s32 s11, s21;
	s7 =	sadd.s32 s7, s3;
	s4 =	sshrl.u32 s4, $0x4  }
0xf: {  	[dreg:$0x9] =	wrdreg s24;
	s20 =	sor.u32 $0x1C12, s29;
	s24 =	simm.s32 $0x7  }
0x10: {  	s5 =	sadd.s32 s19, s0;
	s2 =	sshrl.u32 s2, $0x4;
	[dreg:$0x5] =	wrdreg s8  }
0x11: {  	[dreg:$0x6] =	wrdreg s22;
	s25 =	smax.u32 s1, $0x1;
	s19 =	simm.s32 $0x80  }
0x12: {  	s22 =	simm.s32 $0x6;
	[dreg:$0xd] =	wrdreg s20;
	s0 =	sadd.s32 s2, s0  }
0x13: {  	s8 =	sadd.s32 $0xCA00, s5;
	s2 =	sadd.s32 $0x200, s21;
	[dreg:$0xb] =	wrdreg s25  }
0x14: {  	s21 =	sshrl.u32 s7, $0x3;
	s25 =	simm.s32 $0x8000;
	s7 =	simm.s32 $0x9  }
0x15: {  	s5 =	simm.s32 $0x0;
	s23 =	sadd.s32 s9, s2;
	[dreg:$0xe] =	wrdreg s21  }
.Ltmp0:
0x16: {  	s2 =	sadd.s32 s11, s2;
	[dreg:$0x7] =	wrdreg s23;
	(pc) =	sbr.rel .LBB2_1-.Ltmp0, $4  }
0x17: {  	s0 =	sadd.s32 $0x34A00, s0;
	s11 =	simm.s32 $0x12;
	[dreg:$0x8] =	wrdreg s2  }
0x18: {  	s26 =	sadd.s32 s4, s8;
	s9 =	simm.s32 $0xA;
	[dreg:$0xa] =	wrdreg s0  }
0x19: {  	s4 =	simm.s32 $0x11;
	[dreg:$0xc] =	wrdreg s26;
	s23 =	simm.s32 $0x6000  }
0x1a: {  	s0 =	simm.s32 $0xC000;
	s26 =	simm.s32 $0x12000;
	s2 =	simm.s32 $0x5  }
.LBB2_6:
0x1b: {  	[bflag:$0x0] =	sbarrier.arrive $0xFFFF  }
0x1c: {  	s1 =	rddreg [dreg:$0xa]  }
0x1d: {  	s20 =	rddreg [dreg:$0xd]  }
0x1e: {  	s11 =	simm.s32 $0x12;
	s21 =	rddreg [dreg:$0xe]  }
0x1f: {  	[hbm:s1], [sflag:s20] =	dma.local [spmem:s21], $0x1400  }
0x20: {  	_ =	swait.ge [sflag:s11], $0x1400  }
0x21: {  	s5 =	rddreg [dreg:$0xf]  }
0x22: {  	s29 =	rddreg [dreg:$0xb];
	s5 =	sadd.s32 $0x1, s5  }
0x23: {  	p0 =	sne.s32 s5, s29  }
.Ltmp1:
0x24: {  	_ = 	snop;
	(pc) =	sbr.rel @!p0 .LBB2_7-.Ltmp1, $4  }
0x25: {  	_ = 	snop  }
0x26: {  	s23 =	simm.s32 $0x6000  }
0x27: {  	s25 =	simm.s32 $0x8000;
	s28 =	simm.s32 $0xA000;
	[sflag:s11] =	ssyncset.done $0x0  }
0x28: {  	s0 =	simm.s32 $0xC000;
	s15 =	simm.s32 $0xE000;
	[sflag:s11] =	ssyncadd.s32 $0xFFFFEC00  }
.LBB2_1:
0x29: {  	[dreg:$0xf] =	wrdreg s5  }
0x2a: {  	s1 =	simm.s32 $0x0;
	s14 =	rddreg [dreg:$0x5]  }
0x2b: {  	[tilespmem:s1], [sflag:$0x12] =	stream.linear.gather [hbm4b:s14+s1], $0x1000, $0x38;
	[tilespmem:$0x1E000] =	vst v63  }
0x2c: {  	_ =	swait.ge [sflag:s11], $0x1000  }
0x2d: {  	[sflag:s11] =	ssyncset.done $0x0  }
0x2e: {  	s14 =	simm.s32 $0x2000;
	s29 =	rddreg [dreg:$0x6];
	[sflag:s11] =	ssyncadd.s32 $0xFFFFF000  }
0x2f: {  	[tilespmem:s14], [sflag:$0x12] =	stream.linear.gather [hbm4b:s29+s1], $0x1000, $0x38;
	[tilespmem:$0x1E000] =	vst v63  }
0x30: {  	_ =	swait.ge [sflag:s11], $0x1000  }
0x31: {  	[sflag:s11] =	ssyncset.done $0x0  }
0x32: {  	s14 =	rddreg [dreg:$0xc];
	[sflag:s11] =	ssyncadd.s32 $0xFFFFF000  }
0x33: {  	[spmem:s21], [sflag:s20] =	dma.local [hbm:s14], $0x1400  }
0x34: {  	_ =	swait.ge [sflag:s11], $0x1400  }
0x35: {  	[sflag:s11] =	ssyncset.done $0x0  }
0x36: {  	[sflag:s11] =	ssyncadd.s32 $0xFFFFEC00  }
0x37: {  	s21 =	simm.s32 $0x4000;
	[bflag:$0x0] =	sbarrier.arrive $0xFFFF  }
0x38: {  	[tilespmem:s21], [sflag:$0x2] =	stream.indirect.gather [hbm4b:s8+s19], $0x40, s1, s19, $0xb8;
	[tilespmem:$0x1E000] =	vst v63  }
0x39: {  	_ = 	snop  }
0x3a: {  	[tilespmem:s23], [sflag:$0x3] =	stream.indirect.gather [hbm4b:s8+s19], $0x40, s19, s19, $0xb8;
	[tilespmem:$0x1E000] =	vst v63  }
0x3b: {  	s29 =	simm.s32 $0x100  }
0x3c: {  	[tilespmem:s25], [sflag:$0x4] =	stream.indirect.gather [hbm4b:s8+s19], $0x40, s29, s19, $0xb8;
	[tilespmem:$0x1E000] =	vst v63  }
0x3d: {  	s11 =	simm.s32 $0x180  }
0x3e: {  	[tilespmem:s28], [sflag:$0x5] =	stream.indirect.gather [hbm4b:s8+s19], $0x40, s11, s19, $0xb8;
	[tilespmem:$0x1E000] =	vst v63  }
0x3f: {  	s14 =	simm.s32 $0x200  }
0x40: {  	[tilespmem:s0], [sflag:$0x6] =	stream.indirect.gather [hbm4b:s8+s19], $0x40, s14, s19, $0xb8;
	[tilespmem:$0x1E000] =	vst v63  }
0x41: {  	s20 =	simm.s32 $0x280  }
0x42: {  	[tilespmem:s15], [sflag:$0x7] =	stream.indirect.gather [hbm4b:s8+s19], $0x40, s20, s19, $0xb8;
	[tilespmem:$0x1E000] =	vst v63  }
0x43: {  	s23 =	simm.s32 $0x300  }
0x44: {  	[tilespmem:s30], [sflag:$0x8] =	stream.indirect.gather [hbm4b:s8+s19], $0x40, s23, s19, $0xb8;
	[tilespmem:$0x1E000] =	vst v63  }
0x45: {  	s25 =	simm.s32 $0x380  }
0x46: {  	[tilespmem:s26], [sflag:$0x9] =	stream.indirect.gather [hbm4b:s8+s19], $0x40, s25, s19, $0xb8;
	[tilespmem:$0x1E000] =	vst v63  }
.Ltmp2:
0x47: {  	_ = 	snop;
	(pc) =	sbr.rel .LBB2_2-.Ltmp2, $4  }
0x48: {  	p0 =	por $0x0, $0x0;
	s28 =	simm.s32 $0x1000;
	s26 =	rddreg [dreg:$0x7]  }
0x49: {  	[tilespmem:s28], [sflag:$0x1] =	stream.linear.gather [hbm4b:s26+s1], $0x1000, $0x38;
	[tilespmem:$0x1E000] =	vst v63  }
0x4a: {  	s5 =	simm.s32 $0x0;
	s29 =	rddreg [dreg:$0x8];
	s30 =	simm.s32 $0x3000  }
0x4b: {  	[tilespmem:s30], [sflag:$0x1] =	stream.linear.gather [hbm4b:s29+s1], $0x1000, $0x38;
	[tilespmem:$0x1E000] =	vst v63  }
.LBB2_5:
0x4c: {  	_ =	swait.ge [sflag:s10], $0x2000  }
0x4d: {  	[sflag:s10] =	ssyncset.done $0x0  }
0x4e: {  	[sflag:s10] =	ssyncadd.s32 $0xFFFFE000  }
0x4f: {  	_ =	swait.ge [sflag:s12], $0x2000  }
0x50: {  	[sflag:s12] =	ssyncset.done $0x0  }
0x51: {  	[sflag:s12] =	ssyncadd.s32 $0xFFFFE000  }
0x52: {  	_ =	swait.ge [sflag:s13], $0x2000  }
0x53: {  	[sflag:s13] =	ssyncset.done $0x0  }
0x54: {  	[sflag:s13] =	ssyncadd.s32 $0xFFFFE000  }
0x55: {  	_ =	swait.ge [sflag:s16], $0x2000  }
0x56: {  	[sflag:s16] =	ssyncset.done $0x0  }
0x57: {  	[sflag:s16] =	ssyncadd.s32 $0xFFFFE000  }
0x58: {  	_ =	swait.ge [sflag:s17], $0x2000  }
0x59: {  	[sflag:s17] =	ssyncset.done $0x0  }
0x5a: {  	[sflag:s17] =	ssyncadd.s32 $0xFFFFE000  }
0x5b: {  	_ =	swait.ge [sflag:s18], $0x2000  }
0x5c: {  	[sflag:s18] =	ssyncset.done $0x0  }
0x5d: {  	[sflag:s18] =	ssyncadd.s32 $0xFFFFE000  }
0x5e: {  	_ =	swait.ge [sflag:s4], $0x2000  }
0x5f: {  	s0 =	rddreg [dreg:$0x10]  }
0x60: {  	[sflag:s4] =	ssyncset.done $0x0;
	p1 =	seq.s32 s0, $0x4  }
0x61: {  	[sflag:s4] =	ssyncadd.s32 $0xFFFFE000;
	s1 =	simm.s32 @!p1 $0x1  }
0x62: {  	_ =	swait.ge @!p1 [sflag:s1], $0x1000  }
0x63: {  	[sflag:s1] =	ssyncset.done @!p1 $0x0  }
0x64: {  	[sflag:s1] =	ssyncadd.s32 @!p1 $0xFFFFF000  }
0x65: {  	_ =	swait.ge @!p1 [sflag:s1], $0x1000  }
0x66: {  	s5 =	simm.s32 @!p1 $0x80;
	[sflag:s1] =	ssyncset.done @!p1 $0x0;
	s14 =	rddreg [dreg:$0x12]  }
0x67: {  	s11 =	simm.s32 @!p1 $0x4000;
	[sflag:s1] =	ssyncadd.s32 @!p1 $0xFFFFF000;
	s1 =	ssub.s32 @!p1 $0x1000, s14  }
0x68: {  	[tilespmem:s11], [sflag:$0x2] =	stream.indirect.gather @!p1 [hbm4b:s8+s5], $0x40, s1, s5, $0xb8;
	[tilespmem:$0x1E000] =	vst v63  }
0x69: {  	s1 =	ssub.s32 @!p1 $0x1080, s14;
	s11 =	simm.s32 @!p1 $0x6000  }
0x6a: {  	[tilespmem:s11], [sflag:$0x3] =	stream.indirect.gather @!p1 [hbm4b:s8+s5], $0x40, s1, s5, $0xb8;
	[tilespmem:$0x1E000] =	vst v63  }
0x6b: {  	s1 =	ssub.s32 @!p1 $0x1100, s14;
	s11 =	simm.s32 @!p1 $0x8000  }
0x6c: {  	[tilespmem:s11], [sflag:$0x4] =	stream.indirect.gather @!p1 [hbm4b:s8+s5], $0x40, s1, s5, $0xb8;
	[tilespmem:$0x1E000] =	vst v63  }
0x6d: {  	s1 =	ssub.s32 @!p1 $0x1180, s14;
	s11 =	simm.s32 @!p1 $0xA000  }
0x6e: {  	[tilespmem:s11], [sflag:$0x5] =	stream.indirect.gather @!p1 [hbm4b:s8+s5], $0x40, s1, s5, $0xb8;
	[tilespmem:$0x1E000] =	vst v63  }
0x6f: {  	s1 =	ssub.s32 @!p1 $0x1200, s14;
	s11 =	simm.s32 @!p1 $0xC000  }
0x70: {  	[tilespmem:s11], [sflag:$0x6] =	stream.indirect.gather @!p1 [hbm4b:s8+s5], $0x40, s1, s5, $0xb8;
	[tilespmem:$0x1E000] =	vst v63  }
0x71: {  	s1 =	ssub.s32 @!p1 $0x1280, s14;
	s11 =	simm.s32 @!p1 $0xE000  }
0x72: {  	[tilespmem:s11], [sflag:$0x7] =	stream.indirect.gather @!p1 [hbm4b:s8+s5], $0x40, s1, s5, $0xb8;
	[tilespmem:$0x1E000] =	vst v63  }
0x73: {  	s1 =	ssub.s32 @!p1 $0x1300, s14;
	s11 =	simm.s32 @!p1 $0x10000  }
0x74: {  	[tilespmem:s11], [sflag:$0x8] =	stream.indirect.gather @!p1 [hbm4b:s8+s5], $0x40, s1, s5, $0xb8;
	[tilespmem:$0x1E000] =	vst v63  }
0x75: {  	s1 =	ssub.s32 @!p1 $0x1380, s14;
	s11 =	simm.s32 @!p1 $0x12000  }
0x76: {  	[tilespmem:s11], [sflag:$0x9] =	stream.indirect.gather @!p1 [hbm4b:s8+s5], $0x40, s1, s5, $0xb8;
	[tilespmem:$0x1E000] =	vst v63  }
0x77: {  	p2 =	sgt.u32 @!p1 s0, $0x2;
	s1 =	rddreg [dreg:$0x9]  }
0x78: {  	p2 =	por p2, p1;
	s5 =	rddreg [dreg:$0x13]  }
0x79: {  	s1 =	sadd.s32 @!p2 s5, s1  }
0x7a: {  	s5 =	rddreg [dreg:$0x1];
	s1 =	sshrl.u32 @!p2 s1, $0x3  }
0x7b: {  	s11 =	simm.s32 @!p2 $0x0;
	s5 =	sadd.s32 @!p2 s5, s1  }
0x7c: {  	[tilespmem:s14], [sflag:$0x1] =	stream.linear.gather @!p2 [hbm4b:s5+s11], $0x1000, $0x38;
	[tilespmem:$0x1E000] =	vst v63  }
0x7d: {  	s14 =	rddreg [dreg:$0x4]  }
0x7e: {  	s5 =	sadd.s32 $0x1, s0;
	s0 =	rddreg [dreg:$0x11];
	s1 =	sadd.s32 @!p2 s14, s1  }
0x7f: {  	[tilespmem:s0], [sflag:$0x1] =	stream.linear.gather @!p2 [hbm4b:s1+s11], $0x1000, $0x38;
	[tilespmem:$0x1E000] =	vst v63  }
0x80: {  	p2 =	sne.s32 @!p1 s5, $0x5  }
0x81: {  	p2 =	por p1, !p2  }
.Ltmp3:
0x82: {  	_ = 	snop;
	(pc) =	sbr.rel @p2 .LBB2_6-.Ltmp3, $2  }
0x83: {  	_ =	sdelay $0x2  }
0x84: {  	s30 =	simm.s32 $0x10000;
	s21 =	simm.s32 $0x4000;
	p0 =	por @!p1 !p0, !p0  }
.LBB2_2:
0x85: {  	s1 =	simm.s32 $0x1  }
0x86: {  	[dreg:$0x10] =	wrdreg s5;
	s0 =	sshll.u32 s5, $0xC;
	s14 =	simm.s32 $0x0  }
0x87: {  	s25 =	simm.s32 $0x6000;
	s28 =	simm.s32 $0x8000;
	s30 =	simm.s32 $0xA000  }
0x88: {  	s15 =	simm.s32 $0xE000;
	s29 =	simm.s32 $0x12000;
	s26 =	simm.s32 $0x10000  }
0x89: {  	s1 =	simm.s32 @!p0 $0x0;
	[dreg:$0x13] =	wrdreg s0;
	s0 =	sand.u32 $0x1000, s0  }
0x8a: {  	s1 =	sshll.u32 s1, $0xC;
	[dreg:$0x12] =	wrdreg s0;
	s0 =	sor.u32 $0x2000, s0  }
0x8b: {  	s11 =	sor.u32 $0x2000, s1;
	[dreg:$0x11] =	wrdreg s0;
	s0 =	simm.s32 $0xC000  }
.LBB2_3:
0x8c: {  	s20 =	simm.s32 $0x2  }
0x8d: {  	_ =	swait.ge [sflag:s20], $0x2000  }
0x8e: {  	s5 =	sshra.s32 s14, $0x2;
	[sflag:s20] =	ssyncset.done $0x0  }
0x8f: {  	s23 =	simm.s32 $0x3;
	[sflag:s20] =	ssyncadd.s32 $0xFFFFE000;
	s20 =	sadd.s32 s5, s11  }
0x90: {  	[spmem:s3] =	stream.indirect.scatter.add.bf16 [tilespmem:s21], [sflag:$0xA], $0x40, s20, s19, $0xb8;
	[tilespmem:$0x1E000] =	vst v63  }
0x91: {  	_ =	swait.ge [sflag:s23], $0x2000  }
0x92: {  	[sflag:s23] =	ssyncset.done $0x0  }
0x93: {  	s21 =	sadd.s32 $0x80, s20;
	[sflag:s23] =	ssyncadd.s32 $0xFFFFE000  }
0x94: {  	[spmem:s3] =	stream.indirect.scatter.add.bf16 [tilespmem:s25], [sflag:$0xB], $0x40, s21, s19, $0xb8;
	[tilespmem:$0x1E000] =	vst v63  }
0x95: {  	_ =	swait.ge [sflag:s31], $0x2000  }
0x96: {  	[sflag:s31] =	ssyncset.done $0x0  }
0x97: {  	s21 =	sadd.s32 $0x100, s20;
	[sflag:s31] =	ssyncadd.s32 $0xFFFFE000  }
0x98: {  	[spmem:s3] =	stream.indirect.scatter.add.bf16 [tilespmem:s28], [sflag:$0xC], $0x40, s21, s19, $0xb8;
	[tilespmem:$0x1E000] =	vst v63  }
0x99: {  	_ =	swait.ge [sflag:s2], $0x2000  }
0x9a: {  	[sflag:s2] =	ssyncset.done $0x0  }
0x9b: {  	s21 =	sadd.s32 $0x180, s20;
	[sflag:s2] =	ssyncadd.s32 $0xFFFFE000  }
0x9c: {  	[spmem:s3] =	stream.indirect.scatter.add.bf16 [tilespmem:s30], [sflag:$0xD], $0x40, s21, s19, $0xb8;
	[tilespmem:$0x1E000] =	vst v63  }
0x9d: {  	_ =	swait.ge [sflag:s22], $0x2000  }
0x9e: {  	[sflag:s22] =	ssyncset.done $0x0  }
0x9f: {  	s21 =	sadd.s32 $0x200, s20;
	[sflag:s22] =	ssyncadd.s32 $0xFFFFE000  }
0xa0: {  	[spmem:s3] =	stream.indirect.scatter.add.bf16 [tilespmem:s0], [sflag:$0xE], $0x40, s21, s19, $0xb8;
	[tilespmem:$0x1E000] =	vst v63  }
0xa1: {  	_ =	swait.ge [sflag:s24], $0x2000  }
0xa2: {  	[sflag:s24] =	ssyncset.done $0x0  }
0xa3: {  	s21 =	sadd.s32 $0x280, s20;
	[sflag:s24] =	ssyncadd.s32 $0xFFFFE000  }
0xa4: {  	[spmem:s3] =	stream.indirect.scatter.add.bf16 [tilespmem:s15], [sflag:$0xF], $0x40, s21, s19, $0xb8;
	[tilespmem:$0x1E000] =	vst v63  }
0xa5: {  	_ =	swait.ge [sflag:s6], $0x2000  }
0xa6: {  	[sflag:s6] =	ssyncset.done $0x0  }
0xa7: {  	s21 =	sadd.s32 $0x300, s20;
	[sflag:s6] =	ssyncadd.s32 $0xFFFFE000  }
0xa8: {  	[spmem:s3] =	stream.indirect.scatter.add.bf16 [tilespmem:s26], [sflag:$0x10], $0x40, s21, s19, $0xb8;
	[tilespmem:$0x1E000] =	vst v63  }
0xa9: {  	_ =	swait.ge [sflag:s7], $0x2000  }
0xaa: {  	p1 =	seq.s32 s14, $0x3000;
	[sflag:s7] =	ssyncset.done $0x0  }
.Ltmp4:
0xab: {  	s20 =	sadd.s32 $0x380, s20;
	[sflag:s7] =	ssyncadd.s32 $0xFFFFE000;
	(pc) =	sbr.rel @p1 .LBB2_5-.Ltmp4, $4  }
0xac: {  	[spmem:s3] =	stream.indirect.scatter.add.bf16 [tilespmem:s29], [sflag:$0x11], $0x40, s20, s19, $0xb8;
	[tilespmem:$0x1E000] =	vst v63  }
0xad: {  	_ =	swait.ge [sflag:s9], $0x2000  }
0xae: {  	s23 =	simm.s32 $0x4000;
	[sflag:s9] =	ssyncset.done $0x0  }
0xaf: {  	s21 =	simm.s32 $0x10000;
	s26 =	simm.s32 $0x12000;
	[sflag:s9] =	ssyncadd.s32 $0xFFFFE000  }
0xb0: {  	s5 =	sadd.s32 s5, s1  }
0xb1: {  	s20 =	sadd.s32 $0x400, s5  }
0xb2: {  	[tilespmem:s23], [sflag:$0x2] =	stream.indirect.gather [hbm4b:s8+s19], $0x40, s20, s19, $0xb8;
	[tilespmem:$0x1E000] =	vst v63  }
0xb3: {  	_ =	swait.ge [sflag:s10], $0x2000  }
0xb4: {  	[sflag:s10] =	ssyncset.done $0x0  }
0xb5: {  	s23 =	sadd.s32 $0x480, s5;
	[sflag:s10] =	ssyncadd.s32 $0xFFFFE000  }
0xb6: {  	[tilespmem:s25], [sflag:$0x3] =	stream.indirect.gather [hbm4b:s8+s19], $0x40, s23, s19, $0xb8;
	[tilespmem:$0x1E000] =	vst v63  }
0xb7: {  	_ =	swait.ge [sflag:s12], $0x2000  }
0xb8: {  	[sflag:s12] =	ssyncset.done $0x0  }
0xb9: {  	s23 =	sadd.s32 $0x500, s5;
	[sflag:s12] =	ssyncadd.s32 $0xFFFFE000  }
0xba: {  	[tilespmem:s28], [sflag:$0x4] =	stream.indirect.gather [hbm4b:s8+s19], $0x40, s23, s19, $0xb8;
	[tilespmem:$0x1E000] =	vst v63  }
0xbb: {  	_ =	swait.ge [sflag:s13], $0x2000  }
0xbc: {  	[sflag:s13] =	ssyncset.done $0x0  }
0xbd: {  	s23 =	sadd.s32 $0x580, s5;
	[sflag:s13] =	ssyncadd.s32 $0xFFFFE000  }
0xbe: {  	[tilespmem:s30], [sflag:$0x5] =	stream.indirect.gather [hbm4b:s8+s19], $0x40, s23, s19, $0xb8;
	[tilespmem:$0x1E000] =	vst v63  }
0xbf: {  	_ =	swait.ge [sflag:s16], $0x2000  }
0xc0: {  	[sflag:s16] =	ssyncset.done $0x0  }
0xc1: {  	s23 =	sadd.s32 $0x600, s5;
	[sflag:s16] =	ssyncadd.s32 $0xFFFFE000  }
0xc2: {  	[tilespmem:s0], [sflag:$0x6] =	stream.indirect.gather [hbm4b:s8+s19], $0x40, s23, s19, $0xb8;
	[tilespmem:$0x1E000] =	vst v63  }
0xc3: {  	_ =	swait.ge [sflag:s17], $0x2000  }
0xc4: {  	[sflag:s17] =	ssyncset.done $0x0  }
0xc5: {  	s23 =	sadd.s32 $0x680, s5;
	[sflag:s17] =	ssyncadd.s32 $0xFFFFE000  }
0xc6: {  	[tilespmem:s15], [sflag:$0x7] =	stream.indirect.gather [hbm4b:s8+s19], $0x40, s23, s19, $0xb8;
	[tilespmem:$0x1E000] =	vst v63  }
0xc7: {  	_ =	swait.ge [sflag:s18], $0x2000  }
0xc8: {  	[sflag:s18] =	ssyncset.done $0x0  }
0xc9: {  	s23 =	sadd.s32 $0x700, s5;
	[sflag:s18] =	ssyncadd.s32 $0xFFFFE000  }
0xca: {  	[tilespmem:s21], [sflag:$0x8] =	stream.indirect.gather [hbm4b:s8+s19], $0x40, s23, s19, $0xb8;
	[tilespmem:$0x1E000] =	vst v63  }
.Ltmp5:
0xcb: {  	_ =	swait.ge [sflag:s4], $0x2000;
	(pc) =	sbr.rel .LBB2_3-.Ltmp5, $4  }
0xcc: {  	[sflag:s4] =	ssyncset.done $0x0  }
0xcd: {  	s14 =	sadd.s32 $0x1000, s14;
	s5 =	sadd.s32 $0x780, s5;
	[sflag:s4] =	ssyncadd.s32 $0xFFFFE000  }
0xce: {  	[tilespmem:s26], [sflag:$0x9] =	stream.indirect.gather [hbm4b:s8+s19], $0x40, s5, s19, $0xb8;
	[tilespmem:$0x1E000] =	vst v63  }
0xcf: {  	s29 =	simm.s32 $0x12000;
	s21 =	simm.s32 $0x4000;
	s26 =	simm.s32 $0x10000  }
.LBB2_7:
0xd0: {  	_ =	sfence.sel $0x180000  }
0xd1: {  	[bflag:$0x0] =	sbarrier.arrive $0xFFFF  }
0xd2: {  	_ =	strace $0x9000004D  }
0xd3: {  	s0 =	stileid.u32;
	[bflag:$0x2] =	sbarrier.arrive $0xFFFF  }
0xd4: {  	p0 =	sne.s32 s0, $0x0;
	s0 =	rddreg [dreg:$0x3]  }
0xd5: {  	s0 =	sadd.s32 @!p0 $0x100000, s0  }
0xd6: {  	[sflag:s0] =	ssyncadd.tile.s32 @!p0 $0x1;
	_ =	shalt  }
.Lfunc_end2:
_tile_overlayer_lowered:
.L_overlay_start_2:
0xd7: {  	(tag) =	ssettag $0x2  }
0xd8: {  	s0 =	rddreg [dreg:$0x0];
	s2 =	stileid.u32  }
0xd9: {  	s1 =	rddreg [dreg:$0x1];
	p0 =	sne.s32 s2, $0x0  }
0xda: {  	s3 =	rddreg [dreg:$0x2];
	[bflag:$0x3] =	sbarrier.arrive $0xFFFF;
	s2 =	simm.s32 @!p0 $0x1C12  }
0xdb: {  	[timem:s3], [sflag:s2] =	dma.local @!p0 [hbm:s0], s1  }
0xdc: {  	s0 =	simm.s32 @!p0 $0x12  }
0xdd: {  	_ =	swait.ge @!p0 [sflag:s0], s1  }
0xde: {  	s1 =	ssub.s32 @!p0 $0x0, s1;
	[sflag:s0] =	ssyncset.done @!p0 $0x0  }
0xdf: {  	[sflag:s0] =	ssyncadd.s32 @!p0 s1  }
0xe0: {  	[bflag:$0x3] =	sbarrier.arrive $0xFFFF  }
0xe1: {  	_ =	shalt  }

// kernel: kernel.19.cloned.1.call-start
scs
__scs_entry_jumppad:
0x0: {  	(pc) =	sbr.rel $0x88, $3  }
0x1: {  	(tag) =	ssettag $0x0;
	lr =	simm.s32 $0x1  }
0x2: {  	[smem:$0x3F95] =	sst lr;
	_ =	strace $0xD0000000  }
0x3: {  	_ = 	snop  }
0x4: {  	_ = 	snop  }
0x5: {  	_ = 	snop  }
0x6: {  	_ = 	snop  }
0x7: {  	_ = 	snop  }
__scs_overlays_trampoline_lowered:
0x8: {  	[smem:$0x3FA4] =	sst s0  }
0x9: {  	[smem:$0x3FA5] =	sst s1  }
0xa: {  	[smem:$0x3FA6] =	sst s2  }
0xb: {  	[smem:$0x3FA7] =	sst s3  }
0xc: {  	[smem:$0x3FA8] =	sst s4  }
0xd: {  	[smem:$0x3FA9] =	sst s5  }
0xe: {  	[smem:$0x3FAA] =	sst s6  }
0xf: {  	[smem:$0x3FAB] =	sst s7  }
0x10: {  	[smem:$0x3FAC] =	sst s8  }
0x11: {  	[smem:$0x3FAD] =	sst s9;
	s0 =	simm.s32 @!p0 $0x0  }
0x12: {  	s1 =	sld [smem:$0x3F93];
	s0 =	simm.s32 @p0 $0x1  }
0x13: {  	[smem:$0x3FAE] =	sst s0;
	s0 =	simm.s32 @!p1 $0x0  }
0x14: {  	s2 =	sld [smem:$0x3F92];
	s0 =	simm.s32 @p1 $0x1  }
0x15: {  	[smem:$0x3FAF] =	sst s0;
	s0 =	simm.s32 @!p2 $0x0  }
0x16: {  	s3 =	sld [smem:$0x3FDB];
	s0 =	simm.s32 @p2 $0x1  }
0x17: {  	s4 =	simm.s32 $0x1BF5;
	[smem:$0x3FB1] =	sst s0  }
0x18: {  	s0 =	sld [smem:$0x3F94];
	_ =	swait.ge [sflag:s4], $0x0  }
0x19: {  	s7 =	sld [smem:$0x3F95]  }
0x1a: {  	s8 =	sadd.s32 $0xFFFFE003, lr  }
0x1b: {  	s9 =	sadd.s32 $0xFFFFFEF7, lr;
	s5 =	simm.s32 $0xFFFFFFFF;
	p2 =	slt.u32 s8, $0xFFFFF086  }
0x1c: {  	p1 =	slt.u32 s9, $0xF7A;
	s5 =	simm.s32 @!p2 $0x0  }
0x1d: {  	s5 =	simm.s32 @p1 $0x1;
	p0 =	seq.s32 s7, s2  }
0x1e: {  	s7 =	smul.u32 @!p0 $0xF7A, s2;
	p2 =	seq.s32 @!p0 s5, $0x0  }
0x1f: {  	s9 =	smul.u32 $0xF7A, s1;
	s8 =	simm.s32 @!p0 $0x1BF5;
	p2 =	por !p2, p0  }
0x20: {  	[sflag:s8] =	ssyncset.s32 @!p0 $0xFFFFF086;
	s6 =	sadd.s32 @!p0 s3, s7;
	s7 =	simm.s32 @!p0 $0x108  }
0x21: {  	s3 =	sadd.s32 s3, s9;
	s6 =	sadd.s32 @!p0 $0x88, s6;
	s7 =	simm.s32 @p2 $0x1082  }
0x22: {  	[simem:s7], [sflag:s8] =	dma.local @!p0 [hbm:s6], $0xF7A  }
0x23: {  	s9 =	sor.u32 $0xD0000000, s2;
	s6 =	simm.s32 $0x108;
	_ =	swait.ge @!p0 [sflag:s8], $0x0  }
0x24: {  	s3 =	sadd.s32 $0x88, s3;
	s6 =	simm.s32 @!p1 $0x1082;
	[sflag:s4] =	ssyncset.s32 $0xFFFFF086  }
0x25: {  	[simem:s6], [sflag:s4] =	dma.local [hbm:s3], $0xF7A  }
0x26: {  	[smem:$0x3F95] =	sst s1;
	(tag) =	ssettag s2;
	_ =	strace s9  }
0x27: {  	s1 =	sld [smem:$0x3FA5]  }
0x28: {  	s2 =	sld [smem:$0x3FA6]  }
0x29: {  	s4 =	sld [smem:$0x3FA8]  }
0x2a: {  	p0 =	seq.s32 s5, $0x0;
	s5 =	sld [smem:$0x3FA9]  }
0x2b: {  	s6 =	sld [smem:$0x3FAA]  }
0x2c: {  	s7 =	sld [smem:$0x3FAB]  }
0x2d: {  	s3 =	simm.s32 $0x108;
	s8 =	sld [smem:$0x3FAC]  }
0x2e: {  	s3 =	simm.s32 @!p0 $0x1082;
	s9 =	sld [smem:$0x3FAD]  }
0x2f: {  	lr =	sadd.s32 s0, s3;
	s0 =	sld [smem:$0x3FA4]  }
0x30: {  	s3 =	sld [smem:$0x3FA7]  }
0x31: {  	[smem:$0x3FB0] =	sst s10  }
0x32: {  	s10 =	sld [smem:$0x3FAE];
	_ =	sdelay $0x3  }
0x33: {  	p0 =	seq.s32 s10, $0x1;
	s10 =	sld [smem:$0x3FB0];
	_ =	sdelay $0x3  }
0x34: {  	[smem:$0x3FB0] =	sst s10  }
0x35: {  	s10 =	sld [smem:$0x3FAF];
	_ =	sdelay $0x3  }
0x36: {  	p1 =	seq.s32 s10, $0x1;
	s10 =	sld [smem:$0x3FB0];
	_ =	sdelay $0x3  }
0x37: {  	[smem:$0x3FB0] =	sst s10  }
0x38: {  	s10 =	sld [smem:$0x3FB1]  }
0x39: {  	_ = 	snop;
	(pc) =	sbr.ind lr, $3  }
0x3a: {  	_ = 	snop  }
0x3b: {  	_ = 	snop  }
0x3c: {  	p2 =	seq.s32 s10, $0x1;
	s10 =	sld [smem:$0x3FB0]  }
0x3d: {  	_ =	shalt  }
0x3e: {  	_ =	shalt  }
0x3f: {  	_ =	shalt  }
0x40: {  	_ =	shalt  }
0x41: {  	_ =	shalt  }
0x42: {  	_ =	shalt  }
0x43: {  	_ =	shalt  }
0x44: {  	_ =	shalt  }
0x45: {  	_ =	shalt  }
0x46: {  	_ =	shalt  }
0x47: {  	_ =	shalt  }
0x48: {  	_ =	shalt  }
0x49: {  	_ =	shalt  }
0x4a: {  	_ =	shalt  }
0x4b: {  	_ =	shalt  }
0x4c: {  	_ =	shalt  }
0x4d: {  	_ =	shalt  }
0x4e: {  	_ =	shalt  }
0x4f: {  	_ =	shalt  }
0x50: {  	_ =	shalt  }
0x51: {  	_ =	shalt  }
0x52: {  	_ =	shalt  }
0x53: {  	_ =	shalt  }
0x54: {  	_ =	shalt  }
0x55: {  	_ =	shalt  }
0x56: {  	_ =	shalt  }
0x57: {  	_ =	shalt  }
0x58: {  	_ =	shalt  }
0x59: {  	_ =	shalt  }
0x5a: {  	_ =	shalt  }
0x5b: {  	_ =	shalt  }
0x5c: {  	_ =	shalt  }
0x5d: {  	_ =	shalt  }
0x5e: {  	_ =	shalt  }
0x5f: {  	_ =	shalt  }
0x60: {  	_ =	shalt  }
0x61: {  	_ =	shalt  }
0x62: {  	_ =	shalt  }
0x63: {  	_ =	shalt  }
0x64: {  	_ =	shalt  }
0x65: {  	_ =	shalt  }
0x66: {  	_ =	shalt  }
0x67: {  	_ =	shalt  }
0x68: {  	_ =	shalt  }
0x69: {  	_ =	shalt  }
0x6a: {  	_ =	shalt  }
0x6b: {  	_ =	shalt  }
0x6c: {  	_ =	shalt  }
0x6d: {  	_ =	shalt  }
0x6e: {  	_ =	shalt  }
0x6f: {  	_ =	shalt  }
0x70: {  	_ =	shalt  }
0x71: {  	_ =	shalt  }
0x72: {  	_ =	shalt  }
0x73: {  	_ =	shalt  }
0x74: {  	_ =	shalt  }
0x75: {  	_ =	shalt  }
0x76: {  	_ =	shalt  }
0x77: {  	_ =	shalt  }
0x78: {  	_ =	shalt  }
0x79: {  	_ =	shalt  }
0x7a: {  	_ =	shalt  }
0x7b: {  	_ =	shalt  }
0x7c: {  	_ =	shalt  }
0x7d: {  	_ =	shalt  }
0x7e: {  	_ =	shalt  }
0x7f: {  	_ =	shalt  }
0x80: {  	_ =	shalt  }
0x81: {  	_ =	shalt  }
0x82: {  	_ =	shalt  }
0x83: {  	_ =	shalt  }
0x84: {  	_ =	shalt  }
0x85: {  	_ =	shalt  }
0x86: {  	_ =	shalt  }
0x87: {  	_ =	shalt  }
.Lfunc_end0:
.L_simem_size_0:
called_computation.3_lowered:
.L_overlay_start_0:
0x88: {  	s2 =	sld [smem:$0x3FD9]  }
0x89: {  	s3 =	sld [smem:$0x3FFE];
	_ =	sdelay $0x1  }
0x8a: {  	s1 =	srdreg.scid  }
0x8b: {  	s0 =	sand.u32 $0x1, s1  }
0x8c: {  	s17 =	sshll.u32 s0, $0xA;
	s2 =	sadd.s32 s3, s2  }
0x8d: {  	s2 =	sadd.s32 s2, s17  }
0x8e: {  	[smem:$0x3FBC] =	sst s2  }
0x8f: {  	_ = 	snop  }
0x90: {  	s2 =	sld [smem:$0x3FD0];
	(tm) =	ssettm $0x1  }
0x91: {  	s18 =	sld [smem:$0x3FFB];
	_ =	sdelay $0x3  }
0x92: {  	_ =	strace s18  }
0x93: {  	s3 =	sld [smem:$0x3FFC];
	_ =	sdelay $0x3  }
0x94: {  	_ =	strace s3  }
0x95: {  	s3 =	sld [smem:$0x3FFD];
	_ =	sdelay $0x3  }
0x96: {  	_ =	strace s3  }
0x97: {  	_ =	strace $0x8FFFFFFF  }
0x98: {  	s19 =	sld [smem:$0x3FDB];
	_ =	sdelay $0x1  }
0x99: {  	s4 =	simm.s32 $_scs_section_size  }
0x9a: {  	s5 =	simm.s32 $_size__tile_overlayer_lowered;
	s6 =	simm.s32 $_tile_overlayer_lowered  }
0x9b: {  	s22 =	simm.s32 $0x1BFF;
	s21 =	sshll.u32 s6, $0x1;
	s3 =	sadd.s32 s4, s19  }
0x9c: {  	s7 =	simm.s32 $0x0;
	s20 =	sshll.u32 s5, $0x1;
	s5 =	sadd.s32 s21, s3  }
0x9d: {  	[timem:s7], [sflag:s22] =	dma.local [hbm:s5], s20  }
0x9e: {  	_ =	swait.ge [sflag:s22], s20  }
0x9f: {  	s4 =	ssub.s32 $0x0, s20;
	[sflag:s22] =	ssyncset.done $0x0  }
0xa0: {  	[sflag:s22] =	ssyncadd.s32 s4;
	_ =	sdelay $0x1  }
0xa1: {  	s23 =	simm.s32 $0x1B8B  }
0xa2: {  	_ =	swait.ge [sflag:s23], $0x1  }
0xa3: {  	[sflag:s23] =	ssyncset.done $0x0  }
0xa4: {  	s25 =	simm.s32 $0x1B8E;
	s24 =	sld [smem:$0x3FFE];
	[sflag:s23] =	ssyncadd.s32 $0xFFFFFFFF  }
0xa5: {  	s26 =	simm.s32 $execute0_lowered;
	[smem:$0x3FD2] =	sst s25  }
0xa6: {  	s5 =	sshll.u32 s26, $0x1;
	_ =	strace $0x8000004F;
	[dreg:$0x1] =	wrdreg $0xFFFFFFFF  }
0xa7: {  	s28 =	simm.s32 $_size_execute0_lowered;
	s3 =	sadd.s32 s3, s5;
	[dreg:$0x0] =	wrdreg $0x0  }
0xa8: {  	s5 =	sshll.u32 s28, $0x1;
	[dreg:$0x2] =	wrdreg s3  }
0xa9: {  	[dreg:$0x3] =	wrdreg s5  }
0xaa: {  	[dreg:$0x4] =	wrdreg $0xC0  }
0xab: {  	_ =	task [dreg:s7], $0x5FFFF  }
0xac: {  	[dreg:$0x1] =	wrdreg $0xFFFFFFFF  }
0xad: {  	[dreg:$0x0] =	wrdreg $0x60  }
0xae: {  	[dreg:$0x2] =	wrdreg s24  }
0xaf: {  	[dreg:$0x3] =	wrdreg s2  }
0xb0: {  	[dreg:$0x4] =	wrdreg $0x80000  }
0xb1: {  	[dreg:$0x5] =	wrdreg $0x9  }
0xb2: {  	_ =	task.clear_ibuf [dreg:s7], $0x6FFFF;
	_ =	strace $0x9000004F  }
0xb3: {  	s29 =	simm.s32 $0x9;
	_ =	strace $0x80000051  }
0xb4: {  	_ =	swait.ge [sflag:s29], $0x1  }
0xb5: {  	[sflag:s29] =	ssyncadd.s32 $0xFFFFFFFF  }
0xb6: {  	_ =	strace $0x90000051  }
0xb7: {  	_ =	sfence  }
0xb8: {  	s30 =	sld [smem:$0x0];
	_ =	sdelay $0x2  }
0xb9: {  	s31 =	sshll.u32 s1, $0xD;
	s1 =	sshrl.u32 s1, $0x2  }
0xba: {  	s3 =	sand.u32 $0x4000, s31;
	s1 =	sadd.s32 s1, s30  }
0xbb: {  	s0 =	sor.u32 s3, s0;
	s1 =	sshll.u32 s1, $0x11  }
0xbc: {  	s0 =	sor.u32 s1, s0  }
0xbd: {  	s0 =	sadd.s32 $0x8F2B, s0  }
0xbe: {  	[sflag:s0] =	ssyncadd.remote.s32 $0x1  }
0xbf: {  	_ =	sfence.sel $0xFFFF  }
0xc0: {  	[dreg:$0x0] =	wrdreg $0xFFFFFFFF;
	(pc) =	sbr.abs _section_cstart, $3  }
0xc1: {  	[dreg:$0x1] =	wrdreg $0xFFFFFFFF  }
0xc2: {  	_ =	task.clear_ibuf [dreg:s7], $0x2FFFF;
	_ =	strace $0x9FFFFFFF  }
0xc3: {  	(tm) =	ssettm $0x7FFFFFFF  }
tec
execute0_lowered:
.L_overlay_start_1:
0x0: {  	(tag) =	ssettag $0x1  }
0x1: {  	s0 =	rddreg [dreg:$0x0]  }
0x2: {  	s7 =	rddreg [dreg:$0x1]  }
0x3: {  	s1 =	srdreg.scid;
	s3 =	rddreg [dreg:$0x2]  }
0x4: {  	s9 =	stileid.u32;
	s5 =	simm.s32 $0x0;
	s11 =	simm.s32 $0x12  }
0x5: {  	s28 =	simm.s32 $0x5800;
	s15 =	simm.s32 $0x6800;
	s30 =	simm.s32 $0x7000  }
0x6: {  	s31 =	simm.s32 $0x4;
	s12 =	simm.s32 $0xC;
	s13 =	simm.s32 $0xD  }
0x7: {  	s16 =	simm.s32 $0xE;
	s17 =	simm.s32 $0xF;
	s18 =	simm.s32 $0x10  }
0x8: {  	s1 =	sand.u32 $0x1, s1;
	s4 =	smul.u32 $0x5000, s9;
	[smem:$0x7FF] =	sst s5  }
0x9: {  	s10 =	sadd.s32 $0x2A00, s0;
	s29 =	sshll.u32 s9, $0x6;
	s9 =	simm.s32 $0xA  }
0xa: {  	s2 =	smul.u32 $0x50000, s1;
	_ =	strace $0x80000050;
	s1 =	ssub.s32 $0x2, s1  }
0xb: {  	[dreg:$0x4] =	wrdreg s10;
	s20 =	sshrl.u32 s1, $0x1;
	s21 =	sshrl.u32 s4, $0x3  }
0xc: {  	s6 =	sshrl.u32 s4, $0x1;
	s23 =	sshrl.u32 s4, $0x4;
	s24 =	sadd.s32 $0x2000, s4  }
0xd: {  	s19 =	sshrl.u32 s2, $0x4;
	s2 =	sadd.s32 s4, s2;
	s1 =	ssub.s32 s1, s20  }
0xe: {  	s8 =	sadd.s32 s7, s21;
	s22 =	sadd.s32 s10, s21;
	s6 =	sadd.s32 s6, s3  }
0xf: {  	[dreg:$0x9] =	wrdreg s24;
	s20 =	sor.u32 $0x1C12, s29;
	s24 =	simm.s32 $0x7  }
0x10: {  	s4 =	simm.s32 $0x11;
	s5 =	sadd.s32 s19, s0;
	[dreg:$0x5] =	wrdreg s8  }
0x11: {  	s2 =	sshrl.u32 s2, $0x4;
	[dreg:$0x6] =	wrdreg s22;
	s25 =	smax.u32 s1, $0x1  }
0x12: {  	s19 =	simm.s32 $0x80;
	s22 =	simm.s32 $0x6;
	[dreg:$0xd] =	wrdreg s20  }
0x13: {  	s0 =	sadd.s32 s2, s0;
	s8 =	sadd.s32 $0xCA00, s5;
	s2 =	sadd.s32 $0x200, s21  }
0x14: {  	[dreg:$0xb] =	wrdreg s25;
	s21 =	sshrl.u32 s6, $0x3;
	s25 =	simm.s32 $0x5000  }
0x15: {  	s6 =	simm.s32 $0x8;
	s7 =	sadd.s32 s7, s2;
	[dreg:$0xe] =	wrdreg s21  }
.Ltmp0:
0x16: {  	s2 =	sadd.s32 s10, s2;
	[dreg:$0x7] =	wrdreg s7;
	(pc) =	sbr.rel .LBB2_1-.Ltmp0, $4  }
0x17: {  	s5 =	simm.s32 $0x0;
	s0 =	sadd.s32 $0x16A00, s0;
	[dreg:$0x8] =	wrdreg s2  }
0x18: {  	s26 =	sadd.s32 s23, s8;
	s23 =	simm.s32 $0x4800;
	[dreg:$0xa] =	wrdreg s0  }
0x19: {  	s10 =	simm.s32 $0xB;
	[dreg:$0xc] =	wrdreg s26;
	s0 =	simm.s32 $0x6000  }
0x1a: {  	s26 =	simm.s32 $0x7800;
	s2 =	simm.s32 $0x5;
	s7 =	simm.s32 $0x9  }
.LBB2_6:
0x1b: {  	[bflag:$0x0] =	sbarrier.arrive $0xFFFF  }
0x1c: {  	s1 =	rddreg [dreg:$0xa]  }
0x1d: {  	s20 =	rddreg [dreg:$0xd]  }
0x1e: {  	s11 =	simm.s32 $0x12;
	s21 =	rddreg [dreg:$0xe]  }
0x1f: {  	[hbm:s1], [sflag:s20] =	dma.local [spmem:s21], $0x500  }
0x20: {  	_ =	swait.ge [sflag:s11], $0x500  }
0x21: {  	s5 =	rddreg [dreg:$0xf]  }
0x22: {  	s29 =	rddreg [dreg:$0xb];
	s5 =	sadd.s32 $0x1, s5  }
0x23: {  	p0 =	sne.s32 s5, s29  }
.Ltmp1:
0x24: {  	_ = 	snop;
	(pc) =	sbr.rel @!p0 .LBB2_7-.Ltmp1, $4  }
0x25: {  	_ = 	snop  }
0x26: {  	s23 =	simm.s32 $0x4800  }
0x27: {  	s25 =	simm.s32 $0x5000;
	s28 =	simm.s32 $0x5800;
	[sflag:s11] =	ssyncset.done $0x0  }
0x28: {  	s0 =	simm.s32 $0x6000;
	s15 =	simm.s32 $0x6800;
	[sflag:s11] =	ssyncadd.s32 $0xFFFFFB00  }
.LBB2_1:
0x29: {  	[dreg:$0xf] =	wrdreg s5  }
0x2a: {  	s1 =	simm.s32 $0x0;
	s14 =	rddreg [dreg:$0x5]  }
0x2b: {  	[tilespmem:s1], [sflag:$0x12] =	stream.linear.gather [hbm4b:s14+s1], $0x1000, $0x38;
	[tilespmem:$0xA800] =	vst v63  }
0x2c: {  	_ =	swait.ge [sflag:s11], $0x1000  }
0x2d: {  	[sflag:s11] =	ssyncset.done $0x0  }
0x2e: {  	s14 =	simm.s32 $0x2000;
	s29 =	rddreg [dreg:$0x6];
	[sflag:s11] =	ssyncadd.s32 $0xFFFFF000  }
0x2f: {  	[tilespmem:s14], [sflag:$0x12] =	stream.linear.gather [hbm4b:s29+s1], $0x1000, $0x38;
	[tilespmem:$0xA800] =	vst v63  }
0x30: {  	_ =	swait.ge [sflag:s11], $0x1000  }
0x31: {  	[sflag:s11] =	ssyncset.done $0x0  }
0x32: {  	s14 =	rddreg [dreg:$0xc];
	[sflag:s11] =	ssyncadd.s32 $0xFFFFF000  }
0x33: {  	[spmem:s21], [sflag:s20] =	dma.local [hbm:s14], $0x500  }
0x34: {  	_ =	swait.ge [sflag:s11], $0x500  }
0x35: {  	[sflag:s11] =	ssyncset.done $0x0  }
0x36: {  	[sflag:s11] =	ssyncadd.s32 $0xFFFFFB00  }
0x37: {  	s21 =	simm.s32 $0x4000;
	[bflag:$0x0] =	sbarrier.arrive $0xFFFF  }
0x38: {  	[tilespmem:s21], [sflag:$0x2] =	stream.indirect.gather [hbm4b:s8+s19], $0x10, s1, s19, $0xb8;
	[tilespmem:$0xA800] =	vst v63  }
0x39: {  	_ = 	snop  }
0x3a: {  	[tilespmem:s23], [sflag:$0x3] =	stream.indirect.gather [hbm4b:s8+s19], $0x10, s19, s19, $0xb8;
	[tilespmem:$0xA800] =	vst v63  }
0x3b: {  	s29 =	simm.s32 $0x100  }
0x3c: {  	[tilespmem:s25], [sflag:$0x4] =	stream.indirect.gather [hbm4b:s8+s19], $0x10, s29, s19, $0xb8;
	[tilespmem:$0xA800] =	vst v63  }
0x3d: {  	s11 =	simm.s32 $0x180  }
0x3e: {  	[tilespmem:s28], [sflag:$0x5] =	stream.indirect.gather [hbm4b:s8+s19], $0x10, s11, s19, $0xb8;
	[tilespmem:$0xA800] =	vst v63  }
0x3f: {  	s14 =	simm.s32 $0x200  }
0x40: {  	[tilespmem:s0], [sflag:$0x6] =	stream.indirect.gather [hbm4b:s8+s19], $0x10, s14, s19, $0xb8;
	[tilespmem:$0xA800] =	vst v63  }
0x41: {  	s20 =	simm.s32 $0x280  }
0x42: {  	[tilespmem:s15], [sflag:$0x7] =	stream.indirect.gather [hbm4b:s8+s19], $0x10, s20, s19, $0xb8;
	[tilespmem:$0xA800] =	vst v63  }
0x43: {  	s23 =	simm.s32 $0x300  }
0x44: {  	[tilespmem:s30], [sflag:$0x8] =	stream.indirect.gather [hbm4b:s8+s19], $0x10, s23, s19, $0xb8;
	[tilespmem:$0xA800] =	vst v63  }
0x45: {  	s25 =	simm.s32 $0x380  }
0x46: {  	[tilespmem:s26], [sflag:$0x9] =	stream.indirect.gather [hbm4b:s8+s19], $0x10, s25, s19, $0xb8;
	[tilespmem:$0xA800] =	vst v63  }
.Ltmp2:
0x47: {  	_ = 	snop;
	(pc) =	sbr.rel .LBB2_2-.Ltmp2, $4  }
0x48: {  	p0 =	por $0x0, $0x0;
	s28 =	simm.s32 $0x1000;
	s26 =	rddreg [dreg:$0x7]  }
0x49: {  	[tilespmem:s28], [sflag:$0x1] =	stream.linear.gather [hbm4b:s26+s1], $0x1000, $0x38;
	[tilespmem:$0xA800] =	vst v63  }
0x4a: {  	s5 =	simm.s32 $0x0;
	s29 =	rddreg [dreg:$0x8];
	s30 =	simm.s32 $0x3000  }
0x4b: {  	[tilespmem:s30], [sflag:$0x1] =	stream.linear.gather [hbm4b:s29+s1], $0x1000, $0x38;
	[tilespmem:$0xA800] =	vst v63  }
.LBB2_5:
0x4c: {  	_ =	swait.ge [sflag:s10], $0x800  }
0x4d: {  	[sflag:s10] =	ssyncset.done $0x0  }
0x4e: {  	[sflag:s10] =	ssyncadd.s32 $0xFFFFF800  }
0x4f: {  	_ =	swait.ge [sflag:s12], $0x800  }
0x50: {  	[sflag:s12] =	ssyncset.done $0x0  }
0x51: {  	[sflag:s12] =	ssyncadd.s32 $0xFFFFF800  }
0x52: {  	_ =	swait.ge [sflag:s13], $0x800  }
0x53: {  	[sflag:s13] =	ssyncset.done $0x0  }
0x54: {  	[sflag:s13] =	ssyncadd.s32 $0xFFFFF800  }
0x55: {  	_ =	swait.ge [sflag:s16], $0x800  }
0x56: {  	[sflag:s16] =	ssyncset.done $0x0  }
0x57: {  	[sflag:s16] =	ssyncadd.s32 $0xFFFFF800  }
0x58: {  	_ =	swait.ge [sflag:s17], $0x800  }
0x59: {  	[sflag:s17] =	ssyncset.done $0x0  }
0x5a: {  	[sflag:s17] =	ssyncadd.s32 $0xFFFFF800  }
0x5b: {  	_ =	swait.ge [sflag:s18], $0x800  }
0x5c: {  	[sflag:s18] =	ssyncset.done $0x0  }
0x5d: {  	[sflag:s18] =	ssyncadd.s32 $0xFFFFF800  }
0x5e: {  	_ =	swait.ge [sflag:s4], $0x800  }
0x5f: {  	s0 =	rddreg [dreg:$0x10]  }
0x60: {  	[sflag:s4] =	ssyncset.done $0x0;
	p1 =	seq.s32 s0, $0x4  }
0x61: {  	[sflag:s4] =	ssyncadd.s32 $0xFFFFF800;
	s1 =	simm.s32 @!p1 $0x1  }
0x62: {  	_ =	swait.ge @!p1 [sflag:s1], $0x1000  }
0x63: {  	[sflag:s1] =	ssyncset.done @!p1 $0x0  }
0x64: {  	[sflag:s1] =	ssyncadd.s32 @!p1 $0xFFFFF000  }
0x65: {  	_ =	swait.ge @!p1 [sflag:s1], $0x1000  }
0x66: {  	s5 =	simm.s32 @!p1 $0x80;
	[sflag:s1] =	ssyncset.done @!p1 $0x0;
	s14 =	rddreg [dreg:$0x12]  }
0x67: {  	s11 =	simm.s32 @!p1 $0x4000;
	[sflag:s1] =	ssyncadd.s32 @!p1 $0xFFFFF000;
	s1 =	ssub.s32 @!p1 $0x1000, s14  }
0x68: {  	[tilespmem:s11], [sflag:$0x2] =	stream.indirect.gather @!p1 [hbm4b:s8+s5], $0x10, s1, s5, $0xb8;
	[tilespmem:$0xA800] =	vst v63  }
0x69: {  	s1 =	ssub.s32 @!p1 $0x1080, s14;
	s11 =	simm.s32 @!p1 $0x4800  }
0x6a: {  	[tilespmem:s11], [sflag:$0x3] =	stream.indirect.gather @!p1 [hbm4b:s8+s5], $0x10, s1, s5, $0xb8;
	[tilespmem:$0xA800] =	vst v63  }
0x6b: {  	s1 =	ssub.s32 @!p1 $0x1100, s14;
	s11 =	simm.s32 @!p1 $0x5000  }
0x6c: {  	[tilespmem:s11], [sflag:$0x4] =	stream.indirect.gather @!p1 [hbm4b:s8+s5], $0x10, s1, s5, $0xb8;
	[tilespmem:$0xA800] =	vst v63  }
0x6d: {  	s1 =	ssub.s32 @!p1 $0x1180, s14;
	s11 =	simm.s32 @!p1 $0x5800  }
0x6e: {  	[tilespmem:s11], [sflag:$0x5] =	stream.indirect.gather @!p1 [hbm4b:s8+s5], $0x10, s1, s5, $0xb8;
	[tilespmem:$0xA800] =	vst v63  }
0x6f: {  	s1 =	ssub.s32 @!p1 $0x1200, s14;
	s11 =	simm.s32 @!p1 $0x6000  }
0x70: {  	[tilespmem:s11], [sflag:$0x6] =	stream.indirect.gather @!p1 [hbm4b:s8+s5], $0x10, s1, s5, $0xb8;
	[tilespmem:$0xA800] =	vst v63  }
0x71: {  	s1 =	ssub.s32 @!p1 $0x1280, s14;
	s11 =	simm.s32 @!p1 $0x6800  }
0x72: {  	[tilespmem:s11], [sflag:$0x7] =	stream.indirect.gather @!p1 [hbm4b:s8+s5], $0x10, s1, s5, $0xb8;
	[tilespmem:$0xA800] =	vst v63  }
0x73: {  	s1 =	ssub.s32 @!p1 $0x1300, s14;
	s11 =	simm.s32 @!p1 $0x7000  }
0x74: {  	[tilespmem:s11], [sflag:$0x8] =	stream.indirect.gather @!p1 [hbm4b:s8+s5], $0x10, s1, s5, $0xb8;
	[tilespmem:$0xA800] =	vst v63  }
0x75: {  	s1 =	ssub.s32 @!p1 $0x1380, s14;
	s11 =	simm.s32 @!p1 $0x7800  }
0x76: {  	[tilespmem:s11], [sflag:$0x9] =	stream.indirect.gather @!p1 [hbm4b:s8+s5], $0x10, s1, s5, $0xb8;
	[tilespmem:$0xA800] =	vst v63  }
0x77: {  	p2 =	sgt.u32 @!p1 s0, $0x2;
	s1 =	rddreg [dreg:$0x9]  }
0x78: {  	p2 =	por p2, p1;
	s5 =	rddreg [dreg:$0x13]  }
0x79: {  	s1 =	sadd.s32 @!p2 s5, s1  }
0x7a: {  	s5 =	rddreg [dreg:$0x1];
	s1 =	sshrl.u32 @!p2 s1, $0x3  }
0x7b: {  	s11 =	simm.s32 @!p2 $0x0;
	s5 =	sadd.s32 @!p2 s5, s1  }
0x7c: {  	[tilespmem:s14], [sflag:$0x1] =	stream.linear.gather @!p2 [hbm4b:s5+s11], $0x1000, $0x38;
	[tilespmem:$0xA800] =	vst v63  }
0x7d: {  	s14 =	rddreg [dreg:$0x4]  }
0x7e: {  	s5 =	sadd.s32 $0x1, s0;
	s0 =	rddreg [dreg:$0x11];
	s1 =	sadd.s32 @!p2 s14, s1  }
0x7f: {  	[tilespmem:s0], [sflag:$0x1] =	stream.linear.gather @!p2 [hbm4b:s1+s11], $0x1000, $0x38;
	[tilespmem:$0xA800] =	vst v63  }
0x80: {  	p2 =	sne.s32 @!p1 s5, $0x5  }
0x81: {  	p2 =	por p1, !p2  }
.Ltmp3:
0x82: {  	_ = 	snop;
	(pc) =	sbr.rel @p2 .LBB2_6-.Ltmp3, $2  }
0x83: {  	_ =	sdelay $0x2  }
0x84: {  	s30 =	simm.s32 $0x7000;
	s21 =	simm.s32 $0x4000;
	p0 =	por @!p1 !p0, !p0  }
.LBB2_2:
0x85: {  	s1 =	simm.s32 $0x1  }
0x86: {  	[dreg:$0x10] =	wrdreg s5;
	s0 =	sshll.u32 s5, $0xC;
	s14 =	simm.s32 $0x0  }
0x87: {  	s25 =	simm.s32 $0x4800;
	s28 =	simm.s32 $0x5000;
	s30 =	simm.s32 $0x5800  }
0x88: {  	s15 =	simm.s32 $0x6800;
	s29 =	simm.s32 $0x7800;
	s26 =	simm.s32 $0x7000  }
0x89: {  	s1 =	simm.s32 @!p0 $0x0;
	[dreg:$0x13] =	wrdreg s0;
	s0 =	sand.u32 $0x1000, s0  }
0x8a: {  	s1 =	sshll.u32 s1, $0xC;
	[dreg:$0x12] =	wrdreg s0;
	s0 =	sor.u32 $0x2000, s0  }
0x8b: {  	s11 =	sor.u32 $0x2000, s1;
	[dreg:$0x11] =	wrdreg s0;
	s0 =	simm.s32 $0x6000  }
.LBB2_3:
0x8c: {  	s20 =	simm.s32 $0x2  }
0x8d: {  	_ =	swait.ge [sflag:s20], $0x800  }
0x8e: {  	s5 =	sshra.s32 s14, $0x2;
	[sflag:s20] =	ssyncset.done $0x0  }
0x8f: {  	s23 =	simm.s32 $0x3;
	[sflag:s20] =	ssyncadd.s32 $0xFFFFF800;
	s20 =	sadd.s32 s5, s11  }
0x90: {  	[spmem:s3] =	stream.indirect.scatter.add.bf16 [tilespmem:s21], [sflag:$0xA], $0x10, s20, s19, $0xb8;
	[tilespmem:$0xA800] =	vst v63  }
0x91: {  	_ =	swait.ge [sflag:s23], $0x800  }
0x92: {  	[sflag:s23] =	ssyncset.done $0x0  }
0x93: {  	s21 =	sadd.s32 $0x80, s20;
	[sflag:s23] =	ssyncadd.s32 $0xFFFFF800  }
0x94: {  	[spmem:s3] =	stream.indirect.scatter.add.bf16 [tilespmem:s25], [sflag:$0xB], $0x10, s21, s19, $0xb8;
	[tilespmem:$0xA800] =	vst v63  }
0x95: {  	_ =	swait.ge [sflag:s31], $0x800  }
0x96: {  	[sflag:s31] =	ssyncset.done $0x0  }
0x97: {  	s21 =	sadd.s32 $0x100, s20;
	[sflag:s31] =	ssyncadd.s32 $0xFFFFF800  }
0x98: {  	[spmem:s3] =	stream.indirect.scatter.add.bf16 [tilespmem:s28], [sflag:$0xC], $0x10, s21, s19, $0xb8;
	[tilespmem:$0xA800] =	vst v63  }
0x99: {  	_ =	swait.ge [sflag:s2], $0x800  }
0x9a: {  	[sflag:s2] =	ssyncset.done $0x0  }
0x9b: {  	s21 =	sadd.s32 $0x180, s20;
	[sflag:s2] =	ssyncadd.s32 $0xFFFFF800  }
0x9c: {  	[spmem:s3] =	stream.indirect.scatter.add.bf16 [tilespmem:s30], [sflag:$0xD], $0x10, s21, s19, $0xb8;
	[tilespmem:$0xA800] =	vst v63  }
0x9d: {  	_ =	swait.ge [sflag:s22], $0x800  }
0x9e: {  	[sflag:s22] =	ssyncset.done $0x0  }
0x9f: {  	s21 =	sadd.s32 $0x200, s20;
	[sflag:s22] =	ssyncadd.s32 $0xFFFFF800  }
0xa0: {  	[spmem:s3] =	stream.indirect.scatter.add.bf16 [tilespmem:s0], [sflag:$0xE], $0x10, s21, s19, $0xb8;
	[tilespmem:$0xA800] =	vst v63  }
0xa1: {  	_ =	swait.ge [sflag:s24], $0x800  }
0xa2: {  	[sflag:s24] =	ssyncset.done $0x0  }
0xa3: {  	s21 =	sadd.s32 $0x280, s20;
	[sflag:s24] =	ssyncadd.s32 $0xFFFFF800  }
0xa4: {  	[spmem:s3] =	stream.indirect.scatter.add.bf16 [tilespmem:s15], [sflag:$0xF], $0x10, s21, s19, $0xb8;
	[tilespmem:$0xA800] =	vst v63  }
0xa5: {  	_ =	swait.ge [sflag:s6], $0x800  }
0xa6: {  	[sflag:s6] =	ssyncset.done $0x0  }
0xa7: {  	s21 =	sadd.s32 $0x300, s20;
	[sflag:s6] =	ssyncadd.s32 $0xFFFFF800  }
0xa8: {  	[spmem:s3] =	stream.indirect.scatter.add.bf16 [tilespmem:s26], [sflag:$0x10], $0x10, s21, s19, $0xb8;
	[tilespmem:$0xA800] =	vst v63  }
0xa9: {  	_ =	swait.ge [sflag:s7], $0x800  }
0xaa: {  	p1 =	seq.s32 s14, $0x3000;
	[sflag:s7] =	ssyncset.done $0x0  }
.Ltmp4:
0xab: {  	s20 =	sadd.s32 $0x380, s20;
	[sflag:s7] =	ssyncadd.s32 $0xFFFFF800;
	(pc) =	sbr.rel @p1 .LBB2_5-.Ltmp4, $4  }
0xac: {  	[spmem:s3] =	stream.indirect.scatter.add.bf16 [tilespmem:s29], [sflag:$0x11], $0x10, s20, s19, $0xb8;
	[tilespmem:$0xA800] =	vst v63  }
0xad: {  	_ =	swait.ge [sflag:s9], $0x800  }
0xae: {  	s23 =	simm.s32 $0x4000;
	[sflag:s9] =	ssyncset.done $0x0  }
0xaf: {  	s21 =	simm.s32 $0x7000;
	s26 =	simm.s32 $0x7800;
	[sflag:s9] =	ssyncadd.s32 $0xFFFFF800  }
0xb0: {  	s5 =	sadd.s32 s5, s1  }
0xb1: {  	s20 =	sadd.s32 $0x400, s5  }
0xb2: {  	[tilespmem:s23], [sflag:$0x2] =	stream.indirect.gather [hbm4b:s8+s19], $0x10, s20, s19, $0xb8;
	[tilespmem:$0xA800] =	vst v63  }
0xb3: {  	_ =	swait.ge [sflag:s10], $0x800  }
0xb4: {  	[sflag:s10] =	ssyncset.done $0x0  }
0xb5: {  	s23 =	sadd.s32 $0x480, s5;
	[sflag:s10] =	ssyncadd.s32 $0xFFFFF800  }
0xb6: {  	[tilespmem:s25], [sflag:$0x3] =	stream.indirect.gather [hbm4b:s8+s19], $0x10, s23, s19, $0xb8;
	[tilespmem:$0xA800] =	vst v63  }
0xb7: {  	_ =	swait.ge [sflag:s12], $0x800  }
0xb8: {  	[sflag:s12] =	ssyncset.done $0x0  }
0xb9: {  	s23 =	sadd.s32 $0x500, s5;
	[sflag:s12] =	ssyncadd.s32 $0xFFFFF800  }
0xba: {  	[tilespmem:s28], [sflag:$0x4] =	stream.indirect.gather [hbm4b:s8+s19], $0x10, s23, s19, $0xb8;
	[tilespmem:$0xA800] =	vst v63  }
0xbb: {  	_ =	swait.ge [sflag:s13], $0x800  }
0xbc: {  	[sflag:s13] =	ssyncset.done $0x0  }
0xbd: {  	s23 =	sadd.s32 $0x580, s5;
	[sflag:s13] =	ssyncadd.s32 $0xFFFFF800  }
0xbe: {  	[tilespmem:s30], [sflag:$0x5] =	stream.indirect.gather [hbm4b:s8+s19], $0x10, s23, s19, $0xb8;
	[tilespmem:$0xA800] =	vst v63  }
0xbf: {  	_ =	swait.ge [sflag:s16], $0x800  }
0xc0: {  	[sflag:s16] =	ssyncset.done $0x0  }
0xc1: {  	s23 =	sadd.s32 $0x600, s5;
	[sflag:s16] =	ssyncadd.s32 $0xFFFFF800  }
0xc2: {  	[tilespmem:s0], [sflag:$0x6] =	stream.indirect.gather [hbm4b:s8+s19], $0x10, s23, s19, $0xb8;
	[tilespmem:$0xA800] =	vst v63  }
0xc3: {  	_ =	swait.ge [sflag:s17], $0x800  }
0xc4: {  	[sflag:s17] =	ssyncset.done $0x0  }
0xc5: {  	s23 =	sadd.s32 $0x680, s5;
	[sflag:s17] =	ssyncadd.s32 $0xFFFFF800  }
0xc6: {  	[tilespmem:s15], [sflag:$0x7] =	stream.indirect.gather [hbm4b:s8+s19], $0x10, s23, s19, $0xb8;
	[tilespmem:$0xA800] =	vst v63  }
0xc7: {  	_ =	swait.ge [sflag:s18], $0x800  }
0xc8: {  	[sflag:s18] =	ssyncset.done $0x0  }
0xc9: {  	s23 =	sadd.s32 $0x700, s5;
	[sflag:s18] =	ssyncadd.s32 $0xFFFFF800  }
0xca: {  	[tilespmem:s21], [sflag:$0x8] =	stream.indirect.gather [hbm4b:s8+s19], $0x10, s23, s19, $0xb8;
	[tilespmem:$0xA800] =	vst v63  }
.Ltmp5:
0xcb: {  	_ =	swait.ge [sflag:s4], $0x800;
	(pc) =	sbr.rel .LBB2_3-.Ltmp5, $4  }
0xcc: {  	[sflag:s4] =	ssyncset.done $0x0  }
0xcd: {  	s14 =	sadd.s32 $0x1000, s14;
	s5 =	sadd.s32 $0x780, s5;
	[sflag:s4] =	ssyncadd.s32 $0xFFFFF800  }
0xce: {  	[tilespmem:s26], [sflag:$0x9] =	stream.indirect.gather [hbm4b:s8+s19], $0x10, s5, s19, $0xb8;
	[tilespmem:$0xA800] =	vst v63  }
0xcf: {  	s29 =	simm.s32 $0x7800;
	s21 =	simm.s32 $0x4000;
	s26 =	simm.s32 $0x7000  }
.LBB2_7:
0xd0: {  	_ =	sfence.sel $0x180000  }
0xd1: {  	[bflag:$0x0] =	sbarrier.arrive $0xFFFF  }
0xd2: {  	_ =	strace $0x90000050  }
0xd3: {  	s0 =	stileid.u32;
	[bflag:$0x2] =	sbarrier.arrive $0xFFFF  }
0xd4: {  	p0 =	sne.s32 s0, $0x0;
	s0 =	rddreg [dreg:$0x3]  }
0xd5: {  	s0 =	sadd.s32 @!p0 $0x100000, s0  }
0xd6: {  	[sflag:s0] =	ssyncadd.tile.s32 @!p0 $0x1;
	_ =	shalt  }
.Lfunc_end2:
_tile_overlayer_lowered:
.L_overlay_start_2:
0xd7: {  	(tag) =	ssettag $0x2  }
0xd8: {  	s0 =	rddreg [dreg:$0x0];
	s2 =	stileid.u32  }
0xd9: {  	s1 =	rddreg [dreg:$0x1];
	p0 =	sne.s32 s2, $0x0  }
0xda: {  	s3 =	rddreg [dreg:$0x2];
	[bflag:$0x3] =	sbarrier.arrive $0xFFFF;
	s2 =	simm.s32 @!p0 $0x1C12  }
0xdb: {  	[timem:s3], [sflag:s2] =	dma.local @!p0 [hbm:s0], s1  }
0xdc: {  	s0 =	simm.s32 @!p0 $0x12  }
0xdd: {  	_ =	swait.ge @!p0 [sflag:s0], s1  }
0xde: {  	s1 =	ssub.s32 @!p0 $0x0, s1;
	[sflag:s0] =	ssyncset.done @!p0 $0x0  }
0xdf: {  	[sflag:s0] =	ssyncadd.s32 @!p0 s1  }
0xe0: {  	[bflag:$0x3] =	sbarrier.arrive $0xFFFF  }
0xe1: {  	_ =	shalt  }

</sc_bundles>
